<compile_context>
chip_gen: v7x
topology: tpu7x:2x2x1
jax: 0.10.2.dev20260603
libtpu: 0.0.44.dev20260713+nightly
codegen_flags: <defaults>
</compile_context>

<pallas_src>
import jax
import jax.numpy as jnp
from jax import lax
from jax.experimental import pallas as pl
from jax.experimental.pallas import tpu as pltpu
from jax.experimental.pallas import tpu_sc as plsc

B = 16384
D = 4096
K = 128
NC, NS = 2, 16
NW = NC * NS
ROWS_PER_W = B // NW
R = 8
CHUNKS = ROWS_PER_W // R
VPR = K // 16


def _body(x_hbm, idx_hbm, out_hbm,
          data0, data1, data2, idxb0, idxb1, idxb2,
          sd0, sd1, sd2, si0, si1, si2, so0, so1, so2):
    wid = lax.axis_index("s") * NC + lax.axis_index("c")
    row0 = wid * ROWS_PER_W

    data = (data0, data1, data2)
    idxb = (idxb0, idxb1, idxb2)
    sd = (sd0, sd1, sd2)
    si = (si0, si1, si2)
    so = (so0, so1, so2)

    half = jnp.full((16,), 0.5, dtype=jnp.float32)

    def in_copies(g, b):
        r = row0 + g * R
        return (
            pltpu.make_async_copy(
                x_hbm.at[pl.ds(r * D, R * D)], data[b], sd[b]),
            pltpu.make_async_copy(
                idx_hbm.at[pl.ds(r * K, R * K)], idxb[b], si[b]),
        )

    def out_copy(g, b):
        r = row0 + g * R
        return pltpu.make_async_copy(
            data[b], out_hbm.at[pl.ds(r * D, R * D)], so[b])

    def start_in(g, b):
        a, c = in_copies(g, b)
        a.start()
        c.start()

    def wait_in(g, b):
        a, c = in_copies(g, b)
        a.wait()
        c.wait()

    def scatter(b):
        for r in range(R):
            for j in range(VPR):
                cols = idxb[b][pl.ds(r * K + j * 16, 16)]
                plsc.store_scatter(data[b], [cols + r * D], half)

    start_in(0, 0)
    start_in(1, 1)
    start_in(2, 2)
    wait_in(0, 0)
    scatter(0)
    out_copy(0, 0).start()
    wait_in(1, 1)
    scatter(1)
    out_copy(1, 1).start()
    out_copy(0, 0).wait()
    start_in(3, 0)
    wait_in(2, 2)
    scatter(2)
    out_copy(2, 2).start()

    def loop_body(i, carry):
        g0 = i * 3
        for k in range(3):
            g = g0 + k
            b = k
            nb = (k + 1) % 3
            out_copy(g - 2, nb).wait()
            start_in(g + 1, nb)
            wait_in(g, b)
            scatter(b)
            out_copy(g, b).start()
        return carry

    lax.fori_loop(1, (CHUNKS - 1) // 3, loop_body, None)

    g = CHUNKS - 1
    out_copy(g - 2, 1).wait()
    wait_in(g, 0)
    scatter(0)
    out_copy(g, 0).start()
    out_copy(g - 1, 2).wait()
    out_copy(g, 0).wait()


_mesh = plsc.VectorSubcoreMesh(
    core_axis_name="c", subcore_axis_name="s", num_cores=NC, num_subcores=NS)

_scatter_call = pl.kernel(
    _body,
    out_type=jax.ShapeDtypeStruct((B * D,), jnp.float32),
    mesh=_mesh,
    compiler_params=pltpu.CompilerParams(needs_layout_passes=False),
    scratch_types=(
        [pltpu.VMEM((R * D,), jnp.float32)] * 3
        + [pltpu.VMEM((R * K,), jnp.int32)] * 3
        + [pltpu.SemaphoreType.DMA] * 9
    ),
)


def kernel(x, index):
    flat = _scatter_call(
        x.reshape(B * D), index.astype(jnp.int32).reshape(B * K))
    return flat.reshape(B, D)

# --- scband reference (transcript-rebuilt; emitter-appended) ---
"""Pipeline reference for scband-scatter-value-68367289418245 (READ-ONLY COPY).

The authoritative reference and input builder live on the scoring server;
editing this copy changes nothing except your own understanding.
"""

import jax, jax.numpy as jnp
import numpy as np


def setup_inputs(seed: int = 0) -> dict:
    key = jax.random.key(seed)
    k1, k2 = jax.random.split(key)
    x = jax.random.normal(k1, (16384, 4096), dtype=jnp.float32)
    index = jax.random.randint(k2, (16384, 128), 0, 4096, dtype=jnp.int64)
    return {"x": x, "index": index}


def reference(x, index):
    # torch: x.scatter(1, index, 0.5) -> out[i, index[i, j]] = 0.5, rest copied from x
    B = x.shape[0]
    rows = jnp.arange(B, dtype=index.dtype)[:, None]
    out = x.at[rows, index].set(jnp.float32(0.5))
    return out

if __name__ == "__main__":
    import jax
    _d = setup_inputs()
    print(jax.jit(kernel)(*tuple(_d.values())))

</pallas_src>

<mosaic_0001>
#map = affine_map<(d0, d1) -> (0)>
module attributes {stable_mosaic.version = 14 : i64} {
  func.func @_body(%arg0: i32, %arg1: i32, %arg2: memref<67108864xf32, #tpu.memory_space<hbm>>, %arg3: memref<2097152xi32, #tpu.memory_space<hbm>>, %arg4: memref<67108864xf32, #tpu.memory_space<hbm>>, %arg5: memref<32768xf32, #tpu.memory_space<vmem>>, %arg6: memref<32768xf32, #tpu.memory_space<vmem>>, %arg7: memref<32768xf32, #tpu.memory_space<vmem>>, %arg8: memref<1024xi32, #tpu.memory_space<vmem>>, %arg9: memref<1024xi32, #tpu.memory_space<vmem>>, %arg10: memref<1024xi32, #tpu.memory_space<vmem>>, %arg11: memref<!tpu.dma_semaphore, #tpu.memory_space<semaphore_mem>>, %arg12: memref<!tpu.dma_semaphore, #tpu.memory_space<semaphore_mem>>, %arg13: memref<!tpu.dma_semaphore, #tpu.memory_space<semaphore_mem>>, %arg14: memref<!tpu.dma_semaphore, #tpu.memory_space<semaphore_mem>>, %arg15: memref<!tpu.dma_semaphore, #tpu.memory_space<semaphore_mem>>, %arg16: memref<!tpu.dma_semaphore, #tpu.memory_space<semaphore_mem>>, %arg17: memref<!tpu.dma_semaphore, #tpu.memory_space<semaphore_mem>>, %arg18: memref<!tpu.dma_semaphore, #tpu.memory_space<semaphore_mem>>, %arg19: memref<!tpu.dma_semaphore, #tpu.memory_space<semaphore_mem>>) attributes {dimension_semantics = [#tpu.dimension_semantics<core_parallel>, #tpu.dimension_semantics<subcore_parallel>], iteration_bounds = array<i64: 2, 16>, scalar_prefetch = 0 : i64, scratch_operands = 15 : i64, tpu.core_type = #tpu.core_type<sc_vector_subcore>, window_params = [{transform_indices = #map}, {transform_indices = #map}, {transform_indices = #map}]} {
    %mul3A = arith.constant 2 : i32
    %mul3A_0 = arith.muli %arg1, %mul3A : i32
    %add3A = arith.addi %mul3A_0, %arg0 : i32
    %mul3A_1 = arith.constant 512 : i32
    %mul3A_2 = arith.muli %add3A, %mul3A_1 : i32
    %broadcast_in_dim3A = arith.constant 5.000000e-01 : f32
    %broadcast_in_dim3A_3 = vector.broadcast %broadcast_in_dim3A : f32 to vector<16xf32>
    %add3A_4 = arith.constant 0 : i32
    %add3A_5 = arith.addi %mul3A_2, %add3A_4 : i32
    %mul3A_6 = arith.constant 4096 : i32
    %mul3A_7 = arith.muli %add3A_5, %mul3A_6 : i32
    %mul3A_8 = arith.constant 128 : i32
    %mul3A_9 = arith.muli %add3A_5, %mul3A_8 : i32
    %dma_start3A = tpu.memref_slice %arg2[%mul3A_7] : memref<67108864xf32, #tpu.memory_space<hbm>> -> memref<32768xf32, #tpu.memory_space<hbm>>
    %dma_start3A_10 = tpu.memref_slice %arg2[%mul3A_7] : memref<67108864xf32, #tpu.memory_space<hbm>> -> memref<32768xf32, #tpu.memory_space<hbm>>
    tpu.enqueue_dma source(%dma_start3A_10 : memref<32768xf32, #tpu.memory_space<hbm>>) target(%arg5 : memref<32768xf32, #tpu.memory_space<vmem>>) target_semaphore(%arg11 : memref<!tpu.dma_semaphore, #tpu.memory_space<semaphore_mem>>)
    %dma_start3A_11 = tpu.memref_slice %arg3[%mul3A_9] : memref<2097152xi32, #tpu.memory_space<hbm>> -> memref<1024xi32, #tpu.memory_space<hbm>>
    %dma_start3A_12 = tpu.memref_slice %arg3[%mul3A_9] : memref<2097152xi32, #tpu.memory_space<hbm>> -> memref<1024xi32, #tpu.memory_space<hbm>>
    tpu.enqueue_dma source(%dma_start3A_12 : memref<1024xi32, #tpu.memory_space<hbm>>) target(%arg8 : memref<1024xi32, #tpu.memory_space<vmem>>) target_semaphore(%arg14 : memref<!tpu.dma_semaphore, #tpu.memory_space<semaphore_mem>>)
    %add3A_13 = arith.constant 8 : i32
    %add3A_14 = arith.addi %mul3A_2, %add3A_13 : i32
    %mul3A_15 = arith.constant 4096 : i32
    %mul3A_16 = arith.muli %add3A_14, %mul3A_15 : i32
    %mul3A_17 = arith.constant 128 : i32
    %mul3A_18 = arith.muli %add3A_14, %mul3A_17 : i32
    %dma_start3A_19 = tpu.memref_slice %arg2[%mul3A_16] : memref<67108864xf32, #tpu.memory_space<hbm>> -> memref<32768xf32, #tpu.memory_space<hbm>>
    %dma_start3A_20 = tpu.memref_slice %arg2[%mul3A_16] : memref<67108864xf32, #tpu.memory_space<hbm>> -> memref<32768xf32, #tpu.memory_space<hbm>>
    tpu.enqueue_dma source(%dma_start3A_20 : memref<32768xf32, #tpu.memory_space<hbm>>) target(%arg6 : memref<32768xf32, #tpu.memory_space<vmem>>) target_semaphore(%arg12 : memref<!tpu.dma_semaphore, #tpu.memory_space<semaphore_mem>>)
    %dma_start3A_21 = tpu.memref_slice %arg3[%mul3A_18] : memref<2097152xi32, #tpu.memory_space<hbm>> -> memref<1024xi32, #tpu.memory_space<hbm>>
    %dma_start3A_22 = tpu.memref_slice %arg3[%mul3A_18] : memref<2097152xi32, #tpu.memory_space<hbm>> -> memref<1024xi32, #tpu.memory_space<hbm>>
    tpu.enqueue_dma source(%dma_start3A_22 : memref<1024xi32, #tpu.memory_space<hbm>>) target(%arg9 : memref<1024xi32, #tpu.memory_space<vmem>>) target_semaphore(%arg15 : memref<!tpu.dma_semaphore, #tpu.memory_space<semaphore_mem>>)
    %add3A_23 = arith.constant 16 : i32
    %add3A_24 = arith.addi %mul3A_2, %add3A_23 : i32
    %mul3A_25 = arith.constant 4096 : i32
    %mul3A_26 = arith.muli %add3A_24, %mul3A_25 : i32
    %mul3A_27 = arith.constant 128 : i32
    %mul3A_28 = arith.muli %add3A_24, %mul3A_27 : i32
    %dma_start3A_29 = tpu.memref_slice %arg2[%mul3A_26] : memref<67108864xf32, #tpu.memory_space<hbm>> -> memref<32768xf32, #tpu.memory_space<hbm>>
    %dma_start3A_30 = tpu.memref_slice %arg2[%mul3A_26] : memref<67108864xf32, #tpu.memory_space<hbm>> -> memref<32768xf32, #tpu.memory_space<hbm>>
    tpu.enqueue_dma source(%dma_start3A_30 : memref<32768xf32, #tpu.memory_space<hbm>>) target(%arg7 : memref<32768xf32, #tpu.memory_space<vmem>>) target_semaphore(%arg13 : memref<!tpu.dma_semaphore, #tpu.memory_space<semaphore_mem>>)
    %dma_start3A_31 = tpu.memref_slice %arg3[%mul3A_28] : memref<2097152xi32, #tpu.memory_space<hbm>> -> memref<1024xi32, #tpu.memory_space<hbm>>
    %dma_start3A_32 = tpu.memref_slice %arg3[%mul3A_28] : memref<2097152xi32, #tpu.memory_space<hbm>> -> memref<1024xi32, #tpu.memory_space<hbm>>
    tpu.enqueue_dma source(%dma_start3A_32 : memref<1024xi32, #tpu.memory_space<hbm>>) target(%arg10 : memref<1024xi32, #tpu.memory_space<vmem>>) target_semaphore(%arg16 : memref<!tpu.dma_semaphore, #tpu.memory_space<semaphore_mem>>)
    %add3A_33 = arith.constant 0 : i32
    %add3A_34 = arith.addi %mul3A_2, %add3A_33 : i32
    %mul3A_35 = arith.constant 4096 : i32
    %mul3A_36 = arith.muli %add3A_34, %mul3A_35 : i32
    %mul3A_37 = arith.constant 128 : i32
    %mul3A_38 = arith.muli %add3A_34, %mul3A_37 : i32
    %dma_wait3A = tpu.memref_slice %arg2[%mul3A_36] : memref<67108864xf32, #tpu.memory_space<hbm>> -> memref<32768xf32, #tpu.memory_space<hbm>>
    %dma_wait3A_39 = tpu.memref_slice %arg2[%mul3A_36] : memref<67108864xf32, #tpu.memory_space<hbm>> -> memref<32768xf32, #tpu.memory_space<hbm>>
    tpu.wait_dma2 semaphore(%arg11 : memref<!tpu.dma_semaphore, #tpu.memory_space<semaphore_mem>>) src(%dma_wait3A_39 : memref<32768xf32, #tpu.memory_space<hbm>>) dst(%arg5 : memref<32768xf32, #tpu.memory_space<vmem>>)
    %dma_wait3A_40 = tpu.memref_slice %arg3[%mul3A_38] : memref<2097152xi32, #tpu.memory_space<hbm>> -> memref<1024xi32, #tpu.memory_space<hbm>>
    %dma_wait3A_41 = tpu.memref_slice %arg3[%mul3A_38] : memref<2097152xi32, #tpu.memory_space<hbm>> -> memref<1024xi32, #tpu.memory_space<hbm>>
    tpu.wait_dma2 semaphore(%arg14 : memref<!tpu.dma_semaphore, #tpu.memory_space<semaphore_mem>>) src(%dma_wait3A_41 : memref<1024xi32, #tpu.memory_space<hbm>>) dst(%arg8 : memref<1024xi32, #tpu.memory_space<vmem>>)
    %get3A = arith.constant 0 : index
    %get3A_42 = tpu.vector_load %arg8[%get3A] {strides = array<i32>} : memref<1024xi32, #tpu.memory_space<vmem>>, vector<16xi32>,
    %add3A_43 = arith.constant 0 : i32
    %add3A_44 = vector.broadcast %add3A_43 : i32 to vector<16xi32>
    %add3A_45 = arith.addi %get3A_42, %add3A_44 : vector<16xi32>
    tpu.vector_store_idx %arg5[%add3A_45], %broadcast_in_dim3A_3 : memref<32768xf32, #tpu.memory_space<vmem>>[vector<16xi32>], vector<16xf32>,
    %get3A_46 = arith.constant 16 : index
    %get3A_47 = tpu.vector_load %arg8[%get3A_46] {strides = array<i32>} : memref<1024xi32, #tpu.memory_space<vmem>>, vector<16xi32>,
    %add3A_48 = arith.constant 0 : i32
    %add3A_49 = vector.broadcast %add3A_48 : i32 to vector<16xi32>
    %add3A_50 = arith.addi %get3A_47, %add3A_49 : vector<16xi32>
    tpu.vector_store_idx %arg5[%add3A_50], %broadcast_in_dim3A_3 : memref<32768xf32, #tpu.memory_space<vmem>>[vector<16xi32>], vector<16xf32>,
    %get3A_51 = arith.constant 32 : index
    %get3A_52 = tpu.vector_load %arg8[%get3A_51] {strides = array<i32>} : memref<1024xi32, #tpu.memory_space<vmem>>, vector<16xi32>,
    %add3A_53 = arith.constant 0 : i32
    %add3A_54 = vector.broadcast %add3A_53 : i32 to vector<16xi32>
    %add3A_55 = arith.addi %get3A_52, %add3A_54 : vector<16xi32>
    tpu.vector_store_idx %arg5[%add3A_55], %broadcast_in_dim3A_3 : memref<32768xf32, #tpu.memory_space<vmem>>[vector<16xi32>], vector<16xf32>,
    %get3A_56 = arith.constant 48 : index
    %get3A_57 = tpu.vector_load %arg8[%get3A_56] {strides = array<i32>} : memref<1024xi32, #tpu.memory_space<vmem>>, vector<16xi32>,
    %add3A_58 = arith.constant 0 : i32
    %add3A_59 = vector.broadcast %add3A_58 : i32 to vector<16xi32>
    %add3A_60 = arith.addi %get3A_57, %add3A_59 : vector<16xi32>
    tpu.vector_store_idx %arg5[%add3A_60], %broadcast_in_dim3A_3 : memref<32768xf32, #tpu.memory_space<vmem>>[vector<16xi32>], vector<16xf32>,
    %get3A_61 = arith.constant 64 : index
    %get3A_62 = tpu.vector_load %arg8[%get3A_61] {strides = array<i32>} : memref<1024xi32, #tpu.memory_space<vmem>>, vector<16xi32>,
    %add3A_63 = arith.constant 0 : i32
    %add3A_64 = vector.broadcast %add3A_63 : i32 to vector<16xi32>
    %add3A_65 = arith.addi %get3A_62, %add3A_64 : vector<16xi32>
    tpu.vector_store_idx %arg5[%add3A_65], %broadcast_in_dim3A_3 : memref<32768xf32, #tpu.memory_space<vmem>>[vector<16xi32>], vector<16xf32>,
    %get3A_66 = arith.constant 80 : index
    %get3A_67 = tpu.vector_load %arg8[%get3A_66] {strides = array<i32>} : memref<1024xi32, #tpu.memory_space<vmem>>, vector<16xi32>,
    %add3A_68 = arith.constant 0 : i32
    %add3A_69 = vector.broadcast %add3A_68 : i32 to vector<16xi32>
    %add3A_70 = arith.addi %get3A_67, %add3A_69 : vector<16xi32>
    tpu.vector_store_idx %arg5[%add3A_70], %broadcast_in_dim3A_3 : memref<32768xf32, #tpu.memory_space<vmem>>[vector<16xi32>], vector<16xf32>,
    %get3A_71 = arith.constant 96 : index
    %get3A_72 = tpu.vector_load %arg8[%get3A_71] {strides = array<i32>} : memref<1024xi32, #tpu.memory_space<vmem>>, vector<16xi32>,
    %add3A_73 = arith.constant 0 : i32
    %add3A_74 = vector.broadcast %add3A_73 : i32 to vector<16xi32>
    %add3A_75 = arith.addi %get3A_72, %add3A_74 : vector<16xi32>
    tpu.vector_store_idx %arg5[%add3A_75], %broadcast_in_dim3A_3 : memref<32768xf32, #tpu.memory_space<vmem>>[vector<16xi32>], vector<16xf32>,
    %get3A_76 = arith.constant 112 : index
    %get3A_77 = tpu.vector_load %arg8[%get3A_76] {strides = array<i32>} : memref<1024xi32, #tpu.memory_space<vmem>>, vector<16xi32>,
    %add3A_78 = arith.constant 0 : i32
    %add3A_79 = vector.broadcast %add3A_78 : i32 to vector<16xi32>
    %add3A_80 = arith.addi %get3A_77, %add3A_79 : vector<16xi32>
    tpu.vector_store_idx %arg5[%add3A_80], %broadcast_in_dim3A_3 : memref<32768xf32, #tpu.memory_space<vmem>>[vector<16xi32>], vector<16xf32>,
    %get3A_81 = arith.constant 128 : index
    %get3A_82 = tpu.vector_load %arg8[%get3A_81] {strides = array<i32>} : memref<1024xi32, #tpu.memory_space<vmem>>, vector<16xi32>,
    %add3A_83 = arith.constant 4096 : i32
    %add3A_84 = vector.broadcast %add3A_83 : i32 to vector<16xi32>
    %add3A_85 = arith.addi %get3A_82, %add3A_84 : vector<16xi32>
    tpu.vector_store_idx %arg5[%add3A_85], %broadcast_in_dim3A_3 : memref<32768xf32, #tpu.memory_space<vmem>>[vector<16xi32>], vector<16xf32>,
    %get3A_86 = arith.constant 144 : index
    %get3A_87 = tpu.vector_load %arg8[%get3A_86] {strides = array<i32>} : memref<1024xi32, #tpu.memory_space<vmem>>, vector<16xi32>,
    %add3A_88 = arith.constant 4096 : i32
    %add3A_89 = vector.broadcast %add3A_88 : i32 to vector<16xi32>
    %add3A_90 = arith.addi %get3A_87, %add3A_89 : vector<16xi32>
    tpu.vector_store_idx %arg5[%add3A_90], %broadcast_in_dim3A_3 : memref<32768xf32, #tpu.memory_space<vmem>>[vector<16xi32>], vector<16xf32>,
    %get3A_91 = arith.constant 160 : index
    %get3A_92 = tpu.vector_load %arg8[%get3A_91] {strides = array<i32>} : memref<1024xi32, #tpu.memory_space<vmem>>, vector<16xi32>,
    %add3A_93 = arith.constant 4096 : i32
    %add3A_94 = vector.broadcast %add3A_93 : i32 to vector<16xi32>
    %add3A_95 = arith.addi %get3A_92, %add3A_94 : vector<16xi32>
    tpu.vector_store_idx %arg5[%add3A_95], %broadcast_in_dim3A_3 : memref<32768xf32, #tpu.memory_space<vmem>>[vector<16xi32>], vector<16xf32>,
    %get3A_96 = arith.constant 176 : index
    %get3A_97 = tpu.vector_load %arg8[%get3A_96] {strides = array<i32>} : memref<1024xi32, #tpu.memory_space<vmem>>, vector<16xi32>,
    %add3A_98 = arith.constant 4096 : i32
    %add3A_99 = vector.broadcast %add3A_98 : i32 to vector<16xi32>
    %add3A_100 = arith.addi %get3A_97, %add3A_99 : vector<16xi32>
    tpu.vector_store_idx %arg5[%add3A_100], %broadcast_in_dim3A_3 : memref<32768xf32, #tpu.memory_space<vmem>>[vector<16xi32>], vector<16xf32>,
    %get3A_101 = arith.constant 192 : index
    %get3A_102 = tpu.vector_load %arg8[%get3A_101] {strides = array<i32>} : memref<1024xi32, #tpu.memory_space<vmem>>, vector<16xi32>,
    %add3A_103 = arith.constant 4096 : i32
    %add3A_104 = vector.broadcast %add3A_103 : i32 to vector<16xi32>
    %add3A_105 = arith.addi %get3A_102, %add3A_104 : vector<16xi32>
    tpu.vector_store_idx %arg5[%add3A_105], %broadcast_in_dim3A_3 : memref<32768xf32, #tpu.memory_space<vmem>>[vector<16xi32>], vector<16xf32>,
    %get3A_106 = arith.constant 208 : index
    %get3A_107 = tpu.vector_load %arg8[%get3A_106] {strides = array<i32>} : memref<1024xi32, #tpu.memory_space<vmem>>, vector<16xi32>,
    %add3A_108 = arith.constant 4096 : i32
    %add3A_109 = vector.broadcast %add3A_108 : i32 to vector<16xi32>
    %add3A_110 = arith.addi %get3A_107, %add3A_109 : vector<16xi32>
    tpu.vector_store_idx %arg5[%add3A_110], %broadcast_in_dim3A_3 : memref<32768xf32, #tpu.memory_space<vmem>>[vector<16xi32>], vector<16xf32>,
    %get3A_111 = arith.constant 224 : index
    %get3A_112 = tpu.vector_load %arg8[%get3A_111] {strides = array<i32>} : memref<1024xi32, #tpu.memory_space<vmem>>, vector<16xi32>,
    %add3A_113 = arith.constant 4096 : i32
    %add3A_114 = vector.broadcast %add3A_113 : i32 to vector<16xi32>
    %add3A_115 = arith.addi %get3A_112, %add3A_114 : vector<16xi32>
    tpu.vector_store_idx %arg5[%add3A_115], %broadcast_in_dim3A_3 : memref<32768xf32, #tpu.memory_space<vmem>>[vector<16xi32>], vector<16xf32>,
    %get3A_116 = arith.constant 240 : index
    %get3A_117 = tpu.vector_load %arg8[%get3A_116] {strides = array<i32>} : memref<1024xi32, #tpu.memory_space<vmem>>, vector<16xi32>,
    %add3A_118 = arith.constant 4096 : i32
    %add3A_119 = vector.broadcast %add3A_118 : i32 to vector<16xi32>
    %add3A_120 = arith.addi %get3A_117, %add3A_119 : vector<16xi32>
    tpu.vector_store_idx %arg5[%add3A_120], %broadcast_in_dim3A_3 : memref<32768xf32, #tpu.memory_space<vmem>>[vector<16xi32>], vector<16xf32>,
    %get3A_121 = arith.constant 256 : index
    %get3A_122 = tpu.vector_load %arg8[%get3A_121] {strides = array<i32>} : memref<1024xi32, #tpu.memory_space<vmem>>, vector<16xi32>,
    %add3A_123 = arith.constant 8192 : i32
    %add3A_124 = vector.broadcast %add3A_123 : i32 to vector<16xi32>
    %add3A_125 = arith.addi %get3A_122, %add3A_124 : vector<16xi32>
    tpu.vector_store_idx %arg5[%add3A_125], %broadcast_in_dim3A_3 : memref<32768xf32, #tpu.memory_space<vmem>>[vector<16xi32>], vector<16xf32>,
    %get3A_126 = arith.constant 272 : index
    %get3A_127 = tpu.vector_load %arg8[%get3A_126] {strides = array<i32>} : memref<1024xi32, #tpu.memory_space<vmem>>, vector<16xi32>,
    %add3A_128 = arith.constant 8192 : i32
    %add3A_129 = vector.broadcast %add3A_128 : i32 to vector<16xi32>
    %add3A_130 = arith.addi %get3A_127, %add3A_129 : vector<16xi32>
    tpu.vector_store_idx %arg5[%add3A_130], %broadcast_in_dim3A_3 : memref<32768xf32, #tpu.memory_space<vmem>>[vector<16xi32>], vector<16xf32>,
    %get3A_131 = arith.constant 288 : index
    %get3A_132 = tpu.vector_load %arg8[%get3A_131] {strides = array<i32>} : memref<1024xi32, #tpu.memory_space<vmem>>, vector<16xi32>,
    %add3A_133 = arith.constant 8192 : i32
    %add3A_134 = vector.broadcast %add3A_133 : i32 to vector<16xi32>
    %add3A_135 = arith.addi %get3A_132, %add3A_134 : vector<16xi32>
    tpu.vector_store_idx %arg5[%add3A_135], %broadcast_in_dim3A_3 : memref<32768xf32, #tpu.memory_space<vmem>>[vector<16xi32>], vector<16xf32>,
    %get3A_136 = arith.constant 304 : index
    %get3A_137 = tpu.vector_load %arg8[%get3A_136] {strides = array<i32>} : memref<1024xi32, #tpu.memory_space<vmem>>, vector<16xi32>,
    %add3A_138 = arith.constant 8192 : i32
    %add3A_139 = vector.broadcast %add3A_138 : i32 to vector<16xi32>
    %add3A_140 = arith.addi %get3A_137, %add3A_139 : vector<16xi32>
    tpu.vector_store_idx %arg5[%add3A_140], %broadcast_in_dim3A_3 : memref<32768xf32, #tpu.memory_space<vmem>>[vector<16xi32>], vector<16xf32>,
    %get3A_141 = arith.constant 320 : index
    %get3A_142 = tpu.vector_load %arg8[%get3A_141] {strides = array<i32>} : memref<1024xi32, #tpu.memory_space<vmem>>, vector<16xi32>,
    %add3A_143 = arith.constant 8192 : i32
    %add3A_144 = vector.broadcast %add3A_143 : i32 to vector<16xi32>
    %add3A_145 = arith.addi %get3A_142, %add3A_144 : vector<16xi32>
    tpu.vector_store_idx %arg5[%add3A_145], %broadcast_in_dim3A_3 : memref<32768xf32, #tpu.memory_space<vmem>>[vector<16xi32>], vector<16xf32>,
    %get3A_146 = arith.constant 336 : index
    %get3A_147 = tpu.vector_load %arg8[%get3A_146] {strides = array<i32>} : memref<1024xi32, #tpu.memory_space<vmem>>, vector<16xi32>,
    %add3A_148 = arith.constant 8192 : i32
    %add3A_149 = vector.broadcast %add3A_148 : i32 to vector<16xi32>
    %add3A_150 = arith.addi %get3A_147, %add3A_149 : vector<16xi32>
    tpu.vector_store_idx %arg5[%add3A_150], %broadcast_in_dim3A_3 : memref<32768xf32, #tpu.memory_space<vmem>>[vector<16xi32>], vector<16xf32>,
    %get3A_151 = arith.constant 352 : index
    %get3A_152 = tpu.vector_load %arg8[%get3A_151] {strides = array<i32>} : memref<1024xi32, #tpu.memory_space<vmem>>, vector<16xi32>,
    %add3A_153 = arith.constant 8192 : i32
    %add3A_154 = vector.broadcast %add3A_153 : i32 to vector<16xi32>
    %add3A_155 = arith.addi %get3A_152, %add3A_154 : vector<16xi32>
    tpu.vector_store_idx %arg5[%add3A_155], %broadcast_in_dim3A_3 : memref<32768xf32, #tpu.memory_space<vmem>>[vector<16xi32>], vector<16xf32>,
    %get3A_156 = arith.constant 368 : index
    %get3A_157 = tpu.vector_load %arg8[%get3A_156] {strides = array<i32>} : memref<1024xi32, #tpu.memory_space<vmem>>, vector<16xi32>,
    %add3A_158 = arith.constant 8192 : i32
    %add3A_159 = vector.broadcast %add3A_158 : i32 to vector<16xi32>
    %add3A_160 = arith.addi %get3A_157, %add3A_159 : vector<16xi32>
    tpu.vector_store_idx %arg5[%add3A_160], %broadcast_in_dim3A_3 : memref<32768xf32, #tpu.memory_space<vmem>>[vector<16xi32>], vector<16xf32>,
    %get3A_161 = arith.constant 384 : index
    %get3A_162 = tpu.vector_load %arg8[%get3A_161] {strides = array<i32>} : memref<1024xi32, #tpu.memory_space<vmem>>, vector<16xi32>,
    %add3A_163 = arith.constant 12288 : i32
    %add3A_164 = vector.broadcast %add3A_163 : i32 to vector<16xi32>
    %add3A_165 = arith.addi %get3A_162, %add3A_164 : vector<16xi32>
    tpu.vector_store_idx %arg5[%add3A_165], %broadcast_in_dim3A_3 : memref<32768xf32, #tpu.memory_space<vmem>>[vector<16xi32>], vector<16xf32>,
    %get3A_166 = arith.constant 400 : index
    %get3A_167 = tpu.vector_load %arg8[%get3A_166] {strides = array<i32>} : memref<1024xi32, #tpu.memory_space<vmem>>, vector<16xi32>,
    %add3A_168 = arith.constant 12288 : i32
    %add3A_169 = vector.broadcast %add3A_168 : i32 to vector<16xi32>
    %add3A_170 = arith.addi %get3A_167, %add3A_169 : vector<16xi32>
    tpu.vector_store_idx %arg5[%add3A_170], %broadcast_in_dim3A_3 : memref<32768xf32, #tpu.memory_space<vmem>>[vector<16xi32>], vector<16xf32>,
    %get3A_171 = arith.constant 416 : index
    %get3A_172 = tpu.vector_load %arg8[%get3A_171] {strides = array<i32>} : memref<1024xi32, #tpu.memory_space<vmem>>, vector<16xi32>,
    %add3A_173 = arith.constant 12288 : i32
    %add3A_174 = vector.broadcast %add3A_173 : i32 to vector<16xi32>
    %add3A_175 = arith.addi %get3A_172, %add3A_174 : vector<16xi32>
    tpu.vector_store_idx %arg5[%add3A_175], %broadcast_in_dim3A_3 : memref<32768xf32, #tpu.memory_space<vmem>>[vector<16xi32>], vector<16xf32>,
    %get3A_176 = arith.constant 432 : index
    %get3A_177 = tpu.vector_load %arg8[%get3A_176] {strides = array<i32>} : memref<1024xi32, #tpu.memory_space<vmem>>, vector<16xi32>,
    %add3A_178 = arith.constant 12288 : i32
    %add3A_179 = vector.broadcast %add3A_178 : i32 to vector<16xi32>
    %add3A_180 = arith.addi %get3A_177, %add3A_179 : vector<16xi32>
    tpu.vector_store_idx %arg5[%add3A_180], %broadcast_in_dim3A_3 : memref<32768xf32, #tpu.memory_space<vmem>>[vector<16xi32>], vector<16xf32>,
    %get3A_181 = arith.constant 448 : index
    %get3A_182 = tpu.vector_load %arg8[%get3A_181] {strides = array<i32>} : memref<1024xi32, #tpu.memory_space<vmem>>, vector<16xi32>,
    %add3A_183 = arith.constant 12288 : i32
    %add3A_184 = vector.broadcast %add3A_183 : i32 to vector<16xi32>
    %add3A_185 = arith.addi %get3A_182, %add3A_184 : vector<16xi32>
    tpu.vector_store_idx %arg5[%add3A_185], %broadcast_in_dim3A_3 : memref<32768xf32, #tpu.memory_space<vmem>>[vector<16xi32>], vector<16xf32>,
    %get3A_186 = arith.constant 464 : index
    %get3A_187 = tpu.vector_load %arg8[%get3A_186] {strides = array<i32>} : memref<1024xi32, #tpu.memory_space<vmem>>, vector<16xi32>,
    %add3A_188 = arith.constant 12288 : i32
    %add3A_189 = vector.broadcast %add3A_188 : i32 to vector<16xi32>
    %add3A_190 = arith.addi %get3A_187, %add3A_189 : vector<16xi32>
    tpu.vector_store_idx %arg5[%add3A_190], %broadcast_in_dim3A_3 : memref<32768xf32, #tpu.memory_space<vmem>>[vector<16xi32>], vector<16xf32>,
    %get3A_191 = arith.constant 480 : index
    %get3A_192 = tpu.vector_load %arg8[%get3A_191] {strides = array<i32>} : memref<1024xi32, #tpu.memory_space<vmem>>, vector<16xi32>,
    %add3A_193 = arith.constant 12288 : i32
    %add3A_194 = vector.broadcast %add3A_193 : i32 to vector<16xi32>
    %add3A_195 = arith.addi %get3A_192, %add3A_194 : vector<16xi32>
    tpu.vector_store_idx %arg5[%add3A_195], %broadcast_in_dim3A_3 : memref<32768xf32, #tpu.memory_space<vmem>>[vector<16xi32>], vector<16xf32>,
    %get3A_196 = arith.constant 496 : index
    %get3A_197 = tpu.vector_load %arg8[%get3A_196] {strides = array<i32>} : memref<1024xi32, #tpu.memory_space<vmem>>, vector<16xi32>,
    %add3A_198 = arith.constant 12288 : i32
    %add3A_199 = vector.broadcast %add3A_198 : i32 to vector<16xi32>
    %add3A_200 = arith.addi %get3A_197, %add3A_199 : vector<16xi32>
    tpu.vector_store_idx %arg5[%add3A_200], %broadcast_in_dim3A_3 : memref<32768xf32, #tpu.memory_space<vmem>>[vector<16xi32>], vector<16xf32>,
    %get3A_201 = arith.constant 512 : index
    %get3A_202 = tpu.vector_load %arg8[%get3A_201] {strides = array<i32>} : memref<1024xi32, #tpu.memory_space<vmem>>, vector<16xi32>,
    %add3A_203 = arith.constant 16384 : i32
    %add3A_204 = vector.broadcast %add3A_203 : i32 to vector<16xi32>
    %add3A_205 = arith.addi %get3A_202, %add3A_204 : vector<16xi32>
    tpu.vector_store_idx %arg5[%add3A_205], %broadcast_in_dim3A_3 : memref<32768xf32, #tpu.memory_space<vmem>>[vector<16xi32>], vector<16xf32>,
    %get3A_206 = arith.constant 528 : index
    %get3A_207 = tpu.vector_load %arg8[%get3A_206] {strides = array<i32>} : memref<1024xi32, #tpu.memory_space<vmem>>, vector<16xi32>,
    %add3A_208 = arith.constant 16384 : i32
    %add3A_209 = vector.broadcast %add3A_208 : i32 to vector<16xi32>
    %add3A_210 = arith.addi %get3A_207, %add3A_209 : vector<16xi32>
    tpu.vector_store_idx %arg5[%add3A_210], %broadcast_in_dim3A_3 : memref<32768xf32, #tpu.memory_space<vmem>>[vector<16xi32>], vector<16xf32>,
    %get3A_211 = arith.constant 544 : index
    %get3A_212 = tpu.vector_load %arg8[%get3A_211] {strides = array<i32>} : memref<1024xi32, #tpu.memory_space<vmem>>, vector<16xi32>,
    %add3A_213 = arith.constant 16384 : i32
    %add3A_214 = vector.broadcast %add3A_213 : i32 to vector<16xi32>
    %add3A_215 = arith.addi %get3A_212, %add3A_214 : vector<16xi32>
    tpu.vector_store_idx %arg5[%add3A_215], %broadcast_in_dim3A_3 : memref<32768xf32, #tpu.memory_space<vmem>>[vector<16xi32>], vector<16xf32>,
    %get3A_216 = arith.constant 560 : index
    %get3A_217 = tpu.vector_load %arg8[%get3A_216] {strides = array<i32>} : memref<1024xi32, #tpu.memory_space<vmem>>, vector<16xi32>,
    %add3A_218 = arith.constant 16384 : i32
    %add3A_219 = vector.broadcast %add3A_218 : i32 to vector<16xi32>
    %add3A_220 = arith.addi %get3A_217, %add3A_219 : vector<16xi32>
    tpu.vector_store_idx %arg5[%add3A_220], %broadcast_in_dim3A_3 : memref<32768xf32, #tpu.memory_space<vmem>>[vector<16xi32>], vector<16xf32>,
    %get3A_221 = arith.constant 576 : index
    %get3A_222 = tpu.vector_load %arg8[%get3A_221] {strides = array<i32>} : memref<1024xi32, #tpu.memory_space<vmem>>, vector<16xi32>,
    %add3A_223 = arith.constant 16384 : i32
    %add3A_224 = vector.broadcast %add3A_223 : i32 to vector<16xi32>
    %add3A_225 = arith.addi %get3A_222, %add3A_224 : vector<16xi32>
    tpu.vector_store_idx %arg5[%add3A_225], %broadcast_in_dim3A_3 : memref<32768xf32, #tpu.memory_space<vmem>>[vector<16xi32>], vector<16xf32>,
    %get3A_226 = arith.constant 592 : index
    %get3A_227 = tpu.vector_load %arg8[%get3A_226] {strides = array<i32>} : memref<1024xi32, #tpu.memory_space<vmem>>, vector<16xi32>,
    %add3A_228 = arith.constant 16384 : i32
    %add3A_229 = vector.broadcast %add3A_228 : i32 to vector<16xi32>
    %add3A_230 = arith.addi %get3A_227, %add3A_229 : vector<16xi32>
    tpu.vector_store_idx %arg5[%add3A_230], %broadcast_in_dim3A_3 : memref<32768xf32, #tpu.memory_space<vmem>>[vector<16xi32>], vector<16xf32>,
    %get3A_231 = arith.constant 608 : index
    %get3A_232 = tpu.vector_load %arg8[%get3A_231] {strides = array<i32>} : memref<1024xi32, #tpu.memory_space<vmem>>, vector<16xi32>,
    %add3A_233 = arith.constant 16384 : i32
    %add3A_234 = vector.broadcast %add3A_233 : i32 to vector<16xi32>
    %add3A_235 = arith.addi %get3A_232, %add3A_234 : vector<16xi32>
    tpu.vector_store_idx %arg5[%add3A_235], %broadcast_in_dim3A_3 : memref<32768xf32, #tpu.memory_space<vmem>>[vector<16xi32>], vector<16xf32>,
    %get3A_236 = arith.constant 624 : index
    %get3A_237 = tpu.vector_load %arg8[%get3A_236] {strides = array<i32>} : memref<1024xi32, #tpu.memory_space<vmem>>, vector<16xi32>,
    %add3A_238 = arith.constant 16384 : i32
    %add3A_239 = vector.broadcast %add3A_238 : i32 to vector<16xi32>
    %add3A_240 = arith.addi %get3A_237, %add3A_239 : vector<16xi32>
    tpu.vector_store_idx %arg5[%add3A_240], %broadcast_in_dim3A_3 : memref<32768xf32, #tpu.memory_space<vmem>>[vector<16xi32>], vector<16xf32>,
    %get3A_241 = arith.constant 640 : index
    %get3A_242 = tpu.vector_load %arg8[%get3A_241] {strides = array<i32>} : memref<1024xi32, #tpu.memory_space<vmem>>, vector<16xi32>,
    %add3A_243 = arith.constant 20480 : i32
    %add3A_244 = vector.broadcast %add3A_243 : i32 to vector<16xi32>
    %add3A_245 = arith.addi %get3A_242, %add3A_244 : vector<16xi32>
    tpu.vector_store_idx %arg5[%add3A_245], %broadcast_in_dim3A_3 : memref<32768xf32, #tpu.memory_space<vmem>>[vector<16xi32>], vector<16xf32>,
    %get3A_246 = arith.constant 656 : index
    %get3A_247 = tpu.vector_load %arg8[%get3A_246] {strides = array<i32>} : memref<1024xi32, #tpu.memory_space<vmem>>, vector<16xi32>,
    %add3A_248 = arith.constant 20480 : i32
    %add3A_249 = vector.broadcast %add3A_248 : i32 to vector<16xi32>
    %add3A_250 = arith.addi %get3A_247, %add3A_249 : vector<16xi32>
    tpu.vector_store_idx %arg5[%add3A_250], %broadcast_in_dim3A_3 : memref<32768xf32, #tpu.memory_space<vmem>>[vector<16xi32>], vector<16xf32>,
    %get3A_251 = arith.constant 672 : index
    %get3A_252 = tpu.vector_load %arg8[%get3A_251] {strides = array<i32>} : memref<1024xi32, #tpu.memory_space<vmem>>, vector<16xi32>,
    %add3A_253 = arith.constant 20480 : i32
    %add3A_254 = vector.broadcast %add3A_253 : i32 to vector<16xi32>
    %add3A_255 = arith.addi %get3A_252, %add3A_254 : vector<16xi32>
    tpu.vector_store_idx %arg5[%add3A_255], %broadcast_in_dim3A_3 : memref<32768xf32, #tpu.memory_space<vmem>>[vector<16xi32>], vector<16xf32>,
    %get3A_256 = arith.constant 688 : index
    %get3A_257 = tpu.vector_load %arg8[%get3A_256] {strides = array<i32>} : memref<1024xi32, #tpu.memory_space<vmem>>, vector<16xi32>,
    %add3A_258 = arith.constant 20480 : i32
    %add3A_259 = vector.broadcast %add3A_258 : i32 to vector<16xi32>
    %add3A_260 = arith.addi %get3A_257, %add3A_259 : vector<16xi32>
    tpu.vector_store_idx %arg5[%add3A_260], %broadcast_in_dim3A_3 : memref<32768xf32, #tpu.memory_space<vmem>>[vector<16xi32>], vector<16xf32>,
    %get3A_261 = arith.constant 704 : index
    %get3A_262 = tpu.vector_load %arg8[%get3A_261] {strides = array<i32>} : memref<1024xi32, #tpu.memory_space<vmem>>, vector<16xi32>,
    %add3A_263 = arith.constant 20480 : i32
    %add3A_264 = vector.broadcast %add3A_263 : i32 to vector<16xi32>
    %add3A_265 = arith.addi %get3A_262, %add3A_264 : vector<16xi32>
    tpu.vector_store_idx %arg5[%add3A_265], %broadcast_in_dim3A_3 : memref<32768xf32, #tpu.memory_space<vmem>>[vector<16xi32>], vector<16xf32>,
    %get3A_266 = arith.constant 720 : index
    %get3A_267 = tpu.vector_load %arg8[%get3A_266] {strides = array<i32>} : memref<1024xi32, #tpu.memory_space<vmem>>, vector<16xi32>,
    %add3A_268 = arith.constant 20480 : i32
    %add3A_269 = vector.broadcast %add3A_268 : i32 to vector<16xi32>
    %add3A_270 = arith.addi %get3A_267, %add3A_269 : vector<16xi32>
    tpu.vector_store_idx %arg5[%add3A_270], %broadcast_in_dim3A_3 : memref<32768xf32, #tpu.memory_space<vmem>>[vector<16xi32>], vector<16xf32>,
    %get3A_271 = arith.constant 736 : index
    %get3A_272 = tpu.vector_load %arg8[%get3A_271] {strides = array<i32>} : memref<1024xi32, #tpu.memory_space<vmem>>, vector<16xi32>,
    %add3A_273 = arith.constant 20480 : i32
    %add3A_274 = vector.broadcast %add3A_273 : i32 to vector<16xi32>
    %add3A_275 = arith.addi %get3A_272, %add3A_274 : vector<16xi32>
    tpu.vector_store_idx %arg5[%add3A_275], %broadcast_in_dim3A_3 : memref<32768xf32, #tpu.memory_space<vmem>>[vector<16xi32>], vector<16xf32>,
    %get3A_276 = arith.constant 752 : index
    %get3A_277 = tpu.vector_load %arg8[%get3A_276] {strides = array<i32>} : memref<1024xi32, #tpu.memory_space<vmem>>, vector<16xi32>,
    %add3A_278 = arith.constant 20480 : i32
    %add3A_279 = vector.broadcast %add3A_278 : i32 to vector<16xi32>
    %add3A_280 = arith.addi %get3A_277, %add3A_279 : vector<16xi32>
    tpu.vector_store_idx %arg5[%add3A_280], %broadcast_in_dim3A_3 : memref<32768xf32, #tpu.memory_space<vmem>>[vector<16xi32>], vector<16xf32>,
    %get3A_281 = arith.constant 768 : index
    %get3A_282 = tpu.vector_load %arg8[%get3A_281] {strides = array<i32>} : memref<1024xi32, #tpu.memory_space<vmem>>, vector<16xi32>,
    %add3A_283 = arith.constant 24576 : i32
    %add3A_284 = vector.broadcast %add3A_283 : i32 to vector<16xi32>
    %add3A_285 = arith.addi %get3A_282, %add3A_284 : vector<16xi32>
    tpu.vector_store_idx %arg5[%add3A_285], %broadcast_in_dim3A_3 : memref<32768xf32, #tpu.memory_space<vmem>>[vector<16xi32>], vector<16xf32>,
    %get3A_286 = arith.constant 784 : index
    %get3A_287 = tpu.vector_load %arg8[%get3A_286] {strides = array<i32>} : memref<1024xi32, #tpu.memory_space<vmem>>, vector<16xi32>,
    %add3A_288 = arith.constant 24576 : i32
    %add3A_289 = vector.broadcast %add3A_288 : i32 to vector<16xi32>
    %add3A_290 = arith.addi %get3A_287, %add3A_289 : vector<16xi32>
    tpu.vector_store_idx %arg5[%add3A_290], %broadcast_in_dim3A_3 : memref<32768xf32, #tpu.memory_space<vmem>>[vector<16xi32>], vector<16xf32>,
    %get3A_291 = arith.constant 800 : index
    %get3A_292 = tpu.vector_load %arg8[%get3A_291] {strides = array<i32>} : memref<1024xi32, #tpu.memory_space<vmem>>, vector<16xi32>,
    %add3A_293 = arith.constant 24576 : i32
    %add3A_294 = vector.broadcast %add3A_293 : i32 to vector<16xi32>
    %add3A_295 = arith.addi %get3A_292, %add3A_294 : vector<16xi32>
    tpu.vector_store_idx %arg5[%add3A_295], %broadcast_in_dim3A_3 : memref<32768xf32, #tpu.memory_space<vmem>>[vector<16xi32>], vector<16xf32>,
    %get3A_296 = arith.constant 816 : index
    %get3A_297 = tpu.vector_load %arg8[%get3A_296] {strides = array<i32>} : memref<1024xi32, #tpu.memory_space<vmem>>, vector<16xi32>,
    %add3A_298 = arith.constant 24576 : i32
    %add3A_299 = vector.broadcast %add3A_298 : i32 to vector<16xi32>
    %add3A_300 = arith.addi %get3A_297, %add3A_299 : vector<16xi32>
    tpu.vector_store_idx %arg5[%add3A_300], %broadcast_in_dim3A_3 : memref<32768xf32, #tpu.memory_space<vmem>>[vector<16xi32>], vector<16xf32>,
    %get3A_301 = arith.constant 832 : index
    %get3A_302 = tpu.vector_load %arg8[%get3A_301] {strides = array<i32>} : memref<1024xi32, #tpu.memory_space<vmem>>, vector<16xi32>,
    %add3A_303 = arith.constant 24576 : i32
    %add3A_304 = vector.broadcast %add3A_303 : i32 to vector<16xi32>
    %add3A_305 = arith.addi %get3A_302, %add3A_304 : vector<16xi32>
    tpu.vector_store_idx %arg5[%add3A_305], %broadcast_in_dim3A_3 : memref<32768xf32, #tpu.memory_space<vmem>>[vector<16xi32>], vector<16xf32>,
    %get3A_306 = arith.constant 848 : index
    %get3A_307 = tpu.vector_load %arg8[%get3A_306] {strides = array<i32>} : memref<1024xi32, #tpu.memory_space<vmem>>, vector<16xi32>,
    %add3A_308 = arith.constant 24576 : i32
    %add3A_309 = vector.broadcast %add3A_308 : i32 to vector<16xi32>
    %add3A_310 = arith.addi %get3A_307, %add3A_309 : vector<16xi32>
    tpu.vector_store_idx %arg5[%add3A_310], %broadcast_in_dim3A_3 : memref<32768xf32, #tpu.memory_space<vmem>>[vector<16xi32>], vector<16xf32>,
    %get3A_311 = arith.constant 864 : index
    %get3A_312 = tpu.vector_load %arg8[%get3A_311] {strides = array<i32>} : memref<1024xi32, #tpu.memory_space<vmem>>, vector<16xi32>,
    %add3A_313 = arith.constant 24576 : i32
    %add3A_314 = vector.broadcast %add3A_313 : i32 to vector<16xi32>
    %add3A_315 = arith.addi %get3A_312, %add3A_314 : vector<16xi32>
    tpu.vector_store_idx %arg5[%add3A_315], %broadcast_in_dim3A_3 : memref<32768xf32, #tpu.memory_space<vmem>>[vector<16xi32>], vector<16xf32>,
    %get3A_316 = arith.constant 880 : index
    %get3A_317 = tpu.vector_load %arg8[%get3A_316] {strides = array<i32>} : memref<1024xi32, #tpu.memory_space<vmem>>, vector<16xi32>,
    %add3A_318 = arith.constant 24576 : i32
    %add3A_319 = vector.broadcast %add3A_318 : i32 to vector<16xi32>
    %add3A_320 = arith.addi %get3A_317, %add3A_319 : vector<16xi32>
    tpu.vector_store_idx %arg5[%add3A_320], %broadcast_in_dim3A_3 : memref<32768xf32, #tpu.memory_space<vmem>>[vector<16xi32>], vector<16xf32>,
    %get3A_321 = arith.constant 896 : index
    %get3A_322 = tpu.vector_load %arg8[%get3A_321] {strides = array<i32>} : memref<1024xi32, #tpu.memory_space<vmem>>, vector<16xi32>,
    %add3A_323 = arith.constant 28672 : i32
    %add3A_324 = vector.broadcast %add3A_323 : i32 to vector<16xi32>
    %add3A_325 = arith.addi %get3A_322, %add3A_324 : vector<16xi32>
    tpu.vector_store_idx %arg5[%add3A_325], %broadcast_in_dim3A_3 : memref<32768xf32, #tpu.memory_space<vmem>>[vector<16xi32>], vector<16xf32>,
    %get3A_326 = arith.constant 912 : index
    %get3A_327 = tpu.vector_load %arg8[%get3A_326] {strides = array<i32>} : memref<1024xi32, #tpu.memory_space<vmem>>, vector<16xi32>,
    %add3A_328 = arith.constant 28672 : i32
    %add3A_329 = vector.broadcast %add3A_328 : i32 to vector<16xi32>
    %add3A_330 = arith.addi %get3A_327, %add3A_329 : vector<16xi32>
    tpu.vector_store_idx %arg5[%add3A_330], %broadcast_in_dim3A_3 : memref<32768xf32, #tpu.memory_space<vmem>>[vector<16xi32>], vector<16xf32>,
    %get3A_331 = arith.constant 928 : index
    %get3A_332 = tpu.vector_load %arg8[%get3A_331] {strides = array<i32>} : memref<1024xi32, #tpu.memory_space<vmem>>, vector<16xi32>,
    %add3A_333 = arith.constant 28672 : i32
    %add3A_334 = vector.broadcast %add3A_333 : i32 to vector<16xi32>
    %add3A_335 = arith.addi %get3A_332, %add3A_334 : vector<16xi32>
    tpu.vector_store_idx %arg5[%add3A_335], %broadcast_in_dim3A_3 : memref<32768xf32, #tpu.memory_space<vmem>>[vector<16xi32>], vector<16xf32>,
    %get3A_336 = arith.constant 944 : index
    %get3A_337 = tpu.vector_load %arg8[%get3A_336] {strides = array<i32>} : memref<1024xi32, #tpu.memory_space<vmem>>, vector<16xi32>,
    %add3A_338 = arith.constant 28672 : i32
    %add3A_339 = vector.broadcast %add3A_338 : i32 to vector<16xi32>
    %add3A_340 = arith.addi %get3A_337, %add3A_339 : vector<16xi32>
    tpu.vector_store_idx %arg5[%add3A_340], %broadcast_in_dim3A_3 : memref<32768xf32, #tpu.memory_space<vmem>>[vector<16xi32>], vector<16xf32>,
    %get3A_341 = arith.constant 960 : index
    %get3A_342 = tpu.vector_load %arg8[%get3A_341] {strides = array<i32>} : memref<1024xi32, #tpu.memory_space<vmem>>, vector<16xi32>,
    %add3A_343 = arith.constant 28672 : i32
    %add3A_344 = vector.broadcast %add3A_343 : i32 to vector<16xi32>
    %add3A_345 = arith.addi %get3A_342, %add3A_344 : vector<16xi32>
    tpu.vector_store_idx %arg5[%add3A_345], %broadcast_in_dim3A_3 : memref<32768xf32, #tpu.memory_space<vmem>>[vector<16xi32>], vector<16xf32>,
    %get3A_346 = arith.constant 976 : index
    %get3A_347 = tpu.vector_load %arg8[%get3A_346] {strides = array<i32>} : memref<1024xi32, #tpu.memory_space<vmem>>, vector<16xi32>,
    %add3A_348 = arith.constant 28672 : i32
    %add3A_349 = vector.broadcast %add3A_348 : i32 to vector<16xi32>
    %add3A_350 = arith.addi %get3A_347, %add3A_349 : vector<16xi32>
    tpu.vector_store_idx %arg5[%add3A_350], %broadcast_in_dim3A_3 : memref<32768xf32, #tpu.memory_space<vmem>>[vector<16xi32>], vector<16xf32>,
    %get3A_351 = arith.constant 992 : index
    %get3A_352 = tpu.vector_load %arg8[%get3A_351] {strides = array<i32>} : memref<1024xi32, #tpu.memory_space<vmem>>, vector<16xi32>,
    %add3A_353 = arith.constant 28672 : i32
    %add3A_354 = vector.broadcast %add3A_353 : i32 to vector<16xi32>
    %add3A_355 = arith.addi %get3A_352, %add3A_354 : vector<16xi32>
    tpu.vector_store_idx %arg5[%add3A_355], %broadcast_in_dim3A_3 : memref<32768xf32, #tpu.memory_space<vmem>>[vector<16xi32>], vector<16xf32>,
    %get3A_356 = arith.constant 1008 : index
    %get3A_357 = tpu.vector_load %arg8[%get3A_356] {strides = array<i32>} : memref<1024xi32, #tpu.memory_space<vmem>>, vector<16xi32>,
    %add3A_358 = arith.constant 28672 : i32
    %add3A_359 = vector.broadcast %add3A_358 : i32 to vector<16xi32>
    %add3A_360 = arith.addi %get3A_357, %add3A_359 : vector<16xi32>
    tpu.vector_store_idx %arg5[%add3A_360], %broadcast_in_dim3A_3 : memref<32768xf32, #tpu.memory_space<vmem>>[vector<16xi32>], vector<16xf32>,
    %add3A_361 = arith.constant 0 : i32
    %add3A_362 = arith.addi %mul3A_2, %add3A_361 : i32
    %mul3A_363 = arith.constant 4096 : i32
    %mul3A_364 = arith.muli %add3A_362, %mul3A_363 : i32
    %dma_start3A_365 = tpu.memref_slice %arg4[%mul3A_364] : memref<67108864xf32, #tpu.memory_space<hbm>> -> memref<32768xf32, #tpu.memory_space<hbm>>
    %dma_start3A_366 = tpu.memref_slice %arg4[%mul3A_364] : memref<67108864xf32, #tpu.memory_space<hbm>> -> memref<32768xf32, #tpu.memory_space<hbm>>
    tpu.enqueue_dma source(%arg5 : memref<32768xf32, #tpu.memory_space<vmem>>) target(%dma_start3A_366 : memref<32768xf32, #tpu.memory_space<hbm>>) target_semaphore(%arg17 : memref<!tpu.dma_semaphore, #tpu.memory_space<semaphore_mem>>)
    %add3A_367 = arith.constant 8 : i32
    %add3A_368 = arith.addi %mul3A_2, %add3A_367 : i32
    %mul3A_369 = arith.constant 4096 : i32
    %mul3A_370 = arith.muli %add3A_368, %mul3A_369 : i32
    %mul3A_371 = arith.constant 128 : i32
    %mul3A_372 = arith.muli %add3A_368, %mul3A_371 : i32
    %dma_wait3A_373 = tpu.memref_slice %arg2[%mul3A_370] : memref<67108864xf32, #tpu.memory_space<hbm>> -> memref<32768xf32, #tpu.memory_space<hbm>>
    %dma_wait3A_374 = tpu.memref_slice %arg2[%mul3A_370] : memref<67108864xf32, #tpu.memory_space<hbm>> -> memref<32768xf32, #tpu.memory_space<hbm>>
    tpu.wait_dma2 semaphore(%arg12 : memref<!tpu.dma_semaphore, #tpu.memory_space<semaphore_mem>>) src(%dma_wait3A_374 : memref<32768xf32, #tpu.memory_space<hbm>>) dst(%arg6 : memref<32768xf32, #tpu.memory_space<vmem>>)
    %dma_wait3A_375 = tpu.memref_slice %arg3[%mul3A_372] : memref<2097152xi32, #tpu.memory_space<hbm>> -> memref<1024xi32, #tpu.memory_space<hbm>>
    %dma_wait3A_376 = tpu.memref_slice %arg3[%mul3A_372] : memref<2097152xi32, #tpu.memory_space<hbm>> -> memref<1024xi32, #tpu.memory_space<hbm>>
    tpu.wait_dma2 semaphore(%arg15 : memref<!tpu.dma_semaphore, #tpu.memory_space<semaphore_mem>>) src(%dma_wait3A_376 : memref<1024xi32, #tpu.memory_space<hbm>>) dst(%arg9 : memref<1024xi32, #tpu.memory_space<vmem>>)
    %get3A_377 = arith.constant 0 : index
    %get3A_378 = tpu.vector_load %arg9[%get3A_377] {strides = array<i32>} : memref<1024xi32, #tpu.memory_space<vmem>>, vector<16xi32>,
    %add3A_379 = arith.constant 0 : i32
    %add3A_380 = vector.broadcast %add3A_379 : i32 to vector<16xi32>
    %add3A_381 = arith.addi %get3A_378, %add3A_380 : vector<16xi32>
    tpu.vector_store_idx %arg6[%add3A_381], %broadcast_in_dim3A_3 : memref<32768xf32, #tpu.memory_space<vmem>>[vector<16xi32>], vector<16xf32>,
    %get3A_382 = arith.constant 16 : index
    %get3A_383 = tpu.vector_load %arg9[%get3A_382] {strides = array<i32>} : memref<1024xi32, #tpu.memory_space<vmem>>, vector<16xi32>,
    %add3A_384 = arith.constant 0 : i32
    %add3A_385 = vector.broadcast %add3A_384 : i32 to vector<16xi32>
    %add3A_386 = arith.addi %get3A_383, %add3A_385 : vector<16xi32>
    tpu.vector_store_idx %arg6[%add3A_386], %broadcast_in_dim3A_3 : memref<32768xf32, #tpu.memory_space<vmem>>[vector<16xi32>], vector<16xf32>,
    %get3A_387 = arith.constant 32 : index
    %get3A_388 = tpu.vector_load %arg9[%get3A_387] {strides = array<i32>} : memref<1024xi32, #tpu.memory_space<vmem>>, vector<16xi32>,
    %add3A_389 = arith.constant 0 : i32
    %add3A_390 = vector.broadcast %add3A_389 : i32 to vector<16xi32>
    %add3A_391 = arith.addi %get3A_388, %add3A_390 : vector<16xi32>
    tpu.vector_store_idx %arg6[%add3A_391], %broadcast_in_dim3A_3 : memref<32768xf32, #tpu.memory_space<vmem>>[vector<16xi32>], vector<16xf32>,
    %get3A_392 = arith.constant 48 : index
    %get3A_393 = tpu.vector_load %arg9[%get3A_392] {strides = array<i32>} : memref<1024xi32, #tpu.memory_space<vmem>>, vector<16xi32>,
    %add3A_394 = arith.constant 0 : i32
    %add3A_395 = vector.broadcast %add3A_394 : i32 to vector<16xi32>
    %add3A_396 = arith.addi %get3A_393, %add3A_395 : vector<16xi32>
    tpu.vector_store_idx %arg6[%add3A_396], %broadcast_in_dim3A_3 : memref<32768xf32, #tpu.memory_space<vmem>>[vector<16xi32>], vector<16xf32>,
    %get3A_397 = arith.constant 64 : index
    %get3A_398 = tpu.vector_load %arg9[%get3A_397] {strides = array<i32>} : memref<1024xi32, #tpu.memory_space<vmem>>, vector<16xi32>,
    %add3A_399 = arith.constant 0 : i32
    %add3A_400 = vector.broadcast %add3A_399 : i32 to vector<16xi32>
    %add3A_401 = arith.addi %get3A_398, %add3A_400 : vector<16xi32>
    tpu.vector_store_idx %arg6[%add3A_401], %broadcast_in_dim3A_3 : memref<32768xf32, #tpu.memory_space<vmem>>[vector<16xi32>], vector<16xf32>,
    %get3A_402 = arith.constant 80 : index
    %get3A_403 = tpu.vector_load %arg9[%get3A_402] {strides = array<i32>} : memref<1024xi32, #tpu.memory_space<vmem>>, vector<16xi32>,
    %add3A_404 = arith.constant 0 : i32
    %add3A_405 = vector.broadcast %add3A_404 : i32 to vector<16xi32>
    %add3A_406 = arith.addi %get3A_403, %add3A_405 : vector<16xi32>
    tpu.vector_store_idx %arg6[%add3A_406], %broadcast_in_dim3A_3 : memref<32768xf32, #tpu.memory_space<vmem>>[vector<16xi32>], vector<16xf32>,
    %get3A_407 = arith.constant 96 : index
    %get3A_408 = tpu.vector_load %arg9[%get3A_407] {strides = array<i32>} : memref<1024xi32, #tpu.memory_space<vmem>>, vector<16xi32>,
    %add3A_409 = arith.constant 0 : i32
    %add3A_410 = vector.broadcast %add3A_409 : i32 to vector<16xi32>
    %add3A_411 = arith.addi %get3A_408, %add3A_410 : vector<16xi32>
    tpu.vector_store_idx %arg6[%add3A_411], %broadcast_in_dim3A_3 : memref<32768xf32, #tpu.memory_space<vmem>>[vector<16xi32>], vector<16xf32>,
    %get3A_412 = arith.constant 112 : index
    %get3A_413 = tpu.vector_load %arg9[%get3A_412] {strides = array<i32>} : memref<1024xi32, #tpu.memory_space<vmem>>, vector<16xi32>,
    %add3A_414 = arith.constant 0 : i32
    %add3A_415 = vector.broadcast %add3A_414 : i32 to vector<16xi32>
    %add3A_416 = arith.addi %get3A_413, %add3A_415 : vector<16xi32>
    tpu.vector_store_idx %arg6[%add3A_416], %broadcast_in_dim3A_3 : memref<32768xf32, #tpu.memory_space<vmem>>[vector<16xi32>], vector<16xf32>,
    %get3A_417 = arith.constant 128 : index
    %get3A_418 = tpu.vector_load %arg9[%get3A_417] {strides = array<i32>} : memref<1024xi32, #tpu.memory_space<vmem>>, vector<16xi32>,
    %add3A_419 = arith.constant 4096 : i32
    %add3A_420 = vector.broadcast %add3A_419 : i32 to vector<16xi32>
    %add3A_421 = arith.addi %get3A_418, %add3A_420 : vector<16xi32>
    tpu.vector_store_idx %arg6[%add3A_421], %broadcast_in_dim3A_3 : memref<32768xf32, #tpu.memory_space<vmem>>[vector<16xi32>], vector<16xf32>,
    %get3A_422 = arith.constant 144 : index
    %get3A_423 = tpu.vector_load %arg9[%get3A_422] {strides = array<i32>} : memref<1024xi32, #tpu.memory_space<vmem>>, vector<16xi32>,
    %add3A_424 = arith.constant 4096 : i32
    %add3A_425 = vector.broadcast %add3A_424 : i32 to vector<16xi32>
    %add3A_426 = arith.addi %get3A_423, %add3A_425 : vector<16xi32>
    tpu.vector_store_idx %arg6[%add3A_426], %broadcast_in_dim3A_3 : memref<32768xf32, #tpu.memory_space<vmem>>[vector<16xi32>], vector<16xf32>,
    %get3A_427 = arith.constant 160 : index
    %get3A_428 = tpu.vector_load %arg9[%get3A_427] {strides = array<i32>} : memref<1024xi32, #tpu.memory_space<vmem>>, vector<16xi32>,
    %add3A_429 = arith.constant 4096 : i32
    %add3A_430 = vector.broadcast %add3A_429 : i32 to vector<16xi32>
    %add3A_431 = arith.addi %get3A_428, %add3A_430 : vector<16xi32>
    tpu.vector_store_idx %arg6[%add3A_431], %broadcast_in_dim3A_3 : memref<32768xf32, #tpu.memory_space<vmem>>[vector<16xi32>], vector<16xf32>,
    %get3A_432 = arith.constant 176 : index
    %get3A_433 = tpu.vector_load %arg9[%get3A_432] {strides = array<i32>} : memref<1024xi32, #tpu.memory_space<vmem>>, vector<16xi32>,
    %add3A_434 = arith.constant 4096 : i32
    %add3A_435 = vector.broadcast %add3A_434 : i32 to vector<16xi32>
    %add3A_436 = arith.addi %get3A_433, %add3A_435 : vector<16xi32>
    tpu.vector_store_idx %arg6[%add3A_436], %broadcast_in_dim3A_3 : memref<32768xf32, #tpu.memory_space<vmem>>[vector<16xi32>], vector<16xf32>,
    %get3A_437 = arith.constant 192 : index
    %get3A_438 = tpu.vector_load %arg9[%get3A_437] {strides = array<i32>} : memref<1024xi32, #tpu.memory_space<vmem>>, vector<16xi32>,
    %add3A_439 = arith.constant 4096 : i32
    %add3A_440 = vector.broadcast %add3A_439 : i32 to vector<16xi32>
    %add3A_441 = arith.addi %get3A_438, %add3A_440 : vector<16xi32>
    tpu.vector_store_idx %arg6[%add3A_441], %broadcast_in_dim3A_3 : memref<32768xf32, #tpu.memory_space<vmem>>[vector<16xi32>], vector<16xf32>,
    %get3A_442 = arith.constant 208 : index
    %get3A_443 = tpu.vector_load %arg9[%get3A_442] {strides = array<i32>} : memref<1024xi32, #tpu.memory_space<vmem>>, vector<16xi32>,
    %add3A_444 = arith.constant 4096 : i32
    %add3A_445 = vector.broadcast %add3A_444 : i32 to vector<16xi32>
    %add3A_446 = arith.addi %get3A_443, %add3A_445 : vector<16xi32>
    tpu.vector_store_idx %arg6[%add3A_446], %broadcast_in_dim3A_3 : memref<32768xf32, #tpu.memory_space<vmem>>[vector<16xi32>], vector<16xf32>,
    %get3A_447 = arith.constant 224 : index
    %get3A_448 = tpu.vector_load %arg9[%get3A_447] {strides = array<i32>} : memref<1024xi32, #tpu.memory_space<vmem>>, vector<16xi32>,
    %add3A_449 = arith.constant 4096 : i32
    %add3A_450 = vector.broadcast %add3A_449 : i32 to vector<16xi32>
    %add3A_451 = arith.addi %get3A_448, %add3A_450 : vector<16xi32>
    tpu.vector_store_idx %arg6[%add3A_451], %broadcast_in_dim3A_3 : memref<32768xf32, #tpu.memory_space<vmem>>[vector<16xi32>], vector<16xf32>,
    %get3A_452 = arith.constant 240 : index
    %get3A_453 = tpu.vector_load %arg9[%get3A_452] {strides = array<i32>} : memref<1024xi32, #tpu.memory_space<vmem>>, vector<16xi32>,
    %add3A_454 = arith.constant 4096 : i32
    %add3A_455 = vector.broadcast %add3A_454 : i32 to vector<16xi32>
    %add3A_456 = arith.addi %get3A_453, %add3A_455 : vector<16xi32>
    tpu.vector_store_idx %arg6[%add3A_456], %broadcast_in_dim3A_3 : memref<32768xf32, #tpu.memory_space<vmem>>[vector<16xi32>], vector<16xf32>,
    %get3A_457 = arith.constant 256 : index
    %get3A_458 = tpu.vector_load %arg9[%get3A_457] {strides = array<i32>} : memref<1024xi32, #tpu.memory_space<vmem>>, vector<16xi32>,
    %add3A_459 = arith.constant 8192 : i32
    %add3A_460 = vector.broadcast %add3A_459 : i32 to vector<16xi32>
    %add3A_461 = arith.addi %get3A_458, %add3A_460 : vector<16xi32>
    tpu.vector_store_idx %arg6[%add3A_461], %broadcast_in_dim3A_3 : memref<32768xf32, #tpu.memory_space<vmem>>[vector<16xi32>], vector<16xf32>,
    %get3A_462 = arith.constant 272 : index
    %get3A_463 = tpu.vector_load %arg9[%get3A_462] {strides = array<i32>} : memref<1024xi32, #tpu.memory_space<vmem>>, vector<16xi32>,
    %add3A_464 = arith.constant 8192 : i32
    %add3A_465 = vector.broadcast %add3A_464 : i32 to vector<16xi32>
    %add3A_466 = arith.addi %get3A_463, %add3A_465 : vector<16xi32>
    tpu.vector_store_idx %arg6[%add3A_466], %broadcast_in_dim3A_3 : memref<32768xf32, #tpu.memory_space<vmem>>[vector<16xi32>], vector<16xf32>,
    %get3A_467 = arith.constant 288 : index
    %get3A_468 = tpu.vector_load %arg9[%get3A_467] {strides = array<i32>} : memref<1024xi32, #tpu.memory_space<vmem>>, vector<16xi32>,
    %add3A_469 = arith.constant 8192 : i32
    %add3A_470 = vector.broadcast %add3A_469 : i32 to vector<16xi32>
    %add3A_471 = arith.addi %get3A_468, %add3A_470 : vector<16xi32>
    tpu.vector_store_idx %arg6[%add3A_471], %broadcast_in_dim3A_3 : memref<32768xf32, #tpu.memory_space<vmem>>[vector<16xi32>], vector<16xf32>,
    %get3A_472 = arith.constant 304 : index
    %get3A_473 = tpu.vector_load %arg9[%get3A_472] {strides = array<i32>} : memref<1024xi32, #tpu.memory_space<vmem>>, vector<16xi32>,
    %add3A_474 = arith.constant 8192 : i32
    %add3A_475 = vector.broadcast %add3A_474 : i32 to vector<16xi32>
    %add3A_476 = arith.addi %get3A_473, %add3A_475 : vector<16xi32>
    tpu.vector_store_idx %arg6[%add3A_476], %broadcast_in_dim3A_3 : memref<32768xf32, #tpu.memory_space<vmem>>[vector<16xi32>], vector<16xf32>,
    %get3A_477 = arith.constant 320 : index
    %get3A_478 = tpu.vector_load %arg9[%get3A_477] {strides = array<i32>} : memref<1024xi32, #tpu.memory_space<vmem>>, vector<16xi32>,
    %add3A_479 = arith.constant 8192 : i32
    %add3A_480 = vector.broadcast %add3A_479 : i32 to vector<16xi32>
    %add3A_481 = arith.addi %get3A_478, %add3A_480 : vector<16xi32>
    tpu.vector_store_idx %arg6[%add3A_481], %broadcast_in_dim3A_3 : memref<32768xf32, #tpu.memory_space<vmem>>[vector<16xi32>], vector<16xf32>,
    %get3A_482 = arith.constant 336 : index
    %get3A_483 = tpu.vector_load %arg9[%get3A_482] {strides = array<i32>} : memref<1024xi32, #tpu.memory_space<vmem>>, vector<16xi32>,
    %add3A_484 = arith.constant 8192 : i32
    %add3A_485 = vector.broadcast %add3A_484 : i32 to vector<16xi32>
    %add3A_486 = arith.addi %get3A_483, %add3A_485 : vector<16xi32>
    tpu.vector_store_idx %arg6[%add3A_486], %broadcast_in_dim3A_3 : memref<32768xf32, #tpu.memory_space<vmem>>[vector<16xi32>], vector<16xf32>,
    %get3A_487 = arith.constant 352 : index
    %get3A_488 = tpu.vector_load %arg9[%get3A_487] {strides = array<i32>} : memref<1024xi32, #tpu.memory_space<vmem>>, vector<16xi32>,
    %add3A_489 = arith.constant 8192 : i32
    %add3A_490 = vector.broadcast %add3A_489 : i32 to vector<16xi32>
    %add3A_491 = arith.addi %get3A_488, %add3A_490 : vector<16xi32>
    tpu.vector_store_idx %arg6[%add3A_491], %broadcast_in_dim3A_3 : memref<32768xf32, #tpu.memory_space<vmem>>[vector<16xi32>], vector<16xf32>,
    %get3A_492 = arith.constant 368 : index
    %get3A_493 = tpu.vector_load %arg9[%get3A_492] {strides = array<i32>} : memref<1024xi32, #tpu.memory_space<vmem>>, vector<16xi32>,
    %add3A_494 = arith.constant 8192 : i32
    %add3A_495 = vector.broadcast %add3A_494 : i32 to vector<16xi32>
    %add3A_496 = arith.addi %get3A_493, %add3A_495 : vector<16xi32>
    tpu.vector_store_idx %arg6[%add3A_496], %broadcast_in_dim3A_3 : memref<32768xf32, #tpu.memory_space<vmem>>[vector<16xi32>], vector<16xf32>,
    %get3A_497 = arith.constant 384 : index
    %get3A_498 = tpu.vector_load %arg9[%get3A_497] {strides = array<i32>} : memref<1024xi32, #tpu.memory_space<vmem>>, vector<16xi32>,
    %add3A_499 = arith.constant 12288 : i32
    %add3A_500 = vector.broadcast %add3A_499 : i32 to vector<16xi32>
    %add3A_501 = arith.addi %get3A_498, %add3A_500 : vector<16xi32>
    tpu.vector_store_idx %arg6[%add3A_501], %broadcast_in_dim3A_3 : memref<32768xf32, #tpu.memory_space<vmem>>[vector<16xi32>], vector<16xf32>,
    %get3A_502 = arith.constant 400 : index
    %get3A_503 = tpu.vector_load %arg9[%get3A_502] {strides = array<i32>} : memref<1024xi32, #tpu.memory_space<vmem>>, vector<16xi32>,
    %add3A_504 = arith.constant 12288 : i32
    %add3A_505 = vector.broadcast %add3A_504 : i32 to vector<16xi32>
    %add3A_506 = arith.addi %get3A_503, %add3A_505 : vector<16xi32>
    tpu.vector_store_idx %arg6[%add3A_506], %broadcast_in_dim3A_3 : memref<32768xf32, #tpu.memory_space<vmem>>[vector<16xi32>], vector<16xf32>,
    %get3A_507 = arith.constant 416 : index
    %get3A_508 = tpu.vector_load %arg9[%get3A_507] {strides = array<i32>} : memref<1024xi32, #tpu.memory_space<vmem>>, vector<16xi32>,
    %add3A_509 = arith.constant 12288 : i32
    %add3A_510 = vector.broadcast %add3A_509 : i32 to vector<16xi32>
    %add3A_511 = arith.addi %get3A_508, %add3A_510 : vector<16xi32>
    tpu.vector_store_idx %arg6[%add3A_511], %broadcast_in_dim3A_3 : memref<32768xf32, #tpu.memory_space<vmem>>[vector<16xi32>], vector<16xf32>,
    %get3A_512 = arith.constant 432 : index
    %get3A_513 = tpu.vector_load %arg9[%get3A_512] {strides = array<i32>} : memref<1024xi32, #tpu.memory_space<vmem>>, vector<16xi32>,
    %add3A_514 = arith.constant 12288 : i32
    %add3A_515 = vector.broadcast %add3A_514 : i32 to vector<16xi32>
    %add3A_516 = arith.addi %get3A_513, %add3A_515 : vector<16xi32>
    tpu.vector_store_idx %arg6[%add3A_516], %broadcast_in_dim3A_3 : memref<32768xf32, #tpu.memory_space<vmem>>[vector<16xi32>], vector<16xf32>,
    %get3A_517 = arith.constant 448 : index
    %get3A_518 = tpu.vector_load %arg9[%get3A_517] {strides = array<i32>} : memref<1024xi32, #tpu.memory_space<vmem>>, vector<16xi32>,
    %add3A_519 = arith.constant 12288 : i32
    %add3A_520 = vector.broadcast %add3A_519 : i32 to vector<16xi32>
    %add3A_521 = arith.addi %get3A_518, %add3A_520 : vector<16xi32>
    tpu.vector_store_idx %arg6[%add3A_521], %broadcast_in_dim3A_3 : memref<32768xf32, #tpu.memory_space<vmem>>[vector<16xi32>], vector<16xf32>,
    %get3A_522 = arith.constant 464 : index
    %get3A_523 = tpu.vector_load %arg9[%get3A_522] {strides = array<i32>} : memref<1024xi32, #tpu.memory_space<vmem>>, vector<16xi32>,
    %add3A_524 = arith.constant 12288 : i32
    %add3A_525 = vector.broadcast %add3A_524 : i32 to vector<16xi32>
    %add3A_526 = arith.addi %get3A_523, %add3A_525 : vector<16xi32>
    tpu.vector_store_idx %arg6[%add3A_526], %broadcast_in_dim3A_3 : memref<32768xf32, #tpu.memory_space<vmem>>[vector<16xi32>], vector<16xf32>,
    %get3A_527 = arith.constant 480 : index
    %get3A_528 = tpu.vector_load %arg9[%get3A_527] {strides = array<i32>} : memref<1024xi32, #tpu.memory_space<vmem>>, vector<16xi32>,
    %add3A_529 = arith.constant 12288 : i32
    %add3A_530 = vector.broadcast %add3A_529 : i32 to vector<16xi32>
    %add3A_531 = arith.addi %get3A_528, %add3A_530 : vector<16xi32>
    tpu.vector_store_idx %arg6[%add3A_531], %broadcast_in_dim3A_3 : memref<32768xf32, #tpu.memory_space<vmem>>[vector<16xi32>], vector<16xf32>,
    %get3A_532 = arith.constant 496 : index
    %get3A_533 = tpu.vector_load %arg9[%get3A_532] {strides = array<i32>} : memref<1024xi32, #tpu.memory_space<vmem>>, vector<16xi32>,
    %add3A_534 = arith.constant 12288 : i32
    %add3A_535 = vector.broadcast %add3A_534 : i32 to vector<16xi32>
    %add3A_536 = arith.addi %get3A_533, %add3A_535 : vector<16xi32>
    tpu.vector_store_idx %arg6[%add3A_536], %broadcast_in_dim3A_3 : memref<32768xf32, #tpu.memory_space<vmem>>[vector<16xi32>], vector<16xf32>,
    %get3A_537 = arith.constant 512 : index
    %get3A_538 = tpu.vector_load %arg9[%get3A_537] {strides = array<i32>} : memref<1024xi32, #tpu.memory_space<vmem>>, vector<16xi32>,
    %add3A_539 = arith.constant 16384 : i32
    %add3A_540 = vector.broadcast %add3A_539 : i32 to vector<16xi32>
    %add3A_541 = arith.addi %get3A_538, %add3A_540 : vector<16xi32>
    tpu.vector_store_idx %arg6[%add3A_541], %broadcast_in_dim3A_3 : memref<32768xf32, #tpu.memory_space<vmem>>[vector<16xi32>], vector<16xf32>,
    %get3A_542 = arith.constant 528 : index
    %get3A_543 = tpu.vector_load %arg9[%get3A_542] {strides = array<i32>} : memref<1024xi32, #tpu.memory_space<vmem>>, vector<16xi32>,
    %add3A_544 = arith.constant 16384 : i32
    %add3A_545 = vector.broadcast %add3A_544 : i32 to vector<16xi32>
    %add3A_546 = arith.addi %get3A_543, %add3A_545 : vector<16xi32>
    tpu.vector_store_idx %arg6[%add3A_546], %broadcast_in_dim3A_3 : memref<32768xf32, #tpu.memory_space<vmem>>[vector<16xi32>], vector<16xf32>,
    %get3A_547 = arith.constant 544 : index
    %get3A_548 = tpu.vector_load %arg9[%get3A_547] {strides = array<i32>} : memref<1024xi32, #tpu.memory_space<vmem>>, vector<16xi32>,
    %add3A_549 = arith.constant 16384 : i32
    %add3A_550 = vector.broadcast %add3A_549 : i32 to vector<16xi32>
    %add3A_551 = arith.addi %get3A_548, %add3A_550 : vector<16xi32>
    tpu.vector_store_idx %arg6[%add3A_551], %broadcast_in_dim3A_3 : memref<32768xf32, #tpu.memory_space<vmem>>[vector<16xi32>], vector<16xf32>,
    %get3A_552 = arith.constant 560 : index
    %get3A_553 = tpu.vector_load %arg9[%get3A_552] {strides = array<i32>} : memref<1024xi32, #tpu.memory_space<vmem>>, vector<16xi32>,
    %add3A_554 = arith.constant 16384 : i32
    %add3A_555 = vector.broadcast %add3A_554 : i32 to vector<16xi32>
    %add3A_556 = arith.addi %get3A_553, %add3A_555 : vector<16xi32>
    tpu.vector_store_idx %arg6[%add3A_556], %broadcast_in_dim3A_3 : memref<32768xf32, #tpu.memory_space<vmem>>[vector<16xi32>], vector<16xf32>,
    %get3A_557 = arith.constant 576 : index
    %get3A_558 = tpu.vector_load %arg9[%get3A_557] {strides = array<i32>} : memref<1024xi32, #tpu.memory_space<vmem>>, vector<16xi32>,
    %add3A_559 = arith.constant 16384 : i32
    %add3A_560 = vector.broadcast %add3A_559 : i32 to vector<16xi32>
    %add3A_561 = arith.addi %get3A_558, %add3A_560 : vector<16xi32>
    tpu.vector_store_idx %arg6[%add3A_561], %broadcast_in_dim3A_3 : memref<32768xf32, #tpu.memory_space<vmem>>[vector<16xi32>], vector<16xf32>,
    %get3A_562 = arith.constant 592 : index
    %get3A_563 = tpu.vector_load %arg9[%get3A_562] {strides = array<i32>} : memref<1024xi32, #tpu.memory_space<vmem>>, vector<16xi32>,
    %add3A_564 = arith.constant 16384 : i32
    %add3A_565 = vector.broadcast %add3A_564 : i32 to vector<16xi32>
    %add3A_566 = arith.addi %get3A_563, %add3A_565 : vector<16xi32>
    tpu.vector_store_idx %arg6[%add3A_566], %broadcast_in_dim3A_3 : memref<32768xf32, #tpu.memory_space<vmem>>[vector<16xi32>], vector<16xf32>,
    %get3A_567 = arith.constant 608 : index
    %get3A_568 = tpu.vector_load %arg9[%get3A_567] {strides = array<i32>} : memref<1024xi32, #tpu.memory_space<vmem>>, vector<16xi32>,
    %add3A_569 = arith.constant 16384 : i32
    %add3A_570 = vector.broadcast %add3A_569 : i32 to vector<16xi32>
    %add3A_571 = arith.addi %get3A_568, %add3A_570 : vector<16xi32>
    tpu.vector_store_idx %arg6[%add3A_571], %broadcast_in_dim3A_3 : memref<32768xf32, #tpu.memory_space<vmem>>[vector<16xi32>], vector<16xf32>,
    %get3A_572 = arith.constant 624 : index
    %get3A_573 = tpu.vector_load %arg9[%get3A_572] {strides = array<i32>} : memref<1024xi32, #tpu.memory_space<vmem>>, vector<16xi32>,
    %add3A_574 = arith.constant 16384 : i32
    %add3A_575 = vector.broadcast %add3A_574 : i32 to vector<16xi32>
    %add3A_576 = arith.addi %get3A_573, %add3A_575 : vector<16xi32>
    tpu.vector_store_idx %arg6[%add3A_576], %broadcast_in_dim3A_3 : memref<32768xf32, #tpu.memory_space<vmem>>[vector<16xi32>], vector<16xf32>,
    %get3A_577 = arith.constant 640 : index
    %get3A_578 = tpu.vector_load %arg9[%get3A_577] {strides = array<i32>} : memref<1024xi32, #tpu.memory_space<vmem>>, vector<16xi32>,
    %add3A_579 = arith.constant 20480 : i32
    %add3A_580 = vector.broadcast %add3A_579 : i32 to vector<16xi32>
    %add3A_581 = arith.addi %get3A_578, %add3A_580 : vector<16xi32>
    tpu.vector_store_idx %arg6[%add3A_581], %broadcast_in_dim3A_3 : memref<32768xf32, #tpu.memory_space<vmem>>[vector<16xi32>], vector<16xf32>,
    %get3A_582 = arith.constant 656 : index
    %get3A_583 = tpu.vector_load %arg9[%get3A_582] {strides = array<i32>} : memref<1024xi32, #tpu.memory_space<vmem>>, vector<16xi32>,
    %add3A_584 = arith.constant 20480 : i32
    %add3A_585 = vector.broadcast %add3A_584 : i32 to vector<16xi32>
    %add3A_586 = arith.addi %get3A_583, %add3A_585 : vector<16xi32>
    tpu.vector_store_idx %arg6[%add3A_586], %broadcast_in_dim3A_3 : memref<32768xf32, #tpu.memory_space<vmem>>[vector<16xi32>], vector<16xf32>,
    %get3A_587 = arith.constant 672 : index
    %get3A_588 = tpu.vector_load %arg9[%get3A_587] {strides = array<i32>} : memref<1024xi32, #tpu.memory_space<vmem>>, vector<16xi32>,
    %add3A_589 = arith.constant 20480 : i32
    %add3A_590 = vector.broadcast %add3A_589 : i32 to vector<16xi32>
    %add3A_591 = arith.addi %get3A_588, %add3A_590 : vector<16xi32>
    tpu.vector_store_idx %arg6[%add3A_591], %broadcast_in_dim3A_3 : memref<32768xf32, #tpu.memory_space<vmem>>[vector<16xi32>], vector<16xf32>,
    %get3A_592 = arith.constant 688 : index
    %get3A_593 = tpu.vector_load %arg9[%get3A_592] {strides = array<i32>} : memref<1024xi32, #tpu.memory_space<vmem>>, vector<16xi32>,
    %add3A_594 = arith.constant 20480 : i32
    %add3A_595 = vector.broadcast %add3A_594 : i32 to vector<16xi32>
    %add3A_596 = arith.addi %get3A_593, %add3A_595 : vector<16xi32>
    tpu.vector_store_idx %arg6[%add3A_596], %broadcast_in_dim3A_3 : memref<32768xf32, #tpu.memory_space<vmem>>[vector<16xi32>], vector<16xf32>,
    %get3A_597 = arith.constant 704 : index
    %get3A_598 = tpu.vector_load %arg9[%get3A_597] {strides = array<i32>} : memref<1024xi32, #tpu.memory_space<vmem>>, vector<16xi32>,
    %add3A_599 = arith.constant 20480 : i32
    %add3A_600 = vector.broadcast %add3A_599 : i32 to vector<16xi32>
    %add3A_601 = arith.addi %get3A_598, %add3A_600 : vector<16xi32>
    tpu.vector_store_idx %arg6[%add3A_601], %broadcast_in_dim3A_3 : memref<32768xf32, #tpu.memory_space<vmem>>[vector<16xi32>], vector<16xf32>,
    %get3A_602 = arith.constant 720 : index
    %get3A_603 = tpu.vector_load %arg9[%get3A_602] {strides = array<i32>} : memref<1024xi32, #tpu.memory_space<vmem>>, vector<16xi32>,
    %add3A_604 = arith.constant 20480 : i32
    %add3A_605 = vector.broadcast %add3A_604 : i32 to vector<16xi32>
    %add3A_606 = arith.addi %get3A_603, %add3A_605 : vector<16xi32>
    tpu.vector_store_idx %arg6[%add3A_606], %broadcast_in_dim3A_3 : memref<32768xf32, #tpu.memory_space<vmem>>[vector<16xi32>], vector<16xf32>,
    %get3A_607 = arith.constant 736 : index
    %get3A_608 = tpu.vector_load %arg9[%get3A_607] {strides = array<i32>} : memref<1024xi32, #tpu.memory_space<vmem>>, vector<16xi32>,
    %add3A_609 = arith.constant 20480 : i32
    %add3A_610 = vector.broadcast %add3A_609 : i32 to vector<16xi32>
    %add3A_611 = arith.addi %get3A_608, %add3A_610 : vector<16xi32>
    tpu.vector_store_idx %arg6[%add3A_611], %broadcast_in_dim3A_3 : memref<32768xf32, #tpu.memory_space<vmem>>[vector<16xi32>], vector<16xf32>,
    %get3A_612 = arith.constant 752 : index
    %get3A_613 = tpu.vector_load %arg9[%get3A_612] {strides = array<i32>} : memref<1024xi32, #tpu.memory_space<vmem>>, vector<16xi32>,
    %add3A_614 = arith.constant 20480 : i32
    %add3A_615 = vector.broadcast %add3A_614 : i32 to vector<16xi32>
    %add3A_616 = arith.addi %get3A_613, %add3A_615 : vector<16xi32>
    tpu.vector_store_idx %arg6[%add3A_616], %broadcast_in_dim3A_3 : memref<32768xf32, #tpu.memory_space<vmem>>[vector<16xi32>], vector<16xf32>,
    %get3A_617 = arith.constant 768 : index
    %get3A_618 = tpu.vector_load %arg9[%get3A_617] {strides = array<i32>} : memref<1024xi32, #tpu.memory_space<vmem>>, vector<16xi32>,
    %add3A_619 = arith.constant 24576 : i32
    %add3A_620 = vector.broadcast %add3A_619 : i32 to vector<16xi32>
    %add3A_621 = arith.addi %get3A_618, %add3A_620 : vector<16xi32>
    tpu.vector_store_idx %arg6[%add3A_621], %broadcast_in_dim3A_3 : memref<32768xf32, #tpu.memory_space<vmem>>[vector<16xi32>], vector<16xf32>,
    %get3A_622 = arith.constant 784 : index
    %get3A_623 = tpu.vector_load %arg9[%get3A_622] {strides = array<i32>} : memref<1024xi32, #tpu.memory_space<vmem>>, vector<16xi32>,
    %add3A_624 = arith.constant 24576 : i32
    %add3A_625 = vector.broadcast %add3A_624 : i32 to vector<16xi32>
    %add3A_626 = arith.addi %get3A_623, %add3A_625 : vector<16xi32>
    tpu.vector_store_idx %arg6[%add3A_626], %broadcast_in_dim3A_3 : memref<32768xf32, #tpu.memory_space<vmem>>[vector<16xi32>], vector<16xf32>,
    %get3A_627 = arith.constant 800 : index
    %get3A_628 = tpu.vector_load %arg9[%get3A_627] {strides = array<i32>} : memref<1024xi32, #tpu.memory_space<vmem>>, vector<16xi32>,
    %add3A_629 = arith.constant 24576 : i32
    %add3A_630 = vector.broadcast %add3A_629 : i32 to vector<16xi32>
    %add3A_631 = arith.addi %get3A_628, %add3A_630 : vector<16xi32>
    tpu.vector_store_idx %arg6[%add3A_631], %broadcast_in_dim3A_3 : memref<32768xf32, #tpu.memory_space<vmem>>[vector<16xi32>], vector<16xf32>,
    %get3A_632 = arith.constant 816 : index
    %get3A_633 = tpu.vector_load %arg9[%get3A_632] {strides = array<i32>} : memref<1024xi32, #tpu.memory_space<vmem>>, vector<16xi32>,
    %add3A_634 = arith.constant 24576 : i32
    %add3A_635 = vector.broadcast %add3A_634 : i32 to vector<16xi32>
    %add3A_636 = arith.addi %get3A_633, %add3A_635 : vector<16xi32>
    tpu.vector_store_idx %arg6[%add3A_636], %broadcast_in_dim3A_3 : memref<32768xf32, #tpu.memory_space<vmem>>[vector<16xi32>], vector<16xf32>,
    %get3A_637 = arith.constant 832 : index
    %get3A_638 = tpu.vector_load %arg9[%get3A_637] {strides = array<i32>} : memref<1024xi32, #tpu.memory_space<vmem>>, vector<16xi32>,
    %add3A_639 = arith.constant 24576 : i32
    %add3A_640 = vector.broadcast %add3A_639 : i32 to vector<16xi32>
    %add3A_641 = arith.addi %get3A_638, %add3A_640 : vector<16xi32>
    tpu.vector_store_idx %arg6[%add3A_641], %broadcast_in_dim3A_3 : memref<32768xf32, #tpu.memory_space<vmem>>[vector<16xi32>], vector<16xf32>,
    %get3A_642 = arith.constant 848 : index
    %get3A_643 = tpu.vector_load %arg9[%get3A_642] {strides = array<i32>} : memref<1024xi32, #tpu.memory_space<vmem>>, vector<16xi32>,
    %add3A_644 = arith.constant 24576 : i32
    %add3A_645 = vector.broadcast %add3A_644 : i32 to vector<16xi32>
    %add3A_646 = arith.addi %get3A_643, %add3A_645 : vector<16xi32>
    tpu.vector_store_idx %arg6[%add3A_646], %broadcast_in_dim3A_3 : memref<32768xf32, #tpu.memory_space<vmem>>[vector<16xi32>], vector<16xf32>,
    %get3A_647 = arith.constant 864 : index
    %get3A_648 = tpu.vector_load %arg9[%get3A_647] {strides = array<i32>} : memref<1024xi32, #tpu.memory_space<vmem>>, vector<16xi32>,
    %add3A_649 = arith.constant 24576 : i32
    %add3A_650 = vector.broadcast %add3A_649 : i32 to vector<16xi32>
    %add3A_651 = arith.addi %get3A_648, %add3A_650 : vector<16xi32>
    tpu.vector_store_idx %arg6[%add3A_651], %broadcast_in_dim3A_3 : memref<32768xf32, #tpu.memory_space<vmem>>[vector<16xi32>], vector<16xf32>,
    %get3A_652 = arith.constant 880 : index
    %get3A_653 = tpu.vector_load %arg9[%get3A_652] {strides = array<i32>} : memref<1024xi32, #tpu.memory_space<vmem>>, vector<16xi32>,
    %add3A_654 = arith.constant 24576 : i32
    %add3A_655 = vector.broadcast %add3A_654 : i32 to vector<16xi32>
    %add3A_656 = arith.addi %get3A_653, %add3A_655 : vector<16xi32>
    tpu.vector_store_idx %arg6[%add3A_656], %broadcast_in_dim3A_3 : memref<32768xf32, #tpu.memory_space<vmem>>[vector<16xi32>], vector<16xf32>,
    %get3A_657 = arith.constant 896 : index
    %get3A_658 = tpu.vector_load %arg9[%get3A_657] {strides = array<i32>} : memref<1024xi32, #tpu.memory_space<vmem>>, vector<16xi32>,
    %add3A_659 = arith.constant 28672 : i32
    %add3A_660 = vector.broadcast %add3A_659 : i32 to vector<16xi32>
    %add3A_661 = arith.addi %get3A_658, %add3A_660 : vector<16xi32>
    tpu.vector_store_idx %arg6[%add3A_661], %broadcast_in_dim3A_3 : memref<32768xf32, #tpu.memory_space<vmem>>[vector<16xi32>], vector<16xf32>,
    %get3A_662 = arith.constant 912 : index
    %get3A_663 = tpu.vector_load %arg9[%get3A_662] {strides = array<i32>} : memref<1024xi32, #tpu.memory_space<vmem>>, vector<16xi32>,
    %add3A_664 = arith.constant 28672 : i32
    %add3A_665 = vector.broadcast %add3A_664 : i32 to vector<16xi32>
    %add3A_666 = arith.addi %get3A_663, %add3A_665 : vector<16xi32>
    tpu.vector_store_idx %arg6[%add3A_666], %broadcast_in_dim3A_3 : memref<32768xf32, #tpu.memory_space<vmem>>[vector<16xi32>], vector<16xf32>,
    %get3A_667 = arith.constant 928 : index
    %get3A_668 = tpu.vector_load %arg9[%get3A_667] {strides = array<i32>} : memref<1024xi32, #tpu.memory_space<vmem>>, vector<16xi32>,
    %add3A_669 = arith.constant 28672 : i32
    %add3A_670 = vector.broadcast %add3A_669 : i32 to vector<16xi32>
    %add3A_671 = arith.addi %get3A_668, %add3A_670 : vector<16xi32>
    tpu.vector_store_idx %arg6[%add3A_671], %broadcast_in_dim3A_3 : memref<32768xf32, #tpu.memory_space<vmem>>[vector<16xi32>], vector<16xf32>,
    %get3A_672 = arith.constant 944 : index
    %get3A_673 = tpu.vector_load %arg9[%get3A_672] {strides = array<i32>} : memref<1024xi32, #tpu.memory_space<vmem>>, vector<16xi32>,
    %add3A_674 = arith.constant 28672 : i32
    %add3A_675 = vector.broadcast %add3A_674 : i32 to vector<16xi32>
    %add3A_676 = arith.addi %get3A_673, %add3A_675 : vector<16xi32>
    tpu.vector_store_idx %arg6[%add3A_676], %broadcast_in_dim3A_3 : memref<32768xf32, #tpu.memory_space<vmem>>[vector<16xi32>], vector<16xf32>,
    %get3A_677 = arith.constant 960 : index
    %get3A_678 = tpu.vector_load %arg9[%get3A_677] {strides = array<i32>} : memref<1024xi32, #tpu.memory_space<vmem>>, vector<16xi32>,
    %add3A_679 = arith.constant 28672 : i32
    %add3A_680 = vector.broadcast %add3A_679 : i32 to vector<16xi32>
    %add3A_681 = arith.addi %get3A_678, %add3A_680 : vector<16xi32>
    tpu.vector_store_idx %arg6[%add3A_681], %broadcast_in_dim3A_3 : memref<32768xf32, #tpu.memory_space<vmem>>[vector<16xi32>], vector<16xf32>,
    %get3A_682 = arith.constant 976 : index
    %get3A_683 = tpu.vector_load %arg9[%get3A_682] {strides = array<i32>} : memref<1024xi32, #tpu.memory_space<vmem>>, vector<16xi32>,
    %add3A_684 = arith.constant 28672 : i32
    %add3A_685 = vector.broadcast %add3A_684 : i32 to vector<16xi32>
    %add3A_686 = arith.addi %get3A_683, %add3A_685 : vector<16xi32>
    tpu.vector_store_idx %arg6[%add3A_686], %broadcast_in_dim3A_3 : memref<32768xf32, #tpu.memory_space<vmem>>[vector<16xi32>], vector<16xf32>,
    %get3A_687 = arith.constant 992 : index
    %get3A_688 = tpu.vector_load %arg9[%get3A_687] {strides = array<i32>} : memref<1024xi32, #tpu.memory_space<vmem>>, vector<16xi32>,
    %add3A_689 = arith.constant 28672 : i32
    %add3A_690 = vector.broadcast %add3A_689 : i32 to vector<16xi32>
    %add3A_691 = arith.addi %get3A_688, %add3A_690 : vector<16xi32>
    tpu.vector_store_idx %arg6[%add3A_691], %broadcast_in_dim3A_3 : memref<32768xf32, #tpu.memory_space<vmem>>[vector<16xi32>], vector<16xf32>,
    %get3A_692 = arith.constant 1008 : index
    %get3A_693 = tpu.vector_load %arg9[%get3A_692] {strides = array<i32>} : memref<1024xi32, #tpu.memory_space<vmem>>, vector<16xi32>,
    %add3A_694 = arith.constant 28672 : i32
    %add3A_695 = vector.broadcast %add3A_694 : i32 to vector<16xi32>
    %add3A_696 = arith.addi %get3A_693, %add3A_695 : vector<16xi32>
    tpu.vector_store_idx %arg6[%add3A_696], %broadcast_in_dim3A_3 : memref<32768xf32, #tpu.memory_space<vmem>>[vector<16xi32>], vector<16xf32>,
    %add3A_697 = arith.constant 8 : i32
    %add3A_698 = arith.addi %mul3A_2, %add3A_697 : i32
    %mul3A_699 = arith.constant 4096 : i32
    %mul3A_700 = arith.muli %add3A_698, %mul3A_699 : i32
    %dma_start3A_701 = tpu.memref_slice %arg4[%mul3A_700] : memref<67108864xf32, #tpu.memory_space<hbm>> -> memref<32768xf32, #tpu.memory_space<hbm>>
    %dma_start3A_702 = tpu.memref_slice %arg4[%mul3A_700] : memref<67108864xf32, #tpu.memory_space<hbm>> -> memref<32768xf32, #tpu.memory_space<hbm>>
    tpu.enqueue_dma source(%arg6 : memref<32768xf32, #tpu.memory_space<vmem>>) target(%dma_start3A_702 : memref<32768xf32, #tpu.memory_space<hbm>>) target_semaphore(%arg18 : memref<!tpu.dma_semaphore, #tpu.memory_space<semaphore_mem>>)
    %add3A_703 = arith.constant 0 : i32
    %add3A_704 = arith.addi %mul3A_2, %add3A_703 : i32
    %mul3A_705 = arith.constant 4096 : i32
    %mul3A_706 = arith.muli %add3A_704, %mul3A_705 : i32
    %dma_wait3A_707 = tpu.memref_slice %arg4[%mul3A_706] : memref<67108864xf32, #tpu.memory_space<hbm>> -> memref<32768xf32, #tpu.memory_space<hbm>>
    %dma_wait3A_708 = tpu.memref_slice %arg4[%mul3A_706] : memref<67108864xf32, #tpu.memory_space<hbm>> -> memref<32768xf32, #tpu.memory_space<hbm>>
    tpu.wait_dma2 semaphore(%arg17 : memref<!tpu.dma_semaphore, #tpu.memory_space<semaphore_mem>>) src(%arg5 : memref<32768xf32, #tpu.memory_space<vmem>>) dst(%dma_wait3A_708 : memref<32768xf32, #tpu.memory_space<hbm>>)
    %add3A_709 = arith.constant 24 : i32
    %add3A_710 = arith.addi %mul3A_2, %add3A_709 : i32
    %mul3A_711 = arith.constant 4096 : i32
    %mul3A_712 = arith.muli %add3A_710, %mul3A_711 : i32
    %mul3A_713 = arith.constant 128 : i32
    %mul3A_714 = arith.muli %add3A_710, %mul3A_713 : i32
    %dma_start3A_715 = tpu.memref_slice %arg2[%mul3A_712] : memref<67108864xf32, #tpu.memory_space<hbm>> -> memref<32768xf32, #tpu.memory_space<hbm>>
    %dma_start3A_716 = tpu.memref_slice %arg2[%mul3A_712] : memref<67108864xf32, #tpu.memory_space<hbm>> -> memref<32768xf32, #tpu.memory_space<hbm>>
    tpu.enqueue_dma source(%dma_start3A_716 : memref<32768xf32, #tpu.memory_space<hbm>>) target(%arg5 : memref<32768xf32, #tpu.memory_space<vmem>>) target_semaphore(%arg11 : memref<!tpu.dma_semaphore, #tpu.memory_space<semaphore_mem>>)
    %dma_start3A_717 = tpu.memref_slice %arg3[%mul3A_714] : memref<2097152xi32, #tpu.memory_space<hbm>> -> memref<1024xi32, #tpu.memory_space<hbm>>
    %dma_start3A_718 = tpu.memref_slice %arg3[%mul3A_714] : memref<2097152xi32, #tpu.memory_space<hbm>> -> memref<1024xi32, #tpu.memory_space<hbm>>
    tpu.enqueue_dma source(%dma_start3A_718 : memref<1024xi32, #tpu.memory_space<hbm>>) target(%arg8 : memref<1024xi32, #tpu.memory_space<vmem>>) target_semaphore(%arg14 : memref<!tpu.dma_semaphore, #tpu.memory_space<semaphore_mem>>)
    %add3A_719 = arith.constant 16 : i32
    %add3A_720 = arith.addi %mul3A_2, %add3A_719 : i32
    %mul3A_721 = arith.constant 4096 : i32
    %mul3A_722 = arith.muli %add3A_720, %mul3A_721 : i32
    %mul3A_723 = arith.constant 128 : i32
    %mul3A_724 = arith.muli %add3A_720, %mul3A_723 : i32
    %dma_wait3A_725 = tpu.memref_slice %arg2[%mul3A_722] : memref<67108864xf32, #tpu.memory_space<hbm>> -> memref<32768xf32, #tpu.memory_space<hbm>>
    %dma_wait3A_726 = tpu.memref_slice %arg2[%mul3A_722] : memref<67108864xf32, #tpu.memory_space<hbm>> -> memref<32768xf32, #tpu.memory_space<hbm>>
    tpu.wait_dma2 semaphore(%arg13 : memref<!tpu.dma_semaphore, #tpu.memory_space<semaphore_mem>>) src(%dma_wait3A_726 : memref<32768xf32, #tpu.memory_space<hbm>>) dst(%arg7 : memref<32768xf32, #tpu.memory_space<vmem>>)
    %dma_wait3A_727 = tpu.memref_slice %arg3[%mul3A_724] : memref<2097152xi32, #tpu.memory_space<hbm>> -> memref<1024xi32, #tpu.memory_space<hbm>>
    %dma_wait3A_728 = tpu.memref_slice %arg3[%mul3A_724] : memref<2097152xi32, #tpu.memory_space<hbm>> -> memref<1024xi32, #tpu.memory_space<hbm>>
    tpu.wait_dma2 semaphore(%arg16 : memref<!tpu.dma_semaphore, #tpu.memory_space<semaphore_mem>>) src(%dma_wait3A_728 : memref<1024xi32, #tpu.memory_space<hbm>>) dst(%arg10 : memref<1024xi32, #tpu.memory_space<vmem>>)
    %get3A_729 = arith.constant 0 : index
    %get3A_730 = tpu.vector_load %arg10[%get3A_729] {strides = array<i32>} : memref<1024xi32, #tpu.memory_space<vmem>>, vector<16xi32>,
    %add3A_731 = arith.constant 0 : i32
    %add3A_732 = vector.broadcast %add3A_731 : i32 to vector<16xi32>
    %add3A_733 = arith.addi %get3A_730, %add3A_732 : vector<16xi32>
    tpu.vector_store_idx %arg7[%add3A_733], %broadcast_in_dim3A_3 : memref<32768xf32, #tpu.memory_space<vmem>>[vector<16xi32>], vector<16xf32>,
    %get3A_734 = arith.constant 16 : index
    %get3A_735 = tpu.vector_load %arg10[%get3A_734] {strides = array<i32>} : memref<1024xi32, #tpu.memory_space<vmem>>, vector<16xi32>,
    %add3A_736 = arith.constant 0 : i32
    %add3A_737 = vector.broadcast %add3A_736 : i32 to vector<16xi32>
    %add3A_738 = arith.addi %get3A_735, %add3A_737 : vector<16xi32>
    tpu.vector_store_idx %arg7[%add3A_738], %broadcast_in_dim3A_3 : memref<32768xf32, #tpu.memory_space<vmem>>[vector<16xi32>], vector<16xf32>,
    %get3A_739 = arith.constant 32 : index
    %get3A_740 = tpu.vector_load %arg10[%get3A_739] {strides = array<i32>} : memref<1024xi32, #tpu.memory_space<vmem>>, vector<16xi32>,
    %add3A_741 = arith.constant 0 : i32
    %add3A_742 = vector.broadcast %add3A_741 : i32 to vector<16xi32>
    %add3A_743 = arith.addi %get3A_740, %add3A_742 : vector<16xi32>
    tpu.vector_store_idx %arg7[%add3A_743], %broadcast_in_dim3A_3 : memref<32768xf32, #tpu.memory_space<vmem>>[vector<16xi32>], vector<16xf32>,
    %get3A_744 = arith.constant 48 : index
    %get3A_745 = tpu.vector_load %arg10[%get3A_744] {strides = array<i32>} : memref<1024xi32, #tpu.memory_space<vmem>>, vector<16xi32>,
    %add3A_746 = arith.constant 0 : i32
    %add3A_747 = vector.broadcast %add3A_746 : i32 to vector<16xi32>
    %add3A_748 = arith.addi %get3A_745, %add3A_747 : vector<16xi32>
    tpu.vector_store_idx %arg7[%add3A_748], %broadcast_in_dim3A_3 : memref<32768xf32, #tpu.memory_space<vmem>>[vector<16xi32>], vector<16xf32>,
    %get3A_749 = arith.constant 64 : index
    %get3A_750 = tpu.vector_load %arg10[%get3A_749] {strides = array<i32>} : memref<1024xi32, #tpu.memory_space<vmem>>, vector<16xi32>,
    %add3A_751 = arith.constant 0 : i32
    %add3A_752 = vector.broadcast %add3A_751 : i32 to vector<16xi32>
    %add3A_753 = arith.addi %get3A_750, %add3A_752 : vector<16xi32>
    tpu.vector_store_idx %arg7[%add3A_753], %broadcast_in_dim3A_3 : memref<32768xf32, #tpu.memory_space<vmem>>[vector<16xi32>], vector<16xf32>,
    %get3A_754 = arith.constant 80 : index
    %get3A_755 = tpu.vector_load %arg10[%get3A_754] {strides = array<i32>} : memref<1024xi32, #tpu.memory_space<vmem>>, vector<16xi32>,
    %add3A_756 = arith.constant 0 : i32
    %add3A_757 = vector.broadcast %add3A_756 : i32 to vector<16xi32>
    %add3A_758 = arith.addi %get3A_755, %add3A_757 : vector<16xi32>
    tpu.vector_store_idx %arg7[%add3A_758], %broadcast_in_dim3A_3 : memref<32768xf32, #tpu.memory_space<vmem>>[vector<16xi32>], vector<16xf32>,
    %get3A_759 = arith.constant 96 : index
    %get3A_760 = tpu.vector_load %arg10[%get3A_759] {strides = array<i32>} : memref<1024xi32, #tpu.memory_space<vmem>>, vector<16xi32>,
    %add3A_761 = arith.constant 0 : i32
    %add3A_762 = vector.broadcast %add3A_761 : i32 to vector<16xi32>
    %add3A_763 = arith.addi %get3A_760, %add3A_762 : vector<16xi32>
    tpu.vector_store_idx %arg7[%add3A_763], %broadcast_in_dim3A_3 : memref<32768xf32, #tpu.memory_space<vmem>>[vector<16xi32>], vector<16xf32>,
    %get3A_764 = arith.constant 112 : index
    %get3A_765 = tpu.vector_load %arg10[%get3A_764] {strides = array<i32>} : memref<1024xi32, #tpu.memory_space<vmem>>, vector<16xi32>,
    %add3A_766 = arith.constant 0 : i32
    %add3A_767 = vector.broadcast %add3A_766 : i32 to vector<16xi32>
    %add3A_768 = arith.addi %get3A_765, %add3A_767 : vector<16xi32>
    tpu.vector_store_idx %arg7[%add3A_768], %broadcast_in_dim3A_3 : memref<32768xf32, #tpu.memory_space<vmem>>[vector<16xi32>], vector<16xf32>,
    %get3A_769 = arith.constant 128 : index
    %get3A_770 = tpu.vector_load %arg10[%get3A_769] {strides = array<i32>} : memref<1024xi32, #tpu.memory_space<vmem>>, vector<16xi32>,
    %add3A_771 = arith.constant 4096 : i32
    %add3A_772 = vector.broadcast %add3A_771 : i32 to vector<16xi32>
    %add3A_773 = arith.addi %get3A_770, %add3A_772 : vector<16xi32>
    tpu.vector_store_idx %arg7[%add3A_773], %broadcast_in_dim3A_3 : memref<32768xf32, #tpu.memory_space<vmem>>[vector<16xi32>], vector<16xf32>,
    %get3A_774 = arith.constant 144 : index
    %get3A_775 = tpu.vector_load %arg10[%get3A_774] {strides = array<i32>} : memref<1024xi32, #tpu.memory_space<vmem>>, vector<16xi32>,
    %add3A_776 = arith.constant 4096 : i32
    %add3A_777 = vector.broadcast %add3A_776 : i32 to vector<16xi32>
    %add3A_778 = arith.addi %get3A_775, %add3A_777 : vector<16xi32>
    tpu.vector_store_idx %arg7[%add3A_778], %broadcast_in_dim3A_3 : memref<32768xf32, #tpu.memory_space<vmem>>[vector<16xi32>], vector<16xf32>,
    %get3A_779 = arith.constant 160 : index
    %get3A_780 = tpu.vector_load %arg10[%get3A_779] {strides = array<i32>} : memref<1024xi32, #tpu.memory_space<vmem>>, vector<16xi32>,
    %add3A_781 = arith.constant 4096 : i32
    %add3A_782 = vector.broadcast %add3A_781 : i32 to vector<16xi32>
    %add3A_783 = arith.addi %get3A_780, %add3A_782 : vector<16xi32>
    tpu.vector_store_idx %arg7[%add3A_783], %broadcast_in_dim3A_3 : memref<32768xf32, #tpu.memory_space<vmem>>[vector<16xi32>], vector<16xf32>,
    %get3A_784 = arith.constant 176 : index
    %get3A_785 = tpu.vector_load %arg10[%get3A_784] {strides = array<i32>} : memref<1024xi32, #tpu.memory_space<vmem>>, vector<16xi32>,
    %add3A_786 = arith.constant 4096 : i32
    %add3A_787 = vector.broadcast %add3A_786 : i32 to vector<16xi32>
    %add3A_788 = arith.addi %get3A_785, %add3A_787 : vector<16xi32>
    tpu.vector_store_idx %arg7[%add3A_788], %broadcast_in_dim3A_3 : memref<32768xf32, #tpu.memory_space<vmem>>[vector<16xi32>], vector<16xf32>,
    %get3A_789 = arith.constant 192 : index
    %get3A_790 = tpu.vector_load %arg10[%get3A_789] {strides = array<i32>} : memref<1024xi32, #tpu.memory_space<vmem>>, vector<16xi32>,
    %add3A_791 = arith.constant 4096 : i32
    %add3A_792 = vector.broadcast %add3A_791 : i32 to vector<16xi32>
    %add3A_793 = arith.addi %get3A_790, %add3A_792 : vector<16xi32>
    tpu.vector_store_idx %arg7[%add3A_793], %broadcast_in_dim3A_3 : memref<32768xf32, #tpu.memory_space<vmem>>[vector<16xi32>], vector<16xf32>,
    %get3A_794 = arith.constant 208 : index
    %get3A_795 = tpu.vector_load %arg10[%get3A_794] {strides = array<i32>} : memref<1024xi32, #tpu.memory_space<vmem>>, vector<16xi32>,
    %add3A_796 = arith.constant 4096 : i32
    %add3A_797 = vector.broadcast %add3A_796 : i32 to vector<16xi32>
    %add3A_798 = arith.addi %get3A_795, %add3A_797 : vector<16xi32>
    tpu.vector_store_idx %arg7[%add3A_798], %broadcast_in_dim3A_3 : memref<32768xf32, #tpu.memory_space<vmem>>[vector<16xi32>], vector<16xf32>,
    %get3A_799 = arith.constant 224 : index
    %get3A_800 = tpu.vector_load %arg10[%get3A_799] {strides = array<i32>} : memref<1024xi32, #tpu.memory_space<vmem>>, vector<16xi32>,
    %add3A_801 = arith.constant 4096 : i32
    %add3A_802 = vector.broadcast %add3A_801 : i32 to vector<16xi32>
    %add3A_803 = arith.addi %get3A_800, %add3A_802 : vector<16xi32>
    tpu.vector_store_idx %arg7[%add3A_803], %broadcast_in_dim3A_3 : memref<32768xf32, #tpu.memory_space<vmem>>[vector<16xi32>], vector<16xf32>,
    %get3A_804 = arith.constant 240 : index
    %get3A_805 = tpu.vector_load %arg10[%get3A_804] {strides = array<i32>} : memref<1024xi32, #tpu.memory_space<vmem>>, vector<16xi32>,
    %add3A_806 = arith.constant 4096 : i32
    %add3A_807 = vector.broadcast %add3A_806 : i32 to vector<16xi32>
    %add3A_808 = arith.addi %get3A_805, %add3A_807 : vector<16xi32>
    tpu.vector_store_idx %arg7[%add3A_808], %broadcast_in_dim3A_3 : memref<32768xf32, #tpu.memory_space<vmem>>[vector<16xi32>], vector<16xf32>,
    %get3A_809 = arith.constant 256 : index
    %get3A_810 = tpu.vector_load %arg10[%get3A_809] {strides = array<i32>} : memref<1024xi32, #tpu.memory_space<vmem>>, vector<16xi32>,
    %add3A_811 = arith.constant 8192 : i32
    %add3A_812 = vector.broadcast %add3A_811 : i32 to vector<16xi32>
    %add3A_813 = arith.addi %get3A_810, %add3A_812 : vector<16xi32>
    tpu.vector_store_idx %arg7[%add3A_813], %broadcast_in_dim3A_3 : memref<32768xf32, #tpu.memory_space<vmem>>[vector<16xi32>], vector<16xf32>,
    %get3A_814 = arith.constant 272 : index
    %get3A_815 = tpu.vector_load %arg10[%get3A_814] {strides = array<i32>} : memref<1024xi32, #tpu.memory_space<vmem>>, vector<16xi32>,
    %add3A_816 = arith.constant 8192 : i32
    %add3A_817 = vector.broadcast %add3A_816 : i32 to vector<16xi32>
    %add3A_818 = arith.addi %get3A_815, %add3A_817 : vector<16xi32>
    tpu.vector_store_idx %arg7[%add3A_818], %broadcast_in_dim3A_3 : memref<32768xf32, #tpu.memory_space<vmem>>[vector<16xi32>], vector<16xf32>,
    %get3A_819 = arith.constant 288 : index
    %get3A_820 = tpu.vector_load %arg10[%get3A_819] {strides = array<i32>} : memref<1024xi32, #tpu.memory_space<vmem>>, vector<16xi32>,
    %add3A_821 = arith.constant 8192 : i32
    %add3A_822 = vector.broadcast %add3A_821 : i32 to vector<16xi32>
    %add3A_823 = arith.addi %get3A_820, %add3A_822 : vector<16xi32>
    tpu.vector_store_idx %arg7[%add3A_823], %broadcast_in_dim3A_3 : memref<32768xf32, #tpu.memory_space<vmem>>[vector<16xi32>], vector<16xf32>,
    %get3A_824 = arith.constant 304 : index
    %get3A_825 = tpu.vector_load %arg10[%get3A_824] {strides = array<i32>} : memref<1024xi32, #tpu.memory_space<vmem>>, vector<16xi32>,
    %add3A_826 = arith.constant 8192 : i32
    %add3A_827 = vector.broadcast %add3A_826 : i32 to vector<16xi32>
    %add3A_828 = arith.addi %get3A_825, %add3A_827 : vector<16xi32>
    tpu.vector_store_idx %arg7[%add3A_828], %broadcast_in_dim3A_3 : memref<32768xf32, #tpu.memory_space<vmem>>[vector<16xi32>], vector<16xf32>,
    %get3A_829 = arith.constant 320 : index
    %get3A_830 = tpu.vector_load %arg10[%get3A_829] {strides = array<i32>} : memref<1024xi32, #tpu.memory_space<vmem>>, vector<16xi32>,
    %add3A_831 = arith.constant 8192 : i32
    %add3A_832 = vector.broadcast %add3A_831 : i32 to vector<16xi32>
    %add3A_833 = arith.addi %get3A_830, %add3A_832 : vector<16xi32>
    tpu.vector_store_idx %arg7[%add3A_833], %broadcast_in_dim3A_3 : memref<32768xf32, #tpu.memory_space<vmem>>[vector<16xi32>], vector<16xf32>,
    %get3A_834 = arith.constant 336 : index
    %get3A_835 = tpu.vector_load %arg10[%get3A_834] {strides = array<i32>} : memref<1024xi32, #tpu.memory_space<vmem>>, vector<16xi32>,
    %add3A_836 = arith.constant 8192 : i32
    %add3A_837 = vector.broadcast %add3A_836 : i32 to vector<16xi32>
    %add3A_838 = arith.addi %get3A_835, %add3A_837 : vector<16xi32>
    tpu.vector_store_idx %arg7[%add3A_838], %broadcast_in_dim3A_3 : memref<32768xf32, #tpu.memory_space<vmem>>[vector<16xi32>], vector<16xf32>,
    %get3A_839 = arith.constant 352 : index
    %get3A_840 = tpu.vector_load %arg10[%get3A_839] {strides = array<i32>} : memref<1024xi32, #tpu.memory_space<vmem>>, vector<16xi32>,
    %add3A_841 = arith.constant 8192 : i32
    %add3A_842 = vector.broadcast %add3A_841 : i32 to vector<16xi32>
    %add3A_843 = arith.addi %get3A_840, %add3A_842 : vector<16xi32>
    tpu.vector_store_idx %arg7[%add3A_843], %broadcast_in_dim3A_3 : memref<32768xf32, #tpu.memory_space<vmem>>[vector<16xi32>], vector<16xf32>,
    %get3A_844 = arith.constant 368 : index
    %get3A_845 = tpu.vector_load %arg10[%get3A_844] {strides = array<i32>} : memref<1024xi32, #tpu.memory_space<vmem>>, vector<16xi32>,
    %add3A_846 = arith.constant 8192 : i32
    %add3A_847 = vector.broadcast %add3A_846 : i32 to vector<16xi32>
    %add3A_848 = arith.addi %get3A_845, %add3A_847 : vector<16xi32>
    tpu.vector_store_idx %arg7[%add3A_848], %broadcast_in_dim3A_3 : memref<32768xf32, #tpu.memory_space<vmem>>[vector<16xi32>], vector<16xf32>,
    %get3A_849 = arith.constant 384 : index
    %get3A_850 = tpu.vector_load %arg10[%get3A_849] {strides = array<i32>} : memref<1024xi32, #tpu.memory_space<vmem>>, vector<16xi32>,
    %add3A_851 = arith.constant 12288 : i32
    %add3A_852 = vector.broadcast %add3A_851 : i32 to vector<16xi32>
    %add3A_853 = arith.addi %get3A_850, %add3A_852 : vector<16xi32>
    tpu.vector_store_idx %arg7[%add3A_853], %broadcast_in_dim3A_3 : memref<32768xf32, #tpu.memory_space<vmem>>[vector<16xi32>], vector<16xf32>,
    %get3A_854 = arith.constant 400 : index
    %get3A_855 = tpu.vector_load %arg10[%get3A_854] {strides = array<i32>} : memref<1024xi32, #tpu.memory_space<vmem>>, vector<16xi32>,
    %add3A_856 = arith.constant 12288 : i32
    %add3A_857 = vector.broadcast %add3A_856 : i32 to vector<16xi32>
    %add3A_858 = arith.addi %get3A_855, %add3A_857 : vector<16xi32>
    tpu.vector_store_idx %arg7[%add3A_858], %broadcast_in_dim3A_3 : memref<32768xf32, #tpu.memory_space<vmem>>[vector<16xi32>], vector<16xf32>,
    %get3A_859 = arith.constant 416 : index
    %get3A_860 = tpu.vector_load %arg10[%get3A_859] {strides = array<i32>} : memref<1024xi32, #tpu.memory_space<vmem>>, vector<16xi32>,
    %add3A_861 = arith.constant 12288 : i32
    %add3A_862 = vector.broadcast %add3A_861 : i32 to vector<16xi32>
    %add3A_863 = arith.addi %get3A_860, %add3A_862 : vector<16xi32>
    tpu.vector_store_idx %arg7[%add3A_863], %broadcast_in_dim3A_3 : memref<32768xf32, #tpu.memory_space<vmem>>[vector<16xi32>], vector<16xf32>,
    %get3A_864 = arith.constant 432 : index
    %get3A_865 = tpu.vector_load %arg10[%get3A_864] {strides = array<i32>} : memref<1024xi32, #tpu.memory_space<vmem>>, vector<16xi32>,
    %add3A_866 = arith.constant 12288 : i32
    %add3A_867 = vector.broadcast %add3A_866 : i32 to vector<16xi32>
    %add3A_868 = arith.addi %get3A_865, %add3A_867 : vector<16xi32>
    tpu.vector_store_idx %arg7[%add3A_868], %broadcast_in_dim3A_3 : memref<32768xf32, #tpu.memory_space<vmem>>[vector<16xi32>], vector<16xf32>,
    %get3A_869 = arith.constant 448 : index
    %get3A_870 = tpu.vector_load %arg10[%get3A_869] {strides = array<i32>} : memref<1024xi32, #tpu.memory_space<vmem>>, vector<16xi32>,
    %add3A_871 = arith.constant 12288 : i32
    %add3A_872 = vector.broadcast %add3A_871 : i32 to vector<16xi32>
    %add3A_873 = arith.addi %get3A_870, %add3A_872 : vector<16xi32>
    tpu.vector_store_idx %arg7[%add3A_873], %broadcast_in_dim3A_3 : memref<32768xf32, #tpu.memory_space<vmem>>[vector<16xi32>], vector<16xf32>,
    %get3A_874 = arith.constant 464 : index
    %get3A_875 = tpu.vector_load %arg10[%get3A_874] {strides = array<i32>} : memref<1024xi32, #tpu.memory_space<vmem>>, vector<16xi32>,
    %add3A_876 = arith.constant 12288 : i32
    %add3A_877 = vector.broadcast %add3A_876 : i32 to vector<16xi32>
    %add3A_878 = arith.addi %get3A_875, %add3A_877 : vector<16xi32>
    tpu.vector_store_idx %arg7[%add3A_878], %broadcast_in_dim3A_3 : memref<32768xf32, #tpu.memory_space<vmem>>[vector<16xi32>], vector<16xf32>,
    %get3A_879 = arith.constant 480 : index
    %get3A_880 = tpu.vector_load %arg10[%get3A_879] {strides = array<i32>} : memref<1024xi32, #tpu.memory_space<vmem>>, vector<16xi32>,
    %add3A_881 = arith.constant 12288 : i32
    %add3A_882 = vector.broadcast %add3A_881 : i32 to vector<16xi32>
    %add3A_883 = arith.addi %get3A_880, %add3A_882 : vector<16xi32>
    tpu.vector_store_idx %arg7[%add3A_883], %broadcast_in_dim3A_3 : memref<32768xf32, #tpu.memory_space<vmem>>[vector<16xi32>], vector<16xf32>,
    %get3A_884 = arith.constant 496 : index
    %get3A_885 = tpu.vector_load %arg10[%get3A_884] {strides = array<i32>} : memref<1024xi32, #tpu.memory_space<vmem>>, vector<16xi32>,
    %add3A_886 = arith.constant 12288 : i32
    %add3A_887 = vector.broadcast %add3A_886 : i32 to vector<16xi32>
    %add3A_888 = arith.addi %get3A_885, %add3A_887 : vector<16xi32>
    tpu.vector_store_idx %arg7[%add3A_888], %broadcast_in_dim3A_3 : memref<32768xf32, #tpu.memory_space<vmem>>[vector<16xi32>], vector<16xf32>,
    %get3A_889 = arith.constant 512 : index
    %get3A_890 = tpu.vector_load %arg10[%get3A_889] {strides = array<i32>} : memref<1024xi32, #tpu.memory_space<vmem>>, vector<16xi32>,
    %add3A_891 = arith.constant 16384 : i32
    %add3A_892 = vector.broadcast %add3A_891 : i32 to vector<16xi32>
    %add3A_893 = arith.addi %get3A_890, %add3A_892 : vector<16xi32>
    tpu.vector_store_idx %arg7[%add3A_893], %broadcast_in_dim3A_3 : memref<32768xf32, #tpu.memory_space<vmem>>[vector<16xi32>], vector<16xf32>,
    %get3A_894 = arith.constant 528 : index
    %get3A_895 = tpu.vector_load %arg10[%get3A_894] {strides = array<i32>} : memref<1024xi32, #tpu.memory_space<vmem>>, vector<16xi32>,
    %add3A_896 = arith.constant 16384 : i32
    %add3A_897 = vector.broadcast %add3A_896 : i32 to vector<16xi32>
    %add3A_898 = arith.addi %get3A_895, %add3A_897 : vector<16xi32>
    tpu.vector_store_idx %arg7[%add3A_898], %broadcast_in_dim3A_3 : memref<32768xf32, #tpu.memory_space<vmem>>[vector<16xi32>], vector<16xf32>,
    %get3A_899 = arith.constant 544 : index
    %get3A_900 = tpu.vector_load %arg10[%get3A_899] {strides = array<i32>} : memref<1024xi32, #tpu.memory_space<vmem>>, vector<16xi32>,
    %add3A_901 = arith.constant 16384 : i32
    %add3A_902 = vector.broadcast %add3A_901 : i32 to vector<16xi32>
    %add3A_903 = arith.addi %get3A_900, %add3A_902 : vector<16xi32>
    tpu.vector_store_idx %arg7[%add3A_903], %broadcast_in_dim3A_3 : memref<32768xf32, #tpu.memory_space<vmem>>[vector<16xi32>], vector<16xf32>,
    %get3A_904 = arith.constant 560 : index
    %get3A_905 = tpu.vector_load %arg10[%get3A_904] {strides = array<i32>} : memref<1024xi32, #tpu.memory_space<vmem>>, vector<16xi32>,
    %add3A_906 = arith.constant 16384 : i32
    %add3A_907 = vector.broadcast %add3A_906 : i32 to vector<16xi32>
    %add3A_908 = arith.addi %get3A_905, %add3A_907 : vector<16xi32>
    tpu.vector_store_idx %arg7[%add3A_908], %broadcast_in_dim3A_3 : memref<32768xf32, #tpu.memory_space<vmem>>[vector<16xi32>], vector<16xf32>,
    %get3A_909 = arith.constant 576 : index
    %get3A_910 = tpu.vector_load %arg10[%get3A_909] {strides = array<i32>} : memref<1024xi32, #tpu.memory_space<vmem>>, vector<16xi32>,
    %add3A_911 = arith.constant 16384 : i32
    %add3A_912 = vector.broadcast %add3A_911 : i32 to vector<16xi32>
    %add3A_913 = arith.addi %get3A_910, %add3A_912 : vector<16xi32>
    tpu.vector_store_idx %arg7[%add3A_913], %broadcast_in_dim3A_3 : memref<32768xf32, #tpu.memory_space<vmem>>[vector<16xi32>], vector<16xf32>,
    %get3A_914 = arith.constant 592 : index
    %get3A_915 = tpu.vector_load %arg10[%get3A_914] {strides = array<i32>} : memref<1024xi32, #tpu.memory_space<vmem>>, vector<16xi32>,
    %add3A_916 = arith.constant 16384 : i32
    %add3A_917 = vector.broadcast %add3A_916 : i32 to vector<16xi32>
    %add3A_918 = arith.addi %get3A_915, %add3A_917 : vector<16xi32>
    tpu.vector_store_idx %arg7[%add3A_918], %broadcast_in_dim3A_3 : memref<32768xf32, #tpu.memory_space<vmem>>[vector<16xi32>], vector<16xf32>,
    %get3A_919 = arith.constant 608 : index
    %get3A_920 = tpu.vector_load %arg10[%get3A_919] {strides = array<i32>} : memref<1024xi32, #tpu.memory_space<vmem>>, vector<16xi32>,
    %add3A_921 = arith.constant 16384 : i32
    %add3A_922 = vector.broadcast %add3A_921 : i32 to vector<16xi32>
    %add3A_923 = arith.addi %get3A_920, %add3A_922 : vector<16xi32>
    tpu.vector_store_idx %arg7[%add3A_923], %broadcast_in_dim3A_3 : memref<32768xf32, #tpu.memory_space<vmem>>[vector<16xi32>], vector<16xf32>,
    %get3A_924 = arith.constant 624 : index
    %get3A_925 = tpu.vector_load %arg10[%get3A_924] {strides = array<i32>} : memref<1024xi32, #tpu.memory_space<vmem>>, vector<16xi32>,
    %add3A_926 = arith.constant 16384 : i32
    %add3A_927 = vector.broadcast %add3A_926 : i32 to vector<16xi32>
    %add3A_928 = arith.addi %get3A_925, %add3A_927 : vector<16xi32>
    tpu.vector_store_idx %arg7[%add3A_928], %broadcast_in_dim3A_3 : memref<32768xf32, #tpu.memory_space<vmem>>[vector<16xi32>], vector<16xf32>,
    %get3A_929 = arith.constant 640 : index
    %get3A_930 = tpu.vector_load %arg10[%get3A_929] {strides = array<i32>} : memref<1024xi32, #tpu.memory_space<vmem>>, vector<16xi32>,
    %add3A_931 = arith.constant 20480 : i32
    %add3A_932 = vector.broadcast %add3A_931 : i32 to vector<16xi32>
    %add3A_933 = arith.addi %get3A_930, %add3A_932 : vector<16xi32>
    tpu.vector_store_idx %arg7[%add3A_933], %broadcast_in_dim3A_3 : memref<32768xf32, #tpu.memory_space<vmem>>[vector<16xi32>], vector<16xf32>,
    %get3A_934 = arith.constant 656 : index
    %get3A_935 = tpu.vector_load %arg10[%get3A_934] {strides = array<i32>} : memref<1024xi32, #tpu.memory_space<vmem>>, vector<16xi32>,
    %add3A_936 = arith.constant 20480 : i32
    %add3A_937 = vector.broadcast %add3A_936 : i32 to vector<16xi32>
    %add3A_938 = arith.addi %get3A_935, %add3A_937 : vector<16xi32>
    tpu.vector_store_idx %arg7[%add3A_938], %broadcast_in_dim3A_3 : memref<32768xf32, #tpu.memory_space<vmem>>[vector<16xi32>], vector<16xf32>,
    %get3A_939 = arith.constant 672 : index
    %get3A_940 = tpu.vector_load %arg10[%get3A_939] {strides = array<i32>} : memref<1024xi32, #tpu.memory_space<vmem>>, vector<16xi32>,
    %add3A_941 = arith.constant 20480 : i32
    %add3A_942 = vector.broadcast %add3A_941 : i32 to vector<16xi32>
    %add3A_943 = arith.addi %get3A_940, %add3A_942 : vector<16xi32>
    tpu.vector_store_idx %arg7[%add3A_943], %broadcast_in_dim3A_3 : memref<32768xf32, #tpu.memory_space<vmem>>[vector<16xi32>], vector<16xf32>,
    %get3A_944 = arith.constant 688 : index
    %get3A_945 = tpu.vector_load %arg10[%get3A_944] {strides = array<i32>} : memref<1024xi32, #tpu.memory_space<vmem>>, vector<16xi32>,
    %add3A_946 = arith.constant 20480 : i32
    %add3A_947 = vector.broadcast %add3A_946 : i32 to vector<16xi32>
    %add3A_948 = arith.addi %get3A_945, %add3A_947 : vector<16xi32>
    tpu.vector_store_idx %arg7[%add3A_948], %broadcast_in_dim3A_3 : memref<32768xf32, #tpu.memory_space<vmem>>[vector<16xi32>], vector<16xf32>,
    %get3A_949 = arith.constant 704 : index
    %get3A_950 = tpu.vector_load %arg10[%get3A_949] {strides = array<i32>} : memref<1024xi32, #tpu.memory_space<vmem>>, vector<16xi32>,
    %add3A_951 = arith.constant 20480 : i32
    %add3A_952 = vector.broadcast %add3A_951 : i32 to vector<16xi32>
    %add3A_953 = arith.addi %get3A_950, %add3A_952 : vector<16xi32>
    tpu.vector_store_idx %arg7[%add3A_953], %broadcast_in_dim3A_3 : memref<32768xf32, #tpu.memory_space<vmem>>[vector<16xi32>], vector<16xf32>,
    %get3A_954 = arith.constant 720 : index
    %get3A_955 = tpu.vector_load %arg10[%get3A_954] {strides = array<i32>} : memref<1024xi32, #tpu.memory_space<vmem>>, vector<16xi32>,
    %add3A_956 = arith.constant 20480 : i32
    %add3A_957 = vector.broadcast %add3A_956 : i32 to vector<16xi32>
    %add3A_958 = arith.addi %get3A_955, %add3A_957 : vector<16xi32>
    tpu.vector_store_idx %arg7[%add3A_958], %broadcast_in_dim3A_3 : memref<32768xf32, #tpu.memory_space<vmem>>[vector<16xi32>], vector<16xf32>,
    %get3A_959 = arith.constant 736 : index
    %get3A_960 = tpu.vector_load %arg10[%get3A_959] {strides = array<i32>} : memref<1024xi32, #tpu.memory_space<vmem>>, vector<16xi32>,
    %add3A_961 = arith.constant 20480 : i32
    %add3A_962 = vector.broadcast %add3A_961 : i32 to vector<16xi32>
    %add3A_963 = arith.addi %get3A_960, %add3A_962 : vector<16xi32>
    tpu.vector_store_idx %arg7[%add3A_963], %broadcast_in_dim3A_3 : memref<32768xf32, #tpu.memory_space<vmem>>[vector<16xi32>], vector<16xf32>,
    %get3A_964 = arith.constant 752 : index
    %get3A_965 = tpu.vector_load %arg10[%get3A_964] {strides = array<i32>} : memref<1024xi32, #tpu.memory_space<vmem>>, vector<16xi32>,
    %add3A_966 = arith.constant 20480 : i32
    %add3A_967 = vector.broadcast %add3A_966 : i32 to vector<16xi32>
    %add3A_968 = arith.addi %get3A_965, %add3A_967 : vector<16xi32>
    tpu.vector_store_idx %arg7[%add3A_968], %broadcast_in_dim3A_3 : memref<32768xf32, #tpu.memory_space<vmem>>[vector<16xi32>], vector<16xf32>,
    %get3A_969 = arith.constant 768 : index
    %get3A_970 = tpu.vector_load %arg10[%get3A_969] {strides = array<i32>} : memref<1024xi32, #tpu.memory_space<vmem>>, vector<16xi32>,
    %add3A_971 = arith.constant 24576 : i32
    %add3A_972 = vector.broadcast %add3A_971 : i32 to vector<16xi32>
    %add3A_973 = arith.addi %get3A_970, %add3A_972 : vector<16xi32>
    tpu.vector_store_idx %arg7[%add3A_973], %broadcast_in_dim3A_3 : memref<32768xf32, #tpu.memory_space<vmem>>[vector<16xi32>], vector<16xf32>,
    %get3A_974 = arith.constant 784 : index
    %get3A_975 = tpu.vector_load %arg10[%get3A_974] {strides = array<i32>} : memref<1024xi32, #tpu.memory_space<vmem>>, vector<16xi32>,
    %add3A_976 = arith.constant 24576 : i32
    %add3A_977 = vector.broadcast %add3A_976 : i32 to vector<16xi32>
    %add3A_978 = arith.addi %get3A_975, %add3A_977 : vector<16xi32>
    tpu.vector_store_idx %arg7[%add3A_978], %broadcast_in_dim3A_3 : memref<32768xf32, #tpu.memory_space<vmem>>[vector<16xi32>], vector<16xf32>,
    %get3A_979 = arith.constant 800 : index
    %get3A_980 = tpu.vector_load %arg10[%get3A_979] {strides = array<i32>} : memref<1024xi32, #tpu.memory_space<vmem>>, vector<16xi32>,
    %add3A_981 = arith.constant 24576 : i32
    %add3A_982 = vector.broadcast %add3A_981 : i32 to vector<16xi32>
    %add3A_983 = arith.addi %get3A_980, %add3A_982 : vector<16xi32>
    tpu.vector_store_idx %arg7[%add3A_983], %broadcast_in_dim3A_3 : memref<32768xf32, #tpu.memory_space<vmem>>[vector<16xi32>], vector<16xf32>,
    %get3A_984 = arith.constant 816 : index
    %get3A_985 = tpu.vector_load %arg10[%get3A_984] {strides = array<i32>} : memref<1024xi32, #tpu.memory_space<vmem>>, vector<16xi32>,
    %add3A_986 = arith.constant 24576 : i32
    %add3A_987 = vector.broadcast %add3A_986 : i32 to vector<16xi32>
    %add3A_988 = arith.addi %get3A_985, %add3A_987 : vector<16xi32>
    tpu.vector_store_idx %arg7[%add3A_988], %broadcast_in_dim3A_3 : memref<32768xf32, #tpu.memory_space<vmem>>[vector<16xi32>], vector<16xf32>,
    %get3A_989 = arith.constant 832 : index
    %get3A_990 = tpu.vector_load %arg10[%get3A_989] {strides = array<i32>} : memref<1024xi32, #tpu.memory_space<vmem>>, vector<16xi32>,
    %add3A_991 = arith.constant 24576 : i32
    %add3A_992 = vector.broadcast %add3A_991 : i32 to vector<16xi32>
    %add3A_993 = arith.addi %get3A_990, %add3A_992 : vector<16xi32>
    tpu.vector_store_idx %arg7[%add3A_993], %broadcast_in_dim3A_3 : memref<32768xf32, #tpu.memory_space<vmem>>[vector<16xi32>], vector<16xf32>,
    %get3A_994 = arith.constant 848 : index
    %get3A_995 = tpu.vector_load %arg10[%get3A_994] {strides = array<i32>} : memref<1024xi32, #tpu.memory_space<vmem>>, vector<16xi32>,
    %add3A_996 = arith.constant 24576 : i32
    %add3A_997 = vector.broadcast %add3A_996 : i32 to vector<16xi32>
    %add3A_998 = arith.addi %get3A_995, %add3A_997 : vector<16xi32>
    tpu.vector_store_idx %arg7[%add3A_998], %broadcast_in_dim3A_3 : memref<32768xf32, #tpu.memory_space<vmem>>[vector<16xi32>], vector<16xf32>,
    %get3A_999 = arith.constant 864 : index
    %get3A_1000 = tpu.vector_load %arg10[%get3A_999] {strides = array<i32>} : memref<1024xi32, #tpu.memory_space<vmem>>, vector<16xi32>,
    %add3A_1001 = arith.constant 24576 : i32
    %add3A_1002 = vector.broadcast %add3A_1001 : i32 to vector<16xi32>
    %add3A_1003 = arith.addi %get3A_1000, %add3A_1002 : vector<16xi32>
    tpu.vector_store_idx %arg7[%add3A_1003], %broadcast_in_dim3A_3 : memref<32768xf32, #tpu.memory_space<vmem>>[vector<16xi32>], vector<16xf32>,
    %get3A_1004 = arith.constant 880 : index
    %get3A_1005 = tpu.vector_load %arg10[%get3A_1004] {strides = array<i32>} : memref<1024xi32, #tpu.memory_space<vmem>>, vector<16xi32>,
    %add3A_1006 = arith.constant 24576 : i32
    %add3A_1007 = vector.broadcast %add3A_1006 : i32 to vector<16xi32>
    %add3A_1008 = arith.addi %get3A_1005, %add3A_1007 : vector<16xi32>
    tpu.vector_store_idx %arg7[%add3A_1008], %broadcast_in_dim3A_3 : memref<32768xf32, #tpu.memory_space<vmem>>[vector<16xi32>], vector<16xf32>,
    %get3A_1009 = arith.constant 896 : index
    %get3A_1010 = tpu.vector_load %arg10[%get3A_1009] {strides = array<i32>} : memref<1024xi32, #tpu.memory_space<vmem>>, vector<16xi32>,
    %add3A_1011 = arith.constant 28672 : i32
    %add3A_1012 = vector.broadcast %add3A_1011 : i32 to vector<16xi32>
    %add3A_1013 = arith.addi %get3A_1010, %add3A_1012 : vector<16xi32>
    tpu.vector_store_idx %arg7[%add3A_1013], %broadcast_in_dim3A_3 : memref<32768xf32, #tpu.memory_space<vmem>>[vector<16xi32>], vector<16xf32>,
    %get3A_1014 = arith.constant 912 : index
    %get3A_1015 = tpu.vector_load %arg10[%get3A_1014] {strides = array<i32>} : memref<1024xi32, #tpu.memory_space<vmem>>, vector<16xi32>,
    %add3A_1016 = arith.constant 28672 : i32
    %add3A_1017 = vector.broadcast %add3A_1016 : i32 to vector<16xi32>
    %add3A_1018 = arith.addi %get3A_1015, %add3A_1017 : vector<16xi32>
    tpu.vector_store_idx %arg7[%add3A_1018], %broadcast_in_dim3A_3 : memref<32768xf32, #tpu.memory_space<vmem>>[vector<16xi32>], vector<16xf32>,
    %get3A_1019 = arith.constant 928 : index
    %get3A_1020 = tpu.vector_load %arg10[%get3A_1019] {strides = array<i32>} : memref<1024xi32, #tpu.memory_space<vmem>>, vector<16xi32>,
    %add3A_1021 = arith.constant 28672 : i32
    %add3A_1022 = vector.broadcast %add3A_1021 : i32 to vector<16xi32>
    %add3A_1023 = arith.addi %get3A_1020, %add3A_1022 : vector<16xi32>
    tpu.vector_store_idx %arg7[%add3A_1023], %broadcast_in_dim3A_3 : memref<32768xf32, #tpu.memory_space<vmem>>[vector<16xi32>], vector<16xf32>,
    %get3A_1024 = arith.constant 944 : index
    %get3A_1025 = tpu.vector_load %arg10[%get3A_1024] {strides = array<i32>} : memref<1024xi32, #tpu.memory_space<vmem>>, vector<16xi32>,
    %add3A_1026 = arith.constant 28672 : i32
    %add3A_1027 = vector.broadcast %add3A_1026 : i32 to vector<16xi32>
    %add3A_1028 = arith.addi %get3A_1025, %add3A_1027 : vector<16xi32>
    tpu.vector_store_idx %arg7[%add3A_1028], %broadcast_in_dim3A_3 : memref<32768xf32, #tpu.memory_space<vmem>>[vector<16xi32>], vector<16xf32>,
    %get3A_1029 = arith.constant 960 : index
    %get3A_1030 = tpu.vector_load %arg10[%get3A_1029] {strides = array<i32>} : memref<1024xi32, #tpu.memory_space<vmem>>, vector<16xi32>,
    %add3A_1031 = arith.constant 28672 : i32
    %add3A_1032 = vector.broadcast %add3A_1031 : i32 to vector<16xi32>
    %add3A_1033 = arith.addi %get3A_1030, %add3A_1032 : vector<16xi32>
    tpu.vector_store_idx %arg7[%add3A_1033], %broadcast_in_dim3A_3 : memref<32768xf32, #tpu.memory_space<vmem>>[vector<16xi32>], vector<16xf32>,
    %get3A_1034 = arith.constant 976 : index
    %get3A_1035 = tpu.vector_load %arg10[%get3A_1034] {strides = array<i32>} : memref<1024xi32, #tpu.memory_space<vmem>>, vector<16xi32>,
    %add3A_1036 = arith.constant 28672 : i32
    %add3A_1037 = vector.broadcast %add3A_1036 : i32 to vector<16xi32>
    %add3A_1038 = arith.addi %get3A_1035, %add3A_1037 : vector<16xi32>
    tpu.vector_store_idx %arg7[%add3A_1038], %broadcast_in_dim3A_3 : memref<32768xf32, #tpu.memory_space<vmem>>[vector<16xi32>], vector<16xf32>,
    %get3A_1039 = arith.constant 992 : index
    %get3A_1040 = tpu.vector_load %arg10[%get3A_1039] {strides = array<i32>} : memref<1024xi32, #tpu.memory_space<vmem>>, vector<16xi32>,
    %add3A_1041 = arith.constant 28672 : i32
    %add3A_1042 = vector.broadcast %add3A_1041 : i32 to vector<16xi32>
    %add3A_1043 = arith.addi %get3A_1040, %add3A_1042 : vector<16xi32>
    tpu.vector_store_idx %arg7[%add3A_1043], %broadcast_in_dim3A_3 : memref<32768xf32, #tpu.memory_space<vmem>>[vector<16xi32>], vector<16xf32>,
    %get3A_1044 = arith.constant 1008 : index
    %get3A_1045 = tpu.vector_load %arg10[%get3A_1044] {strides = array<i32>} : memref<1024xi32, #tpu.memory_space<vmem>>, vector<16xi32>,
    %add3A_1046 = arith.constant 28672 : i32
    %add3A_1047 = vector.broadcast %add3A_1046 : i32 to vector<16xi32>
    %add3A_1048 = arith.addi %get3A_1045, %add3A_1047 : vector<16xi32>
    tpu.vector_store_idx %arg7[%add3A_1048], %broadcast_in_dim3A_3 : memref<32768xf32, #tpu.memory_space<vmem>>[vector<16xi32>], vector<16xf32>,
    %add3A_1049 = arith.constant 16 : i32
    %add3A_1050 = arith.addi %mul3A_2, %add3A_1049 : i32
    %mul3A_1051 = arith.constant 4096 : i32
    %mul3A_1052 = arith.muli %add3A_1050, %mul3A_1051 : i32
    %dma_start3A_1053 = tpu.memref_slice %arg4[%mul3A_1052] : memref<67108864xf32, #tpu.memory_space<hbm>> -> memref<32768xf32, #tpu.memory_space<hbm>>
    %dma_start3A_1054 = tpu.memref_slice %arg4[%mul3A_1052] : memref<67108864xf32, #tpu.memory_space<hbm>> -> memref<32768xf32, #tpu.memory_space<hbm>>
    tpu.enqueue_dma source(%arg7 : memref<32768xf32, #tpu.memory_space<vmem>>) target(%dma_start3A_1054 : memref<32768xf32, #tpu.memory_space<hbm>>) target_semaphore(%arg19 : memref<!tpu.dma_semaphore, #tpu.memory_space<semaphore_mem>>)
    %scan3A = arith.constant 1 : i32
    %scan3A_1055 = arith.constant 20 : i32
    %scan3A_1056 = arith.addi %scan3A, %scan3A_1055 : i32
    %scan3A_1057 = arith.constant 1 : i32
    scf.for %scan3A_1413 = %scan3A to %scan3A_1056 step %scan3A_1057  : i32 {
      %mul3A_1414 = arith.constant 3 : i32
      %mul3A_1415 = arith.muli %scan3A_1413, %mul3A_1414 : i32
      %add3A_1416 = arith.constant 0 : i32
      %add3A_1417 = arith.addi %mul3A_1415, %add3A_1416 : i32
      %sub3A = arith.constant 2 : i32
      %sub3A_1418 = arith.subi %add3A_1417, %sub3A : i32
      %mul3A_1419 = arith.constant 8 : i32
      %mul3A_1420 = arith.muli %sub3A_1418, %mul3A_1419 : i32
      %add3A_1421 = arith.addi %mul3A_2, %mul3A_1420 : i32
      %mul3A_1422 = arith.constant 4096 : i32
      %mul3A_1423 = arith.muli %add3A_1421, %mul3A_1422 : i32
      %dma_wait3A_1424 = tpu.memref_slice %arg4[%mul3A_1423] : memref<67108864xf32, #tpu.memory_space<hbm>> -> memref<32768xf32, #tpu.memory_space<hbm>>
      %dma_wait3A_1425 = tpu.memref_slice %arg4[%mul3A_1423] : memref<67108864xf32, #tpu.memory_space<hbm>> -> memref<32768xf32, #tpu.memory_space<hbm>>
      tpu.wait_dma2 semaphore(%arg18 : memref<!tpu.dma_semaphore, #tpu.memory_space<semaphore_mem>>) src(%arg6 : memref<32768xf32, #tpu.memory_space<vmem>>) dst(%dma_wait3A_1425 : memref<32768xf32, #tpu.memory_space<hbm>>)
      %add3A_1426 = arith.constant 1 : i32
      %add3A_1427 = arith.addi %add3A_1417, %add3A_1426 : i32
      %mul3A_1428 = arith.constant 8 : i32
      %mul3A_1429 = arith.muli %add3A_1427, %mul3A_1428 : i32
      %add3A_1430 = arith.addi %mul3A_2, %mul3A_1429 : i32
      %mul3A_1431 = arith.constant 4096 : i32
      %mul3A_1432 = arith.muli %add3A_1430, %mul3A_1431 : i32
      %mul3A_1433 = arith.constant 128 : i32
      %mul3A_1434 = arith.muli %add3A_1430, %mul3A_1433 : i32
      %dma_start3A_1435 = tpu.memref_slice %arg2[%mul3A_1432] : memref<67108864xf32, #tpu.memory_space<hbm>> -> memref<32768xf32, #tpu.memory_space<hbm>>
      %dma_start3A_1436 = tpu.memref_slice %arg2[%mul3A_1432] : memref<67108864xf32, #tpu.memory_space<hbm>> -> memref<32768xf32, #tpu.memory_space<hbm>>
      tpu.enqueue_dma source(%dma_start3A_1436 : memref<32768xf32, #tpu.memory_space<hbm>>) target(%arg6 : memref<32768xf32, #tpu.memory_space<vmem>>) target_semaphore(%arg12 : memref<!tpu.dma_semaphore, #tpu.memory_space<semaphore_mem>>)
      %dma_start3A_1437 = tpu.memref_slice %arg3[%mul3A_1434] : memref<2097152xi32, #tpu.memory_space<hbm>> -> memref<1024xi32, #tpu.memory_space<hbm>>
      %dma_start3A_1438 = tpu.memref_slice %arg3[%mul3A_1434] : memref<2097152xi32, #tpu.memory_space<hbm>> -> memref<1024xi32, #tpu.memory_space<hbm>>
      tpu.enqueue_dma source(%dma_start3A_1438 : memref<1024xi32, #tpu.memory_space<hbm>>) target(%arg9 : memref<1024xi32, #tpu.memory_space<vmem>>) target_semaphore(%arg15 : memref<!tpu.dma_semaphore, #tpu.memory_space<semaphore_mem>>)
      %mul3A_1439 = arith.constant 8 : i32
      %mul3A_1440 = arith.muli %add3A_1417, %mul3A_1439 : i32
      %add3A_1441 = arith.addi %mul3A_2, %mul3A_1440 : i32
      %mul3A_1442 = arith.constant 4096 : i32
      %mul3A_1443 = arith.muli %add3A_1441, %mul3A_1442 : i32
      %mul3A_1444 = arith.constant 128 : i32
      %mul3A_1445 = arith.muli %add3A_1441, %mul3A_1444 : i32
      %dma_wait3A_1446 = tpu.memref_slice %arg2[%mul3A_1443] : memref<67108864xf32, #tpu.memory_space<hbm>> -> memref<32768xf32, #tpu.memory_space<hbm>>
      %dma_wait3A_1447 = tpu.memref_slice %arg2[%mul3A_1443] : memref<67108864xf32, #tpu.memory_space<hbm>> -> memref<32768xf32, #tpu.memory_space<hbm>>
      tpu.wait_dma2 semaphore(%arg11 : memref<!tpu.dma_semaphore, #tpu.memory_space<semaphore_mem>>) src(%dma_wait3A_1447 : memref<32768xf32, #tpu.memory_space<hbm>>) dst(%arg5 : memref<32768xf32, #tpu.memory_space<vmem>>)
      %dma_wait3A_1448 = tpu.memref_slice %arg3[%mul3A_1445] : memref<2097152xi32, #tpu.memory_space<hbm>> -> memref<1024xi32, #tpu.memory_space<hbm>>
      %dma_wait3A_1449 = tpu.memref_slice %arg3[%mul3A_1445] : memref<2097152xi32, #tpu.memory_space<hbm>> -> memref<1024xi32, #tpu.memory_space<hbm>>
      tpu.wait_dma2 semaphore(%arg14 : memref<!tpu.dma_semaphore, #tpu.memory_space<semaphore_mem>>) src(%dma_wait3A_1449 : memref<1024xi32, #tpu.memory_space<hbm>>) dst(%arg8 : memref<1024xi32, #tpu.memory_space<vmem>>)
      %get3A_1450 = arith.constant 0 : index
      %get3A_1451 = tpu.vector_load %arg8[%get3A_1450] {strides = array<i32>} : memref<1024xi32, #tpu.memory_space<vmem>>, vector<16xi32>,
      %add3A_1452 = arith.constant 0 : i32
      %add3A_1453 = vector.broadcast %add3A_1452 : i32 to vector<16xi32>
      %add3A_1454 = arith.addi %get3A_1451, %add3A_1453 : vector<16xi32>
      tpu.vector_store_idx %arg5[%add3A_1454], %broadcast_in_dim3A_3 : memref<32768xf32, #tpu.memory_space<vmem>>[vector<16xi32>], vector<16xf32>,
      %get3A_1455 = arith.constant 16 : index
      %get3A_1456 = tpu.vector_load %arg8[%get3A_1455] {strides = array<i32>} : memref<1024xi32, #tpu.memory_space<vmem>>, vector<16xi32>,
      %add3A_1457 = arith.constant 0 : i32
      %add3A_1458 = vector.broadcast %add3A_1457 : i32 to vector<16xi32>
      %add3A_1459 = arith.addi %get3A_1456, %add3A_1458 : vector<16xi32>
      tpu.vector_store_idx %arg5[%add3A_1459], %broadcast_in_dim3A_3 : memref<32768xf32, #tpu.memory_space<vmem>>[vector<16xi32>], vector<16xf32>,
      %get3A_1460 = arith.constant 32 : index
      %get3A_1461 = tpu.vector_load %arg8[%get3A_1460] {strides = array<i32>} : memref<1024xi32, #tpu.memory_space<vmem>>, vector<16xi32>,
      %add3A_1462 = arith.constant 0 : i32
      %add3A_1463 = vector.broadcast %add3A_1462 : i32 to vector<16xi32>
      %add3A_1464 = arith.addi %get3A_1461, %add3A_1463 : vector<16xi32>
      tpu.vector_store_idx %arg5[%add3A_1464], %broadcast_in_dim3A_3 : memref<32768xf32, #tpu.memory_space<vmem>>[vector<16xi32>], vector<16xf32>,
      %get3A_1465 = arith.constant 48 : index
      %get3A_1466 = tpu.vector_load %arg8[%get3A_1465] {strides = array<i32>} : memref<1024xi32, #tpu.memory_space<vmem>>, vector<16xi32>,
      %add3A_1467 = arith.constant 0 : i32
      %add3A_1468 = vector.broadcast %add3A_1467 : i32 to vector<16xi32>
      %add3A_1469 = arith.addi %get3A_1466, %add3A_1468 : vector<16xi32>
      tpu.vector_store_idx %arg5[%add3A_1469], %broadcast_in_dim3A_3 : memref<32768xf32, #tpu.memory_space<vmem>>[vector<16xi32>], vector<16xf32>,
      %get3A_1470 = arith.constant 64 : index
      %get3A_1471 = tpu.vector_load %arg8[%get3A_1470] {strides = array<i32>} : memref<1024xi32, #tpu.memory_space<vmem>>, vector<16xi32>,
      %add3A_1472 = arith.constant 0 : i32
      %add3A_1473 = vector.broadcast %add3A_1472 : i32 to vector<16xi32>
      %add3A_1474 = arith.addi %get3A_1471, %add3A_1473 : vector<16xi32>
      tpu.vector_store_idx %arg5[%add3A_1474], %broadcast_in_dim3A_3 : memref<32768xf32, #tpu.memory_space<vmem>>[vector<16xi32>], vector<16xf32>,
      %get3A_1475 = arith.constant 80 : index
      %get3A_1476 = tpu.vector_load %arg8[%get3A_1475] {strides = array<i32>} : memref<1024xi32, #tpu.memory_space<vmem>>, vector<16xi32>,
      %add3A_1477 = arith.constant 0 : i32
      %add3A_1478 = vector.broadcast %add3A_1477 : i32 to vector<16xi32>
      %add3A_1479 = arith.addi %get3A_1476, %add3A_1478 : vector<16xi32>
      tpu.vector_store_idx %arg5[%add3A_1479], %broadcast_in_dim3A_3 : memref<32768xf32, #tpu.memory_space<vmem>>[vector<16xi32>], vector<16xf32>,
      %get3A_1480 = arith.constant 96 : index
      %get3A_1481 = tpu.vector_load %arg8[%get3A_1480] {strides = array<i32>} : memref<1024xi32, #tpu.memory_space<vmem>>, vector<16xi32>,
      %add3A_1482 = arith.constant 0 : i32
      %add3A_1483 = vector.broadcast %add3A_1482 : i32 to vector<16xi32>
      %add3A_1484 = arith.addi %get3A_1481, %add3A_1483 : vector<16xi32>
      tpu.vector_store_idx %arg5[%add3A_1484], %broadcast_in_dim3A_3 : memref<32768xf32, #tpu.memory_space<vmem>>[vector<16xi32>], vector<16xf32>,
      %get3A_1485 = arith.constant 112 : index
      %get3A_1486 = tpu.vector_load %arg8[%get3A_1485] {strides = array<i32>} : memref<1024xi32, #tpu.memory_space<vmem>>, vector<16xi32>,
      %add3A_1487 = arith.constant 0 : i32
      %add3A_1488 = vector.broadcast %add3A_1487 : i32 to vector<16xi32>
      %add3A_1489 = arith.addi %get3A_1486, %add3A_1488 : vector<16xi32>
      tpu.vector_store_idx %arg5[%add3A_1489], %broadcast_in_dim3A_3 : memref<32768xf32, #tpu.memory_space<vmem>>[vector<16xi32>], vector<16xf32>,
      %get3A_1490 = arith.constant 128 : index
      %get3A_1491 = tpu.vector_load %arg8[%get3A_1490] {strides = array<i32>} : memref<1024xi32, #tpu.memory_space<vmem>>, vector<16xi32>,
      %add3A_1492 = arith.constant 4096 : i32
      %add3A_1493 = vector.broadcast %add3A_1492 : i32 to vector<16xi32>
      %add3A_1494 = arith.addi %get3A_1491, %add3A_1493 : vector<16xi32>
      tpu.vector_store_idx %arg5[%add3A_1494], %broadcast_in_dim3A_3 : memref<32768xf32, #tpu.memory_space<vmem>>[vector<16xi32>], vector<16xf32>,
      %get3A_1495 = arith.constant 144 : index
      %get3A_1496 = tpu.vector_load %arg8[%get3A_1495] {strides = array<i32>} : memref<1024xi32, #tpu.memory_space<vmem>>, vector<16xi32>,
      %add3A_1497 = arith.constant 4096 : i32
      %add3A_1498 = vector.broadcast %add3A_1497 : i32 to vector<16xi32>
      %add3A_1499 = arith.addi %get3A_1496, %add3A_1498 : vector<16xi32>
      tpu.vector_store_idx %arg5[%add3A_1499], %broadcast_in_dim3A_3 : memref<32768xf32, #tpu.memory_space<vmem>>[vector<16xi32>], vector<16xf32>,
      %get3A_1500 = arith.constant 160 : index
      %get3A_1501 = tpu.vector_load %arg8[%get3A_1500] {strides = array<i32>} : memref<1024xi32, #tpu.memory_space<vmem>>, vector<16xi32>,
      %add3A_1502 = arith.constant 4096 : i32
      %add3A_1503 = vector.broadcast %add3A_1502 : i32 to vector<16xi32>
      %add3A_1504 = arith.addi %get3A_1501, %add3A_1503 : vector<16xi32>
      tpu.vector_store_idx %arg5[%add3A_1504], %broadcast_in_dim3A_3 : memref<32768xf32, #tpu.memory_space<vmem>>[vector<16xi32>], vector<16xf32>,
      %get3A_1505 = arith.constant 176 : index
      %get3A_1506 = tpu.vector_load %arg8[%get3A_1505] {strides = array<i32>} : memref<1024xi32, #tpu.memory_space<vmem>>, vector<16xi32>,
      %add3A_1507 = arith.constant 4096 : i32
      %add3A_1508 = vector.broadcast %add3A_1507 : i32 to vector<16xi32>
      %add3A_1509 = arith.addi %get3A_1506, %add3A_1508 : vector<16xi32>
      tpu.vector_store_idx %arg5[%add3A_1509], %broadcast_in_dim3A_3 : memref<32768xf32, #tpu.memory_space<vmem>>[vector<16xi32>], vector<16xf32>,
      %get3A_1510 = arith.constant 192 : index
      %get3A_1511 = tpu.vector_load %arg8[%get3A_1510] {strides = array<i32>} : memref<1024xi32, #tpu.memory_space<vmem>>, vector<16xi32>,
      %add3A_1512 = arith.constant 4096 : i32
      %add3A_1513 = vector.broadcast %add3A_1512 : i32 to vector<16xi32>
      %add3A_1514 = arith.addi %get3A_1511, %add3A_1513 : vector<16xi32>
      tpu.vector_store_idx %arg5[%add3A_1514], %broadcast_in_dim3A_3 : memref<32768xf32, #tpu.memory_space<vmem>>[vector<16xi32>], vector<16xf32>,
      %get3A_1515 = arith.constant 208 : index
      %get3A_1516 = tpu.vector_load %arg8[%get3A_1515] {strides = array<i32>} : memref<1024xi32, #tpu.memory_space<vmem>>, vector<16xi32>,
      %add3A_1517 = arith.constant 4096 : i32
      %add3A_1518 = vector.broadcast %add3A_1517 : i32 to vector<16xi32>
      %add3A_1519 = arith.addi %get3A_1516, %add3A_1518 : vector<16xi32>
      tpu.vector_store_idx %arg5[%add3A_1519], %broadcast_in_dim3A_3 : memref<32768xf32, #tpu.memory_space<vmem>>[vector<16xi32>], vector<16xf32>,
      %get3A_1520 = arith.constant 224 : index
      %get3A_1521 = tpu.vector_load %arg8[%get3A_1520] {strides = array<i32>} : memref<1024xi32, #tpu.memory_space<vmem>>, vector<16xi32>,
      %add3A_1522 = arith.constant 4096 : i32
      %add3A_1523 = vector.broadcast %add3A_1522 : i32 to vector<16xi32>
      %add3A_1524 = arith.addi %get3A_1521, %add3A_1523 : vector<16xi32>
      tpu.vector_store_idx %arg5[%add3A_1524], %broadcast_in_dim3A_3 : memref<32768xf32, #tpu.memory_space<vmem>>[vector<16xi32>], vector<16xf32>,
      %get3A_1525 = arith.constant 240 : index
      %get3A_1526 = tpu.vector_load %arg8[%get3A_1525] {strides = array<i32>} : memref<1024xi32, #tpu.memory_space<vmem>>, vector<16xi32>,
      %add3A_1527 = arith.constant 4096 : i32
      %add3A_1528 = vector.broadcast %add3A_1527 : i32 to vector<16xi32>
      %add3A_1529 = arith.addi %get3A_1526, %add3A_1528 : vector<16xi32>
      tpu.vector_store_idx %arg5[%add3A_1529], %broadcast_in_dim3A_3 : memref<32768xf32, #tpu.memory_space<vmem>>[vector<16xi32>], vector<16xf32>,
      %get3A_1530 = arith.constant 256 : index
      %get3A_1531 = tpu.vector_load %arg8[%get3A_1530] {strides = array<i32>} : memref<1024xi32, #tpu.memory_space<vmem>>, vector<16xi32>,
      %add3A_1532 = arith.constant 8192 : i32
      %add3A_1533 = vector.broadcast %add3A_1532 : i32 to vector<16xi32>
      %add3A_1534 = arith.addi %get3A_1531, %add3A_1533 : vector<16xi32>
      tpu.vector_store_idx %arg5[%add3A_1534], %broadcast_in_dim3A_3 : memref<32768xf32, #tpu.memory_space<vmem>>[vector<16xi32>], vector<16xf32>,
      %get3A_1535 = arith.constant 272 : index
      %get3A_1536 = tpu.vector_load %arg8[%get3A_1535] {strides = array<i32>} : memref<1024xi32, #tpu.memory_space<vmem>>, vector<16xi32>,
      %add3A_1537 = arith.constant 8192 : i32
      %add3A_1538 = vector.broadcast %add3A_1537 : i32 to vector<16xi32>
      %add3A_1539 = arith.addi %get3A_1536, %add3A_1538 : vector<16xi32>
      tpu.vector_store_idx %arg5[%add3A_1539], %broadcast_in_dim3A_3 : memref<32768xf32, #tpu.memory_space<vmem>>[vector<16xi32>], vector<16xf32>,
      %get3A_1540 = arith.constant 288 : index
      %get3A_1541 = tpu.vector_load %arg8[%get3A_1540] {strides = array<i32>} : memref<1024xi32, #tpu.memory_space<vmem>>, vector<16xi32>,
      %add3A_1542 = arith.constant 8192 : i32
      %add3A_1543 = vector.broadcast %add3A_1542 : i32 to vector<16xi32>
      %add3A_1544 = arith.addi %get3A_1541, %add3A_1543 : vector<16xi32>
      tpu.vector_store_idx %arg5[%add3A_1544], %broadcast_in_dim3A_3 : memref<32768xf32, #tpu.memory_space<vmem>>[vector<16xi32>], vector<16xf32>,
      %get3A_1545 = arith.constant 304 : index
      %get3A_1546 = tpu.vector_load %arg8[%get3A_1545] {strides = array<i32>} : memref<1024xi32, #tpu.memory_space<vmem>>, vector<16xi32>,
      %add3A_1547 = arith.constant 8192 : i32
      %add3A_1548 = vector.broadcast %add3A_1547 : i32 to vector<16xi32>
      %add3A_1549 = arith.addi %get3A_1546, %add3A_1548 : vector<16xi32>
      tpu.vector_store_idx %arg5[%add3A_1549], %broadcast_in_dim3A_3 : memref<32768xf32, #tpu.memory_space<vmem>>[vector<16xi32>], vector<16xf32>,
      %get3A_1550 = arith.constant 320 : index
      %get3A_1551 = tpu.vector_load %arg8[%get3A_1550] {strides = array<i32>} : memref<1024xi32, #tpu.memory_space<vmem>>, vector<16xi32>,
      %add3A_1552 = arith.constant 8192 : i32
      %add3A_1553 = vector.broadcast %add3A_1552 : i32 to vector<16xi32>
      %add3A_1554 = arith.addi %get3A_1551, %add3A_1553 : vector<16xi32>
      tpu.vector_store_idx %arg5[%add3A_1554], %broadcast_in_dim3A_3 : memref<32768xf32, #tpu.memory_space<vmem>>[vector<16xi32>], vector<16xf32>,
      %get3A_1555 = arith.constant 336 : index
      %get3A_1556 = tpu.vector_load %arg8[%get3A_1555] {strides = array<i32>} : memref<1024xi32, #tpu.memory_space<vmem>>, vector<16xi32>,
      %add3A_1557 = arith.constant 8192 : i32
      %add3A_1558 = vector.broadcast %add3A_1557 : i32 to vector<16xi32>
      %add3A_1559 = arith.addi %get3A_1556, %add3A_1558 : vector<16xi32>
      tpu.vector_store_idx %arg5[%add3A_1559], %broadcast_in_dim3A_3 : memref<32768xf32, #tpu.memory_space<vmem>>[vector<16xi32>], vector<16xf32>,
      %get3A_1560 = arith.constant 352 : index
      %get3A_1561 = tpu.vector_load %arg8[%get3A_1560] {strides = array<i32>} : memref<1024xi32, #tpu.memory_space<vmem>>, vector<16xi32>,
      %add3A_1562 = arith.constant 8192 : i32
      %add3A_1563 = vector.broadcast %add3A_1562 : i32 to vector<16xi32>
      %add3A_1564 = arith.addi %get3A_1561, %add3A_1563 : vector<16xi32>
      tpu.vector_store_idx %arg5[%add3A_1564], %broadcast_in_dim3A_3 : memref<32768xf32, #tpu.memory_space<vmem>>[vector<16xi32>], vector<16xf32>,
      %get3A_1565 = arith.constant 368 : index
      %get3A_1566 = tpu.vector_load %arg8[%get3A_1565] {strides = array<i32>} : memref<1024xi32, #tpu.memory_space<vmem>>, vector<16xi32>,
      %add3A_1567 = arith.constant 8192 : i32
      %add3A_1568 = vector.broadcast %add3A_1567 : i32 to vector<16xi32>
      %add3A_1569 = arith.addi %get3A_1566, %add3A_1568 : vector<16xi32>
      tpu.vector_store_idx %arg5[%add3A_1569], %broadcast_in_dim3A_3 : memref<32768xf32, #tpu.memory_space<vmem>>[vector<16xi32>], vector<16xf32>,
      %get3A_1570 = arith.constant 384 : index
      %get3A_1571 = tpu.vector_load %arg8[%get3A_1570] {strides = array<i32>} : memref<1024xi32, #tpu.memory_space<vmem>>, vector<16xi32>,
      %add3A_1572 = arith.constant 12288 : i32
      %add3A_1573 = vector.broadcast %add3A_1572 : i32 to vector<16xi32>
      %add3A_1574 = arith.addi %get3A_1571, %add3A_1573 : vector<16xi32>
      tpu.vector_store_idx %arg5[%add3A_1574], %broadcast_in_dim3A_3 : memref<32768xf32, #tpu.memory_space<vmem>>[vector<16xi32>], vector<16xf32>,
      %get3A_1575 = arith.constant 400 : index
      %get3A_1576 = tpu.vector_load %arg8[%get3A_1575] {strides = array<i32>} : memref<1024xi32, #tpu.memory_space<vmem>>, vector<16xi32>,
      %add3A_1577 = arith.constant 12288 : i32
      %add3A_1578 = vector.broadcast %add3A_1577 : i32 to vector<16xi32>
      %add3A_1579 = arith.addi %get3A_1576, %add3A_1578 : vector<16xi32>
      tpu.vector_store_idx %arg5[%add3A_1579], %broadcast_in_dim3A_3 : memref<32768xf32, #tpu.memory_space<vmem>>[vector<16xi32>], vector<16xf32>,
      %get3A_1580 = arith.constant 416 : index
      %get3A_1581 = tpu.vector_load %arg8[%get3A_1580] {strides = array<i32>} : memref<1024xi32, #tpu.memory_space<vmem>>, vector<16xi32>,
      %add3A_1582 = arith.constant 12288 : i32
      %add3A_1583 = vector.broadcast %add3A_1582 : i32 to vector<16xi32>
      %add3A_1584 = arith.addi %get3A_1581, %add3A_1583 : vector<16xi32>
      tpu.vector_store_idx %arg5[%add3A_1584], %broadcast_in_dim3A_3 : memref<32768xf32, #tpu.memory_space<vmem>>[vector<16xi32>], vector<16xf32>,
      %get3A_1585 = arith.constant 432 : index
      %get3A_1586 = tpu.vector_load %arg8[%get3A_1585] {strides = array<i32>} : memref<1024xi32, #tpu.memory_space<vmem>>, vector<16xi32>,
      %add3A_1587 = arith.constant 12288 : i32
      %add3A_1588 = vector.broadcast %add3A_1587 : i32 to vector<16xi32>
      %add3A_1589 = arith.addi %get3A_1586, %add3A_1588 : vector<16xi32>
      tpu.vector_store_idx %arg5[%add3A_1589], %broadcast_in_dim3A_3 : memref<32768xf32, #tpu.memory_space<vmem>>[vector<16xi32>], vector<16xf32>,
      %get3A_1590 = arith.constant 448 : index
      %get3A_1591 = tpu.vector_load %arg8[%get3A_1590] {strides = array<i32>} : memref<1024xi32, #tpu.memory_space<vmem>>, vector<16xi32>,
      %add3A_1592 = arith.constant 12288 : i32
      %add3A_1593 = vector.broadcast %add3A_1592 : i32 to vector<16xi32>
      %add3A_1594 = arith.addi %get3A_1591, %add3A_1593 : vector<16xi32>
      tpu.vector_store_idx %arg5[%add3A_1594], %broadcast_in_dim3A_3 : memref<32768xf32, #tpu.memory_space<vmem>>[vector<16xi32>], vector<16xf32>,
      %get3A_1595 = arith.constant 464 : index
      %get3A_1596 = tpu.vector_load %arg8[%get3A_1595] {strides = array<i32>} : memref<1024xi32, #tpu.memory_space<vmem>>, vector<16xi32>,
      %add3A_1597 = arith.constant 12288 : i32
      %add3A_1598 = vector.broadcast %add3A_1597 : i32 to vector<16xi32>
      %add3A_1599 = arith.addi %get3A_1596, %add3A_1598 : vector<16xi32>
      tpu.vector_store_idx %arg5[%add3A_1599], %broadcast_in_dim3A_3 : memref<32768xf32, #tpu.memory_space<vmem>>[vector<16xi32>], vector<16xf32>,
      %get3A_1600 = arith.constant 480 : index
      %get3A_1601 = tpu.vector_load %arg8[%get3A_1600] {strides = array<i32>} : memref<1024xi32, #tpu.memory_space<vmem>>, vector<16xi32>,
      %add3A_1602 = arith.constant 12288 : i32
      %add3A_1603 = vector.broadcast %add3A_1602 : i32 to vector<16xi32>
      %add3A_1604 = arith.addi %get3A_1601, %add3A_1603 : vector<16xi32>
      tpu.vector_store_idx %arg5[%add3A_1604], %broadcast_in_dim3A_3 : memref<32768xf32, #tpu.memory_space<vmem>>[vector<16xi32>], vector<16xf32>,
      %get3A_1605 = arith.constant 496 : index
      %get3A_1606 = tpu.vector_load %arg8[%get3A_1605] {strides = array<i32>} : memref<1024xi32, #tpu.memory_space<vmem>>, vector<16xi32>,
      %add3A_1607 = arith.constant 12288 : i32
      %add3A_1608 = vector.broadcast %add3A_1607 : i32 to vector<16xi32>
      %add3A_1609 = arith.addi %get3A_1606, %add3A_1608 : vector<16xi32>
      tpu.vector_store_idx %arg5[%add3A_1609], %broadcast_in_dim3A_3 : memref<32768xf32, #tpu.memory_space<vmem>>[vector<16xi32>], vector<16xf32>,
      %get3A_1610 = arith.constant 512 : index
      %get3A_1611 = tpu.vector_load %arg8[%get3A_1610] {strides = array<i32>} : memref<1024xi32, #tpu.memory_space<vmem>>, vector<16xi32>,
      %add3A_1612 = arith.constant 16384 : i32
      %add3A_1613 = vector.broadcast %add3A_1612 : i32 to vector<16xi32>
      %add3A_1614 = arith.addi %get3A_1611, %add3A_1613 : vector<16xi32>
      tpu.vector_store_idx %arg5[%add3A_1614], %broadcast_in_dim3A_3 : memref<32768xf32, #tpu.memory_space<vmem>>[vector<16xi32>], vector<16xf32>,
      %get3A_1615 = arith.constant 528 : index
      %get3A_1616 = tpu.vector_load %arg8[%get3A_1615] {strides = array<i32>} : memref<1024xi32, #tpu.memory_space<vmem>>, vector<16xi32>,
      %add3A_1617 = arith.constant 16384 : i32
      %add3A_1618 = vector.broadcast %add3A_1617 : i32 to vector<16xi32>
      %add3A_1619 = arith.addi %get3A_1616, %add3A_1618 : vector<16xi32>
      tpu.vector_store_idx %arg5[%add3A_1619], %broadcast_in_dim3A_3 : memref<32768xf32, #tpu.memory_space<vmem>>[vector<16xi32>], vector<16xf32>,
      %get3A_1620 = arith.constant 544 : index
      %get3A_1621 = tpu.vector_load %arg8[%get3A_1620] {strides = array<i32>} : memref<1024xi32, #tpu.memory_space<vmem>>, vector<16xi32>,
      %add3A_1622 = arith.constant 16384 : i32
      %add3A_1623 = vector.broadcast %add3A_1622 : i32 to vector<16xi32>
      %add3A_1624 = arith.addi %get3A_1621, %add3A_1623 : vector<16xi32>
      tpu.vector_store_idx %arg5[%add3A_1624], %broadcast_in_dim3A_3 : memref<32768xf32, #tpu.memory_space<vmem>>[vector<16xi32>], vector<16xf32>,
      %get3A_1625 = arith.constant 560 : index
      %get3A_1626 = tpu.vector_load %arg8[%get3A_1625] {strides = array<i32>} : memref<1024xi32, #tpu.memory_space<vmem>>, vector<16xi32>,
      %add3A_1627 = arith.constant 16384 : i32
      %add3A_1628 = vector.broadcast %add3A_1627 : i32 to vector<16xi32>
      %add3A_1629 = arith.addi %get3A_1626, %add3A_1628 : vector<16xi32>
      tpu.vector_store_idx %arg5[%add3A_1629], %broadcast_in_dim3A_3 : memref<32768xf32, #tpu.memory_space<vmem>>[vector<16xi32>], vector<16xf32>,
      %get3A_1630 = arith.constant 576 : index
      %get3A_1631 = tpu.vector_load %arg8[%get3A_1630] {strides = array<i32>} : memref<1024xi32, #tpu.memory_space<vmem>>, vector<16xi32>,
      %add3A_1632 = arith.constant 16384 : i32
      %add3A_1633 = vector.broadcast %add3A_1632 : i32 to vector<16xi32>
      %add3A_1634 = arith.addi %get3A_1631, %add3A_1633 : vector<16xi32>
      tpu.vector_store_idx %arg5[%add3A_1634], %broadcast_in_dim3A_3 : memref<32768xf32, #tpu.memory_space<vmem>>[vector<16xi32>], vector<16xf32>,
      %get3A_1635 = arith.constant 592 : index
      %get3A_1636 = tpu.vector_load %arg8[%get3A_1635] {strides = array<i32>} : memref<1024xi32, #tpu.memory_space<vmem>>, vector<16xi32>,
      %add3A_1637 = arith.constant 16384 : i32
      %add3A_1638 = vector.broadcast %add3A_1637 : i32 to vector<16xi32>
      %add3A_1639 = arith.addi %get3A_1636, %add3A_1638 : vector<16xi32>
      tpu.vector_store_idx %arg5[%add3A_1639], %broadcast_in_dim3A_3 : memref<32768xf32, #tpu.memory_space<vmem>>[vector<16xi32>], vector<16xf32>,
      %get3A_1640 = arith.constant 608 : index
      %get3A_1641 = tpu.vector_load %arg8[%get3A_1640] {strides = array<i32>} : memref<1024xi32, #tpu.memory_space<vmem>>, vector<16xi32>,
      %add3A_1642 = arith.constant 16384 : i32
      %add3A_1643 = vector.broadcast %add3A_1642 : i32 to vector<16xi32>
      %add3A_1644 = arith.addi %get3A_1641, %add3A_1643 : vector<16xi32>
      tpu.vector_store_idx %arg5[%add3A_1644], %broadcast_in_dim3A_3 : memref<32768xf32, #tpu.memory_space<vmem>>[vector<16xi32>], vector<16xf32>,
      %get3A_1645 = arith.constant 624 : index
      %get3A_1646 = tpu.vector_load %arg8[%get3A_1645] {strides = array<i32>} : memref<1024xi32, #tpu.memory_space<vmem>>, vector<16xi32>,
      %add3A_1647 = arith.constant 16384 : i32
      %add3A_1648 = vector.broadcast %add3A_1647 : i32 to vector<16xi32>
      %add3A_1649 = arith.addi %get3A_1646, %add3A_1648 : vector<16xi32>
      tpu.vector_store_idx %arg5[%add3A_1649], %broadcast_in_dim3A_3 : memref<32768xf32, #tpu.memory_space<vmem>>[vector<16xi32>], vector<16xf32>,
      %get3A_1650 = arith.constant 640 : index
      %get3A_1651 = tpu.vector_load %arg8[%get3A_1650] {strides = array<i32>} : memref<1024xi32, #tpu.memory_space<vmem>>, vector<16xi32>,
      %add3A_1652 = arith.constant 20480 : i32
      %add3A_1653 = vector.broadcast %add3A_1652 : i32 to vector<16xi32>
      %add3A_1654 = arith.addi %get3A_1651, %add3A_1653 : vector<16xi32>
      tpu.vector_store_idx %arg5[%add3A_1654], %broadcast_in_dim3A_3 : memref<32768xf32, #tpu.memory_space<vmem>>[vector<16xi32>], vector<16xf32>,
      %get3A_1655 = arith.constant 656 : index
      %get3A_1656 = tpu.vector_load %arg8[%get3A_1655] {strides = array<i32>} : memref<1024xi32, #tpu.memory_space<vmem>>, vector<16xi32>,
      %add3A_1657 = arith.constant 20480 : i32
      %add3A_1658 = vector.broadcast %add3A_1657 : i32 to vector<16xi32>
      %add3A_1659 = arith.addi %get3A_1656, %add3A_1658 : vector<16xi32>
      tpu.vector_store_idx %arg5[%add3A_1659], %broadcast_in_dim3A_3 : memref<32768xf32, #tpu.memory_space<vmem>>[vector<16xi32>], vector<16xf32>,
      %get3A_1660 = arith.constant 672 : index
      %get3A_1661 = tpu.vector_load %arg8[%get3A_1660] {strides = array<i32>} : memref<1024xi32, #tpu.memory_space<vmem>>, vector<16xi32>,
      %add3A_1662 = arith.constant 20480 : i32
      %add3A_1663 = vector.broadcast %add3A_1662 : i32 to vector<16xi32>
      %add3A_1664 = arith.addi %get3A_1661, %add3A_1663 : vector<16xi32>
      tpu.vector_store_idx %arg5[%add3A_1664], %broadcast_in_dim3A_3 : memref<32768xf32, #tpu.memory_space<vmem>>[vector<16xi32>], vector<16xf32>,
      %get3A_1665 = arith.constant 688 : index
      %get3A_1666 = tpu.vector_load %arg8[%get3A_1665] {strides = array<i32>} : memref<1024xi32, #tpu.memory_space<vmem>>, vector<16xi32>,
      %add3A_1667 = arith.constant 20480 : i32
      %add3A_1668 = vector.broadcast %add3A_1667 : i32 to vector<16xi32>
      %add3A_1669 = arith.addi %get3A_1666, %add3A_1668 : vector<16xi32>
      tpu.vector_store_idx %arg5[%add3A_1669], %broadcast_in_dim3A_3 : memref<32768xf32, #tpu.memory_space<vmem>>[vector<16xi32>], vector<16xf32>,
      %get3A_1670 = arith.constant 704 : index
      %get3A_1671 = tpu.vector_load %arg8[%get3A_1670] {strides = array<i32>} : memref<1024xi32, #tpu.memory_space<vmem>>, vector<16xi32>,
      %add3A_1672 = arith.constant 20480 : i32
      %add3A_1673 = vector.broadcast %add3A_1672 : i32 to vector<16xi32>
      %add3A_1674 = arith.addi %get3A_1671, %add3A_1673 : vector<16xi32>
      tpu.vector_store_idx %arg5[%add3A_1674], %broadcast_in_dim3A_3 : memref<32768xf32, #tpu.memory_space<vmem>>[vector<16xi32>], vector<16xf32>,
      %get3A_1675 = arith.constant 720 : index
      %get3A_1676 = tpu.vector_load %arg8[%get3A_1675] {strides = array<i32>} : memref<1024xi32, #tpu.memory_space<vmem>>, vector<16xi32>,
      %add3A_1677 = arith.constant 20480 : i32
      %add3A_1678 = vector.broadcast %add3A_1677 : i32 to vector<16xi32>
      %add3A_1679 = arith.addi %get3A_1676, %add3A_1678 : vector<16xi32>
      tpu.vector_store_idx %arg5[%add3A_1679], %broadcast_in_dim3A_3 : memref<32768xf32, #tpu.memory_space<vmem>>[vector<16xi32>], vector<16xf32>,
      %get3A_1680 = arith.constant 736 : index
      %get3A_1681 = tpu.vector_load %arg8[%get3A_1680] {strides = array<i32>} : memref<1024xi32, #tpu.memory_space<vmem>>, vector<16xi32>,
      %add3A_1682 = arith.constant 20480 : i32
      %add3A_1683 = vector.broadcast %add3A_1682 : i32 to vector<16xi32>
      %add3A_1684 = arith.addi %get3A_1681, %add3A_1683 : vector<16xi32>
      tpu.vector_store_idx %arg5[%add3A_1684], %broadcast_in_dim3A_3 : memref<32768xf32, #tpu.memory_space<vmem>>[vector<16xi32>], vector<16xf32>,
      %get3A_1685 = arith.constant 752 : index
      %get3A_1686 = tpu.vector_load %arg8[%get3A_1685] {strides = array<i32>} : memref<1024xi32, #tpu.memory_space<vmem>>, vector<16xi32>,
      %add3A_1687 = arith.constant 20480 : i32
      %add3A_1688 = vector.broadcast %add3A_1687 : i32 to vector<16xi32>
      %add3A_1689 = arith.addi %get3A_1686, %add3A_1688 : vector<16xi32>
      tpu.vector_store_idx %arg5[%add3A_1689], %broadcast_in_dim3A_3 : memref<32768xf32, #tpu.memory_space<vmem>>[vector<16xi32>], vector<16xf32>,
      %get3A_1690 = arith.constant 768 : index
      %get3A_1691 = tpu.vector_load %arg8[%get3A_1690] {strides = array<i32>} : memref<1024xi32, #tpu.memory_space<vmem>>, vector<16xi32>,
      %add3A_1692 = arith.constant 24576 : i32
      %add3A_1693 = vector.broadcast %add3A_1692 : i32 to vector<16xi32>
      %add3A_1694 = arith.addi %get3A_1691, %add3A_1693 : vector<16xi32>
      tpu.vector_store_idx %arg5[%add3A_1694], %broadcast_in_dim3A_3 : memref<32768xf32, #tpu.memory_space<vmem>>[vector<16xi32>], vector<16xf32>,
      %get3A_1695 = arith.constant 784 : index
      %get3A_1696 = tpu.vector_load %arg8[%get3A_1695] {strides = array<i32>} : memref<1024xi32, #tpu.memory_space<vmem>>, vector<16xi32>,
      %add3A_1697 = arith.constant 24576 : i32
      %add3A_1698 = vector.broadcast %add3A_1697 : i32 to vector<16xi32>
      %add3A_1699 = arith.addi %get3A_1696, %add3A_1698 : vector<16xi32>
      tpu.vector_store_idx %arg5[%add3A_1699], %broadcast_in_dim3A_3 : memref<32768xf32, #tpu.memory_space<vmem>>[vector<16xi32>], vector<16xf32>,
      %get3A_1700 = arith.constant 800 : index
      %get3A_1701 = tpu.vector_load %arg8[%get3A_1700] {strides = array<i32>} : memref<1024xi32, #tpu.memory_space<vmem>>, vector<16xi32>,
      %add3A_1702 = arith.constant 24576 : i32
      %add3A_1703 = vector.broadcast %add3A_1702 : i32 to vector<16xi32>
      %add3A_1704 = arith.addi %get3A_1701, %add3A_1703 : vector<16xi32>
      tpu.vector_store_idx %arg5[%add3A_1704], %broadcast_in_dim3A_3 : memref<32768xf32, #tpu.memory_space<vmem>>[vector<16xi32>], vector<16xf32>,
      %get3A_1705 = arith.constant 816 : index
      %get3A_1706 = tpu.vector_load %arg8[%get3A_1705] {strides = array<i32>} : memref<1024xi32, #tpu.memory_space<vmem>>, vector<16xi32>,
      %add3A_1707 = arith.constant 24576 : i32
      %add3A_1708 = vector.broadcast %add3A_1707 : i32 to vector<16xi32>
      %add3A_1709 = arith.addi %get3A_1706, %add3A_1708 : vector<16xi32>
      tpu.vector_store_idx %arg5[%add3A_1709], %broadcast_in_dim3A_3 : memref<32768xf32, #tpu.memory_space<vmem>>[vector<16xi32>], vector<16xf32>,
      %get3A_1710 = arith.constant 832 : index
      %get3A_1711 = tpu.vector_load %arg8[%get3A_1710] {strides = array<i32>} : memref<1024xi32, #tpu.memory_space<vmem>>, vector<16xi32>,
      %add3A_1712 = arith.constant 24576 : i32
      %add3A_1713 = vector.broadcast %add3A_1712 : i32 to vector<16xi32>
      %add3A_1714 = arith.addi %get3A_1711, %add3A_1713 : vector<16xi32>
      tpu.vector_store_idx %arg5[%add3A_1714], %broadcast_in_dim3A_3 : memref<32768xf32, #tpu.memory_space<vmem>>[vector<16xi32>], vector<16xf32>,
      %get3A_1715 = arith.constant 848 : index
      %get3A_1716 = tpu.vector_load %arg8[%get3A_1715] {strides = array<i32>} : memref<1024xi32, #tpu.memory_space<vmem>>, vector<16xi32>,
      %add3A_1717 = arith.constant 24576 : i32
      %add3A_1718 = vector.broadcast %add3A_1717 : i32 to vector<16xi32>
      %add3A_1719 = arith.addi %get3A_1716, %add3A_1718 : vector<16xi32>
      tpu.vector_store_idx %arg5[%add3A_1719], %broadcast_in_dim3A_3 : memref<32768xf32, #tpu.memory_space<vmem>>[vector<16xi32>], vector<16xf32>,
      %get3A_1720 = arith.constant 864 : index
      %get3A_1721 = tpu.vector_load %arg8[%get3A_1720] {strides = array<i32>} : memref<1024xi32, #tpu.memory_space<vmem>>, vector<16xi32>,
      %add3A_1722 = arith.constant 24576 : i32
      %add3A_1723 = vector.broadcast %add3A_1722 : i32 to vector<16xi32>
      %add3A_1724 = arith.addi %get3A_1721, %add3A_1723 : vector<16xi32>
      tpu.vector_store_idx %arg5[%add3A_1724], %broadcast_in_dim3A_3 : memref<32768xf32, #tpu.memory_space<vmem>>[vector<16xi32>], vector<16xf32>,
      %get3A_1725 = arith.constant 880 : index
      %get3A_1726 = tpu.vector_load %arg8[%get3A_1725] {strides = array<i32>} : memref<1024xi32, #tpu.memory_space<vmem>>, vector<16xi32>,
      %add3A_1727 = arith.constant 24576 : i32
      %add3A_1728 = vector.broadcast %add3A_1727 : i32 to vector<16xi32>
      %add3A_1729 = arith.addi %get3A_1726, %add3A_1728 : vector<16xi32>
      tpu.vector_store_idx %arg5[%add3A_1729], %broadcast_in_dim3A_3 : memref<32768xf32, #tpu.memory_space<vmem>>[vector<16xi32>], vector<16xf32>,
      %get3A_1730 = arith.constant 896 : index
      %get3A_1731 = tpu.vector_load %arg8[%get3A_1730] {strides = array<i32>} : memref<1024xi32, #tpu.memory_space<vmem>>, vector<16xi32>,
      %add3A_1732 = arith.constant 28672 : i32
      %add3A_1733 = vector.broadcast %add3A_1732 : i32 to vector<16xi32>
      %add3A_1734 = arith.addi %get3A_1731, %add3A_1733 : vector<16xi32>
      tpu.vector_store_idx %arg5[%add3A_1734], %broadcast_in_dim3A_3 : memref<32768xf32, #tpu.memory_space<vmem>>[vector<16xi32>], vector<16xf32>,
      %get3A_1735 = arith.constant 912 : index
      %get3A_1736 = tpu.vector_load %arg8[%get3A_1735] {strides = array<i32>} : memref<1024xi32, #tpu.memory_space<vmem>>, vector<16xi32>,
      %add3A_1737 = arith.constant 28672 : i32
      %add3A_1738 = vector.broadcast %add3A_1737 : i32 to vector<16xi32>
      %add3A_1739 = arith.addi %get3A_1736, %add3A_1738 : vector<16xi32>
      tpu.vector_store_idx %arg5[%add3A_1739], %broadcast_in_dim3A_3 : memref<32768xf32, #tpu.memory_space<vmem>>[vector<16xi32>], vector<16xf32>,
      %get3A_1740 = arith.constant 928 : index
      %get3A_1741 = tpu.vector_load %arg8[%get3A_1740] {strides = array<i32>} : memref<1024xi32, #tpu.memory_space<vmem>>, vector<16xi32>,
      %add3A_1742 = arith.constant 28672 : i32
      %add3A_1743 = vector.broadcast %add3A_1742 : i32 to vector<16xi32>
      %add3A_1744 = arith.addi %get3A_1741, %add3A_1743 : vector<16xi32>
      tpu.vector_store_idx %arg5[%add3A_1744], %broadcast_in_dim3A_3 : memref<32768xf32, #tpu.memory_space<vmem>>[vector<16xi32>], vector<16xf32>,
      %get3A_1745 = arith.constant 944 : index
      %get3A_1746 = tpu.vector_load %arg8[%get3A_1745] {strides = array<i32>} : memref<1024xi32, #tpu.memory_space<vmem>>, vector<16xi32>,
      %add3A_1747 = arith.constant 28672 : i32
      %add3A_1748 = vector.broadcast %add3A_1747 : i32 to vector<16xi32>
      %add3A_1749 = arith.addi %get3A_1746, %add3A_1748 : vector<16xi32>
      tpu.vector_store_idx %arg5[%add3A_1749], %broadcast_in_dim3A_3 : memref<32768xf32, #tpu.memory_space<vmem>>[vector<16xi32>], vector<16xf32>,
      %get3A_1750 = arith.constant 960 : index
      %get3A_1751 = tpu.vector_load %arg8[%get3A_1750] {strides = array<i32>} : memref<1024xi32, #tpu.memory_space<vmem>>, vector<16xi32>,
      %add3A_1752 = arith.constant 28672 : i32
      %add3A_1753 = vector.broadcast %add3A_1752 : i32 to vector<16xi32>
      %add3A_1754 = arith.addi %get3A_1751, %add3A_1753 : vector<16xi32>
      tpu.vector_store_idx %arg5[%add3A_1754], %broadcast_in_dim3A_3 : memref<32768xf32, #tpu.memory_space<vmem>>[vector<16xi32>], vector<16xf32>,
      %get3A_1755 = arith.constant 976 : index
      %get3A_1756 = tpu.vector_load %arg8[%get3A_1755] {strides = array<i32>} : memref<1024xi32, #tpu.memory_space<vmem>>, vector<16xi32>,
      %add3A_1757 = arith.constant 28672 : i32
      %add3A_1758 = vector.broadcast %add3A_1757 : i32 to vector<16xi32>
      %add3A_1759 = arith.addi %get3A_1756, %add3A_1758 : vector<16xi32>
      tpu.vector_store_idx %arg5[%add3A_1759], %broadcast_in_dim3A_3 : memref<32768xf32, #tpu.memory_space<vmem>>[vector<16xi32>], vector<16xf32>,
      %get3A_1760 = arith.constant 992 : index
      %get3A_1761 = tpu.vector_load %arg8[%get3A_1760] {strides = array<i32>} : memref<1024xi32, #tpu.memory_space<vmem>>, vector<16xi32>,
      %add3A_1762 = arith.constant 28672 : i32
      %add3A_1763 = vector.broadcast %add3A_1762 : i32 to vector<16xi32>
      %add3A_1764 = arith.addi %get3A_1761, %add3A_1763 : vector<16xi32>
      tpu.vector_store_idx %arg5[%add3A_1764], %broadcast_in_dim3A_3 : memref<32768xf32, #tpu.memory_space<vmem>>[vector<16xi32>], vector<16xf32>,
      %get3A_1765 = arith.constant 1008 : index
      %get3A_1766 = tpu.vector_load %arg8[%get3A_1765] {strides = array<i32>} : memref<1024xi32, #tpu.memory_space<vmem>>, vector<16xi32>,
      %add3A_1767 = arith.constant 28672 : i32
      %add3A_1768 = vector.broadcast %add3A_1767 : i32 to vector<16xi32>
      %add3A_1769 = arith.addi %get3A_1766, %add3A_1768 : vector<16xi32>
      tpu.vector_store_idx %arg5[%add3A_1769], %broadcast_in_dim3A_3 : memref<32768xf32, #tpu.memory_space<vmem>>[vector<16xi32>], vector<16xf32>,
      %mul3A_1770 = arith.constant 8 : i32
      %mul3A_1771 = arith.muli %add3A_1417, %mul3A_1770 : i32
      %add3A_1772 = arith.addi %mul3A_2, %mul3A_1771 : i32
      %mul3A_1773 = arith.constant 4096 : i32
      %mul3A_1774 = arith.muli %add3A_1772, %mul3A_1773 : i32
      %dma_start3A_1775 = tpu.memref_slice %arg4[%mul3A_1774] : memref<67108864xf32, #tpu.memory_space<hbm>> -> memref<32768xf32, #tpu.memory_space<hbm>>
      %dma_start3A_1776 = tpu.memref_slice %arg4[%mul3A_1774] : memref<67108864xf32, #tpu.memory_space<hbm>> -> memref<32768xf32, #tpu.memory_space<hbm>>
      tpu.enqueue_dma source(%arg5 : memref<32768xf32, #tpu.memory_space<vmem>>) target(%dma_start3A_1776 : memref<32768xf32, #tpu.memory_space<hbm>>) target_semaphore(%arg17 : memref<!tpu.dma_semaphore, #tpu.memory_space<semaphore_mem>>)
      %add3A_1777 = arith.constant 1 : i32
      %add3A_1778 = arith.addi %mul3A_1415, %add3A_1777 : i32
      %sub3A_1779 = arith.constant 2 : i32
      %sub3A_1780 = arith.subi %add3A_1778, %sub3A_1779 : i32
      %mul3A_1781 = arith.constant 8 : i32
      %mul3A_1782 = arith.muli %sub3A_1780, %mul3A_1781 : i32
      %add3A_1783 = arith.addi %mul3A_2, %mul3A_1782 : i32
      %mul3A_1784 = arith.constant 4096 : i32
      %mul3A_1785 = arith.muli %add3A_1783, %mul3A_1784 : i32
      %dma_wait3A_1786 = tpu.memref_slice %arg4[%mul3A_1785] : memref<67108864xf32, #tpu.memory_space<hbm>> -> memref<32768xf32, #tpu.memory_space<hbm>>
      %dma_wait3A_1787 = tpu.memref_slice %arg4[%mul3A_1785] : memref<67108864xf32, #tpu.memory_space<hbm>> -> memref<32768xf32, #tpu.memory_space<hbm>>
      tpu.wait_dma2 semaphore(%arg19 : memref<!tpu.dma_semaphore, #tpu.memory_space<semaphore_mem>>) src(%arg7 : memref<32768xf32, #tpu.memory_space<vmem>>) dst(%dma_wait3A_1787 : memref<32768xf32, #tpu.memory_space<hbm>>)
      %add3A_1788 = arith.constant 1 : i32
      %add3A_1789 = arith.addi %add3A_1778, %add3A_1788 : i32
      %mul3A_1790 = arith.constant 8 : i32
      %mul3A_1791 = arith.muli %add3A_1789, %mul3A_1790 : i32
      %add3A_1792 = arith.addi %mul3A_2, %mul3A_1791 : i32
      %mul3A_1793 = arith.constant 4096 : i32
      %mul3A_1794 = arith.muli %add3A_1792, %mul3A_1793 : i32
      %mul3A_1795 = arith.constant 128 : i32
      %mul3A_1796 = arith.muli %add3A_1792, %mul3A_1795 : i32
      %dma_start3A_1797 = tpu.memref_slice %arg2[%mul3A_1794] : memref<67108864xf32, #tpu.memory_space<hbm>> -> memref<32768xf32, #tpu.memory_space<hbm>>
      %dma_start3A_1798 = tpu.memref_slice %arg2[%mul3A_1794] : memref<67108864xf32, #tpu.memory_space<hbm>> -> memref<32768xf32, #tpu.memory_space<hbm>>
      tpu.enqueue_dma source(%dma_start3A_1798 : memref<32768xf32, #tpu.memory_space<hbm>>) target(%arg7 : memref<32768xf32, #tpu.memory_space<vmem>>) target_semaphore(%arg13 : memref<!tpu.dma_semaphore, #tpu.memory_space<semaphore_mem>>)
      %dma_start3A_1799 = tpu.memref_slice %arg3[%mul3A_1796] : memref<2097152xi32, #tpu.memory_space<hbm>> -> memref<1024xi32, #tpu.memory_space<hbm>>
      %dma_start3A_1800 = tpu.memref_slice %arg3[%mul3A_1796] : memref<2097152xi32, #tpu.memory_space<hbm>> -> memref<1024xi32, #tpu.memory_space<hbm>>
      tpu.enqueue_dma source(%dma_start3A_1800 : memref<1024xi32, #tpu.memory_space<hbm>>) target(%arg10 : memref<1024xi32, #tpu.memory_space<vmem>>) target_semaphore(%arg16 : memref<!tpu.dma_semaphore, #tpu.memory_space<semaphore_mem>>)
      %mul3A_1801 = arith.constant 8 : i32
      %mul3A_1802 = arith.muli %add3A_1778, %mul3A_1801 : i32
      %add3A_1803 = arith.addi %mul3A_2, %mul3A_1802 : i32
      %mul3A_1804 = arith.constant 4096 : i32
      %mul3A_1805 = arith.muli %add3A_1803, %mul3A_1804 : i32
      %mul3A_1806 = arith.constant 128 : i32
      %mul3A_1807 = arith.muli %add3A_1803, %mul3A_1806 : i32
      %dma_wait3A_1808 = tpu.memref_slice %arg2[%mul3A_1805] : memref<67108864xf32, #tpu.memory_space<hbm>> -> memref<32768xf32, #tpu.memory_space<hbm>>
      %dma_wait3A_1809 = tpu.memref_slice %arg2[%mul3A_1805] : memref<67108864xf32, #tpu.memory_space<hbm>> -> memref<32768xf32, #tpu.memory_space<hbm>>
      tpu.wait_dma2 semaphore(%arg12 : memref<!tpu.dma_semaphore, #tpu.memory_space<semaphore_mem>>) src(%dma_wait3A_1809 : memref<32768xf32, #tpu.memory_space<hbm>>) dst(%arg6 : memref<32768xf32, #tpu.memory_space<vmem>>)
      %dma_wait3A_1810 = tpu.memref_slice %arg3[%mul3A_1807] : memref<2097152xi32, #tpu.memory_space<hbm>> -> memref<1024xi32, #tpu.memory_space<hbm>>
      %dma_wait3A_1811 = tpu.memref_slice %arg3[%mul3A_1807] : memref<2097152xi32, #tpu.memory_space<hbm>> -> memref<1024xi32, #tpu.memory_space<hbm>>
      tpu.wait_dma2 semaphore(%arg15 : memref<!tpu.dma_semaphore, #tpu.memory_space<semaphore_mem>>) src(%dma_wait3A_1811 : memref<1024xi32, #tpu.memory_space<hbm>>) dst(%arg9 : memref<1024xi32, #tpu.memory_space<vmem>>)
      %get3A_1812 = arith.constant 0 : index
      %get3A_1813 = tpu.vector_load %arg9[%get3A_1812] {strides = array<i32>} : memref<1024xi32, #tpu.memory_space<vmem>>, vector<16xi32>,
      %add3A_1814 = arith.constant 0 : i32
      %add3A_1815 = vector.broadcast %add3A_1814 : i32 to vector<16xi32>
      %add3A_1816 = arith.addi %get3A_1813, %add3A_1815 : vector<16xi32>
      tpu.vector_store_idx %arg6[%add3A_1816], %broadcast_in_dim3A_3 : memref<32768xf32, #tpu.memory_space<vmem>>[vector<16xi32>], vector<16xf32>,
      %get3A_1817 = arith.constant 16 : index
      %get3A_1818 = tpu.vector_load %arg9[%get3A_1817] {strides = array<i32>} : memref<1024xi32, #tpu.memory_space<vmem>>, vector<16xi32>,
      %add3A_1819 = arith.constant 0 : i32
      %add3A_1820 = vector.broadcast %add3A_1819 : i32 to vector<16xi32>
      %add3A_1821 = arith.addi %get3A_1818, %add3A_1820 : vector<16xi32>
      tpu.vector_store_idx %arg6[%add3A_1821], %broadcast_in_dim3A_3 : memref<32768xf32, #tpu.memory_space<vmem>>[vector<16xi32>], vector<16xf32>,
      %get3A_1822 = arith.constant 32 : index
      %get3A_1823 = tpu.vector_load %arg9[%get3A_1822] {strides = array<i32>} : memref<1024xi32, #tpu.memory_space<vmem>>, vector<16xi32>,
      %add3A_1824 = arith.constant 0 : i32
      %add3A_1825 = vector.broadcast %add3A_1824 : i32 to vector<16xi32>
      %add3A_1826 = arith.addi %get3A_1823, %add3A_1825 : vector<16xi32>
      tpu.vector_store_idx %arg6[%add3A_1826], %broadcast_in_dim3A_3 : memref<32768xf32, #tpu.memory_space<vmem>>[vector<16xi32>], vector<16xf32>,
      %get3A_1827 = arith.constant 48 : index
      %get3A_1828 = tpu.vector_load %arg9[%get3A_1827] {strides = array<i32>} : memref<1024xi32, #tpu.memory_space<vmem>>, vector<16xi32>,
      %add3A_1829 = arith.constant 0 : i32
      %add3A_1830 = vector.broadcast %add3A_1829 : i32 to vector<16xi32>
      %add3A_1831 = arith.addi %get3A_1828, %add3A_1830 : vector<16xi32>
      tpu.vector_store_idx %arg6[%add3A_1831], %broadcast_in_dim3A_3 : memref<32768xf32, #tpu.memory_space<vmem>>[vector<16xi32>], vector<16xf32>,
      %get3A_1832 = arith.constant 64 : index
      %get3A_1833 = tpu.vector_load %arg9[%get3A_1832] {strides = array<i32>} : memref<1024xi32, #tpu.memory_space<vmem>>, vector<16xi32>,
      %add3A_1834 = arith.constant 0 : i32
      %add3A_1835 = vector.broadcast %add3A_1834 : i32 to vector<16xi32>
      %add3A_1836 = arith.addi %get3A_1833, %add3A_1835 : vector<16xi32>
      tpu.vector_store_idx %arg6[%add3A_1836], %broadcast_in_dim3A_3 : memref<32768xf32, #tpu.memory_space<vmem>>[vector<16xi32>], vector<16xf32>,
      %get3A_1837 = arith.constant 80 : index
      %get3A_1838 = tpu.vector_load %arg9[%get3A_1837] {strides = array<i32>} : memref<1024xi32, #tpu.memory_space<vmem>>, vector<16xi32>,
      %add3A_1839 = arith.constant 0 : i32
      %add3A_1840 = vector.broadcast %add3A_1839 : i32 to vector<16xi32>
      %add3A_1841 = arith.addi %get3A_1838, %add3A_1840 : vector<16xi32>
      tpu.vector_store_idx %arg6[%add3A_1841], %broadcast_in_dim3A_3 : memref<32768xf32, #tpu.memory_space<vmem>>[vector<16xi32>], vector<16xf32>,
      %get3A_1842 = arith.constant 96 : index
      %get3A_1843 = tpu.vector_load %arg9[%get3A_1842] {strides = array<i32>} : memref<1024xi32, #tpu.memory_space<vmem>>, vector<16xi32>,
      %add3A_1844 = arith.constant 0 : i32
      %add3A_1845 = vector.broadcast %add3A_1844 : i32 to vector<16xi32>
      %add3A_1846 = arith.addi %get3A_1843, %add3A_1845 : vector<16xi32>
      tpu.vector_store_idx %arg6[%add3A_1846], %broadcast_in_dim3A_3 : memref<32768xf32, #tpu.memory_space<vmem>>[vector<16xi32>], vector<16xf32>,
      %get3A_1847 = arith.constant 112 : index
      %get3A_1848 = tpu.vector_load %arg9[%get3A_1847] {strides = array<i32>} : memref<1024xi32, #tpu.memory_space<vmem>>, vector<16xi32>,
      %add3A_1849 = arith.constant 0 : i32
      %add3A_1850 = vector.broadcast %add3A_1849 : i32 to vector<16xi32>
      %add3A_1851 = arith.addi %get3A_1848, %add3A_1850 : vector<16xi32>
      tpu.vector_store_idx %arg6[%add3A_1851], %broadcast_in_dim3A_3 : memref<32768xf32, #tpu.memory_space<vmem>>[vector<16xi32>], vector<16xf32>,
      %get3A_1852 = arith.constant 128 : index
      %get3A_1853 = tpu.vector_load %arg9[%get3A_1852] {strides = array<i32>} : memref<1024xi32, #tpu.memory_space<vmem>>, vector<16xi32>,
      %add3A_1854 = arith.constant 4096 : i32
      %add3A_1855 = vector.broadcast %add3A_1854 : i32 to vector<16xi32>
      %add3A_1856 = arith.addi %get3A_1853, %add3A_1855 : vector<16xi32>
      tpu.vector_store_idx %arg6[%add3A_1856], %broadcast_in_dim3A_3 : memref<32768xf32, #tpu.memory_space<vmem>>[vector<16xi32>], vector<16xf32>,
      %get3A_1857 = arith.constant 144 : index
      %get3A_1858 = tpu.vector_load %arg9[%get3A_1857] {strides = array<i32>} : memref<1024xi32, #tpu.memory_space<vmem>>, vector<16xi32>,
      %add3A_1859 = arith.constant 4096 : i32
      %add3A_1860 = vector.broadcast %add3A_1859 : i32 to vector<16xi32>
      %add3A_1861 = arith.addi %get3A_1858, %add3A_1860 : vector<16xi32>
      tpu.vector_store_idx %arg6[%add3A_1861], %broadcast_in_dim3A_3 : memref<32768xf32, #tpu.memory_space<vmem>>[vector<16xi32>], vector<16xf32>,
      %get3A_1862 = arith.constant 160 : index
      %get3A_1863 = tpu.vector_load %arg9[%get3A_1862] {strides = array<i32>} : memref<1024xi32, #tpu.memory_space<vmem>>, vector<16xi32>,
      %add3A_1864 = arith.constant 4096 : i32
      %add3A_1865 = vector.broadcast %add3A_1864 : i32 to vector<16xi32>
      %add3A_1866 = arith.addi %get3A_1863, %add3A_1865 : vector<16xi32>
      tpu.vector_store_idx %arg6[%add3A_1866], %broadcast_in_dim3A_3 : memref<32768xf32, #tpu.memory_space<vmem>>[vector<16xi32>], vector<16xf32>,
      %get3A_1867 = arith.constant 176 : index
      %get3A_1868 = tpu.vector_load %arg9[%get3A_1867] {strides = array<i32>} : memref<1024xi32, #tpu.memory_space<vmem>>, vector<16xi32>,
      %add3A_1869 = arith.constant 4096 : i32
      %add3A_1870 = vector.broadcast %add3A_1869 : i32 to vector<16xi32>
      %add3A_1871 = arith.addi %get3A_1868, %add3A_1870 : vector<16xi32>
      tpu.vector_store_idx %arg6[%add3A_1871], %broadcast_in_dim3A_3 : memref<32768xf32, #tpu.memory_space<vmem>>[vector<16xi32>], vector<16xf32>,
      %get3A_1872 = arith.constant 192 : index
      %get3A_1873 = tpu.vector_load %arg9[%get3A_1872] {strides = array<i32>} : memref<1024xi32, #tpu.memory_space<vmem>>, vector<16xi32>,
      %add3A_1874 = arith.constant 4096 : i32
      %add3A_1875 = vector.broadcast %add3A_1874 : i32 to vector<16xi32>
      %add3A_1876 = arith.addi %get3A_1873, %add3A_1875 : vector<16xi32>
      tpu.vector_store_idx %arg6[%add3A_1876], %broadcast_in_dim3A_3 : memref<32768xf32, #tpu.memory_space<vmem>>[vector<16xi32>], vector<16xf32>,
      %get3A_1877 = arith.constant 208 : index
      %get3A_1878 = tpu.vector_load %arg9[%get3A_1877] {strides = array<i32>} : memref<1024xi32, #tpu.memory_space<vmem>>, vector<16xi32>,
      %add3A_1879 = arith.constant 4096 : i32
      %add3A_1880 = vector.broadcast %add3A_1879 : i32 to vector<16xi32>
      %add3A_1881 = arith.addi %get3A_1878, %add3A_1880 : vector<16xi32>
      tpu.vector_store_idx %arg6[%add3A_1881], %broadcast_in_dim3A_3 : memref<32768xf32, #tpu.memory_space<vmem>>[vector<16xi32>], vector<16xf32>,
      %get3A_1882 = arith.constant 224 : index
      %get3A_1883 = tpu.vector_load %arg9[%get3A_1882] {strides = array<i32>} : memref<1024xi32, #tpu.memory_space<vmem>>, vector<16xi32>,
      %add3A_1884 = arith.constant 4096 : i32
      %add3A_1885 = vector.broadcast %add3A_1884 : i32 to vector<16xi32>
      %add3A_1886 = arith.addi %get3A_1883, %add3A_1885 : vector<16xi32>
      tpu.vector_store_idx %arg6[%add3A_1886], %broadcast_in_dim3A_3 : memref<32768xf32, #tpu.memory_space<vmem>>[vector<16xi32>], vector<16xf32>,
      %get3A_1887 = arith.constant 240 : index
      %get3A_1888 = tpu.vector_load %arg9[%get3A_1887] {strides = array<i32>} : memref<1024xi32, #tpu.memory_space<vmem>>, vector<16xi32>,
      %add3A_1889 = arith.constant 4096 : i32
      %add3A_1890 = vector.broadcast %add3A_1889 : i32 to vector<16xi32>
      %add3A_1891 = arith.addi %get3A_1888, %add3A_1890 : vector<16xi32>
      tpu.vector_store_idx %arg6[%add3A_1891], %broadcast_in_dim3A_3 : memref<32768xf32, #tpu.memory_space<vmem>>[vector<16xi32>], vector<16xf32>,
      %get3A_1892 = arith.constant 256 : index
      %get3A_1893 = tpu.vector_load %arg9[%get3A_1892] {strides = array<i32>} : memref<1024xi32, #tpu.memory_space<vmem>>, vector<16xi32>,
      %add3A_1894 = arith.constant 8192 : i32
      %add3A_1895 = vector.broadcast %add3A_1894 : i32 to vector<16xi32>
      %add3A_1896 = arith.addi %get3A_1893, %add3A_1895 : vector<16xi32>
      tpu.vector_store_idx %arg6[%add3A_1896], %broadcast_in_dim3A_3 : memref<32768xf32, #tpu.memory_space<vmem>>[vector<16xi32>], vector<16xf32>,
      %get3A_1897 = arith.constant 272 : index
      %get3A_1898 = tpu.vector_load %arg9[%get3A_1897] {strides = array<i32>} : memref<1024xi32, #tpu.memory_space<vmem>>, vector<16xi32>,
      %add3A_1899 = arith.constant 8192 : i32
      %add3A_1900 = vector.broadcast %add3A_1899 : i32 to vector<16xi32>
      %add3A_1901 = arith.addi %get3A_1898, %add3A_1900 : vector<16xi32>
      tpu.vector_store_idx %arg6[%add3A_1901], %broadcast_in_dim3A_3 : memref<32768xf32, #tpu.memory_space<vmem>>[vector<16xi32>], vector<16xf32>,
      %get3A_1902 = arith.constant 288 : index
      %get3A_1903 = tpu.vector_load %arg9[%get3A_1902] {strides = array<i32>} : memref<1024xi32, #tpu.memory_space<vmem>>, vector<16xi32>,
      %add3A_1904 = arith.constant 8192 : i32
      %add3A_1905 = vector.broadcast %add3A_1904 : i32 to vector<16xi32>
      %add3A_1906 = arith.addi %get3A_1903, %add3A_1905 : vector<16xi32>
      tpu.vector_store_idx %arg6[%add3A_1906], %broadcast_in_dim3A_3 : memref<32768xf32, #tpu.memory_space<vmem>>[vector<16xi32>], vector<16xf32>,
      %get3A_1907 = arith.constant 304 : index
      %get3A_1908 = tpu.vector_load %arg9[%get3A_1907] {strides = array<i32>} : memref<1024xi32, #tpu.memory_space<vmem>>, vector<16xi32>,
      %add3A_1909 = arith.constant 8192 : i32
      %add3A_1910 = vector.broadcast %add3A_1909 : i32 to vector<16xi32>
      %add3A_1911 = arith.addi %get3A_1908, %add3A_1910 : vector<16xi32>
      tpu.vector_store_idx %arg6[%add3A_1911], %broadcast_in_dim3A_3 : memref<32768xf32, #tpu.memory_space<vmem>>[vector<16xi32>], vector<16xf32>,
      %get3A_1912 = arith.constant 320 : index
      %get3A_1913 = tpu.vector_load %arg9[%get3A_1912] {strides = array<i32>} : memref<1024xi32, #tpu.memory_space<vmem>>, vector<16xi32>,
      %add3A_1914 = arith.constant 8192 : i32
      %add3A_1915 = vector.broadcast %add3A_1914 : i32 to vector<16xi32>
      %add3A_1916 = arith.addi %get3A_1913, %add3A_1915 : vector<16xi32>
      tpu.vector_store_idx %arg6[%add3A_1916], %broadcast_in_dim3A_3 : memref<32768xf32, #tpu.memory_space<vmem>>[vector<16xi32>], vector<16xf32>,
      %get3A_1917 = arith.constant 336 : index
      %get3A_1918 = tpu.vector_load %arg9[%get3A_1917] {strides = array<i32>} : memref<1024xi32, #tpu.memory_space<vmem>>, vector<16xi32>,
      %add3A_1919 = arith.constant 8192 : i32
      %add3A_1920 = vector.broadcast %add3A_1919 : i32 to vector<16xi32>
      %add3A_1921 = arith.addi %get3A_1918, %add3A_1920 : vector<16xi32>
      tpu.vector_store_idx %arg6[%add3A_1921], %broadcast_in_dim3A_3 : memref<32768xf32, #tpu.memory_space<vmem>>[vector<16xi32>], vector<16xf32>,
      %get3A_1922 = arith.constant 352 : index
      %get3A_1923 = tpu.vector_load %arg9[%get3A_1922] {strides = array<i32>} : memref<1024xi32, #tpu.memory_space<vmem>>, vector<16xi32>,
      %add3A_1924 = arith.constant 8192 : i32
      %add3A_1925 = vector.broadcast %add3A_1924 : i32 to vector<16xi32>
      %add3A_1926 = arith.addi %get3A_1923, %add3A_1925 : vector<16xi32>
      tpu.vector_store_idx %arg6[%add3A_1926], %broadcast_in_dim3A_3 : memref<32768xf32, #tpu.memory_space<vmem>>[vector<16xi32>], vector<16xf32>,
      %get3A_1927 = arith.constant 368 : index
      %get3A_1928 = tpu.vector_load %arg9[%get3A_1927] {strides = array<i32>} : memref<1024xi32, #tpu.memory_space<vmem>>, vector<16xi32>,
      %add3A_1929 = arith.constant 8192 : i32
      %add3A_1930 = vector.broadcast %add3A_1929 : i32 to vector<16xi32>
      %add3A_1931 = arith.addi %get3A_1928, %add3A_1930 : vector<16xi32>
      tpu.vector_store_idx %arg6[%add3A_1931], %broadcast_in_dim3A_3 : memref<32768xf32, #tpu.memory_space<vmem>>[vector<16xi32>], vector<16xf32>,
      %get3A_1932 = arith.constant 384 : index
      %get3A_1933 = tpu.vector_load %arg9[%get3A_1932] {strides = array<i32>} : memref<1024xi32, #tpu.memory_space<vmem>>, vector<16xi32>,
      %add3A_1934 = arith.constant 12288 : i32
      %add3A_1935 = vector.broadcast %add3A_1934 : i32 to vector<16xi32>
      %add3A_1936 = arith.addi %get3A_1933, %add3A_1935 : vector<16xi32>
      tpu.vector_store_idx %arg6[%add3A_1936], %broadcast_in_dim3A_3 : memref<32768xf32, #tpu.memory_space<vmem>>[vector<16xi32>], vector<16xf32>,
      %get3A_1937 = arith.constant 400 : index
      %get3A_1938 = tpu.vector_load %arg9[%get3A_1937] {strides = array<i32>} : memref<1024xi32, #tpu.memory_space<vmem>>, vector<16xi32>,
      %add3A_1939 = arith.constant 12288 : i32
      %add3A_1940 = vector.broadcast %add3A_1939 : i32 to vector<16xi32>
      %add3A_1941 = arith.addi %get3A_1938, %add3A_1940 : vector<16xi32>
      tpu.vector_store_idx %arg6[%add3A_1941], %broadcast_in_dim3A_3 : memref<32768xf32, #tpu.memory_space<vmem>>[vector<16xi32>], vector<16xf32>,
      %get3A_1942 = arith.constant 416 : index
      %get3A_1943 = tpu.vector_load %arg9[%get3A_1942] {strides = array<i32>} : memref<1024xi32, #tpu.memory_space<vmem>>, vector<16xi32>,
      %add3A_1944 = arith.constant 12288 : i32
      %add3A_1945 = vector.broadcast %add3A_1944 : i32 to vector<16xi32>
      %add3A_1946 = arith.addi %get3A_1943, %add3A_1945 : vector<16xi32>
      tpu.vector_store_idx %arg6[%add3A_1946], %broadcast_in_dim3A_3 : memref<32768xf32, #tpu.memory_space<vmem>>[vector<16xi32>], vector<16xf32>,
      %get3A_1947 = arith.constant 432 : index
      %get3A_1948 = tpu.vector_load %arg9[%get3A_1947] {strides = array<i32>} : memref<1024xi32, #tpu.memory_space<vmem>>, vector<16xi32>,
      %add3A_1949 = arith.constant 12288 : i32
      %add3A_1950 = vector.broadcast %add3A_1949 : i32 to vector<16xi32>
      %add3A_1951 = arith.addi %get3A_1948, %add3A_1950 : vector<16xi32>
      tpu.vector_store_idx %arg6[%add3A_1951], %broadcast_in_dim3A_3 : memref<32768xf32, #tpu.memory_space<vmem>>[vector<16xi32>], vector<16xf32>,
      %get3A_1952 = arith.constant 448 : index
      %get3A_1953 = tpu.vector_load %arg9[%get3A_1952] {strides = array<i32>} : memref<1024xi32, #tpu.memory_space<vmem>>, vector<16xi32>,
      %add3A_1954 = arith.constant 12288 : i32
      %add3A_1955 = vector.broadcast %add3A_1954 : i32 to vector<16xi32>
      %add3A_1956 = arith.addi %get3A_1953, %add3A_1955 : vector<16xi32>
      tpu.vector_store_idx %arg6[%add3A_1956], %broadcast_in_dim3A_3 : memref<32768xf32, #tpu.memory_space<vmem>>[vector<16xi32>], vector<16xf32>,
      %get3A_1957 = arith.constant 464 : index
      %get3A_1958 = tpu.vector_load %arg9[%get3A_1957] {strides = array<i32>} : memref<1024xi32, #tpu.memory_space<vmem>>, vector<16xi32>,
      %add3A_1959 = arith.constant 12288 : i32
      %add3A_1960 = vector.broadcast %add3A_1959 : i32 to vector<16xi32>
      %add3A_1961 = arith.addi %get3A_1958, %add3A_1960 : vector<16xi32>
      tpu.vector_store_idx %arg6[%add3A_1961], %broadcast_in_dim3A_3 : memref<32768xf32, #tpu.memory_space<vmem>>[vector<16xi32>], vector<16xf32>,
      %get3A_1962 = arith.constant 480 : index
      %get3A_1963 = tpu.vector_load %arg9[%get3A_1962] {strides = array<i32>} : memref<1024xi32, #tpu.memory_space<vmem>>, vector<16xi32>,
      %add3A_1964 = arith.constant 12288 : i32
      %add3A_1965 = vector.broadcast %add3A_1964 : i32 to vector<16xi32>
      %add3A_1966 = arith.addi %get3A_1963, %add3A_1965 : vector<16xi32>
      tpu.vector_store_idx %arg6[%add3A_1966], %broadcast_in_dim3A_3 : memref<32768xf32, #tpu.memory_space<vmem>>[vector<16xi32>], vector<16xf32>,
      %get3A_1967 = arith.constant 496 : index
      %get3A_1968 = tpu.vector_load %arg9[%get3A_1967] {strides = array<i32>} : memref<1024xi32, #tpu.memory_space<vmem>>, vector<16xi32>,
      %add3A_1969 = arith.constant 12288 : i32
      %add3A_1970 = vector.broadcast %add3A_1969 : i32 to vector<16xi32>
      %add3A_1971 = arith.addi %get3A_1968, %add3A_1970 : vector<16xi32>
      tpu.vector_store_idx %arg6[%add3A_1971], %broadcast_in_dim3A_3 : memref<32768xf32, #tpu.memory_space<vmem>>[vector<16xi32>], vector<16xf32>,
      %get3A_1972 = arith.constant 512 : index
      %get3A_1973 = tpu.vector_load %arg9[%get3A_1972] {strides = array<i32>} : memref<1024xi32, #tpu.memory_space<vmem>>, vector<16xi32>,
      %add3A_1974 = arith.constant 16384 : i32
      %add3A_1975 = vector.broadcast %add3A_1974 : i32 to vector<16xi32>
      %add3A_1976 = arith.addi %get3A_1973, %add3A_1975 : vector<16xi32>
      tpu.vector_store_idx %arg6[%add3A_1976], %broadcast_in_dim3A_3 : memref<32768xf32, #tpu.memory_space<vmem>>[vector<16xi32>], vector<16xf32>,
      %get3A_1977 = arith.constant 528 : index
      %get3A_1978 = tpu.vector_load %arg9[%get3A_1977] {strides = array<i32>} : memref<1024xi32, #tpu.memory_space<vmem>>, vector<16xi32>,
      %add3A_1979 = arith.constant 16384 : i32
      %add3A_1980 = vector.broadcast %add3A_1979 : i32 to vector<16xi32>
      %add3A_1981 = arith.addi %get3A_1978, %add3A_1980 : vector<16xi32>
      tpu.vector_store_idx %arg6[%add3A_1981], %broadcast_in_dim3A_3 : memref<32768xf32, #tpu.memory_space<vmem>>[vector<16xi32>], vector<16xf32>,
      %get3A_1982 = arith.constant 544 : index
      %get3A_1983 = tpu.vector_load %arg9[%get3A_1982] {strides = array<i32>} : memref<1024xi32, #tpu.memory_space<vmem>>, vector<16xi32>,
      %add3A_1984 = arith.constant 16384 : i32
      %add3A_1985 = vector.broadcast %add3A_1984 : i32 to vector<16xi32>
      %add3A_1986 = arith.addi %get3A_1983, %add3A_1985 : vector<16xi32>
      tpu.vector_store_idx %arg6[%add3A_1986], %broadcast_in_dim3A_3 : memref<32768xf32, #tpu.memory_space<vmem>>[vector<16xi32>], vector<16xf32>,
      %get3A_1987 = arith.constant 560 : index
      %get3A_1988 = tpu.vector_load %arg9[%get3A_1987] {strides = array<i32>} : memref<1024xi32, #tpu.memory_space<vmem>>, vector<16xi32>,
      %add3A_1989 = arith.constant 16384 : i32
      %add3A_1990 = vector.broadcast %add3A_1989 : i32 to vector<16xi32>
      %add3A_1991 = arith.addi %get3A_1988, %add3A_1990 : vector<16xi32>
      tpu.vector_store_idx %arg6[%add3A_1991], %broadcast_in_dim3A_3 : memref<32768xf32, #tpu.memory_space<vmem>>[vector<16xi32>], vector<16xf32>,
      %get3A_1992 = arith.constant 576 : index
      %get3A_1993 = tpu.vector_load %arg9[%get3A_1992] {strides = array<i32>} : memref<1024xi32, #tpu.memory_space<vmem>>, vector<16xi32>,
      %add3A_1994 = arith.constant 16384 : i32
      %add3A_1995 = vector.broadcast %add3A_1994 : i32 to vector<16xi32>
      %add3A_1996 = arith.addi %get3A_1993, %add3A_1995 : vector<16xi32>
      tpu.vector_store_idx %arg6[%add3A_1996], %broadcast_in_dim3A_3 : memref<32768xf32, #tpu.memory_space<vmem>>[vector<16xi32>], vector<16xf32>,
      %get3A_1997 = arith.constant 592 : index
      %get3A_1998 = tpu.vector_load %arg9[%get3A_1997] {strides = array<i32>} : memref<1024xi32, #tpu.memory_space<vmem>>, vector<16xi32>,
      %add3A_1999 = arith.constant 16384 : i32
      %add3A_2000 = vector.broadcast %add3A_1999 : i32 to vector<16xi32>
      %add3A_2001 = arith.addi %get3A_1998, %add3A_2000 : vector<16xi32>
      tpu.vector_store_idx %arg6[%add3A_2001], %broadcast_in_dim3A_3 : memref<32768xf32, #tpu.memory_space<vmem>>[vector<16xi32>], vector<16xf32>,
      %get3A_2002 = arith.constant 608 : index
      %get3A_2003 = tpu.vector_load %arg9[%get3A_2002] {strides = array<i32>} : memref<1024xi32, #tpu.memory_space<vmem>>, vector<16xi32>,
      %add3A_2004 = arith.constant 16384 : i32
      %add3A_2005 = vector.broadcast %add3A_2004 : i32 to vector<16xi32>
      %add3A_2006 = arith.addi %get3A_2003, %add3A_2005 : vector<16xi32>
      tpu.vector_store_idx %arg6[%add3A_2006], %broadcast_in_dim3A_3 : memref<32768xf32, #tpu.memory_space<vmem>>[vector<16xi32>], vector<16xf32>,
      %get3A_2007 = arith.constant 624 : index
      %get3A_2008 = tpu.vector_load %arg9[%get3A_2007] {strides = array<i32>} : memref<1024xi32, #tpu.memory_space<vmem>>, vector<16xi32>,
      %add3A_2009 = arith.constant 16384 : i32
      %add3A_2010 = vector.broadcast %add3A_2009 : i32 to vector<16xi32>
      %add3A_2011 = arith.addi %get3A_2008, %add3A_2010 : vector<16xi32>
      tpu.vector_store_idx %arg6[%add3A_2011], %broadcast_in_dim3A_3 : memref<32768xf32, #tpu.memory_space<vmem>>[vector<16xi32>], vector<16xf32>,
      %get3A_2012 = arith.constant 640 : index
      %get3A_2013 = tpu.vector_load %arg9[%get3A_2012] {strides = array<i32>} : memref<1024xi32, #tpu.memory_space<vmem>>, vector<16xi32>,
      %add3A_2014 = arith.constant 20480 : i32
      %add3A_2015 = vector.broadcast %add3A_2014 : i32 to vector<16xi32>
      %add3A_2016 = arith.addi %get3A_2013, %add3A_2015 : vector<16xi32>
      tpu.vector_store_idx %arg6[%add3A_2016], %broadcast_in_dim3A_3 : memref<32768xf32, #tpu.memory_space<vmem>>[vector<16xi32>], vector<16xf32>,
      %get3A_2017 = arith.constant 656 : index
      %get3A_2018 = tpu.vector_load %arg9[%get3A_2017] {strides = array<i32>} : memref<1024xi32, #tpu.memory_space<vmem>>, vector<16xi32>,
      %add3A_2019 = arith.constant 20480 : i32
      %add3A_2020 = vector.broadcast %add3A_2019 : i32 to vector<16xi32>
      %add3A_2021 = arith.addi %get3A_2018, %add3A_2020 : vector<16xi32>
      tpu.vector_store_idx %arg6[%add3A_2021], %broadcast_in_dim3A_3 : memref<32768xf32, #tpu.memory_space<vmem>>[vector<16xi32>], vector<16xf32>,
      %get3A_2022 = arith.constant 672 : index
      %get3A_2023 = tpu.vector_load %arg9[%get3A_2022] {strides = array<i32>} : memref<1024xi32, #tpu.memory_space<vmem>>, vector<16xi32>,
      %add3A_2024 = arith.constant 20480 : i32
      %add3A_2025 = vector.broadcast %add3A_2024 : i32 to vector<16xi32>
      %add3A_2026 = arith.addi %get3A_2023, %add3A_2025 : vector<16xi32>
      tpu.vector_store_idx %arg6[%add3A_2026], %broadcast_in_dim3A_3 : memref<32768xf32, #tpu.memory_space<vmem>>[vector<16xi32>], vector<16xf32>,
      %get3A_2027 = arith.constant 688 : index
      %get3A_2028 = tpu.vector_load %arg9[%get3A_2027] {strides = array<i32>} : memref<1024xi32, #tpu.memory_space<vmem>>, vector<16xi32>,
      %add3A_2029 = arith.constant 20480 : i32
      %add3A_2030 = vector.broadcast %add3A_2029 : i32 to vector<16xi32>
      %add3A_2031 = arith.addi %get3A_2028, %add3A_2030 : vector<16xi32>
      tpu.vector_store_idx %arg6[%add3A_2031], %broadcast_in_dim3A_3 : memref<32768xf32, #tpu.memory_space<vmem>>[vector<16xi32>], vector<16xf32>,
      %get3A_2032 = arith.constant 704 : index
      %get3A_2033 = tpu.vector_load %arg9[%get3A_2032] {strides = array<i32>} : memref<1024xi32, #tpu.memory_space<vmem>>, vector<16xi32>,
      %add3A_2034 = arith.constant 20480 : i32
      %add3A_2035 = vector.broadcast %add3A_2034 : i32 to vector<16xi32>
      %add3A_2036 = arith.addi %get3A_2033, %add3A_2035 : vector<16xi32>
      tpu.vector_store_idx %arg6[%add3A_2036], %broadcast_in_dim3A_3 : memref<32768xf32, #tpu.memory_space<vmem>>[vector<16xi32>], vector<16xf32>,
      %get3A_2037 = arith.constant 720 : index
      %get3A_2038 = tpu.vector_load %arg9[%get3A_2037] {strides = array<i32>} : memref<1024xi32, #tpu.memory_space<vmem>>, vector<16xi32>,
      %add3A_2039 = arith.constant 20480 : i32
      %add3A_2040 = vector.broadcast %add3A_2039 : i32 to vector<16xi32>
      %add3A_2041 = arith.addi %get3A_2038, %add3A_2040 : vector<16xi32>
      tpu.vector_store_idx %arg6[%add3A_2041], %broadcast_in_dim3A_3 : memref<32768xf32, #tpu.memory_space<vmem>>[vector<16xi32>], vector<16xf32>,
      %get3A_2042 = arith.constant 736 : index
      %get3A_2043 = tpu.vector_load %arg9[%get3A_2042] {strides = array<i32>} : memref<1024xi32, #tpu.memory_space<vmem>>, vector<16xi32>,
      %add3A_2044 = arith.constant 20480 : i32
      %add3A_2045 = vector.broadcast %add3A_2044 : i32 to vector<16xi32>
      %add3A_2046 = arith.addi %get3A_2043, %add3A_2045 : vector<16xi32>
      tpu.vector_store_idx %arg6[%add3A_2046], %broadcast_in_dim3A_3 : memref<32768xf32, #tpu.memory_space<vmem>>[vector<16xi32>], vector<16xf32>,
      %get3A_2047 = arith.constant 752 : index
      %get3A_2048 = tpu.vector_load %arg9[%get3A_2047] {strides = array<i32>} : memref<1024xi32, #tpu.memory_space<vmem>>, vector<16xi32>,
      %add3A_2049 = arith.constant 20480 : i32
      %add3A_2050 = vector.broadcast %add3A_2049 : i32 to vector<16xi32>
      %add3A_2051 = arith.addi %get3A_2048, %add3A_2050 : vector<16xi32>
      tpu.vector_store_idx %arg6[%add3A_2051], %broadcast_in_dim3A_3 : memref<32768xf32, #tpu.memory_space<vmem>>[vector<16xi32>], vector<16xf32>,
      %get3A_2052 = arith.constant 768 : index
      %get3A_2053 = tpu.vector_load %arg9[%get3A_2052] {strides = array<i32>} : memref<1024xi32, #tpu.memory_space<vmem>>, vector<16xi32>,
      %add3A_2054 = arith.constant 24576 : i32
      %add3A_2055 = vector.broadcast %add3A_2054 : i32 to vector<16xi32>
      %add3A_2056 = arith.addi %get3A_2053, %add3A_2055 : vector<16xi32>
      tpu.vector_store_idx %arg6[%add3A_2056], %broadcast_in_dim3A_3 : memref<32768xf32, #tpu.memory_space<vmem>>[vector<16xi32>], vector<16xf32>,
      %get3A_2057 = arith.constant 784 : index
      %get3A_2058 = tpu.vector_load %arg9[%get3A_2057] {strides = array<i32>} : memref<1024xi32, #tpu.memory_space<vmem>>, vector<16xi32>,
      %add3A_2059 = arith.constant 24576 : i32
      %add3A_2060 = vector.broadcast %add3A_2059 : i32 to vector<16xi32>
      %add3A_2061 = arith.addi %get3A_2058, %add3A_2060 : vector<16xi32>
      tpu.vector_store_idx %arg6[%add3A_2061], %broadcast_in_dim3A_3 : memref<32768xf32, #tpu.memory_space<vmem>>[vector<16xi32>], vector<16xf32>,
      %get3A_2062 = arith.constant 800 : index
      %get3A_2063 = tpu.vector_load %arg9[%get3A_2062] {strides = array<i32>} : memref<1024xi32, #tpu.memory_space<vmem>>, vector<16xi32>,
      %add3A_2064 = arith.constant 24576 : i32
      %add3A_2065 = vector.broadcast %add3A_2064 : i32 to vector<16xi32>
      %add3A_2066 = arith.addi %get3A_2063, %add3A_2065 : vector<16xi32>
      tpu.vector_store_idx %arg6[%add3A_2066], %broadcast_in_dim3A_3 : memref<32768xf32, #tpu.memory_space<vmem>>[vector<16xi32>], vector<16xf32>,
      %get3A_2067 = arith.constant 816 : index
      %get3A_2068 = tpu.vector_load %arg9[%get3A_2067] {strides = array<i32>} : memref<1024xi32, #tpu.memory_space<vmem>>, vector<16xi32>,
      %add3A_2069 = arith.constant 24576 : i32
      %add3A_2070 = vector.broadcast %add3A_2069 : i32 to vector<16xi32>
      %add3A_2071 = arith.addi %get3A_2068, %add3A_2070 : vector<16xi32>
      tpu.vector_store_idx %arg6[%add3A_2071], %broadcast_in_dim3A_3 : memref<32768xf32, #tpu.memory_space<vmem>>[vector<16xi32>], vector<16xf32>,
      %get3A_2072 = arith.constant 832 : index
      %get3A_2073 = tpu.vector_load %arg9[%get3A_2072] {strides = array<i32>} : memref<1024xi32, #tpu.memory_space<vmem>>, vector<16xi32>,
      %add3A_2074 = arith.constant 24576 : i32
      %add3A_2075 = vector.broadcast %add3A_2074 : i32 to vector<16xi32>
      %add3A_2076 = arith.addi %get3A_2073, %add3A_2075 : vector<16xi32>
      tpu.vector_store_idx %arg6[%add3A_2076], %broadcast_in_dim3A_3 : memref<32768xf32, #tpu.memory_space<vmem>>[vector<16xi32>], vector<16xf32>,
      %get3A_2077 = arith.constant 848 : index
      %get3A_2078 = tpu.vector_load %arg9[%get3A_2077] {strides = array<i32>} : memref<1024xi32, #tpu.memory_space<vmem>>, vector<16xi32>,
      %add3A_2079 = arith.constant 24576 : i32
      %add3A_2080 = vector.broadcast %add3A_2079 : i32 to vector<16xi32>
      %add3A_2081 = arith.addi %get3A_2078, %add3A_2080 : vector<16xi32>
      tpu.vector_store_idx %arg6[%add3A_2081], %broadcast_in_dim3A_3 : memref<32768xf32, #tpu.memory_space<vmem>>[vector<16xi32>], vector<16xf32>,
      %get3A_2082 = arith.constant 864 : index
      %get3A_2083 = tpu.vector_load %arg9[%get3A_2082] {strides = array<i32>} : memref<1024xi32, #tpu.memory_space<vmem>>, vector<16xi32>,
      %add3A_2084 = arith.constant 24576 : i32
      %add3A_2085 = vector.broadcast %add3A_2084 : i32 to vector<16xi32>
      %add3A_2086 = arith.addi %get3A_2083, %add3A_2085 : vector<16xi32>
      tpu.vector_store_idx %arg6[%add3A_2086], %broadcast_in_dim3A_3 : memref<32768xf32, #tpu.memory_space<vmem>>[vector<16xi32>], vector<16xf32>,
      %get3A_2087 = arith.constant 880 : index
      %get3A_2088 = tpu.vector_load %arg9[%get3A_2087] {strides = array<i32>} : memref<1024xi32, #tpu.memory_space<vmem>>, vector<16xi32>,
      %add3A_2089 = arith.constant 24576 : i32
      %add3A_2090 = vector.broadcast %add3A_2089 : i32 to vector<16xi32>
      %add3A_2091 = arith.addi %get3A_2088, %add3A_2090 : vector<16xi32>
      tpu.vector_store_idx %arg6[%add3A_2091], %broadcast_in_dim3A_3 : memref<32768xf32, #tpu.memory_space<vmem>>[vector<16xi32>], vector<16xf32>,
      %get3A_2092 = arith.constant 896 : index
      %get3A_2093 = tpu.vector_load %arg9[%get3A_2092] {strides = array<i32>} : memref<1024xi32, #tpu.memory_space<vmem>>, vector<16xi32>,
      %add3A_2094 = arith.constant 28672 : i32
      %add3A_2095 = vector.broadcast %add3A_2094 : i32 to vector<16xi32>
      %add3A_2096 = arith.addi %get3A_2093, %add3A_2095 : vector<16xi32>
      tpu.vector_store_idx %arg6[%add3A_2096], %broadcast_in_dim3A_3 : memref<32768xf32, #tpu.memory_space<vmem>>[vector<16xi32>], vector<16xf32>,
      %get3A_2097 = arith.constant 912 : index
      %get3A_2098 = tpu.vector_load %arg9[%get3A_2097] {strides = array<i32>} : memref<1024xi32, #tpu.memory_space<vmem>>, vector<16xi32>,
      %add3A_2099 = arith.constant 28672 : i32
      %add3A_2100 = vector.broadcast %add3A_2099 : i32 to vector<16xi32>
      %add3A_2101 = arith.addi %get3A_2098, %add3A_2100 : vector<16xi32>
      tpu.vector_store_idx %arg6[%add3A_2101], %broadcast_in_dim3A_3 : memref<32768xf32, #tpu.memory_space<vmem>>[vector<16xi32>], vector<16xf32>,
      %get3A_2102 = arith.constant 928 : index
      %get3A_2103 = tpu.vector_load %arg9[%get3A_2102] {strides = array<i32>} : memref<1024xi32, #tpu.memory_space<vmem>>, vector<16xi32>,
      %add3A_2104 = arith.constant 28672 : i32
      %add3A_2105 = vector.broadcast %add3A_2104 : i32 to vector<16xi32>
      %add3A_2106 = arith.addi %get3A_2103, %add3A_2105 : vector<16xi32>
      tpu.vector_store_idx %arg6[%add3A_2106], %broadcast_in_dim3A_3 : memref<32768xf32, #tpu.memory_space<vmem>>[vector<16xi32>], vector<16xf32>,
      %get3A_2107 = arith.constant 944 : index
      %get3A_2108 = tpu.vector_load %arg9[%get3A_2107] {strides = array<i32>} : memref<1024xi32, #tpu.memory_space<vmem>>, vector<16xi32>,
      %add3A_2109 = arith.constant 28672 : i32
      %add3A_2110 = vector.broadcast %add3A_2109 : i32 to vector<16xi32>
      %add3A_2111 = arith.addi %get3A_2108, %add3A_2110 : vector<16xi32>
      tpu.vector_store_idx %arg6[%add3A_2111], %broadcast_in_dim3A_3 : memref<32768xf32, #tpu.memory_space<vmem>>[vector<16xi32>], vector<16xf32>,
      %get3A_2112 = arith.constant 960 : index
      %get3A_2113 = tpu.vector_load %arg9[%get3A_2112] {strides = array<i32>} : memref<1024xi32, #tpu.memory_space<vmem>>, vector<16xi32>,
      %add3A_2114 = arith.constant 28672 : i32
      %add3A_2115 = vector.broadcast %add3A_2114 : i32 to vector<16xi32>
      %add3A_2116 = arith.addi %get3A_2113, %add3A_2115 : vector<16xi32>
      tpu.vector_store_idx %arg6[%add3A_2116], %broadcast_in_dim3A_3 : memref<32768xf32, #tpu.memory_space<vmem>>[vector<16xi32>], vector<16xf32>,
      %get3A_2117 = arith.constant 976 : index
      %get3A_2118 = tpu.vector_load %arg9[%get3A_2117] {strides = array<i32>} : memref<1024xi32, #tpu.memory_space<vmem>>, vector<16xi32>,
      %add3A_2119 = arith.constant 28672 : i32
      %add3A_2120 = vector.broadcast %add3A_2119 : i32 to vector<16xi32>
      %add3A_2121 = arith.addi %get3A_2118, %add3A_2120 : vector<16xi32>
      tpu.vector_store_idx %arg6[%add3A_2121], %broadcast_in_dim3A_3 : memref<32768xf32, #tpu.memory_space<vmem>>[vector<16xi32>], vector<16xf32>,
      %get3A_2122 = arith.constant 992 : index
      %get3A_2123 = tpu.vector_load %arg9[%get3A_2122] {strides = array<i32>} : memref<1024xi32, #tpu.memory_space<vmem>>, vector<16xi32>,
      %add3A_2124 = arith.constant 28672 : i32
      %add3A_2125 = vector.broadcast %add3A_2124 : i32 to vector<16xi32>
      %add3A_2126 = arith.addi %get3A_2123, %add3A_2125 : vector<16xi32>
      tpu.vector_store_idx %arg6[%add3A_2126], %broadcast_in_dim3A_3 : memref<32768xf32, #tpu.memory_space<vmem>>[vector<16xi32>], vector<16xf32>,
      %get3A_2127 = arith.constant 1008 : index
      %get3A_2128 = tpu.vector_load %arg9[%get3A_2127] {strides = array<i32>} : memref<1024xi32, #tpu.memory_space<vmem>>, vector<16xi32>,
      %add3A_2129 = arith.constant 28672 : i32
      %add3A_2130 = vector.broadcast %add3A_2129 : i32 to vector<16xi32>
      %add3A_2131 = arith.addi %get3A_2128, %add3A_2130 : vector<16xi32>
      tpu.vector_store_idx %arg6[%add3A_2131], %broadcast_in_dim3A_3 : memref<32768xf32, #tpu.memory_space<vmem>>[vector<16xi32>], vector<16xf32>,
      %mul3A_2132 = arith.constant 8 : i32
      %mul3A_2133 = arith.muli %add3A_1778, %mul3A_2132 : i32
      %add3A_2134 = arith.addi %mul3A_2, %mul3A_2133 : i32
      %mul3A_2135 = arith.constant 4096 : i32
      %mul3A_2136 = arith.muli %add3A_2134, %mul3A_2135 : i32
      %dma_start3A_2137 = tpu.memref_slice %arg4[%mul3A_2136] : memref<67108864xf32, #tpu.memory_space<hbm>> -> memref<32768xf32, #tpu.memory_space<hbm>>
      %dma_start3A_2138 = tpu.memref_slice %arg4[%mul3A_2136] : memref<67108864xf32, #tpu.memory_space<hbm>> -> memref<32768xf32, #tpu.memory_space<hbm>>
      tpu.enqueue_dma source(%arg6 : memref<32768xf32, #tpu.memory_space<vmem>>) target(%dma_start3A_2138 : memref<32768xf32, #tpu.memory_space<hbm>>) target_semaphore(%arg18 : memref<!tpu.dma_semaphore, #tpu.memory_space<semaphore_mem>>)
      %add3A_2139 = arith.constant 2 : i32
      %add3A_2140 = arith.addi %mul3A_1415, %add3A_2139 : i32
      %sub3A_2141 = arith.constant 2 : i32
      %sub3A_2142 = arith.subi %add3A_2140, %sub3A_2141 : i32
      %mul3A_2143 = arith.constant 8 : i32
      %mul3A_2144 = arith.muli %sub3A_2142, %mul3A_2143 : i32
      %add3A_2145 = arith.addi %mul3A_2, %mul3A_2144 : i32
      %mul3A_2146 = arith.constant 4096 : i32
      %mul3A_2147 = arith.muli %add3A_2145, %mul3A_2146 : i32
      %dma_wait3A_2148 = tpu.memref_slice %arg4[%mul3A_2147] : memref<67108864xf32, #tpu.memory_space<hbm>> -> memref<32768xf32, #tpu.memory_space<hbm>>
      %dma_wait3A_2149 = tpu.memref_slice %arg4[%mul3A_2147] : memref<67108864xf32, #tpu.memory_space<hbm>> -> memref<32768xf32, #tpu.memory_space<hbm>>
      tpu.wait_dma2 semaphore(%arg17 : memref<!tpu.dma_semaphore, #tpu.memory_space<semaphore_mem>>) src(%arg5 : memref<32768xf32, #tpu.memory_space<vmem>>) dst(%dma_wait3A_2149 : memref<32768xf32, #tpu.memory_space<hbm>>)
      %add3A_2150 = arith.constant 1 : i32
      %add3A_2151 = arith.addi %add3A_2140, %add3A_2150 : i32
      %mul3A_2152 = arith.constant 8 : i32
      %mul3A_2153 = arith.muli %add3A_2151, %mul3A_2152 : i32
      %add3A_2154 = arith.addi %mul3A_2, %mul3A_2153 : i32
      %mul3A_2155 = arith.constant 4096 : i32
      %mul3A_2156 = arith.muli %add3A_2154, %mul3A_2155 : i32
      %mul3A_2157 = arith.constant 128 : i32
      %mul3A_2158 = arith.muli %add3A_2154, %mul3A_2157 : i32
      %dma_start3A_2159 = tpu.memref_slice %arg2[%mul3A_2156] : memref<67108864xf32, #tpu.memory_space<hbm>> -> memref<32768xf32, #tpu.memory_space<hbm>>
      %dma_start3A_2160 = tpu.memref_slice %arg2[%mul3A_2156] : memref<67108864xf32, #tpu.memory_space<hbm>> -> memref<32768xf32, #tpu.memory_space<hbm>>
      tpu.enqueue_dma source(%dma_start3A_2160 : memref<32768xf32, #tpu.memory_space<hbm>>) target(%arg5 : memref<32768xf32, #tpu.memory_space<vmem>>) target_semaphore(%arg11 : memref<!tpu.dma_semaphore, #tpu.memory_space<semaphore_mem>>)
      %dma_start3A_2161 = tpu.memref_slice %arg3[%mul3A_2158] : memref<2097152xi32, #tpu.memory_space<hbm>> -> memref<1024xi32, #tpu.memory_space<hbm>>
      %dma_start3A_2162 = tpu.memref_slice %arg3[%mul3A_2158] : memref<2097152xi32, #tpu.memory_space<hbm>> -> memref<1024xi32, #tpu.memory_space<hbm>>
      tpu.enqueue_dma source(%dma_start3A_2162 : memref<1024xi32, #tpu.memory_space<hbm>>) target(%arg8 : memref<1024xi32, #tpu.memory_space<vmem>>) target_semaphore(%arg14 : memref<!tpu.dma_semaphore, #tpu.memory_space<semaphore_mem>>)
      %mul3A_2163 = arith.constant 8 : i32
      %mul3A_2164 = arith.muli %add3A_2140, %mul3A_2163 : i32
      %add3A_2165 = arith.addi %mul3A_2, %mul3A_2164 : i32
      %mul3A_2166 = arith.constant 4096 : i32
      %mul3A_2167 = arith.muli %add3A_2165, %mul3A_2166 : i32
      %mul3A_2168 = arith.constant 128 : i32
      %mul3A_2169 = arith.muli %add3A_2165, %mul3A_2168 : i32
      %dma_wait3A_2170 = tpu.memref_slice %arg2[%mul3A_2167] : memref<67108864xf32, #tpu.memory_space<hbm>> -> memref<32768xf32, #tpu.memory_space<hbm>>
      %dma_wait3A_2171 = tpu.memref_slice %arg2[%mul3A_2167] : memref<67108864xf32, #tpu.memory_space<hbm>> -> memref<32768xf32, #tpu.memory_space<hbm>>
      tpu.wait_dma2 semaphore(%arg13 : memref<!tpu.dma_semaphore, #tpu.memory_space<semaphore_mem>>) src(%dma_wait3A_2171 : memref<32768xf32, #tpu.memory_space<hbm>>) dst(%arg7 : memref<32768xf32, #tpu.memory_space<vmem>>)
      %dma_wait3A_2172 = tpu.memref_slice %arg3[%mul3A_2169] : memref<2097152xi32, #tpu.memory_space<hbm>> -> memref<1024xi32, #tpu.memory_space<hbm>>
      %dma_wait3A_2173 = tpu.memref_slice %arg3[%mul3A_2169] : memref<2097152xi32, #tpu.memory_space<hbm>> -> memref<1024xi32, #tpu.memory_space<hbm>>
      tpu.wait_dma2 semaphore(%arg16 : memref<!tpu.dma_semaphore, #tpu.memory_space<semaphore_mem>>) src(%dma_wait3A_2173 : memref<1024xi32, #tpu.memory_space<hbm>>) dst(%arg10 : memref<1024xi32, #tpu.memory_space<vmem>>)
      %get3A_2174 = arith.constant 0 : index
      %get3A_2175 = tpu.vector_load %arg10[%get3A_2174] {strides = array<i32>} : memref<1024xi32, #tpu.memory_space<vmem>>, vector<16xi32>,
      %add3A_2176 = arith.constant 0 : i32
      %add3A_2177 = vector.broadcast %add3A_2176 : i32 to vector<16xi32>
      %add3A_2178 = arith.addi %get3A_2175, %add3A_2177 : vector<16xi32>
      tpu.vector_store_idx %arg7[%add3A_2178], %broadcast_in_dim3A_3 : memref<32768xf32, #tpu.memory_space<vmem>>[vector<16xi32>], vector<16xf32>,
      %get3A_2179 = arith.constant 16 : index
      %get3A_2180 = tpu.vector_load %arg10[%get3A_2179] {strides = array<i32>} : memref<1024xi32, #tpu.memory_space<vmem>>, vector<16xi32>,
      %add3A_2181 = arith.constant 0 : i32
      %add3A_2182 = vector.broadcast %add3A_2181 : i32 to vector<16xi32>
      %add3A_2183 = arith.addi %get3A_2180, %add3A_2182 : vector<16xi32>
      tpu.vector_store_idx %arg7[%add3A_2183], %broadcast_in_dim3A_3 : memref<32768xf32, #tpu.memory_space<vmem>>[vector<16xi32>], vector<16xf32>,
      %get3A_2184 = arith.constant 32 : index
      %get3A_2185 = tpu.vector_load %arg10[%get3A_2184] {strides = array<i32>} : memref<1024xi32, #tpu.memory_space<vmem>>, vector<16xi32>,
      %add3A_2186 = arith.constant 0 : i32
      %add3A_2187 = vector.broadcast %add3A_2186 : i32 to vector<16xi32>
      %add3A_2188 = arith.addi %get3A_2185, %add3A_2187 : vector<16xi32>
      tpu.vector_store_idx %arg7[%add3A_2188], %broadcast_in_dim3A_3 : memref<32768xf32, #tpu.memory_space<vmem>>[vector<16xi32>], vector<16xf32>,
      %get3A_2189 = arith.constant 48 : index
      %get3A_2190 = tpu.vector_load %arg10[%get3A_2189] {strides = array<i32>} : memref<1024xi32, #tpu.memory_space<vmem>>, vector<16xi32>,
      %add3A_2191 = arith.constant 0 : i32
      %add3A_2192 = vector.broadcast %add3A_2191 : i32 to vector<16xi32>
      %add3A_2193 = arith.addi %get3A_2190, %add3A_2192 : vector<16xi32>
      tpu.vector_store_idx %arg7[%add3A_2193], %broadcast_in_dim3A_3 : memref<32768xf32, #tpu.memory_space<vmem>>[vector<16xi32>], vector<16xf32>,
      %get3A_2194 = arith.constant 64 : index
      %get3A_2195 = tpu.vector_load %arg10[%get3A_2194] {strides = array<i32>} : memref<1024xi32, #tpu.memory_space<vmem>>, vector<16xi32>,
      %add3A_2196 = arith.constant 0 : i32
      %add3A_2197 = vector.broadcast %add3A_2196 : i32 to vector<16xi32>
      %add3A_2198 = arith.addi %get3A_2195, %add3A_2197 : vector<16xi32>
      tpu.vector_store_idx %arg7[%add3A_2198], %broadcast_in_dim3A_3 : memref<32768xf32, #tpu.memory_space<vmem>>[vector<16xi32>], vector<16xf32>,
      %get3A_2199 = arith.constant 80 : index
      %get3A_2200 = tpu.vector_load %arg10[%get3A_2199] {strides = array<i32>} : memref<1024xi32, #tpu.memory_space<vmem>>, vector<16xi32>,
      %add3A_2201 = arith.constant 0 : i32
      %add3A_2202 = vector.broadcast %add3A_2201 : i32 to vector<16xi32>
      %add3A_2203 = arith.addi %get3A_2200, %add3A_2202 : vector<16xi32>
      tpu.vector_store_idx %arg7[%add3A_2203], %broadcast_in_dim3A_3 : memref<32768xf32, #tpu.memory_space<vmem>>[vector<16xi32>], vector<16xf32>,
      %get3A_2204 = arith.constant 96 : index
      %get3A_2205 = tpu.vector_load %arg10[%get3A_2204] {strides = array<i32>} : memref<1024xi32, #tpu.memory_space<vmem>>, vector<16xi32>,
      %add3A_2206 = arith.constant 0 : i32
      %add3A_2207 = vector.broadcast %add3A_2206 : i32 to vector<16xi32>
      %add3A_2208 = arith.addi %get3A_2205, %add3A_2207 : vector<16xi32>
      tpu.vector_store_idx %arg7[%add3A_2208], %broadcast_in_dim3A_3 : memref<32768xf32, #tpu.memory_space<vmem>>[vector<16xi32>], vector<16xf32>,
      %get3A_2209 = arith.constant 112 : index
      %get3A_2210 = tpu.vector_load %arg10[%get3A_2209] {strides = array<i32>} : memref<1024xi32, #tpu.memory_space<vmem>>, vector<16xi32>,
      %add3A_2211 = arith.constant 0 : i32
      %add3A_2212 = vector.broadcast %add3A_2211 : i32 to vector<16xi32>
      %add3A_2213 = arith.addi %get3A_2210, %add3A_2212 : vector<16xi32>
      tpu.vector_store_idx %arg7[%add3A_2213], %broadcast_in_dim3A_3 : memref<32768xf32, #tpu.memory_space<vmem>>[vector<16xi32>], vector<16xf32>,
      %get3A_2214 = arith.constant 128 : index
      %get3A_2215 = tpu.vector_load %arg10[%get3A_2214] {strides = array<i32>} : memref<1024xi32, #tpu.memory_space<vmem>>, vector<16xi32>,
      %add3A_2216 = arith.constant 4096 : i32
      %add3A_2217 = vector.broadcast %add3A_2216 : i32 to vector<16xi32>
      %add3A_2218 = arith.addi %get3A_2215, %add3A_2217 : vector<16xi32>
      tpu.vector_store_idx %arg7[%add3A_2218], %broadcast_in_dim3A_3 : memref<32768xf32, #tpu.memory_space<vmem>>[vector<16xi32>], vector<16xf32>,
      %get3A_2219 = arith.constant 144 : index
      %get3A_2220 = tpu.vector_load %arg10[%get3A_2219] {strides = array<i32>} : memref<1024xi32, #tpu.memory_space<vmem>>, vector<16xi32>,
      %add3A_2221 = arith.constant 4096 : i32
      %add3A_2222 = vector.broadcast %add3A_2221 : i32 to vector<16xi32>
      %add3A_2223 = arith.addi %get3A_2220, %add3A_2222 : vector<16xi32>
      tpu.vector_store_idx %arg7[%add3A_2223], %broadcast_in_dim3A_3 : memref<32768xf32, #tpu.memory_space<vmem>>[vector<16xi32>], vector<16xf32>,
      %get3A_2224 = arith.constant 160 : index
      %get3A_2225 = tpu.vector_load %arg10[%get3A_2224] {strides = array<i32>} : memref<1024xi32, #tpu.memory_space<vmem>>, vector<16xi32>,
      %add3A_2226 = arith.constant 4096 : i32
      %add3A_2227 = vector.broadcast %add3A_2226 : i32 to vector<16xi32>
      %add3A_2228 = arith.addi %get3A_2225, %add3A_2227 : vector<16xi32>
      tpu.vector_store_idx %arg7[%add3A_2228], %broadcast_in_dim3A_3 : memref<32768xf32, #tpu.memory_space<vmem>>[vector<16xi32>], vector<16xf32>,
      %get3A_2229 = arith.constant 176 : index
      %get3A_2230 = tpu.vector_load %arg10[%get3A_2229] {strides = array<i32>} : memref<1024xi32, #tpu.memory_space<vmem>>, vector<16xi32>,
      %add3A_2231 = arith.constant 4096 : i32
      %add3A_2232 = vector.broadcast %add3A_2231 : i32 to vector<16xi32>
      %add3A_2233 = arith.addi %get3A_2230, %add3A_2232 : vector<16xi32>
      tpu.vector_store_idx %arg7[%add3A_2233], %broadcast_in_dim3A_3 : memref<32768xf32, #tpu.memory_space<vmem>>[vector<16xi32>], vector<16xf32>,
      %get3A_2234 = arith.constant 192 : index
      %get3A_2235 = tpu.vector_load %arg10[%get3A_2234] {strides = array<i32>} : memref<1024xi32, #tpu.memory_space<vmem>>, vector<16xi32>,
      %add3A_2236 = arith.constant 4096 : i32
      %add3A_2237 = vector.broadcast %add3A_2236 : i32 to vector<16xi32>
      %add3A_2238 = arith.addi %get3A_2235, %add3A_2237 : vector<16xi32>
      tpu.vector_store_idx %arg7[%add3A_2238], %broadcast_in_dim3A_3 : memref<32768xf32, #tpu.memory_space<vmem>>[vector<16xi32>], vector<16xf32>,
      %get3A_2239 = arith.constant 208 : index
      %get3A_2240 = tpu.vector_load %arg10[%get3A_2239] {strides = array<i32>} : memref<1024xi32, #tpu.memory_space<vmem>>, vector<16xi32>,
      %add3A_2241 = arith.constant 4096 : i32
      %add3A_2242 = vector.broadcast %add3A_2241 : i32 to vector<16xi32>
      %add3A_2243 = arith.addi %get3A_2240, %add3A_2242 : vector<16xi32>
      tpu.vector_store_idx %arg7[%add3A_2243], %broadcast_in_dim3A_3 : memref<32768xf32, #tpu.memory_space<vmem>>[vector<16xi32>], vector<16xf32>,
      %get3A_2244 = arith.constant 224 : index
      %get3A_2245 = tpu.vector_load %arg10[%get3A_2244] {strides = array<i32>} : memref<1024xi32, #tpu.memory_space<vmem>>, vector<16xi32>,
      %add3A_2246 = arith.constant 4096 : i32
      %add3A_2247 = vector.broadcast %add3A_2246 : i32 to vector<16xi32>
      %add3A_2248 = arith.addi %get3A_2245, %add3A_2247 : vector<16xi32>
      tpu.vector_store_idx %arg7[%add3A_2248], %broadcast_in_dim3A_3 : memref<32768xf32, #tpu.memory_space<vmem>>[vector<16xi32>], vector<16xf32>,
      %get3A_2249 = arith.constant 240 : index
      %get3A_2250 = tpu.vector_load %arg10[%get3A_2249] {strides = array<i32>} : memref<1024xi32, #tpu.memory_space<vmem>>, vector<16xi32>,
      %add3A_2251 = arith.constant 4096 : i32
      %add3A_2252 = vector.broadcast %add3A_2251 : i32 to vector<16xi32>
      %add3A_2253 = arith.addi %get3A_2250, %add3A_2252 : vector<16xi32>
      tpu.vector_store_idx %arg7[%add3A_2253], %broadcast_in_dim3A_3 : memref<32768xf32, #tpu.memory_space<vmem>>[vector<16xi32>], vector<16xf32>,
      %get3A_2254 = arith.constant 256 : index
      %get3A_2255 = tpu.vector_load %arg10[%get3A_2254] {strides = array<i32>} : memref<1024xi32, #tpu.memory_space<vmem>>, vector<16xi32>,
      %add3A_2256 = arith.constant 8192 : i32
      %add3A_2257 = vector.broadcast %add3A_2256 : i32 to vector<16xi32>
      %add3A_2258 = arith.addi %get3A_2255, %add3A_2257 : vector<16xi32>
      tpu.vector_store_idx %arg7[%add3A_2258], %broadcast_in_dim3A_3 : memref<32768xf32, #tpu.memory_space<vmem>>[vector<16xi32>], vector<16xf32>,
      %get3A_2259 = arith.constant 272 : index
      %get3A_2260 = tpu.vector_load %arg10[%get3A_2259] {strides = array<i32>} : memref<1024xi32, #tpu.memory_space<vmem>>, vector<16xi32>,
      %add3A_2261 = arith.constant 8192 : i32
      %add3A_2262 = vector.broadcast %add3A_2261 : i32 to vector<16xi32>
      %add3A_2263 = arith.addi %get3A_2260, %add3A_2262 : vector<16xi32>
      tpu.vector_store_idx %arg7[%add3A_2263], %broadcast_in_dim3A_3 : memref<32768xf32, #tpu.memory_space<vmem>>[vector<16xi32>], vector<16xf32>,
      %get3A_2264 = arith.constant 288 : index
      %get3A_2265 = tpu.vector_load %arg10[%get3A_2264] {strides = array<i32>} : memref<1024xi32, #tpu.memory_space<vmem>>, vector<16xi32>,
      %add3A_2266 = arith.constant 8192 : i32
      %add3A_2267 = vector.broadcast %add3A_2266 : i32 to vector<16xi32>
      %add3A_2268 = arith.addi %get3A_2265, %add3A_2267 : vector<16xi32>
      tpu.vector_store_idx %arg7[%add3A_2268], %broadcast_in_dim3A_3 : memref<32768xf32, #tpu.memory_space<vmem>>[vector<16xi32>], vector<16xf32>,
      %get3A_2269 = arith.constant 304 : index
      %get3A_2270 = tpu.vector_load %arg10[%get3A_2269] {strides = array<i32>} : memref<1024xi32, #tpu.memory_space<vmem>>, vector<16xi32>,
      %add3A_2271 = arith.constant 8192 : i32
      %add3A_2272 = vector.broadcast %add3A_2271 : i32 to vector<16xi32>
      %add3A_2273 = arith.addi %get3A_2270, %add3A_2272 : vector<16xi32>
      tpu.vector_store_idx %arg7[%add3A_2273], %broadcast_in_dim3A_3 : memref<32768xf32, #tpu.memory_space<vmem>>[vector<16xi32>], vector<16xf32>,
      %get3A_2274 = arith.constant 320 : index
      %get3A_2275 = tpu.vector_load %arg10[%get3A_2274] {strides = array<i32>} : memref<1024xi32, #tpu.memory_space<vmem>>, vector<16xi32>,
      %add3A_2276 = arith.constant 8192 : i32
      %add3A_2277 = vector.broadcast %add3A_2276 : i32 to vector<16xi32>
      %add3A_2278 = arith.addi %get3A_2275, %add3A_2277 : vector<16xi32>
      tpu.vector_store_idx %arg7[%add3A_2278], %broadcast_in_dim3A_3 : memref<32768xf32, #tpu.memory_space<vmem>>[vector<16xi32>], vector<16xf32>,
      %get3A_2279 = arith.constant 336 : index
      %get3A_2280 = tpu.vector_load %arg10[%get3A_2279] {strides = array<i32>} : memref<1024xi32, #tpu.memory_space<vmem>>, vector<16xi32>,
      %add3A_2281 = arith.constant 8192 : i32
      %add3A_2282 = vector.broadcast %add3A_2281 : i32 to vector<16xi32>
      %add3A_2283 = arith.addi %get3A_2280, %add3A_2282 : vector<16xi32>
      tpu.vector_store_idx %arg7[%add3A_2283], %broadcast_in_dim3A_3 : memref<32768xf32, #tpu.memory_space<vmem>>[vector<16xi32>], vector<16xf32>,
      %get3A_2284 = arith.constant 352 : index
      %get3A_2285 = tpu.vector_load %arg10[%get3A_2284] {strides = array<i32>} : memref<1024xi32, #tpu.memory_space<vmem>>, vector<16xi32>,
      %add3A_2286 = arith.constant 8192 : i32
      %add3A_2287 = vector.broadcast %add3A_2286 : i32 to vector<16xi32>
      %add3A_2288 = arith.addi %get3A_2285, %add3A_2287 : vector<16xi32>
      tpu.vector_store_idx %arg7[%add3A_2288], %broadcast_in_dim3A_3 : memref<32768xf32, #tpu.memory_space<vmem>>[vector<16xi32>], vector<16xf32>,
      %get3A_2289 = arith.constant 368 : index
      %get3A_2290 = tpu.vector_load %arg10[%get3A_2289] {strides = array<i32>} : memref<1024xi32, #tpu.memory_space<vmem>>, vector<16xi32>,
      %add3A_2291 = arith.constant 8192 : i32
      %add3A_2292 = vector.broadcast %add3A_2291 : i32 to vector<16xi32>
      %add3A_2293 = arith.addi %get3A_2290, %add3A_2292 : vector<16xi32>
      tpu.vector_store_idx %arg7[%add3A_2293], %broadcast_in_dim3A_3 : memref<32768xf32, #tpu.memory_space<vmem>>[vector<16xi32>], vector<16xf32>,
      %get3A_2294 = arith.constant 384 : index
      %get3A_2295 = tpu.vector_load %arg10[%get3A_2294] {strides = array<i32>} : memref<1024xi32, #tpu.memory_space<vmem>>, vector<16xi32>,
      %add3A_2296 = arith.constant 12288 : i32
      %add3A_2297 = vector.broadcast %add3A_2296 : i32 to vector<16xi32>
      %add3A_2298 = arith.addi %get3A_2295, %add3A_2297 : vector<16xi32>
      tpu.vector_store_idx %arg7[%add3A_2298], %broadcast_in_dim3A_3 : memref<32768xf32, #tpu.memory_space<vmem>>[vector<16xi32>], vector<16xf32>,
      %get3A_2299 = arith.constant 400 : index
      %get3A_2300 = tpu.vector_load %arg10[%get3A_2299] {strides = array<i32>} : memref<1024xi32, #tpu.memory_space<vmem>>, vector<16xi32>,
      %add3A_2301 = arith.constant 12288 : i32
      %add3A_2302 = vector.broadcast %add3A_2301 : i32 to vector<16xi32>
      %add3A_2303 = arith.addi %get3A_2300, %add3A_2302 : vector<16xi32>
      tpu.vector_store_idx %arg7[%add3A_2303], %broadcast_in_dim3A_3 : memref<32768xf32, #tpu.memory_space<vmem>>[vector<16xi32>], vector<16xf32>,
      %get3A_2304 = arith.constant 416 : index
      %get3A_2305 = tpu.vector_load %arg10[%get3A_2304] {strides = array<i32>} : memref<1024xi32, #tpu.memory_space<vmem>>, vector<16xi32>,
      %add3A_2306 = arith.constant 12288 : i32
      %add3A_2307 = vector.broadcast %add3A_2306 : i32 to vector<16xi32>
      %add3A_2308 = arith.addi %get3A_2305, %add3A_2307 : vector<16xi32>
      tpu.vector_store_idx %arg7[%add3A_2308], %broadcast_in_dim3A_3 : memref<32768xf32, #tpu.memory_space<vmem>>[vector<16xi32>], vector<16xf32>,
      %get3A_2309 = arith.constant 432 : index
      %get3A_2310 = tpu.vector_load %arg10[%get3A_2309] {strides = array<i32>} : memref<1024xi32, #tpu.memory_space<vmem>>, vector<16xi32>,
      %add3A_2311 = arith.constant 12288 : i32
      %add3A_2312 = vector.broadcast %add3A_2311 : i32 to vector<16xi32>
      %add3A_2313 = arith.addi %get3A_2310, %add3A_2312 : vector<16xi32>
      tpu.vector_store_idx %arg7[%add3A_2313], %broadcast_in_dim3A_3 : memref<32768xf32, #tpu.memory_space<vmem>>[vector<16xi32>], vector<16xf32>,
      %get3A_2314 = arith.constant 448 : index
      %get3A_2315 = tpu.vector_load %arg10[%get3A_2314] {strides = array<i32>} : memref<1024xi32, #tpu.memory_space<vmem>>, vector<16xi32>,
      %add3A_2316 = arith.constant 12288 : i32
      %add3A_2317 = vector.broadcast %add3A_2316 : i32 to vector<16xi32>
      %add3A_2318 = arith.addi %get3A_2315, %add3A_2317 : vector<16xi32>
      tpu.vector_store_idx %arg7[%add3A_2318], %broadcast_in_dim3A_3 : memref<32768xf32, #tpu.memory_space<vmem>>[vector<16xi32>], vector<16xf32>,
      %get3A_2319 = arith.constant 464 : index
      %get3A_2320 = tpu.vector_load %arg10[%get3A_2319] {strides = array<i32>} : memref<1024xi32, #tpu.memory_space<vmem>>, vector<16xi32>,
      %add3A_2321 = arith.constant 12288 : i32
      %add3A_2322 = vector.broadcast %add3A_2321 : i32 to vector<16xi32>
      %add3A_2323 = arith.addi %get3A_2320, %add3A_2322 : vector<16xi32>
      tpu.vector_store_idx %arg7[%add3A_2323], %broadcast_in_dim3A_3 : memref<32768xf32, #tpu.memory_space<vmem>>[vector<16xi32>], vector<16xf32>,
      %get3A_2324 = arith.constant 480 : index
      %get3A_2325 = tpu.vector_load %arg10[%get3A_2324] {strides = array<i32>} : memref<1024xi32, #tpu.memory_space<vmem>>, vector<16xi32>,
      %add3A_2326 = arith.constant 12288 : i32
      %add3A_2327 = vector.broadcast %add3A_2326 : i32 to vector<16xi32>
      %add3A_2328 = arith.addi %get3A_2325, %add3A_2327 : vector<16xi32>
      tpu.vector_store_idx %arg7[%add3A_2328], %broadcast_in_dim3A_3 : memref<32768xf32, #tpu.memory_space<vmem>>[vector<16xi32>], vector<16xf32>,
      %get3A_2329 = arith.constant 496 : index
      %get3A_2330 = tpu.vector_load %arg10[%get3A_2329] {strides = array<i32>} : memref<1024xi32, #tpu.memory_space<vmem>>, vector<16xi32>,
      %add3A_2331 = arith.constant 12288 : i32
      %add3A_2332 = vector.broadcast %add3A_2331 : i32 to vector<16xi32>
      %add3A_2333 = arith.addi %get3A_2330, %add3A_2332 : vector<16xi32>
      tpu.vector_store_idx %arg7[%add3A_2333], %broadcast_in_dim3A_3 : memref<32768xf32, #tpu.memory_space<vmem>>[vector<16xi32>], vector<16xf32>,
      %get3A_2334 = arith.constant 512 : index
      %get3A_2335 = tpu.vector_load %arg10[%get3A_2334] {strides = array<i32>} : memref<1024xi32, #tpu.memory_space<vmem>>, vector<16xi32>,
      %add3A_2336 = arith.constant 16384 : i32
      %add3A_2337 = vector.broadcast %add3A_2336 : i32 to vector<16xi32>
      %add3A_2338 = arith.addi %get3A_2335, %add3A_2337 : vector<16xi32>
      tpu.vector_store_idx %arg7[%add3A_2338], %broadcast_in_dim3A_3 : memref<32768xf32, #tpu.memory_space<vmem>>[vector<16xi32>], vector<16xf32>,
      %get3A_2339 = arith.constant 528 : index
      %get3A_2340 = tpu.vector_load %arg10[%get3A_2339] {strides = array<i32>} : memref<1024xi32, #tpu.memory_space<vmem>>, vector<16xi32>,
      %add3A_2341 = arith.constant 16384 : i32
      %add3A_2342 = vector.broadcast %add3A_2341 : i32 to vector<16xi32>
      %add3A_2343 = arith.addi %get3A_2340, %add3A_2342 : vector<16xi32>
      tpu.vector_store_idx %arg7[%add3A_2343], %broadcast_in_dim3A_3 : memref<32768xf32, #tpu.memory_space<vmem>>[vector<16xi32>], vector<16xf32>,
      %get3A_2344 = arith.constant 544 : index
      %get3A_2345 = tpu.vector_load %arg10[%get3A_2344] {strides = array<i32>} : memref<1024xi32, #tpu.memory_space<vmem>>, vector<16xi32>,
      %add3A_2346 = arith.constant 16384 : i32
      %add3A_2347 = vector.broadcast %add3A_2346 : i32 to vector<16xi32>
      %add3A_2348 = arith.addi %get3A_2345, %add3A_2347 : vector<16xi32>
      tpu.vector_store_idx %arg7[%add3A_2348], %broadcast_in_dim3A_3 : memref<32768xf32, #tpu.memory_space<vmem>>[vector<16xi32>], vector<16xf32>,
      %get3A_2349 = arith.constant 560 : index
      %get3A_2350 = tpu.vector_load %arg10[%get3A_2349] {strides = array<i32>} : memref<1024xi32, #tpu.memory_space<vmem>>, vector<16xi32>,
      %add3A_2351 = arith.constant 16384 : i32
      %add3A_2352 = vector.broadcast %add3A_2351 : i32 to vector<16xi32>
      %add3A_2353 = arith.addi %get3A_2350, %add3A_2352 : vector<16xi32>
      tpu.vector_store_idx %arg7[%add3A_2353], %broadcast_in_dim3A_3 : memref<32768xf32, #tpu.memory_space<vmem>>[vector<16xi32>], vector<16xf32>,
      %get3A_2354 = arith.constant 576 : index
      %get3A_2355 = tpu.vector_load %arg10[%get3A_2354] {strides = array<i32>} : memref<1024xi32, #tpu.memory_space<vmem>>, vector<16xi32>,
      %add3A_2356 = arith.constant 16384 : i32
      %add3A_2357 = vector.broadcast %add3A_2356 : i32 to vector<16xi32>
      %add3A_2358 = arith.addi %get3A_2355, %add3A_2357 : vector<16xi32>
      tpu.vector_store_idx %arg7[%add3A_2358], %broadcast_in_dim3A_3 : memref<32768xf32, #tpu.memory_space<vmem>>[vector<16xi32>], vector<16xf32>,
      %get3A_2359 = arith.constant 592 : index
      %get3A_2360 = tpu.vector_load %arg10[%get3A_2359] {strides = array<i32>} : memref<1024xi32, #tpu.memory_space<vmem>>, vector<16xi32>,
      %add3A_2361 = arith.constant 16384 : i32
      %add3A_2362 = vector.broadcast %add3A_2361 : i32 to vector<16xi32>
      %add3A_2363 = arith.addi %get3A_2360, %add3A_2362 : vector<16xi32>
      tpu.vector_store_idx %arg7[%add3A_2363], %broadcast_in_dim3A_3 : memref<32768xf32, #tpu.memory_space<vmem>>[vector<16xi32>], vector<16xf32>,
      %get3A_2364 = arith.constant 608 : index
      %get3A_2365 = tpu.vector_load %arg10[%get3A_2364] {strides = array<i32>} : memref<1024xi32, #tpu.memory_space<vmem>>, vector<16xi32>,
      %add3A_2366 = arith.constant 16384 : i32
      %add3A_2367 = vector.broadcast %add3A_2366 : i32 to vector<16xi32>
      %add3A_2368 = arith.addi %get3A_2365, %add3A_2367 : vector<16xi32>
      tpu.vector_store_idx %arg7[%add3A_2368], %broadcast_in_dim3A_3 : memref<32768xf32, #tpu.memory_space<vmem>>[vector<16xi32>], vector<16xf32>,
      %get3A_2369 = arith.constant 624 : index
      %get3A_2370 = tpu.vector_load %arg10[%get3A_2369] {strides = array<i32>} : memref<1024xi32, #tpu.memory_space<vmem>>, vector<16xi32>,
      %add3A_2371 = arith.constant 16384 : i32
      %add3A_2372 = vector.broadcast %add3A_2371 : i32 to vector<16xi32>
      %add3A_2373 = arith.addi %get3A_2370, %add3A_2372 : vector<16xi32>
      tpu.vector_store_idx %arg7[%add3A_2373], %broadcast_in_dim3A_3 : memref<32768xf32, #tpu.memory_space<vmem>>[vector<16xi32>], vector<16xf32>,
      %get3A_2374 = arith.constant 640 : index
      %get3A_2375 = tpu.vector_load %arg10[%get3A_2374] {strides = array<i32>} : memref<1024xi32, #tpu.memory_space<vmem>>, vector<16xi32>,
      %add3A_2376 = arith.constant 20480 : i32
      %add3A_2377 = vector.broadcast %add3A_2376 : i32 to vector<16xi32>
      %add3A_2378 = arith.addi %get3A_2375, %add3A_2377 : vector<16xi32>
      tpu.vector_store_idx %arg7[%add3A_2378], %broadcast_in_dim3A_3 : memref<32768xf32, #tpu.memory_space<vmem>>[vector<16xi32>], vector<16xf32>,
      %get3A_2379 = arith.constant 656 : index
      %get3A_2380 = tpu.vector_load %arg10[%get3A_2379] {strides = array<i32>} : memref<1024xi32, #tpu.memory_space<vmem>>, vector<16xi32>,
      %add3A_2381 = arith.constant 20480 : i32
      %add3A_2382 = vector.broadcast %add3A_2381 : i32 to vector<16xi32>
      %add3A_2383 = arith.addi %get3A_2380, %add3A_2382 : vector<16xi32>
      tpu.vector_store_idx %arg7[%add3A_2383], %broadcast_in_dim3A_3 : memref<32768xf32, #tpu.memory_space<vmem>>[vector<16xi32>], vector<16xf32>,
      %get3A_2384 = arith.constant 672 : index
      %get3A_2385 = tpu.vector_load %arg10[%get3A_2384] {strides = array<i32>} : memref<1024xi32, #tpu.memory_space<vmem>>, vector<16xi32>,
      %add3A_2386 = arith.constant 20480 : i32
      %add3A_2387 = vector.broadcast %add3A_2386 : i32 to vector<16xi32>
      %add3A_2388 = arith.addi %get3A_2385, %add3A_2387 : vector<16xi32>
      tpu.vector_store_idx %arg7[%add3A_2388], %broadcast_in_dim3A_3 : memref<32768xf32, #tpu.memory_space<vmem>>[vector<16xi32>], vector<16xf32>,
      %get3A_2389 = arith.constant 688 : index
      %get3A_2390 = tpu.vector_load %arg10[%get3A_2389] {strides = array<i32>} : memref<1024xi32, #tpu.memory_space<vmem>>, vector<16xi32>,
      %add3A_2391 = arith.constant 20480 : i32
      %add3A_2392 = vector.broadcast %add3A_2391 : i32 to vector<16xi32>
      %add3A_2393 = arith.addi %get3A_2390, %add3A_2392 : vector<16xi32>
      tpu.vector_store_idx %arg7[%add3A_2393], %broadcast_in_dim3A_3 : memref<32768xf32, #tpu.memory_space<vmem>>[vector<16xi32>], vector<16xf32>,
      %get3A_2394 = arith.constant 704 : index
      %get3A_2395 = tpu.vector_load %arg10[%get3A_2394] {strides = array<i32>} : memref<1024xi32, #tpu.memory_space<vmem>>, vector<16xi32>,
      %add3A_2396 = arith.constant 20480 : i32
      %add3A_2397 = vector.broadcast %add3A_2396 : i32 to vector<16xi32>
      %add3A_2398 = arith.addi %get3A_2395, %add3A_2397 : vector<16xi32>
      tpu.vector_store_idx %arg7[%add3A_2398], %broadcast_in_dim3A_3 : memref<32768xf32, #tpu.memory_space<vmem>>[vector<16xi32>], vector<16xf32>,
      %get3A_2399 = arith.constant 720 : index
      %get3A_2400 = tpu.vector_load %arg10[%get3A_2399] {strides = array<i32>} : memref<1024xi32, #tpu.memory_space<vmem>>, vector<16xi32>,
      %add3A_2401 = arith.constant 20480 : i32
      %add3A_2402 = vector.broadcast %add3A_2401 : i32 to vector<16xi32>
      %add3A_2403 = arith.addi %get3A_2400, %add3A_2402 : vector<16xi32>
      tpu.vector_store_idx %arg7[%add3A_2403], %broadcast_in_dim3A_3 : memref<32768xf32, #tpu.memory_space<vmem>>[vector<16xi32>], vector<16xf32>,
      %get3A_2404 = arith.constant 736 : index
      %get3A_2405 = tpu.vector_load %arg10[%get3A_2404] {strides = array<i32>} : memref<1024xi32, #tpu.memory_space<vmem>>, vector<16xi32>,
      %add3A_2406 = arith.constant 20480 : i32
      %add3A_2407 = vector.broadcast %add3A_2406 : i32 to vector<16xi32>
      %add3A_2408 = arith.addi %get3A_2405, %add3A_2407 : vector<16xi32>
      tpu.vector_store_idx %arg7[%add3A_2408], %broadcast_in_dim3A_3 : memref<32768xf32, #tpu.memory_space<vmem>>[vector<16xi32>], vector<16xf32>,
      %get3A_2409 = arith.constant 752 : index
      %get3A_2410 = tpu.vector_load %arg10[%get3A_2409] {strides = array<i32>} : memref<1024xi32, #tpu.memory_space<vmem>>, vector<16xi32>,
      %add3A_2411 = arith.constant 20480 : i32
      %add3A_2412 = vector.broadcast %add3A_2411 : i32 to vector<16xi32>
      %add3A_2413 = arith.addi %get3A_2410, %add3A_2412 : vector<16xi32>
      tpu.vector_store_idx %arg7[%add3A_2413], %broadcast_in_dim3A_3 : memref<32768xf32, #tpu.memory_space<vmem>>[vector<16xi32>], vector<16xf32>,
      %get3A_2414 = arith.constant 768 : index
      %get3A_2415 = tpu.vector_load %arg10[%get3A_2414] {strides = array<i32>} : memref<1024xi32, #tpu.memory_space<vmem>>, vector<16xi32>,
      %add3A_2416 = arith.constant 24576 : i32
      %add3A_2417 = vector.broadcast %add3A_2416 : i32 to vector<16xi32>
      %add3A_2418 = arith.addi %get3A_2415, %add3A_2417 : vector<16xi32>
      tpu.vector_store_idx %arg7[%add3A_2418], %broadcast_in_dim3A_3 : memref<32768xf32, #tpu.memory_space<vmem>>[vector<16xi32>], vector<16xf32>,
      %get3A_2419 = arith.constant 784 : index
      %get3A_2420 = tpu.vector_load %arg10[%get3A_2419] {strides = array<i32>} : memref<1024xi32, #tpu.memory_space<vmem>>, vector<16xi32>,
      %add3A_2421 = arith.constant 24576 : i32
      %add3A_2422 = vector.broadcast %add3A_2421 : i32 to vector<16xi32>
      %add3A_2423 = arith.addi %get3A_2420, %add3A_2422 : vector<16xi32>
      tpu.vector_store_idx %arg7[%add3A_2423], %broadcast_in_dim3A_3 : memref<32768xf32, #tpu.memory_space<vmem>>[vector<16xi32>], vector<16xf32>,
      %get3A_2424 = arith.constant 800 : index
      %get3A_2425 = tpu.vector_load %arg10[%get3A_2424] {strides = array<i32>} : memref<1024xi32, #tpu.memory_space<vmem>>, vector<16xi32>,
      %add3A_2426 = arith.constant 24576 : i32
      %add3A_2427 = vector.broadcast %add3A_2426 : i32 to vector<16xi32>
      %add3A_2428 = arith.addi %get3A_2425, %add3A_2427 : vector<16xi32>
      tpu.vector_store_idx %arg7[%add3A_2428], %broadcast_in_dim3A_3 : memref<32768xf32, #tpu.memory_space<vmem>>[vector<16xi32>], vector<16xf32>,
      %get3A_2429 = arith.constant 816 : index
      %get3A_2430 = tpu.vector_load %arg10[%get3A_2429] {strides = array<i32>} : memref<1024xi32, #tpu.memory_space<vmem>>, vector<16xi32>,
      %add3A_2431 = arith.constant 24576 : i32
      %add3A_2432 = vector.broadcast %add3A_2431 : i32 to vector<16xi32>
      %add3A_2433 = arith.addi %get3A_2430, %add3A_2432 : vector<16xi32>
      tpu.vector_store_idx %arg7[%add3A_2433], %broadcast_in_dim3A_3 : memref<32768xf32, #tpu.memory_space<vmem>>[vector<16xi32>], vector<16xf32>,
      %get3A_2434 = arith.constant 832 : index
      %get3A_2435 = tpu.vector_load %arg10[%get3A_2434] {strides = array<i32>} : memref<1024xi32, #tpu.memory_space<vmem>>, vector<16xi32>,
      %add3A_2436 = arith.constant 24576 : i32
      %add3A_2437 = vector.broadcast %add3A_2436 : i32 to vector<16xi32>
      %add3A_2438 = arith.addi %get3A_2435, %add3A_2437 : vector<16xi32>
      tpu.vector_store_idx %arg7[%add3A_2438], %broadcast_in_dim3A_3 : memref<32768xf32, #tpu.memory_space<vmem>>[vector<16xi32>], vector<16xf32>,
      %get3A_2439 = arith.constant 848 : index
      %get3A_2440 = tpu.vector_load %arg10[%get3A_2439] {strides = array<i32>} : memref<1024xi32, #tpu.memory_space<vmem>>, vector<16xi32>,
      %add3A_2441 = arith.constant 24576 : i32
      %add3A_2442 = vector.broadcast %add3A_2441 : i32 to vector<16xi32>
      %add3A_2443 = arith.addi %get3A_2440, %add3A_2442 : vector<16xi32>
      tpu.vector_store_idx %arg7[%add3A_2443], %broadcast_in_dim3A_3 : memref<32768xf32, #tpu.memory_space<vmem>>[vector<16xi32>], vector<16xf32>,
      %get3A_2444 = arith.constant 864 : index
      %get3A_2445 = tpu.vector_load %arg10[%get3A_2444] {strides = array<i32>} : memref<1024xi32, #tpu.memory_space<vmem>>, vector<16xi32>,
      %add3A_2446 = arith.constant 24576 : i32
      %add3A_2447 = vector.broadcast %add3A_2446 : i32 to vector<16xi32>
      %add3A_2448 = arith.addi %get3A_2445, %add3A_2447 : vector<16xi32>
      tpu.vector_store_idx %arg7[%add3A_2448], %broadcast_in_dim3A_3 : memref<32768xf32, #tpu.memory_space<vmem>>[vector<16xi32>], vector<16xf32>,
      %get3A_2449 = arith.constant 880 : index
      %get3A_2450 = tpu.vector_load %arg10[%get3A_2449] {strides = array<i32>} : memref<1024xi32, #tpu.memory_space<vmem>>, vector<16xi32>,
      %add3A_2451 = arith.constant 24576 : i32
      %add3A_2452 = vector.broadcast %add3A_2451 : i32 to vector<16xi32>
      %add3A_2453 = arith.addi %get3A_2450, %add3A_2452 : vector<16xi32>
      tpu.vector_store_idx %arg7[%add3A_2453], %broadcast_in_dim3A_3 : memref<32768xf32, #tpu.memory_space<vmem>>[vector<16xi32>], vector<16xf32>,
      %get3A_2454 = arith.constant 896 : index
      %get3A_2455 = tpu.vector_load %arg10[%get3A_2454] {strides = array<i32>} : memref<1024xi32, #tpu.memory_space<vmem>>, vector<16xi32>,
      %add3A_2456 = arith.constant 28672 : i32
      %add3A_2457 = vector.broadcast %add3A_2456 : i32 to vector<16xi32>
      %add3A_2458 = arith.addi %get3A_2455, %add3A_2457 : vector<16xi32>
      tpu.vector_store_idx %arg7[%add3A_2458], %broadcast_in_dim3A_3 : memref<32768xf32, #tpu.memory_space<vmem>>[vector<16xi32>], vector<16xf32>,
      %get3A_2459 = arith.constant 912 : index
      %get3A_2460 = tpu.vector_load %arg10[%get3A_2459] {strides = array<i32>} : memref<1024xi32, #tpu.memory_space<vmem>>, vector<16xi32>,
      %add3A_2461 = arith.constant 28672 : i32
      %add3A_2462 = vector.broadcast %add3A_2461 : i32 to vector<16xi32>
      %add3A_2463 = arith.addi %get3A_2460, %add3A_2462 : vector<16xi32>
      tpu.vector_store_idx %arg7[%add3A_2463], %broadcast_in_dim3A_3 : memref<32768xf32, #tpu.memory_space<vmem>>[vector<16xi32>], vector<16xf32>,
      %get3A_2464 = arith.constant 928 : index
      %get3A_2465 = tpu.vector_load %arg10[%get3A_2464] {strides = array<i32>} : memref<1024xi32, #tpu.memory_space<vmem>>, vector<16xi32>,
      %add3A_2466 = arith.constant 28672 : i32
      %add3A_2467 = vector.broadcast %add3A_2466 : i32 to vector<16xi32>
      %add3A_2468 = arith.addi %get3A_2465, %add3A_2467 : vector<16xi32>
      tpu.vector_store_idx %arg7[%add3A_2468], %broadcast_in_dim3A_3 : memref<32768xf32, #tpu.memory_space<vmem>>[vector<16xi32>], vector<16xf32>,
      %get3A_2469 = arith.constant 944 : index
      %get3A_2470 = tpu.vector_load %arg10[%get3A_2469] {strides = array<i32>} : memref<1024xi32, #tpu.memory_space<vmem>>, vector<16xi32>,
      %add3A_2471 = arith.constant 28672 : i32
      %add3A_2472 = vector.broadcast %add3A_2471 : i32 to vector<16xi32>
      %add3A_2473 = arith.addi %get3A_2470, %add3A_2472 : vector<16xi32>
      tpu.vector_store_idx %arg7[%add3A_2473], %broadcast_in_dim3A_3 : memref<32768xf32, #tpu.memory_space<vmem>>[vector<16xi32>], vector<16xf32>,
      %get3A_2474 = arith.constant 960 : index
      %get3A_2475 = tpu.vector_load %arg10[%get3A_2474] {strides = array<i32>} : memref<1024xi32, #tpu.memory_space<vmem>>, vector<16xi32>,
      %add3A_2476 = arith.constant 28672 : i32
      %add3A_2477 = vector.broadcast %add3A_2476 : i32 to vector<16xi32>
      %add3A_2478 = arith.addi %get3A_2475, %add3A_2477 : vector<16xi32>
      tpu.vector_store_idx %arg7[%add3A_2478], %broadcast_in_dim3A_3 : memref<32768xf32, #tpu.memory_space<vmem>>[vector<16xi32>], vector<16xf32>,
      %get3A_2479 = arith.constant 976 : index
      %get3A_2480 = tpu.vector_load %arg10[%get3A_2479] {strides = array<i32>} : memref<1024xi32, #tpu.memory_space<vmem>>, vector<16xi32>,
      %add3A_2481 = arith.constant 28672 : i32
      %add3A_2482 = vector.broadcast %add3A_2481 : i32 to vector<16xi32>
      %add3A_2483 = arith.addi %get3A_2480, %add3A_2482 : vector<16xi32>
      tpu.vector_store_idx %arg7[%add3A_2483], %broadcast_in_dim3A_3 : memref<32768xf32, #tpu.memory_space<vmem>>[vector<16xi32>], vector<16xf32>,
      %get3A_2484 = arith.constant 992 : index
      %get3A_2485 = tpu.vector_load %arg10[%get3A_2484] {strides = array<i32>} : memref<1024xi32, #tpu.memory_space<vmem>>, vector<16xi32>,
      %add3A_2486 = arith.constant 28672 : i32
      %add3A_2487 = vector.broadcast %add3A_2486 : i32 to vector<16xi32>
      %add3A_2488 = arith.addi %get3A_2485, %add3A_2487 : vector<16xi32>
      tpu.vector_store_idx %arg7[%add3A_2488], %broadcast_in_dim3A_3 : memref<32768xf32, #tpu.memory_space<vmem>>[vector<16xi32>], vector<16xf32>,
      %get3A_2489 = arith.constant 1008 : index
      %get3A_2490 = tpu.vector_load %arg10[%get3A_2489] {strides = array<i32>} : memref<1024xi32, #tpu.memory_space<vmem>>, vector<16xi32>,
      %add3A_2491 = arith.constant 28672 : i32
      %add3A_2492 = vector.broadcast %add3A_2491 : i32 to vector<16xi32>
      %add3A_2493 = arith.addi %get3A_2490, %add3A_2492 : vector<16xi32>
      tpu.vector_store_idx %arg7[%add3A_2493], %broadcast_in_dim3A_3 : memref<32768xf32, #tpu.memory_space<vmem>>[vector<16xi32>], vector<16xf32>,
      %mul3A_2494 = arith.constant 8 : i32
      %mul3A_2495 = arith.muli %add3A_2140, %mul3A_2494 : i32
      %add3A_2496 = arith.addi %mul3A_2, %mul3A_2495 : i32
      %mul3A_2497 = arith.constant 4096 : i32
      %mul3A_2498 = arith.muli %add3A_2496, %mul3A_2497 : i32
      %dma_start3A_2499 = tpu.memref_slice %arg4[%mul3A_2498] : memref<67108864xf32, #tpu.memory_space<hbm>> -> memref<32768xf32, #tpu.memory_space<hbm>>
      %dma_start3A_2500 = tpu.memref_slice %arg4[%mul3A_2498] : memref<67108864xf32, #tpu.memory_space<hbm>> -> memref<32768xf32, #tpu.memory_space<hbm>>
      tpu.enqueue_dma source(%arg7 : memref<32768xf32, #tpu.memory_space<vmem>>) target(%dma_start3A_2500 : memref<32768xf32, #tpu.memory_space<hbm>>) target_semaphore(%arg19 : memref<!tpu.dma_semaphore, #tpu.memory_space<semaphore_mem>>)
    }
    %scan3A_1058 = arith.constant 20 : i32
    %add3A_1059 = arith.constant 488 : i32
    %add3A_1060 = arith.addi %mul3A_2, %add3A_1059 : i32
    %mul3A_1061 = arith.constant 4096 : i32
    %mul3A_1062 = arith.muli %add3A_1060, %mul3A_1061 : i32
    %dma_wait3A_1063 = tpu.memref_slice %arg4[%mul3A_1062] : memref<67108864xf32, #tpu.memory_space<hbm>> -> memref<32768xf32, #tpu.memory_space<hbm>>
    %dma_wait3A_1064 = tpu.memref_slice %arg4[%mul3A_1062] : memref<67108864xf32, #tpu.memory_space<hbm>> -> memref<32768xf32, #tpu.memory_space<hbm>>
    tpu.wait_dma2 semaphore(%arg18 : memref<!tpu.dma_semaphore, #tpu.memory_space<semaphore_mem>>) src(%arg6 : memref<32768xf32, #tpu.memory_space<vmem>>) dst(%dma_wait3A_1064 : memref<32768xf32, #tpu.memory_space<hbm>>)
    %add3A_1065 = arith.constant 504 : i32
    %add3A_1066 = arith.addi %mul3A_2, %add3A_1065 : i32
    %mul3A_1067 = arith.constant 4096 : i32
    %mul3A_1068 = arith.muli %add3A_1066, %mul3A_1067 : i32
    %mul3A_1069 = arith.constant 128 : i32
    %mul3A_1070 = arith.muli %add3A_1066, %mul3A_1069 : i32
    %dma_wait3A_1071 = tpu.memref_slice %arg2[%mul3A_1068] : memref<67108864xf32, #tpu.memory_space<hbm>> -> memref<32768xf32, #tpu.memory_space<hbm>>
    %dma_wait3A_1072 = tpu.memref_slice %arg2[%mul3A_1068] : memref<67108864xf32, #tpu.memory_space<hbm>> -> memref<32768xf32, #tpu.memory_space<hbm>>
    tpu.wait_dma2 semaphore(%arg11 : memref<!tpu.dma_semaphore, #tpu.memory_space<semaphore_mem>>) src(%dma_wait3A_1072 : memref<32768xf32, #tpu.memory_space<hbm>>) dst(%arg5 : memref<32768xf32, #tpu.memory_space<vmem>>)
    %dma_wait3A_1073 = tpu.memref_slice %arg3[%mul3A_1070] : memref<2097152xi32, #tpu.memory_space<hbm>> -> memref<1024xi32, #tpu.memory_space<hbm>>
    %dma_wait3A_1074 = tpu.memref_slice %arg3[%mul3A_1070] : memref<2097152xi32, #tpu.memory_space<hbm>> -> memref<1024xi32, #tpu.memory_space<hbm>>
    tpu.wait_dma2 semaphore(%arg14 : memref<!tpu.dma_semaphore, #tpu.memory_space<semaphore_mem>>) src(%dma_wait3A_1074 : memref<1024xi32, #tpu.memory_space<hbm>>) dst(%arg8 : memref<1024xi32, #tpu.memory_space<vmem>>)
    %get3A_1075 = arith.constant 0 : index
    %get3A_1076 = tpu.vector_load %arg8[%get3A_1075] {strides = array<i32>} : memref<1024xi32, #tpu.memory_space<vmem>>, vector<16xi32>,
    %add3A_1077 = arith.constant 0 : i32
    %add3A_1078 = vector.broadcast %add3A_1077 : i32 to vector<16xi32>
    %add3A_1079 = arith.addi %get3A_1076, %add3A_1078 : vector<16xi32>
    tpu.vector_store_idx %arg5[%add3A_1079], %broadcast_in_dim3A_3 : memref<32768xf32, #tpu.memory_space<vmem>>[vector<16xi32>], vector<16xf32>,
    %get3A_1080 = arith.constant 16 : index
    %get3A_1081 = tpu.vector_load %arg8[%get3A_1080] {strides = array<i32>} : memref<1024xi32, #tpu.memory_space<vmem>>, vector<16xi32>,
    %add3A_1082 = arith.constant 0 : i32
    %add3A_1083 = vector.broadcast %add3A_1082 : i32 to vector<16xi32>
    %add3A_1084 = arith.addi %get3A_1081, %add3A_1083 : vector<16xi32>
    tpu.vector_store_idx %arg5[%add3A_1084], %broadcast_in_dim3A_3 : memref<32768xf32, #tpu.memory_space<vmem>>[vector<16xi32>], vector<16xf32>,
    %get3A_1085 = arith.constant 32 : index
    %get3A_1086 = tpu.vector_load %arg8[%get3A_1085] {strides = array<i32>} : memref<1024xi32, #tpu.memory_space<vmem>>, vector<16xi32>,
    %add3A_1087 = arith.constant 0 : i32
    %add3A_1088 = vector.broadcast %add3A_1087 : i32 to vector<16xi32>
    %add3A_1089 = arith.addi %get3A_1086, %add3A_1088 : vector<16xi32>
    tpu.vector_store_idx %arg5[%add3A_1089], %broadcast_in_dim3A_3 : memref<32768xf32, #tpu.memory_space<vmem>>[vector<16xi32>], vector<16xf32>,
    %get3A_1090 = arith.constant 48 : index
    %get3A_1091 = tpu.vector_load %arg8[%get3A_1090] {strides = array<i32>} : memref<1024xi32, #tpu.memory_space<vmem>>, vector<16xi32>,
    %add3A_1092 = arith.constant 0 : i32
    %add3A_1093 = vector.broadcast %add3A_1092 : i32 to vector<16xi32>
    %add3A_1094 = arith.addi %get3A_1091, %add3A_1093 : vector<16xi32>
    tpu.vector_store_idx %arg5[%add3A_1094], %broadcast_in_dim3A_3 : memref<32768xf32, #tpu.memory_space<vmem>>[vector<16xi32>], vector<16xf32>,
    %get3A_1095 = arith.constant 64 : index
    %get3A_1096 = tpu.vector_load %arg8[%get3A_1095] {strides = array<i32>} : memref<1024xi32, #tpu.memory_space<vmem>>, vector<16xi32>,
    %add3A_1097 = arith.constant 0 : i32
    %add3A_1098 = vector.broadcast %add3A_1097 : i32 to vector<16xi32>
    %add3A_1099 = arith.addi %get3A_1096, %add3A_1098 : vector<16xi32>
    tpu.vector_store_idx %arg5[%add3A_1099], %broadcast_in_dim3A_3 : memref<32768xf32, #tpu.memory_space<vmem>>[vector<16xi32>], vector<16xf32>,
    %get3A_1100 = arith.constant 80 : index
    %get3A_1101 = tpu.vector_load %arg8[%get3A_1100] {strides = array<i32>} : memref<1024xi32, #tpu.memory_space<vmem>>, vector<16xi32>,
    %add3A_1102 = arith.constant 0 : i32
    %add3A_1103 = vector.broadcast %add3A_1102 : i32 to vector<16xi32>
    %add3A_1104 = arith.addi %get3A_1101, %add3A_1103 : vector<16xi32>
    tpu.vector_store_idx %arg5[%add3A_1104], %broadcast_in_dim3A_3 : memref<32768xf32, #tpu.memory_space<vmem>>[vector<16xi32>], vector<16xf32>,
    %get3A_1105 = arith.constant 96 : index
    %get3A_1106 = tpu.vector_load %arg8[%get3A_1105] {strides = array<i32>} : memref<1024xi32, #tpu.memory_space<vmem>>, vector<16xi32>,
    %add3A_1107 = arith.constant 0 : i32
    %add3A_1108 = vector.broadcast %add3A_1107 : i32 to vector<16xi32>
    %add3A_1109 = arith.addi %get3A_1106, %add3A_1108 : vector<16xi32>
    tpu.vector_store_idx %arg5[%add3A_1109], %broadcast_in_dim3A_3 : memref<32768xf32, #tpu.memory_space<vmem>>[vector<16xi32>], vector<16xf32>,
    %get3A_1110 = arith.constant 112 : index
    %get3A_1111 = tpu.vector_load %arg8[%get3A_1110] {strides = array<i32>} : memref<1024xi32, #tpu.memory_space<vmem>>, vector<16xi32>,
    %add3A_1112 = arith.constant 0 : i32
    %add3A_1113 = vector.broadcast %add3A_1112 : i32 to vector<16xi32>
    %add3A_1114 = arith.addi %get3A_1111, %add3A_1113 : vector<16xi32>
    tpu.vector_store_idx %arg5[%add3A_1114], %broadcast_in_dim3A_3 : memref<32768xf32, #tpu.memory_space<vmem>>[vector<16xi32>], vector<16xf32>,
    %get3A_1115 = arith.constant 128 : index
    %get3A_1116 = tpu.vector_load %arg8[%get3A_1115] {strides = array<i32>} : memref<1024xi32, #tpu.memory_space<vmem>>, vector<16xi32>,
    %add3A_1117 = arith.constant 4096 : i32
    %add3A_1118 = vector.broadcast %add3A_1117 : i32 to vector<16xi32>
    %add3A_1119 = arith.addi %get3A_1116, %add3A_1118 : vector<16xi32>
    tpu.vector_store_idx %arg5[%add3A_1119], %broadcast_in_dim3A_3 : memref<32768xf32, #tpu.memory_space<vmem>>[vector<16xi32>], vector<16xf32>,
    %get3A_1120 = arith.constant 144 : index
    %get3A_1121 = tpu.vector_load %arg8[%get3A_1120] {strides = array<i32>} : memref<1024xi32, #tpu.memory_space<vmem>>, vector<16xi32>,
    %add3A_1122 = arith.constant 4096 : i32
    %add3A_1123 = vector.broadcast %add3A_1122 : i32 to vector<16xi32>
    %add3A_1124 = arith.addi %get3A_1121, %add3A_1123 : vector<16xi32>
    tpu.vector_store_idx %arg5[%add3A_1124], %broadcast_in_dim3A_3 : memref<32768xf32, #tpu.memory_space<vmem>>[vector<16xi32>], vector<16xf32>,
    %get3A_1125 = arith.constant 160 : index
    %get3A_1126 = tpu.vector_load %arg8[%get3A_1125] {strides = array<i32>} : memref<1024xi32, #tpu.memory_space<vmem>>, vector<16xi32>,
    %add3A_1127 = arith.constant 4096 : i32
    %add3A_1128 = vector.broadcast %add3A_1127 : i32 to vector<16xi32>
    %add3A_1129 = arith.addi %get3A_1126, %add3A_1128 : vector<16xi32>
    tpu.vector_store_idx %arg5[%add3A_1129], %broadcast_in_dim3A_3 : memref<32768xf32, #tpu.memory_space<vmem>>[vector<16xi32>], vector<16xf32>,
    %get3A_1130 = arith.constant 176 : index
    %get3A_1131 = tpu.vector_load %arg8[%get3A_1130] {strides = array<i32>} : memref<1024xi32, #tpu.memory_space<vmem>>, vector<16xi32>,
    %add3A_1132 = arith.constant 4096 : i32
    %add3A_1133 = vector.broadcast %add3A_1132 : i32 to vector<16xi32>
    %add3A_1134 = arith.addi %get3A_1131, %add3A_1133 : vector<16xi32>
    tpu.vector_store_idx %arg5[%add3A_1134], %broadcast_in_dim3A_3 : memref<32768xf32, #tpu.memory_space<vmem>>[vector<16xi32>], vector<16xf32>,
    %get3A_1135 = arith.constant 192 : index
    %get3A_1136 = tpu.vector_load %arg8[%get3A_1135] {strides = array<i32>} : memref<1024xi32, #tpu.memory_space<vmem>>, vector<16xi32>,
    %add3A_1137 = arith.constant 4096 : i32
    %add3A_1138 = vector.broadcast %add3A_1137 : i32 to vector<16xi32>
    %add3A_1139 = arith.addi %get3A_1136, %add3A_1138 : vector<16xi32>
    tpu.vector_store_idx %arg5[%add3A_1139], %broadcast_in_dim3A_3 : memref<32768xf32, #tpu.memory_space<vmem>>[vector<16xi32>], vector<16xf32>,
    %get3A_1140 = arith.constant 208 : index
    %get3A_1141 = tpu.vector_load %arg8[%get3A_1140] {strides = array<i32>} : memref<1024xi32, #tpu.memory_space<vmem>>, vector<16xi32>,
    %add3A_1142 = arith.constant 4096 : i32
    %add3A_1143 = vector.broadcast %add3A_1142 : i32 to vector<16xi32>
    %add3A_1144 = arith.addi %get3A_1141, %add3A_1143 : vector<16xi32>
    tpu.vector_store_idx %arg5[%add3A_1144], %broadcast_in_dim3A_3 : memref<32768xf32, #tpu.memory_space<vmem>>[vector<16xi32>], vector<16xf32>,
    %get3A_1145 = arith.constant 224 : index
    %get3A_1146 = tpu.vector_load %arg8[%get3A_1145] {strides = array<i32>} : memref<1024xi32, #tpu.memory_space<vmem>>, vector<16xi32>,
    %add3A_1147 = arith.constant 4096 : i32
    %add3A_1148 = vector.broadcast %add3A_1147 : i32 to vector<16xi32>
    %add3A_1149 = arith.addi %get3A_1146, %add3A_1148 : vector<16xi32>
    tpu.vector_store_idx %arg5[%add3A_1149], %broadcast_in_dim3A_3 : memref<32768xf32, #tpu.memory_space<vmem>>[vector<16xi32>], vector<16xf32>,
    %get3A_1150 = arith.constant 240 : index
    %get3A_1151 = tpu.vector_load %arg8[%get3A_1150] {strides = array<i32>} : memref<1024xi32, #tpu.memory_space<vmem>>, vector<16xi32>,
    %add3A_1152 = arith.constant 4096 : i32
    %add3A_1153 = vector.broadcast %add3A_1152 : i32 to vector<16xi32>
    %add3A_1154 = arith.addi %get3A_1151, %add3A_1153 : vector<16xi32>
    tpu.vector_store_idx %arg5[%add3A_1154], %broadcast_in_dim3A_3 : memref<32768xf32, #tpu.memory_space<vmem>>[vector<16xi32>], vector<16xf32>,
    %get3A_1155 = arith.constant 256 : index
    %get3A_1156 = tpu.vector_load %arg8[%get3A_1155] {strides = array<i32>} : memref<1024xi32, #tpu.memory_space<vmem>>, vector<16xi32>,
    %add3A_1157 = arith.constant 8192 : i32
    %add3A_1158 = vector.broadcast %add3A_1157 : i32 to vector<16xi32>
    %add3A_1159 = arith.addi %get3A_1156, %add3A_1158 : vector<16xi32>
    tpu.vector_store_idx %arg5[%add3A_1159], %broadcast_in_dim3A_3 : memref<32768xf32, #tpu.memory_space<vmem>>[vector<16xi32>], vector<16xf32>,
    %get3A_1160 = arith.constant 272 : index
    %get3A_1161 = tpu.vector_load %arg8[%get3A_1160] {strides = array<i32>} : memref<1024xi32, #tpu.memory_space<vmem>>, vector<16xi32>,
    %add3A_1162 = arith.constant 8192 : i32
    %add3A_1163 = vector.broadcast %add3A_1162 : i32 to vector<16xi32>
    %add3A_1164 = arith.addi %get3A_1161, %add3A_1163 : vector<16xi32>
    tpu.vector_store_idx %arg5[%add3A_1164], %broadcast_in_dim3A_3 : memref<32768xf32, #tpu.memory_space<vmem>>[vector<16xi32>], vector<16xf32>,
    %get3A_1165 = arith.constant 288 : index
    %get3A_1166 = tpu.vector_load %arg8[%get3A_1165] {strides = array<i32>} : memref<1024xi32, #tpu.memory_space<vmem>>, vector<16xi32>,
    %add3A_1167 = arith.constant 8192 : i32
    %add3A_1168 = vector.broadcast %add3A_1167 : i32 to vector<16xi32>
    %add3A_1169 = arith.addi %get3A_1166, %add3A_1168 : vector<16xi32>
    tpu.vector_store_idx %arg5[%add3A_1169], %broadcast_in_dim3A_3 : memref<32768xf32, #tpu.memory_space<vmem>>[vector<16xi32>], vector<16xf32>,
    %get3A_1170 = arith.constant 304 : index
    %get3A_1171 = tpu.vector_load %arg8[%get3A_1170] {strides = array<i32>} : memref<1024xi32, #tpu.memory_space<vmem>>, vector<16xi32>,
    %add3A_1172 = arith.constant 8192 : i32
    %add3A_1173 = vector.broadcast %add3A_1172 : i32 to vector<16xi32>
    %add3A_1174 = arith.addi %get3A_1171, %add3A_1173 : vector<16xi32>
    tpu.vector_store_idx %arg5[%add3A_1174], %broadcast_in_dim3A_3 : memref<32768xf32, #tpu.memory_space<vmem>>[vector<16xi32>], vector<16xf32>,
    %get3A_1175 = arith.constant 320 : index
    %get3A_1176 = tpu.vector_load %arg8[%get3A_1175] {strides = array<i32>} : memref<1024xi32, #tpu.memory_space<vmem>>, vector<16xi32>,
    %add3A_1177 = arith.constant 8192 : i32
    %add3A_1178 = vector.broadcast %add3A_1177 : i32 to vector<16xi32>
    %add3A_1179 = arith.addi %get3A_1176, %add3A_1178 : vector<16xi32>
    tpu.vector_store_idx %arg5[%add3A_1179], %broadcast_in_dim3A_3 : memref<32768xf32, #tpu.memory_space<vmem>>[vector<16xi32>], vector<16xf32>,
    %get3A_1180 = arith.constant 336 : index
    %get3A_1181 = tpu.vector_load %arg8[%get3A_1180] {strides = array<i32>} : memref<1024xi32, #tpu.memory_space<vmem>>, vector<16xi32>,
    %add3A_1182 = arith.constant 8192 : i32
    %add3A_1183 = vector.broadcast %add3A_1182 : i32 to vector<16xi32>
    %add3A_1184 = arith.addi %get3A_1181, %add3A_1183 : vector<16xi32>
    tpu.vector_store_idx %arg5[%add3A_1184], %broadcast_in_dim3A_3 : memref<32768xf32, #tpu.memory_space<vmem>>[vector<16xi32>], vector<16xf32>,
    %get3A_1185 = arith.constant 352 : index
    %get3A_1186 = tpu.vector_load %arg8[%get3A_1185] {strides = array<i32>} : memref<1024xi32, #tpu.memory_space<vmem>>, vector<16xi32>,
    %add3A_1187 = arith.constant 8192 : i32
    %add3A_1188 = vector.broadcast %add3A_1187 : i32 to vector<16xi32>
    %add3A_1189 = arith.addi %get3A_1186, %add3A_1188 : vector<16xi32>
    tpu.vector_store_idx %arg5[%add3A_1189], %broadcast_in_dim3A_3 : memref<32768xf32, #tpu.memory_space<vmem>>[vector<16xi32>], vector<16xf32>,
    %get3A_1190 = arith.constant 368 : index
    %get3A_1191 = tpu.vector_load %arg8[%get3A_1190] {strides = array<i32>} : memref<1024xi32, #tpu.memory_space<vmem>>, vector<16xi32>,
    %add3A_1192 = arith.constant 8192 : i32
    %add3A_1193 = vector.broadcast %add3A_1192 : i32 to vector<16xi32>
    %add3A_1194 = arith.addi %get3A_1191, %add3A_1193 : vector<16xi32>
    tpu.vector_store_idx %arg5[%add3A_1194], %broadcast_in_dim3A_3 : memref<32768xf32, #tpu.memory_space<vmem>>[vector<16xi32>], vector<16xf32>,
    %get3A_1195 = arith.constant 384 : index
    %get3A_1196 = tpu.vector_load %arg8[%get3A_1195] {strides = array<i32>} : memref<1024xi32, #tpu.memory_space<vmem>>, vector<16xi32>,
    %add3A_1197 = arith.constant 12288 : i32
    %add3A_1198 = vector.broadcast %add3A_1197 : i32 to vector<16xi32>
    %add3A_1199 = arith.addi %get3A_1196, %add3A_1198 : vector<16xi32>
    tpu.vector_store_idx %arg5[%add3A_1199], %broadcast_in_dim3A_3 : memref<32768xf32, #tpu.memory_space<vmem>>[vector<16xi32>], vector<16xf32>,
    %get3A_1200 = arith.constant 400 : index
    %get3A_1201 = tpu.vector_load %arg8[%get3A_1200] {strides = array<i32>} : memref<1024xi32, #tpu.memory_space<vmem>>, vector<16xi32>,
    %add3A_1202 = arith.constant 12288 : i32
    %add3A_1203 = vector.broadcast %add3A_1202 : i32 to vector<16xi32>
    %add3A_1204 = arith.addi %get3A_1201, %add3A_1203 : vector<16xi32>
    tpu.vector_store_idx %arg5[%add3A_1204], %broadcast_in_dim3A_3 : memref<32768xf32, #tpu.memory_space<vmem>>[vector<16xi32>], vector<16xf32>,
    %get3A_1205 = arith.constant 416 : index
    %get3A_1206 = tpu.vector_load %arg8[%get3A_1205] {strides = array<i32>} : memref<1024xi32, #tpu.memory_space<vmem>>, vector<16xi32>,
    %add3A_1207 = arith.constant 12288 : i32
    %add3A_1208 = vector.broadcast %add3A_1207 : i32 to vector<16xi32>
    %add3A_1209 = arith.addi %get3A_1206, %add3A_1208 : vector<16xi32>
    tpu.vector_store_idx %arg5[%add3A_1209], %broadcast_in_dim3A_3 : memref<32768xf32, #tpu.memory_space<vmem>>[vector<16xi32>], vector<16xf32>,
    %get3A_1210 = arith.constant 432 : index
    %get3A_1211 = tpu.vector_load %arg8[%get3A_1210] {strides = array<i32>} : memref<1024xi32, #tpu.memory_space<vmem>>, vector<16xi32>,
    %add3A_1212 = arith.constant 12288 : i32
    %add3A_1213 = vector.broadcast %add3A_1212 : i32 to vector<16xi32>
    %add3A_1214 = arith.addi %get3A_1211, %add3A_1213 : vector<16xi32>
    tpu.vector_store_idx %arg5[%add3A_1214], %broadcast_in_dim3A_3 : memref<32768xf32, #tpu.memory_space<vmem>>[vector<16xi32>], vector<16xf32>,
    %get3A_1215 = arith.constant 448 : index
    %get3A_1216 = tpu.vector_load %arg8[%get3A_1215] {strides = array<i32>} : memref<1024xi32, #tpu.memory_space<vmem>>, vector<16xi32>,
    %add3A_1217 = arith.constant 12288 : i32
    %add3A_1218 = vector.broadcast %add3A_1217 : i32 to vector<16xi32>
    %add3A_1219 = arith.addi %get3A_1216, %add3A_1218 : vector<16xi32>
    tpu.vector_store_idx %arg5[%add3A_1219], %broadcast_in_dim3A_3 : memref<32768xf32, #tpu.memory_space<vmem>>[vector<16xi32>], vector<16xf32>,
    %get3A_1220 = arith.constant 464 : index
    %get3A_1221 = tpu.vector_load %arg8[%get3A_1220] {strides = array<i32>} : memref<1024xi32, #tpu.memory_space<vmem>>, vector<16xi32>,
    %add3A_1222 = arith.constant 12288 : i32
    %add3A_1223 = vector.broadcast %add3A_1222 : i32 to vector<16xi32>
    %add3A_1224 = arith.addi %get3A_1221, %add3A_1223 : vector<16xi32>
    tpu.vector_store_idx %arg5[%add3A_1224], %broadcast_in_dim3A_3 : memref<32768xf32, #tpu.memory_space<vmem>>[vector<16xi32>], vector<16xf32>,
    %get3A_1225 = arith.constant 480 : index
    %get3A_1226 = tpu.vector_load %arg8[%get3A_1225] {strides = array<i32>} : memref<1024xi32, #tpu.memory_space<vmem>>, vector<16xi32>,
    %add3A_1227 = arith.constant 12288 : i32
    %add3A_1228 = vector.broadcast %add3A_1227 : i32 to vector<16xi32>
    %add3A_1229 = arith.addi %get3A_1226, %add3A_1228 : vector<16xi32>
    tpu.vector_store_idx %arg5[%add3A_1229], %broadcast_in_dim3A_3 : memref<32768xf32, #tpu.memory_space<vmem>>[vector<16xi32>], vector<16xf32>,
    %get3A_1230 = arith.constant 496 : index
    %get3A_1231 = tpu.vector_load %arg8[%get3A_1230] {strides = array<i32>} : memref<1024xi32, #tpu.memory_space<vmem>>, vector<16xi32>,
    %add3A_1232 = arith.constant 12288 : i32
    %add3A_1233 = vector.broadcast %add3A_1232 : i32 to vector<16xi32>
    %add3A_1234 = arith.addi %get3A_1231, %add3A_1233 : vector<16xi32>
    tpu.vector_store_idx %arg5[%add3A_1234], %broadcast_in_dim3A_3 : memref<32768xf32, #tpu.memory_space<vmem>>[vector<16xi32>], vector<16xf32>,
    %get3A_1235 = arith.constant 512 : index
    %get3A_1236 = tpu.vector_load %arg8[%get3A_1235] {strides = array<i32>} : memref<1024xi32, #tpu.memory_space<vmem>>, vector<16xi32>,
    %add3A_1237 = arith.constant 16384 : i32
    %add3A_1238 = vector.broadcast %add3A_1237 : i32 to vector<16xi32>
    %add3A_1239 = arith.addi %get3A_1236, %add3A_1238 : vector<16xi32>
    tpu.vector_store_idx %arg5[%add3A_1239], %broadcast_in_dim3A_3 : memref<32768xf32, #tpu.memory_space<vmem>>[vector<16xi32>], vector<16xf32>,
    %get3A_1240 = arith.constant 528 : index
    %get3A_1241 = tpu.vector_load %arg8[%get3A_1240] {strides = array<i32>} : memref<1024xi32, #tpu.memory_space<vmem>>, vector<16xi32>,
    %add3A_1242 = arith.constant 16384 : i32
    %add3A_1243 = vector.broadcast %add3A_1242 : i32 to vector<16xi32>
    %add3A_1244 = arith.addi %get3A_1241, %add3A_1243 : vector<16xi32>
    tpu.vector_store_idx %arg5[%add3A_1244], %broadcast_in_dim3A_3 : memref<32768xf32, #tpu.memory_space<vmem>>[vector<16xi32>], vector<16xf32>,
    %get3A_1245 = arith.constant 544 : index
    %get3A_1246 = tpu.vector_load %arg8[%get3A_1245] {strides = array<i32>} : memref<1024xi32, #tpu.memory_space<vmem>>, vector<16xi32>,
    %add3A_1247 = arith.constant 16384 : i32
    %add3A_1248 = vector.broadcast %add3A_1247 : i32 to vector<16xi32>
    %add3A_1249 = arith.addi %get3A_1246, %add3A_1248 : vector<16xi32>
    tpu.vector_store_idx %arg5[%add3A_1249], %broadcast_in_dim3A_3 : memref<32768xf32, #tpu.memory_space<vmem>>[vector<16xi32>], vector<16xf32>,
    %get3A_1250 = arith.constant 560 : index
    %get3A_1251 = tpu.vector_load %arg8[%get3A_1250] {strides = array<i32>} : memref<1024xi32, #tpu.memory_space<vmem>>, vector<16xi32>,
    %add3A_1252 = arith.constant 16384 : i32
    %add3A_1253 = vector.broadcast %add3A_1252 : i32 to vector<16xi32>
    %add3A_1254 = arith.addi %get3A_1251, %add3A_1253 : vector<16xi32>
    tpu.vector_store_idx %arg5[%add3A_1254], %broadcast_in_dim3A_3 : memref<32768xf32, #tpu.memory_space<vmem>>[vector<16xi32>], vector<16xf32>,
    %get3A_1255 = arith.constant 576 : index
    %get3A_1256 = tpu.vector_load %arg8[%get3A_1255] {strides = array<i32>} : memref<1024xi32, #tpu.memory_space<vmem>>, vector<16xi32>,
    %add3A_1257 = arith.constant 16384 : i32
    %add3A_1258 = vector.broadcast %add3A_1257 : i32 to vector<16xi32>
    %add3A_1259 = arith.addi %get3A_1256, %add3A_1258 : vector<16xi32>
    tpu.vector_store_idx %arg5[%add3A_1259], %broadcast_in_dim3A_3 : memref<32768xf32, #tpu.memory_space<vmem>>[vector<16xi32>], vector<16xf32>,
    %get3A_1260 = arith.constant 592 : index
    %get3A_1261 = tpu.vector_load %arg8[%get3A_1260] {strides = array<i32>} : memref<1024xi32, #tpu.memory_space<vmem>>, vector<16xi32>,
    %add3A_1262 = arith.constant 16384 : i32
    %add3A_1263 = vector.broadcast %add3A_1262 : i32 to vector<16xi32>
    %add3A_1264 = arith.addi %get3A_1261, %add3A_1263 : vector<16xi32>
    tpu.vector_store_idx %arg5[%add3A_1264], %broadcast_in_dim3A_3 : memref<32768xf32, #tpu.memory_space<vmem>>[vector<16xi32>], vector<16xf32>,
    %get3A_1265 = arith.constant 608 : index
    %get3A_1266 = tpu.vector_load %arg8[%get3A_1265] {strides = array<i32>} : memref<1024xi32, #tpu.memory_space<vmem>>, vector<16xi32>,
    %add3A_1267 = arith.constant 16384 : i32
    %add3A_1268 = vector.broadcast %add3A_1267 : i32 to vector<16xi32>
    %add3A_1269 = arith.addi %get3A_1266, %add3A_1268 : vector<16xi32>
    tpu.vector_store_idx %arg5[%add3A_1269], %broadcast_in_dim3A_3 : memref<32768xf32, #tpu.memory_space<vmem>>[vector<16xi32>], vector<16xf32>,
    %get3A_1270 = arith.constant 624 : index
    %get3A_1271 = tpu.vector_load %arg8[%get3A_1270] {strides = array<i32>} : memref<1024xi32, #tpu.memory_space<vmem>>, vector<16xi32>,
    %add3A_1272 = arith.constant 16384 : i32
    %add3A_1273 = vector.broadcast %add3A_1272 : i32 to vector<16xi32>
    %add3A_1274 = arith.addi %get3A_1271, %add3A_1273 : vector<16xi32>
    tpu.vector_store_idx %arg5[%add3A_1274], %broadcast_in_dim3A_3 : memref<32768xf32, #tpu.memory_space<vmem>>[vector<16xi32>], vector<16xf32>,
    %get3A_1275 = arith.constant 640 : index
    %get3A_1276 = tpu.vector_load %arg8[%get3A_1275] {strides = array<i32>} : memref<1024xi32, #tpu.memory_space<vmem>>, vector<16xi32>,
    %add3A_1277 = arith.constant 20480 : i32
    %add3A_1278 = vector.broadcast %add3A_1277 : i32 to vector<16xi32>
    %add3A_1279 = arith.addi %get3A_1276, %add3A_1278 : vector<16xi32>
    tpu.vector_store_idx %arg5[%add3A_1279], %broadcast_in_dim3A_3 : memref<32768xf32, #tpu.memory_space<vmem>>[vector<16xi32>], vector<16xf32>,
    %get3A_1280 = arith.constant 656 : index
    %get3A_1281 = tpu.vector_load %arg8[%get3A_1280] {strides = array<i32>} : memref<1024xi32, #tpu.memory_space<vmem>>, vector<16xi32>,
    %add3A_1282 = arith.constant 20480 : i32
    %add3A_1283 = vector.broadcast %add3A_1282 : i32 to vector<16xi32>
    %add3A_1284 = arith.addi %get3A_1281, %add3A_1283 : vector<16xi32>
    tpu.vector_store_idx %arg5[%add3A_1284], %broadcast_in_dim3A_3 : memref<32768xf32, #tpu.memory_space<vmem>>[vector<16xi32>], vector<16xf32>,
    %get3A_1285 = arith.constant 672 : index
    %get3A_1286 = tpu.vector_load %arg8[%get3A_1285] {strides = array<i32>} : memref<1024xi32, #tpu.memory_space<vmem>>, vector<16xi32>,
    %add3A_1287 = arith.constant 20480 : i32
    %add3A_1288 = vector.broadcast %add3A_1287 : i32 to vector<16xi32>
    %add3A_1289 = arith.addi %get3A_1286, %add3A_1288 : vector<16xi32>
    tpu.vector_store_idx %arg5[%add3A_1289], %broadcast_in_dim3A_3 : memref<32768xf32, #tpu.memory_space<vmem>>[vector<16xi32>], vector<16xf32>,
    %get3A_1290 = arith.constant 688 : index
    %get3A_1291 = tpu.vector_load %arg8[%get3A_1290] {strides = array<i32>} : memref<1024xi32, #tpu.memory_space<vmem>>, vector<16xi32>,
    %add3A_1292 = arith.constant 20480 : i32
    %add3A_1293 = vector.broadcast %add3A_1292 : i32 to vector<16xi32>
    %add3A_1294 = arith.addi %get3A_1291, %add3A_1293 : vector<16xi32>
    tpu.vector_store_idx %arg5[%add3A_1294], %broadcast_in_dim3A_3 : memref<32768xf32, #tpu.memory_space<vmem>>[vector<16xi32>], vector<16xf32>,
    %get3A_1295 = arith.constant 704 : index
    %get3A_1296 = tpu.vector_load %arg8[%get3A_1295] {strides = array<i32>} : memref<1024xi32, #tpu.memory_space<vmem>>, vector<16xi32>,
    %add3A_1297 = arith.constant 20480 : i32
    %add3A_1298 = vector.broadcast %add3A_1297 : i32 to vector<16xi32>
    %add3A_1299 = arith.addi %get3A_1296, %add3A_1298 : vector<16xi32>
    tpu.vector_store_idx %arg5[%add3A_1299], %broadcast_in_dim3A_3 : memref<32768xf32, #tpu.memory_space<vmem>>[vector<16xi32>], vector<16xf32>,
    %get3A_1300 = arith.constant 720 : index
    %get3A_1301 = tpu.vector_load %arg8[%get3A_1300] {strides = array<i32>} : memref<1024xi32, #tpu.memory_space<vmem>>, vector<16xi32>,
    %add3A_1302 = arith.constant 20480 : i32
    %add3A_1303 = vector.broadcast %add3A_1302 : i32 to vector<16xi32>
    %add3A_1304 = arith.addi %get3A_1301, %add3A_1303 : vector<16xi32>
    tpu.vector_store_idx %arg5[%add3A_1304], %broadcast_in_dim3A_3 : memref<32768xf32, #tpu.memory_space<vmem>>[vector<16xi32>], vector<16xf32>,
    %get3A_1305 = arith.constant 736 : index
    %get3A_1306 = tpu.vector_load %arg8[%get3A_1305] {strides = array<i32>} : memref<1024xi32, #tpu.memory_space<vmem>>, vector<16xi32>,
    %add3A_1307 = arith.constant 20480 : i32
    %add3A_1308 = vector.broadcast %add3A_1307 : i32 to vector<16xi32>
    %add3A_1309 = arith.addi %get3A_1306, %add3A_1308 : vector<16xi32>
    tpu.vector_store_idx %arg5[%add3A_1309], %broadcast_in_dim3A_3 : memref<32768xf32, #tpu.memory_space<vmem>>[vector<16xi32>], vector<16xf32>,
    %get3A_1310 = arith.constant 752 : index
    %get3A_1311 = tpu.vector_load %arg8[%get3A_1310] {strides = array<i32>} : memref<1024xi32, #tpu.memory_space<vmem>>, vector<16xi32>,
    %add3A_1312 = arith.constant 20480 : i32
    %add3A_1313 = vector.broadcast %add3A_1312 : i32 to vector<16xi32>
    %add3A_1314 = arith.addi %get3A_1311, %add3A_1313 : vector<16xi32>
    tpu.vector_store_idx %arg5[%add3A_1314], %broadcast_in_dim3A_3 : memref<32768xf32, #tpu.memory_space<vmem>>[vector<16xi32>], vector<16xf32>,
    %get3A_1315 = arith.constant 768 : index
    %get3A_1316 = tpu.vector_load %arg8[%get3A_1315] {strides = array<i32>} : memref<1024xi32, #tpu.memory_space<vmem>>, vector<16xi32>,
    %add3A_1317 = arith.constant 24576 : i32
    %add3A_1318 = vector.broadcast %add3A_1317 : i32 to vector<16xi32>
    %add3A_1319 = arith.addi %get3A_1316, %add3A_1318 : vector<16xi32>
    tpu.vector_store_idx %arg5[%add3A_1319], %broadcast_in_dim3A_3 : memref<32768xf32, #tpu.memory_space<vmem>>[vector<16xi32>], vector<16xf32>,
    %get3A_1320 = arith.constant 784 : index
    %get3A_1321 = tpu.vector_load %arg8[%get3A_1320] {strides = array<i32>} : memref<1024xi32, #tpu.memory_space<vmem>>, vector<16xi32>,
    %add3A_1322 = arith.constant 24576 : i32
    %add3A_1323 = vector.broadcast %add3A_1322 : i32 to vector<16xi32>
    %add3A_1324 = arith.addi %get3A_1321, %add3A_1323 : vector<16xi32>
    tpu.vector_store_idx %arg5[%add3A_1324], %broadcast_in_dim3A_3 : memref<32768xf32, #tpu.memory_space<vmem>>[vector<16xi32>], vector<16xf32>,
    %get3A_1325 = arith.constant 800 : index
    %get3A_1326 = tpu.vector_load %arg8[%get3A_1325] {strides = array<i32>} : memref<1024xi32, #tpu.memory_space<vmem>>, vector<16xi32>,
    %add3A_1327 = arith.constant 24576 : i32
    %add3A_1328 = vector.broadcast %add3A_1327 : i32 to vector<16xi32>
    %add3A_1329 = arith.addi %get3A_1326, %add3A_1328 : vector<16xi32>
    tpu.vector_store_idx %arg5[%add3A_1329], %broadcast_in_dim3A_3 : memref<32768xf32, #tpu.memory_space<vmem>>[vector<16xi32>], vector<16xf32>,
    %get3A_1330 = arith.constant 816 : index
    %get3A_1331 = tpu.vector_load %arg8[%get3A_1330] {strides = array<i32>} : memref<1024xi32, #tpu.memory_space<vmem>>, vector<16xi32>,
    %add3A_1332 = arith.constant 24576 : i32
    %add3A_1333 = vector.broadcast %add3A_1332 : i32 to vector<16xi32>
    %add3A_1334 = arith.addi %get3A_1331, %add3A_1333 : vector<16xi32>
    tpu.vector_store_idx %arg5[%add3A_1334], %broadcast_in_dim3A_3 : memref<32768xf32, #tpu.memory_space<vmem>>[vector<16xi32>], vector<16xf32>,
    %get3A_1335 = arith.constant 832 : index
    %get3A_1336 = tpu.vector_load %arg8[%get3A_1335] {strides = array<i32>} : memref<1024xi32, #tpu.memory_space<vmem>>, vector<16xi32>,
    %add3A_1337 = arith.constant 24576 : i32
    %add3A_1338 = vector.broadcast %add3A_1337 : i32 to vector<16xi32>
    %add3A_1339 = arith.addi %get3A_1336, %add3A_1338 : vector<16xi32>
    tpu.vector_store_idx %arg5[%add3A_1339], %broadcast_in_dim3A_3 : memref<32768xf32, #tpu.memory_space<vmem>>[vector<16xi32>], vector<16xf32>,
    %get3A_1340 = arith.constant 848 : index
    %get3A_1341 = tpu.vector_load %arg8[%get3A_1340] {strides = array<i32>} : memref<1024xi32, #tpu.memory_space<vmem>>, vector<16xi32>,
    %add3A_1342 = arith.constant 24576 : i32
    %add3A_1343 = vector.broadcast %add3A_1342 : i32 to vector<16xi32>
    %add3A_1344 = arith.addi %get3A_1341, %add3A_1343 : vector<16xi32>
    tpu.vector_store_idx %arg5[%add3A_1344], %broadcast_in_dim3A_3 : memref<32768xf32, #tpu.memory_space<vmem>>[vector<16xi32>], vector<16xf32>,
    %get3A_1345 = arith.constant 864 : index
    %get3A_1346 = tpu.vector_load %arg8[%get3A_1345] {strides = array<i32>} : memref<1024xi32, #tpu.memory_space<vmem>>, vector<16xi32>,
    %add3A_1347 = arith.constant 24576 : i32
    %add3A_1348 = vector.broadcast %add3A_1347 : i32 to vector<16xi32>
    %add3A_1349 = arith.addi %get3A_1346, %add3A_1348 : vector<16xi32>
    tpu.vector_store_idx %arg5[%add3A_1349], %broadcast_in_dim3A_3 : memref<32768xf32, #tpu.memory_space<vmem>>[vector<16xi32>], vector<16xf32>,
    %get3A_1350 = arith.constant 880 : index
    %get3A_1351 = tpu.vector_load %arg8[%get3A_1350] {strides = array<i32>} : memref<1024xi32, #tpu.memory_space<vmem>>, vector<16xi32>,
    %add3A_1352 = arith.constant 24576 : i32
    %add3A_1353 = vector.broadcast %add3A_1352 : i32 to vector<16xi32>
    %add3A_1354 = arith.addi %get3A_1351, %add3A_1353 : vector<16xi32>
    tpu.vector_store_idx %arg5[%add3A_1354], %broadcast_in_dim3A_3 : memref<32768xf32, #tpu.memory_space<vmem>>[vector<16xi32>], vector<16xf32>,
    %get3A_1355 = arith.constant 896 : index
    %get3A_1356 = tpu.vector_load %arg8[%get3A_1355] {strides = array<i32>} : memref<1024xi32, #tpu.memory_space<vmem>>, vector<16xi32>,
    %add3A_1357 = arith.constant 28672 : i32
    %add3A_1358 = vector.broadcast %add3A_1357 : i32 to vector<16xi32>
    %add3A_1359 = arith.addi %get3A_1356, %add3A_1358 : vector<16xi32>
    tpu.vector_store_idx %arg5[%add3A_1359], %broadcast_in_dim3A_3 : memref<32768xf32, #tpu.memory_space<vmem>>[vector<16xi32>], vector<16xf32>,
    %get3A_1360 = arith.constant 912 : index
    %get3A_1361 = tpu.vector_load %arg8[%get3A_1360] {strides = array<i32>} : memref<1024xi32, #tpu.memory_space<vmem>>, vector<16xi32>,
    %add3A_1362 = arith.constant 28672 : i32
    %add3A_1363 = vector.broadcast %add3A_1362 : i32 to vector<16xi32>
    %add3A_1364 = arith.addi %get3A_1361, %add3A_1363 : vector<16xi32>
    tpu.vector_store_idx %arg5[%add3A_1364], %broadcast_in_dim3A_3 : memref<32768xf32, #tpu.memory_space<vmem>>[vector<16xi32>], vector<16xf32>,
    %get3A_1365 = arith.constant 928 : index
    %get3A_1366 = tpu.vector_load %arg8[%get3A_1365] {strides = array<i32>} : memref<1024xi32, #tpu.memory_space<vmem>>, vector<16xi32>,
    %add3A_1367 = arith.constant 28672 : i32
    %add3A_1368 = vector.broadcast %add3A_1367 : i32 to vector<16xi32>
    %add3A_1369 = arith.addi %get3A_1366, %add3A_1368 : vector<16xi32>
    tpu.vector_store_idx %arg5[%add3A_1369], %broadcast_in_dim3A_3 : memref<32768xf32, #tpu.memory_space<vmem>>[vector<16xi32>], vector<16xf32>,
    %get3A_1370 = arith.constant 944 : index
    %get3A_1371 = tpu.vector_load %arg8[%get3A_1370] {strides = array<i32>} : memref<1024xi32, #tpu.memory_space<vmem>>, vector<16xi32>,
    %add3A_1372 = arith.constant 28672 : i32
    %add3A_1373 = vector.broadcast %add3A_1372 : i32 to vector<16xi32>
    %add3A_1374 = arith.addi %get3A_1371, %add3A_1373 : vector<16xi32>
    tpu.vector_store_idx %arg5[%add3A_1374], %broadcast_in_dim3A_3 : memref<32768xf32, #tpu.memory_space<vmem>>[vector<16xi32>], vector<16xf32>,
    %get3A_1375 = arith.constant 960 : index
    %get3A_1376 = tpu.vector_load %arg8[%get3A_1375] {strides = array<i32>} : memref<1024xi32, #tpu.memory_space<vmem>>, vector<16xi32>,
    %add3A_1377 = arith.constant 28672 : i32
    %add3A_1378 = vector.broadcast %add3A_1377 : i32 to vector<16xi32>
    %add3A_1379 = arith.addi %get3A_1376, %add3A_1378 : vector<16xi32>
    tpu.vector_store_idx %arg5[%add3A_1379], %broadcast_in_dim3A_3 : memref<32768xf32, #tpu.memory_space<vmem>>[vector<16xi32>], vector<16xf32>,
    %get3A_1380 = arith.constant 976 : index
    %get3A_1381 = tpu.vector_load %arg8[%get3A_1380] {strides = array<i32>} : memref<1024xi32, #tpu.memory_space<vmem>>, vector<16xi32>,
    %add3A_1382 = arith.constant 28672 : i32
    %add3A_1383 = vector.broadcast %add3A_1382 : i32 to vector<16xi32>
    %add3A_1384 = arith.addi %get3A_1381, %add3A_1383 : vector<16xi32>
    tpu.vector_store_idx %arg5[%add3A_1384], %broadcast_in_dim3A_3 : memref<32768xf32, #tpu.memory_space<vmem>>[vector<16xi32>], vector<16xf32>,
    %get3A_1385 = arith.constant 992 : index
    %get3A_1386 = tpu.vector_load %arg8[%get3A_1385] {strides = array<i32>} : memref<1024xi32, #tpu.memory_space<vmem>>, vector<16xi32>,
    %add3A_1387 = arith.constant 28672 : i32
    %add3A_1388 = vector.broadcast %add3A_1387 : i32 to vector<16xi32>
    %add3A_1389 = arith.addi %get3A_1386, %add3A_1388 : vector<16xi32>
    tpu.vector_store_idx %arg5[%add3A_1389], %broadcast_in_dim3A_3 : memref<32768xf32, #tpu.memory_space<vmem>>[vector<16xi32>], vector<16xf32>,
    %get3A_1390 = arith.constant 1008 : index
    %get3A_1391 = tpu.vector_load %arg8[%get3A_1390] {strides = array<i32>} : memref<1024xi32, #tpu.memory_space<vmem>>, vector<16xi32>,
    %add3A_1392 = arith.constant 28672 : i32
    %add3A_1393 = vector.broadcast %add3A_1392 : i32 to vector<16xi32>
    %add3A_1394 = arith.addi %get3A_1391, %add3A_1393 : vector<16xi32>
    tpu.vector_store_idx %arg5[%add3A_1394], %broadcast_in_dim3A_3 : memref<32768xf32, #tpu.memory_space<vmem>>[vector<16xi32>], vector<16xf32>,
    %add3A_1395 = arith.constant 504 : i32
    %add3A_1396 = arith.addi %mul3A_2, %add3A_1395 : i32
    %mul3A_1397 = arith.constant 4096 : i32
    %mul3A_1398 = arith.muli %add3A_1396, %mul3A_1397 : i32
    %dma_start3A_1399 = tpu.memref_slice %arg4[%mul3A_1398] : memref<67108864xf32, #tpu.memory_space<hbm>> -> memref<32768xf32, #tpu.memory_space<hbm>>
    %dma_start3A_1400 = tpu.memref_slice %arg4[%mul3A_1398] : memref<67108864xf32, #tpu.memory_space<hbm>> -> memref<32768xf32, #tpu.memory_space<hbm>>
    tpu.enqueue_dma source(%arg5 : memref<32768xf32, #tpu.memory_space<vmem>>) target(%dma_start3A_1400 : memref<32768xf32, #tpu.memory_space<hbm>>) target_semaphore(%arg17 : memref<!tpu.dma_semaphore, #tpu.memory_space<semaphore_mem>>)
    %add3A_1401 = arith.constant 496 : i32
    %add3A_1402 = arith.addi %mul3A_2, %add3A_1401 : i32
    %mul3A_1403 = arith.constant 4096 : i32
    %mul3A_1404 = arith.muli %add3A_1402, %mul3A_1403 : i32
    %dma_wait3A_1405 = tpu.memref_slice %arg4[%mul3A_1404] : memref<67108864xf32, #tpu.memory_space<hbm>> -> memref<32768xf32, #tpu.memory_space<hbm>>
    %dma_wait3A_1406 = tpu.memref_slice %arg4[%mul3A_1404] : memref<67108864xf32, #tpu.memory_space<hbm>> -> memref<32768xf32, #tpu.memory_space<hbm>>
    tpu.wait_dma2 semaphore(%arg19 : memref<!tpu.dma_semaphore, #tpu.memory_space<semaphore_mem>>) src(%arg7 : memref<32768xf32, #tpu.memory_space<vmem>>) dst(%dma_wait3A_1406 : memref<32768xf32, #tpu.memory_space<hbm>>)
    %add3A_1407 = arith.constant 504 : i32
    %add3A_1408 = arith.addi %mul3A_2, %add3A_1407 : i32
    %mul3A_1409 = arith.constant 4096 : i32
    %mul3A_1410 = arith.muli %add3A_1408, %mul3A_1409 : i32
    %dma_wait3A_1411 = tpu.memref_slice %arg4[%mul3A_1410] : memref<67108864xf32, #tpu.memory_space<hbm>> -> memref<32768xf32, #tpu.memory_space<hbm>>
    %dma_wait3A_1412 = tpu.memref_slice %arg4[%mul3A_1410] : memref<67108864xf32, #tpu.memory_space<hbm>> -> memref<32768xf32, #tpu.memory_space<hbm>>
    tpu.wait_dma2 semaphore(%arg17 : memref<!tpu.dma_semaphore, #tpu.memory_space<semaphore_mem>>) src(%arg5 : memref<32768xf32, #tpu.memory_space<vmem>>) dst(%dma_wait3A_1412 : memref<32768xf32, #tpu.memory_space<hbm>>)
    return
  }
}

</mosaic_0001>

<sc_bundles>
// kernel: kernel.3.cloned.1.call-start
scs
__scs_entry_jumppad:
0x0: {  	(pc) =	sbr.rel $0x88, $3  }
0x1: {  	(tag) =	ssettag $0x0;
	lr =	simm.s32 $0x1  }
0x2: {  	[smem:$0x3F9F] =	sst lr;
	_ =	strace $0xD0000000  }
0x3: {  	_ = 	snop  }
0x4: {  	_ = 	snop  }
0x5: {  	_ = 	snop  }
0x6: {  	_ = 	snop  }
0x7: {  	_ = 	snop  }
__scs_overlays_trampoline_lowered:
0x8: {  	[smem:$0x3FAE] =	sst s0  }
0x9: {  	[smem:$0x3FAF] =	sst s1  }
0xa: {  	[smem:$0x3FB0] =	sst s2  }
0xb: {  	[smem:$0x3FB1] =	sst s3  }
0xc: {  	[smem:$0x3FB2] =	sst s4  }
0xd: {  	[smem:$0x3FB3] =	sst s5  }
0xe: {  	[smem:$0x3FB4] =	sst s6  }
0xf: {  	[smem:$0x3FB5] =	sst s7  }
0x10: {  	[smem:$0x3FB6] =	sst s8  }
0x11: {  	[smem:$0x3FB7] =	sst s9;
	s0 =	simm.s32 @!p0 $0x0  }
0x12: {  	s1 =	sld [smem:$0x3F9D];
	s0 =	simm.s32 @p0 $0x1  }
0x13: {  	[smem:$0x3FB8] =	sst s0;
	s0 =	simm.s32 @!p1 $0x0  }
0x14: {  	s2 =	sld [smem:$0x3F9C];
	s0 =	simm.s32 @p1 $0x1  }
0x15: {  	[smem:$0x3FB9] =	sst s0;
	s0 =	simm.s32 @!p2 $0x0  }
0x16: {  	s3 =	sld [smem:$0x3FDB];
	s0 =	simm.s32 @p2 $0x1  }
0x17: {  	s4 =	simm.s32 $0x1BF5;
	[smem:$0x3FBB] =	sst s0  }
0x18: {  	s0 =	sld [smem:$0x3F9E];
	_ =	swait.ge [sflag:s4], $0x0  }
0x19: {  	s7 =	sld [smem:$0x3F9F]  }
0x1a: {  	s8 =	sadd.s32 $0xFFFFE003, lr  }
0x1b: {  	s9 =	sadd.s32 $0xFFFFFEF7, lr;
	s5 =	simm.s32 $0xFFFFFFFF;
	p2 =	slt.u32 s8, $0xFFFFF086  }
0x1c: {  	p1 =	slt.u32 s9, $0xF7A;
	s5 =	simm.s32 @!p2 $0x0  }
0x1d: {  	s5 =	simm.s32 @p1 $0x1;
	p0 =	seq.s32 s7, s2  }
0x1e: {  	s7 =	smul.u32 @!p0 $0xF7A, s2;
	p2 =	seq.s32 @!p0 s5, $0x0  }
0x1f: {  	s9 =	smul.u32 $0xF7A, s1;
	s8 =	simm.s32 @!p0 $0x1BF5;
	p2 =	por !p2, p0  }
0x20: {  	[sflag:s8] =	ssyncset.s32 @!p0 $0xFFFFF086;
	s6 =	sadd.s32 @!p0 s3, s7;
	s7 =	simm.s32 @!p0 $0x108  }
0x21: {  	s3 =	sadd.s32 s3, s9;
	s6 =	sadd.s32 @!p0 $0x88, s6;
	s7 =	simm.s32 @p2 $0x1082  }
0x22: {  	[simem:s7], [sflag:s8] =	dma.local @!p0 [hbm:s6], $0xF7A  }
0x23: {  	s9 =	sor.u32 $0xD0000000, s2;
	s6 =	simm.s32 $0x108;
	_ =	swait.ge @!p0 [sflag:s8], $0x0  }
0x24: {  	s3 =	sadd.s32 $0x88, s3;
	s6 =	simm.s32 @!p1 $0x1082;
	[sflag:s4] =	ssyncset.s32 $0xFFFFF086  }
0x25: {  	[simem:s6], [sflag:s4] =	dma.local [hbm:s3], $0xF7A  }
0x26: {  	[smem:$0x3F9F] =	sst s1;
	(tag) =	ssettag s2;
	_ =	strace s9  }
0x27: {  	s1 =	sld [smem:$0x3FAF]  }
0x28: {  	s2 =	sld [smem:$0x3FB0]  }
0x29: {  	s4 =	sld [smem:$0x3FB2]  }
0x2a: {  	p0 =	seq.s32 s5, $0x0;
	s5 =	sld [smem:$0x3FB3]  }
0x2b: {  	s6 =	sld [smem:$0x3FB4]  }
0x2c: {  	s7 =	sld [smem:$0x3FB5]  }
0x2d: {  	s3 =	simm.s32 $0x108;
	s8 =	sld [smem:$0x3FB6]  }
0x2e: {  	s3 =	simm.s32 @!p0 $0x1082;
	s9 =	sld [smem:$0x3FB7]  }
0x2f: {  	lr =	sadd.s32 s0, s3;
	s0 =	sld [smem:$0x3FAE]  }
0x30: {  	s3 =	sld [smem:$0x3FB1]  }
0x31: {  	[smem:$0x3FBA] =	sst s10  }
0x32: {  	s10 =	sld [smem:$0x3FB8];
	_ =	sdelay $0x3  }
0x33: {  	p0 =	seq.s32 s10, $0x1;
	s10 =	sld [smem:$0x3FBA];
	_ =	sdelay $0x3  }
0x34: {  	[smem:$0x3FBA] =	sst s10  }
0x35: {  	s10 =	sld [smem:$0x3FB9];
	_ =	sdelay $0x3  }
0x36: {  	p1 =	seq.s32 s10, $0x1;
	s10 =	sld [smem:$0x3FBA];
	_ =	sdelay $0x3  }
0x37: {  	[smem:$0x3FBA] =	sst s10  }
0x38: {  	s10 =	sld [smem:$0x3FBB]  }
0x39: {  	_ = 	snop;
	(pc) =	sbr.ind lr, $3  }
0x3a: {  	_ = 	snop  }
0x3b: {  	_ = 	snop  }
0x3c: {  	p2 =	seq.s32 s10, $0x1;
	s10 =	sld [smem:$0x3FBA]  }
0x3d: {  	_ =	shalt  }
0x3e: {  	_ =	shalt  }
0x3f: {  	_ =	shalt  }
0x40: {  	_ =	shalt  }
0x41: {  	_ =	shalt  }
0x42: {  	_ =	shalt  }
0x43: {  	_ =	shalt  }
0x44: {  	_ =	shalt  }
0x45: {  	_ =	shalt  }
0x46: {  	_ =	shalt  }
0x47: {  	_ =	shalt  }
0x48: {  	_ =	shalt  }
0x49: {  	_ =	shalt  }
0x4a: {  	_ =	shalt  }
0x4b: {  	_ =	shalt  }
0x4c: {  	_ =	shalt  }
0x4d: {  	_ =	shalt  }
0x4e: {  	_ =	shalt  }
0x4f: {  	_ =	shalt  }
0x50: {  	_ =	shalt  }
0x51: {  	_ =	shalt  }
0x52: {  	_ =	shalt  }
0x53: {  	_ =	shalt  }
0x54: {  	_ =	shalt  }
0x55: {  	_ =	shalt  }
0x56: {  	_ =	shalt  }
0x57: {  	_ =	shalt  }
0x58: {  	_ =	shalt  }
0x59: {  	_ =	shalt  }
0x5a: {  	_ =	shalt  }
0x5b: {  	_ =	shalt  }
0x5c: {  	_ =	shalt  }
0x5d: {  	_ =	shalt  }
0x5e: {  	_ =	shalt  }
0x5f: {  	_ =	shalt  }
0x60: {  	_ =	shalt  }
0x61: {  	_ =	shalt  }
0x62: {  	_ =	shalt  }
0x63: {  	_ =	shalt  }
0x64: {  	_ =	shalt  }
0x65: {  	_ =	shalt  }
0x66: {  	_ =	shalt  }
0x67: {  	_ =	shalt  }
0x68: {  	_ =	shalt  }
0x69: {  	_ =	shalt  }
0x6a: {  	_ =	shalt  }
0x6b: {  	_ =	shalt  }
0x6c: {  	_ =	shalt  }
0x6d: {  	_ =	shalt  }
0x6e: {  	_ =	shalt  }
0x6f: {  	_ =	shalt  }
0x70: {  	_ =	shalt  }
0x71: {  	_ =	shalt  }
0x72: {  	_ =	shalt  }
0x73: {  	_ =	shalt  }
0x74: {  	_ =	shalt  }
0x75: {  	_ =	shalt  }
0x76: {  	_ =	shalt  }
0x77: {  	_ =	shalt  }
0x78: {  	_ =	shalt  }
0x79: {  	_ =	shalt  }
0x7a: {  	_ =	shalt  }
0x7b: {  	_ =	shalt  }
0x7c: {  	_ =	shalt  }
0x7d: {  	_ =	shalt  }
0x7e: {  	_ =	shalt  }
0x7f: {  	_ =	shalt  }
0x80: {  	_ =	shalt  }
0x81: {  	_ =	shalt  }
0x82: {  	_ =	shalt  }
0x83: {  	_ =	shalt  }
0x84: {  	_ =	shalt  }
0x85: {  	_ =	shalt  }
0x86: {  	_ =	shalt  }
0x87: {  	_ =	shalt  }
.Lfunc_end0:
.L_simem_size_0:
called_computation.1_lowered:
.L_overlay_start_0:
0x88: {  	s2 =	sld [smem:$0x3FD9]  }
0x89: {  	s3 =	sld [smem:$0x3FFE];
	_ =	sdelay $0x1  }
0x8a: {  	s1 =	srdreg.scid  }
0x8b: {  	s0 =	sand.u32 $0x1, s1  }
0x8c: {  	s17 =	sshll.u32 s0, $0xA;
	s2 =	sadd.s32 s3, s2  }
0x8d: {  	s2 =	sadd.s32 s2, s17  }
0x8e: {  	[smem:$0x3FC6] =	sst s2  }
0x8f: {  	_ = 	snop  }
0x90: {  	s2 =	sld [smem:$0x3FC8]  }
0x91: {  	s18 =	sld [smem:$0x3FD0];
	(tm) =	ssettm $0x1  }
0x92: {  	s4 =	sld [smem:$0x3FFB];
	_ =	sdelay $0x3  }
0x93: {  	_ =	strace s4  }
0x94: {  	s4 =	sld [smem:$0x3FFC];
	_ =	sdelay $0x3  }
0x95: {  	_ =	strace s4  }
0x96: {  	s4 =	sld [smem:$0x3FFD];
	_ =	sdelay $0x3  }
0x97: {  	_ =	strace s4  }
0x98: {  	_ =	strace $0x8FFFFFFF  }
0x99: {  	s19 =	sld [smem:$0x3FDB];
	_ =	sdelay $0x1  }
0x9a: {  	s5 =	simm.s32 $_scs_section_size  }
0x9b: {  	s6 =	simm.s32 $_size__tile_overlayer_lowered;
	s7 =	simm.s32 $_tile_overlayer_lowered  }
0x9c: {  	s22 =	simm.s32 $0x1BFF;
	s21 =	sshll.u32 s7, $0x1;
	s4 =	sadd.s32 s5, s19  }
0x9d: {  	s8 =	simm.s32 $0x0;
	s20 =	sshll.u32 s6, $0x1;
	s6 =	sadd.s32 s21, s4  }
0x9e: {  	[timem:s8], [sflag:s22] =	dma.local [hbm:s6], s20  }
0x9f: {  	_ =	swait.ge [sflag:s22], s20  }
0xa0: {  	s5 =	ssub.s32 $0x0, s20;
	[sflag:s22] =	ssyncset.done $0x0  }
0xa1: {  	[sflag:s22] =	ssyncadd.s32 s5;
	_ =	sdelay $0x1  }
0xa2: {  	s23 =	simm.s32 $0x1B8B  }
0xa3: {  	_ =	swait.ge [sflag:s23], $0x1  }
0xa4: {  	[sflag:s23] =	ssyncset.done $0x0  }
0xa5: {  	s25 =	simm.s32 $0x1B8E;
	s24 =	sld [smem:$0x3FFE];
	[sflag:s23] =	ssyncadd.s32 $0xFFFFFFFF  }
0xa6: {  	s26 =	simm.s32 $execute0_lowered;
	[smem:$0x3FD2] =	sst s25  }
0xa7: {  	s6 =	sshll.u32 s26, $0x1;
	_ =	strace $0x80000049;
	[dreg:$0x1] =	wrdreg $0xFFFFFFFF  }
0xa8: {  	s28 =	simm.s32 $_size_execute0_lowered;
	s4 =	sadd.s32 s4, s6;
	[dreg:$0x0] =	wrdreg $0x0  }
0xa9: {  	s6 =	sshll.u32 s28, $0x1;
	[dreg:$0x2] =	wrdreg s4  }
0xaa: {  	[dreg:$0x3] =	wrdreg s6  }
0xab: {  	[dreg:$0x4] =	wrdreg $0xC0  }
0xac: {  	_ =	task [dreg:s8], $0x5FFFF  }
0xad: {  	[dreg:$0x1] =	wrdreg $0xFFFFFFFF  }
0xae: {  	[dreg:$0x0] =	wrdreg $0x60  }
0xaf: {  	[dreg:$0x2] =	wrdreg s18  }
0xb0: {  	[dreg:$0x3] =	wrdreg s2  }
0xb1: {  	[dreg:$0x4] =	wrdreg s24  }
0xb2: {  	[dreg:$0x5] =	wrdreg $0x9  }
0xb3: {  	_ =	task.clear_ibuf [dreg:s8], $0x6FFFF;
	_ =	strace $0x90000049  }
0xb4: {  	s29 =	simm.s32 $0x9;
	_ =	strace $0x8000004B  }
0xb5: {  	_ =	swait.ge [sflag:s29], $0x1  }
0xb6: {  	[sflag:s29] =	ssyncadd.s32 $0xFFFFFFFF  }
0xb7: {  	_ =	strace $0x9000004B  }
0xb8: {  	_ =	sfence  }
0xb9: {  	s30 =	sld [smem:$0x0];
	_ =	sdelay $0x2  }
0xba: {  	s31 =	sshll.u32 s1, $0xD;
	s1 =	sshrl.u32 s1, $0x2  }
0xbb: {  	s3 =	sand.u32 $0x4000, s31;
	s1 =	sadd.s32 s1, s30  }
0xbc: {  	s0 =	sor.u32 s3, s0;
	s1 =	sshll.u32 s1, $0x11  }
0xbd: {  	s0 =	sor.u32 s1, s0  }
0xbe: {  	s0 =	sadd.s32 $0x8F2B, s0  }
0xbf: {  	[sflag:s0] =	ssyncadd.remote.s32 $0x1  }
0xc0: {  	_ =	sfence.sel $0xFFFF  }
0xc1: {  	[dreg:$0x0] =	wrdreg $0xFFFFFFFF;
	(pc) =	sbr.abs _section_cstart, $3  }
0xc2: {  	[dreg:$0x1] =	wrdreg $0xFFFFFFFF  }
0xc3: {  	_ =	task.clear_ibuf [dreg:s8], $0x2FFFF;
	_ =	strace $0x9FFFFFFF  }
0xc4: {  	(tm) =	ssettm $0x7FFFFFFF  }
0xc5: {  	_ =	shalt  }
tec
execute0_lowered:
.L_overlay_start_1:
0x0: {  	(tag) =	ssettag $0x1  }
0x1: {  	s0 =	rddreg [dreg:$0x0]  }
0x2: {  	s1 =	rddreg [dreg:$0x1]  }
0x3: {  	s3 =	rddreg [dreg:$0x2]  }
0x4: {  	s2 =	simm.s32 $0x0;
	s4 =	srdreg.scid;
	s12 =	stileid.u32  }
0x5: {  	s28 =	simm.s32 $0x1;
	s29 =	simm.s32 $0x4;
	s30 =	simm.s32 $0x2  }
0x6: {  	s31 =	simm.s32 $0x5;
	[smem:$0x7FF] =	sst s2;
	s4 =	sand.u32 $0x1, s4  }
0x7: {  	s5 =	sshll.u32 s12, $0x1;
	s3 =	sadd.s32 $0x800, s3;
	s15 =	sshll.u32 s12, $0xA  }
0x8: {  	_ =	strace $0x8000004A;
	s6 =	ssub.s32 $0x2, s4;
	s5 =	sor.u32 s4, s5  }
0x9: {  	s4 =	sshll.u32 s4, $0x9;
	s7 =	sshrl.u32 s6, $0x1;
	s8 =	sshll.u32 s5, $0x9  }
0xa: {  	s22 =	sshll.u32 s5, $0x12;
	s5 =	sshll.u32 s5, $0xD;
	s4 =	sor.u32 s4, s15  }
0xb: {  	s6 =	ssub.s32 s6, s7;
	s9 =	sor.u32 $0x8, s8;
	s10 =	sadd.s32 s0, s22  }
0xc: {  	s5 =	sadd.s32 s1, s5;
	s25 =	sor.u32 $0x10, s8;
	s13 =	sor.u32 $0x18, s8  }
0xd: {  	s16 =	sor.u32 $0x30, s4;
	s18 =	sor.u32 $0x28, s4;
	[dreg:$0x7] =	wrdreg s10  }
0xe: {  	s23 =	sshll.u32 s9, $0x9;
	[dreg:$0x8] =	wrdreg s5;
	s9 =	sshll.u32 s9, $0x4  }
0xf: {  	s11 =	sshll.u32 s25, $0x9;
	s5 =	sshll.u32 s25, $0x4;
	s24 =	sadd.s32 s0, s23  }
0x10: {  	s14 =	sshll.u32 s13, $0x9;
	s9 =	sadd.s32 s1, s9;
	[dreg:$0x9] =	wrdreg s24  }
0x11: {  	s15 =	smax.u32 s6, $0x1;
	s26 =	sadd.s32 s0, s11;
	[dreg:$0xa] =	wrdreg s9  }
0x12: {  	s19 =	sshrl.u32 s18, $0x3;
	s5 =	sadd.s32 s1, s5;
	[dreg:$0xb] =	wrdreg s26  }
0x13: {  	s10 =	sadd.s32 s3, s23;
	s7 =	sadd.s32 s0, s14;
	[dreg:$0xc] =	wrdreg s5  }
0x14: {  	s20 =	sshll.u32 s19, $0x7;
	s6 =	sshll.u32 s19, $0xC;
	[dreg:$0xd] =	wrdreg s10  }
0x15: {  	s9 =	sadd.s32 s3, s22;
	[dreg:$0xe] =	wrdreg s7;
	s5 =	sshll.u32 s13, $0x4  }
0x16: {  	s13 =	sadd.s32 s3, s11;
	s8 =	sadd.s32 s20, s1;
	s21 =	sadd.s32 s6, s0  }
0x17: {  	s22 =	sor.u32 $0x20, s4;
	s23 =	sadd.s32 s6, s3;
	s4 =	sshll.u32 s4, $0x9  }
0x18: {  	s6 =	simm.s32 $0x0;
	s5 =	sadd.s32 s1, s5;
	[dreg:$0x5] =	wrdreg s21  }
0x19: {  	s14 =	sadd.s32 $0x3F000, s9;
	s24 =	sshrl.u32 s22, $0x3;
	[dreg:$0x6] =	wrdreg s23  }
0x1a: {  	s4 =	sadd.s32 s4, s3;
	s22 =	simm.s32 $0x18000;
	s23 =	simm.s32 $0x8000  }
0x1b: {  	[dreg:$0xf] =	wrdreg s5;
	s5 =	sshrl.u32 s16, $0x3;
	s25 =	sshll.u32 s24, $0x7  }
0x1c: {  	s26 =	sshll.u32 s24, $0xC;
	s21 =	sadd.s32 $0x3000, s4;
	s24 =	simm.s32 $0x18400  }
0x1d: {  	s4 =	simm.s32 $0x8;
	s17 =	sshll.u32 s5, $0x7;
	s5 =	sshll.u32 s5, $0xC  }
0x1e: {  	s7 =	sadd.s32 s25, s1;
	s19 =	sadd.s32 s26, s0;
	s20 =	sadd.s32 s26, s3  }
0x1f: {  	s25 =	simm.s32 $0x10000;
	s26 =	simm.s32 $0x18800;
	s3 =	simm.s32 $0x6  }
0x20: {  	s10 =	sadd.s32 s17, s1;
	s5 =	sadd.s32 s5, s0;
	s0 =	simm.s32 $0x7  }
0x21: {  	v0 =	vimm.f32 $5.000000000e-01;
	s1 =	simm.s32 $0x3;
	[dreg:$0x4] =	wrdreg s5;
	s5 =	simm.s32 $0x9  }
.LBB2_1:
0x22: {  	s11 =	rddreg [dreg:$0x7]  }
0x23: {  	[tilespmem:s2], [sflag:$0x1] =	stream.linear.gather [hbm4b:s11+s2], $0x8000, $0x38;
	[tilespmem:$0x18C00] =	vst v63  }
0x24: {  	s12 =	rddreg [dreg:$0x8]  }
0x25: {  	[tilespmem:s22], [sflag:$0x4] =	stream.linear.gather [hbm4b:s12+s2], $0x400, $0x38;
	[tilespmem:$0x18C00] =	vst v63  }
0x26: {  	s16 =	rddreg [dreg:$0x9]  }
0x27: {  	[tilespmem:s23], [sflag:$0x2] =	stream.linear.gather [hbm4b:s16+s2], $0x8000, $0x38;
	[tilespmem:$0x18C00] =	vst v63  }
0x28: {  	s17 =	rddreg [dreg:$0xa]  }
0x29: {  	[tilespmem:s24], [sflag:$0x5] =	stream.linear.gather [hbm4b:s17+s2], $0x400, $0x38;
	[tilespmem:$0x18C00] =	vst v63  }
0x2a: {  	s18 =	rddreg [dreg:$0xb]  }
0x2b: {  	[tilespmem:s25], [sflag:$0x3] =	stream.linear.gather [hbm4b:s18+s2], $0x8000, $0x38;
	[tilespmem:$0x18C00] =	vst v63  }
0x2c: {  	s12 =	rddreg [dreg:$0xc]  }
0x2d: {  	[tilespmem:s26], [sflag:$0x6] =	stream.linear.gather [hbm4b:s12+s2], $0x400, $0x38;
	[tilespmem:$0x18C00] =	vst v63  }
0x2e: {  	_ =	swait.ge [sflag:s28], $0x8000  }
0x2f: {  	[sflag:s28] =	ssyncset.done $0x0  }
0x30: {  	[sflag:s28] =	ssyncadd.s32 $0xFFFF8000  }
0x31: {  	_ =	swait.ge [sflag:s29], $0x400  }
0x32: {  	[sflag:s29] =	ssyncset.done $0x0  }
0x33: {  	[sflag:s29] =	ssyncadd.s32 $0xFFFFFC00  }
0x34: {  	v1 =	vld [tilespmem:$0x18000];
	_ =	sdelay $0x7  }
0x35: {  	[tilespmem:v1+s2+$0x0] =	vst.idx.msk $0xffff, v0  }
0x36: {  	v1 =	vld [tilespmem:$0x18010];
	_ =	sdelay $0x7  }
0x37: {  	[tilespmem:v1+s2+$0x0] =	vst.idx.msk $0xffff, v0  }
0x38: {  	v1 =	vld [tilespmem:$0x18020];
	_ =	sdelay $0x7  }
0x39: {  	[tilespmem:v1+s2+$0x0] =	vst.idx.msk $0xffff, v0  }
0x3a: {  	v1 =	vld [tilespmem:$0x18030];
	_ =	sdelay $0x7  }
0x3b: {  	[tilespmem:v1+s2+$0x0] =	vst.idx.msk $0xffff, v0  }
0x3c: {  	v1 =	vld [tilespmem:$0x18040];
	_ =	sdelay $0x7  }
0x3d: {  	[tilespmem:v1+s2+$0x0] =	vst.idx.msk $0xffff, v0  }
0x3e: {  	v1 =	vld [tilespmem:$0x18050];
	_ =	sdelay $0x7  }
0x3f: {  	[tilespmem:v1+s2+$0x0] =	vst.idx.msk $0xffff, v0  }
0x40: {  	v1 =	vld [tilespmem:$0x18060];
	_ =	sdelay $0x7  }
0x41: {  	[tilespmem:v1+s2+$0x0] =	vst.idx.msk $0xffff, v0  }
0x42: {  	v1 =	vld [tilespmem:$0x18070];
	_ =	sdelay $0x7  }
0x43: {  	[tilespmem:v1+s2+$0x0] =	vst.idx.msk $0xffff, v0  }
0x44: {  	v1 =	vld [tilespmem:$0x18080];
	_ =	sdelay $0x4  }
0x45: {  	v1 =	vadd.s32 $0x1000, v1;
	_ =	sdelay $0x4  }
0x46: {  	[tilespmem:v1+s2+$0x0] =	vst.idx.msk $0xffff, v0  }
0x47: {  	v1 =	vld [tilespmem:$0x18090];
	_ =	sdelay $0x4  }
0x48: {  	v1 =	vadd.s32 $0x1000, v1;
	_ =	sdelay $0x4  }
0x49: {  	[tilespmem:v1+s2+$0x0] =	vst.idx.msk $0xffff, v0  }
0x4a: {  	v1 =	vld [tilespmem:$0x180A0];
	_ =	sdelay $0x4  }
0x4b: {  	v1 =	vadd.s32 $0x1000, v1;
	_ =	sdelay $0x4  }
0x4c: {  	[tilespmem:v1+s2+$0x0] =	vst.idx.msk $0xffff, v0  }
0x4d: {  	v1 =	vld [tilespmem:$0x180B0];
	_ =	sdelay $0x4  }
0x4e: {  	v1 =	vadd.s32 $0x1000, v1;
	_ =	sdelay $0x4  }
0x4f: {  	[tilespmem:v1+s2+$0x0] =	vst.idx.msk $0xffff, v0  }
0x50: {  	v1 =	vld [tilespmem:$0x180C0];
	_ =	sdelay $0x4  }
0x51: {  	v1 =	vadd.s32 $0x1000, v1;
	_ =	sdelay $0x4  }
0x52: {  	[tilespmem:v1+s2+$0x0] =	vst.idx.msk $0xffff, v0  }
0x53: {  	v1 =	vld [tilespmem:$0x180D0];
	_ =	sdelay $0x4  }
0x54: {  	v1 =	vadd.s32 $0x1000, v1;
	_ =	sdelay $0x4  }
0x55: {  	[tilespmem:v1+s2+$0x0] =	vst.idx.msk $0xffff, v0  }
0x56: {  	v1 =	vld [tilespmem:$0x180E0];
	_ =	sdelay $0x4  }
0x57: {  	v1 =	vadd.s32 $0x1000, v1;
	_ =	sdelay $0x4  }
0x58: {  	[tilespmem:v1+s2+$0x0] =	vst.idx.msk $0xffff, v0  }
0x59: {  	v1 =	vld [tilespmem:$0x180F0];
	_ =	sdelay $0x4  }
0x5a: {  	v1 =	vadd.s32 $0x1000, v1;
	_ =	sdelay $0x4  }
0x5b: {  	[tilespmem:v1+s2+$0x0] =	vst.idx.msk $0xffff, v0  }
0x5c: {  	v1 =	vld [tilespmem:$0x18100];
	_ =	sdelay $0x4  }
0x5d: {  	v1 =	vadd.s32 $0x2000, v1;
	_ =	sdelay $0x4  }
0x5e: {  	[tilespmem:v1+s2+$0x0] =	vst.idx.msk $0xffff, v0  }
0x5f: {  	v1 =	vld [tilespmem:$0x18110];
	_ =	sdelay $0x4  }
0x60: {  	v1 =	vadd.s32 $0x2000, v1;
	_ =	sdelay $0x4  }
0x61: {  	[tilespmem:v1+s2+$0x0] =	vst.idx.msk $0xffff, v0  }
0x62: {  	v1 =	vld [tilespmem:$0x18120];
	_ =	sdelay $0x4  }
0x63: {  	v1 =	vadd.s32 $0x2000, v1;
	_ =	sdelay $0x4  }
0x64: {  	[tilespmem:v1+s2+$0x0] =	vst.idx.msk $0xffff, v0  }
0x65: {  	v1 =	vld [tilespmem:$0x18130];
	_ =	sdelay $0x4  }
0x66: {  	v1 =	vadd.s32 $0x2000, v1;
	_ =	sdelay $0x4  }
0x67: {  	[tilespmem:v1+s2+$0x0] =	vst.idx.msk $0xffff, v0  }
0x68: {  	v1 =	vld [tilespmem:$0x18140];
	_ =	sdelay $0x4  }
0x69: {  	v1 =	vadd.s32 $0x2000, v1;
	_ =	sdelay $0x4  }
0x6a: {  	[tilespmem:v1+s2+$0x0] =	vst.idx.msk $0xffff, v0  }
0x6b: {  	v1 =	vld [tilespmem:$0x18150];
	_ =	sdelay $0x4  }
0x6c: {  	v1 =	vadd.s32 $0x2000, v1;
	_ =	sdelay $0x4  }
0x6d: {  	[tilespmem:v1+s2+$0x0] =	vst.idx.msk $0xffff, v0  }
0x6e: {  	v1 =	vld [tilespmem:$0x18160];
	_ =	sdelay $0x4  }
0x6f: {  	v1 =	vadd.s32 $0x2000, v1;
	_ =	sdelay $0x4  }
0x70: {  	[tilespmem:v1+s2+$0x0] =	vst.idx.msk $0xffff, v0  }
0x71: {  	v1 =	vld [tilespmem:$0x18170];
	_ =	sdelay $0x4  }
0x72: {  	v1 =	vadd.s32 $0x2000, v1;
	_ =	sdelay $0x4  }
0x73: {  	[tilespmem:v1+s2+$0x0] =	vst.idx.msk $0xffff, v0  }
0x74: {  	v1 =	vld [tilespmem:$0x18180];
	_ =	sdelay $0x4  }
0x75: {  	v1 =	vadd.s32 $0x3000, v1;
	_ =	sdelay $0x4  }
0x76: {  	[tilespmem:v1+s2+$0x0] =	vst.idx.msk $0xffff, v0  }
0x77: {  	v1 =	vld [tilespmem:$0x18190];
	_ =	sdelay $0x4  }
0x78: {  	v1 =	vadd.s32 $0x3000, v1;
	_ =	sdelay $0x4  }
0x79: {  	[tilespmem:v1+s2+$0x0] =	vst.idx.msk $0xffff, v0  }
0x7a: {  	v1 =	vld [tilespmem:$0x181A0];
	_ =	sdelay $0x4  }
0x7b: {  	v1 =	vadd.s32 $0x3000, v1;
	_ =	sdelay $0x4  }
0x7c: {  	[tilespmem:v1+s2+$0x0] =	vst.idx.msk $0xffff, v0  }
0x7d: {  	v1 =	vld [tilespmem:$0x181B0];
	_ =	sdelay $0x4  }
0x7e: {  	v1 =	vadd.s32 $0x3000, v1;
	_ =	sdelay $0x4  }
0x7f: {  	[tilespmem:v1+s2+$0x0] =	vst.idx.msk $0xffff, v0  }
0x80: {  	v1 =	vld [tilespmem:$0x181C0];
	_ =	sdelay $0x4  }
0x81: {  	v1 =	vadd.s32 $0x3000, v1;
	_ =	sdelay $0x4  }
0x82: {  	[tilespmem:v1+s2+$0x0] =	vst.idx.msk $0xffff, v0  }
0x83: {  	v1 =	vld [tilespmem:$0x181D0];
	_ =	sdelay $0x4  }
0x84: {  	v1 =	vadd.s32 $0x3000, v1;
	_ =	sdelay $0x4  }
0x85: {  	[tilespmem:v1+s2+$0x0] =	vst.idx.msk $0xffff, v0  }
0x86: {  	v1 =	vld [tilespmem:$0x181E0];
	_ =	sdelay $0x4  }
0x87: {  	v1 =	vadd.s32 $0x3000, v1;
	_ =	sdelay $0x4  }
0x88: {  	[tilespmem:v1+s2+$0x0] =	vst.idx.msk $0xffff, v0  }
0x89: {  	v1 =	vld [tilespmem:$0x181F0];
	_ =	sdelay $0x4  }
0x8a: {  	v1 =	vadd.s32 $0x3000, v1;
	_ =	sdelay $0x4  }
0x8b: {  	[tilespmem:v1+s2+$0x0] =	vst.idx.msk $0xffff, v0  }
0x8c: {  	v1 =	vld [tilespmem:$0x18200];
	_ =	sdelay $0x4  }
0x8d: {  	v1 =	vadd.s32 $0x4000, v1;
	_ =	sdelay $0x4  }
0x8e: {  	[tilespmem:v1+s2+$0x0] =	vst.idx.msk $0xffff, v0  }
0x8f: {  	v1 =	vld [tilespmem:$0x18210];
	_ =	sdelay $0x4  }
0x90: {  	v1 =	vadd.s32 $0x4000, v1;
	_ =	sdelay $0x4  }
0x91: {  	[tilespmem:v1+s2+$0x0] =	vst.idx.msk $0xffff, v0  }
0x92: {  	v1 =	vld [tilespmem:$0x18220];
	_ =	sdelay $0x4  }
0x93: {  	v1 =	vadd.s32 $0x4000, v1;
	_ =	sdelay $0x4  }
0x94: {  	[tilespmem:v1+s2+$0x0] =	vst.idx.msk $0xffff, v0  }
0x95: {  	v1 =	vld [tilespmem:$0x18230];
	_ =	sdelay $0x4  }
0x96: {  	v1 =	vadd.s32 $0x4000, v1;
	_ =	sdelay $0x4  }
0x97: {  	[tilespmem:v1+s2+$0x0] =	vst.idx.msk $0xffff, v0  }
0x98: {  	v1 =	vld [tilespmem:$0x18240];
	_ =	sdelay $0x4  }
0x99: {  	v1 =	vadd.s32 $0x4000, v1;
	_ =	sdelay $0x4  }
0x9a: {  	[tilespmem:v1+s2+$0x0] =	vst.idx.msk $0xffff, v0  }
0x9b: {  	v1 =	vld [tilespmem:$0x18250];
	_ =	sdelay $0x4  }
0x9c: {  	v1 =	vadd.s32 $0x4000, v1;
	_ =	sdelay $0x4  }
0x9d: {  	[tilespmem:v1+s2+$0x0] =	vst.idx.msk $0xffff, v0  }
0x9e: {  	v1 =	vld [tilespmem:$0x18260];
	_ =	sdelay $0x4  }
0x9f: {  	v1 =	vadd.s32 $0x4000, v1;
	_ =	sdelay $0x4  }
0xa0: {  	[tilespmem:v1+s2+$0x0] =	vst.idx.msk $0xffff, v0  }
0xa1: {  	v1 =	vld [tilespmem:$0x18270];
	_ =	sdelay $0x4  }
0xa2: {  	v1 =	vadd.s32 $0x4000, v1;
	_ =	sdelay $0x4  }
0xa3: {  	[tilespmem:v1+s2+$0x0] =	vst.idx.msk $0xffff, v0  }
0xa4: {  	v1 =	vld [tilespmem:$0x18280];
	_ =	sdelay $0x4  }
0xa5: {  	v1 =	vadd.s32 $0x5000, v1;
	_ =	sdelay $0x4  }
0xa6: {  	[tilespmem:v1+s2+$0x0] =	vst.idx.msk $0xffff, v0  }
0xa7: {  	v1 =	vld [tilespmem:$0x18290];
	_ =	sdelay $0x4  }
0xa8: {  	v1 =	vadd.s32 $0x5000, v1;
	_ =	sdelay $0x4  }
0xa9: {  	[tilespmem:v1+s2+$0x0] =	vst.idx.msk $0xffff, v0  }
0xaa: {  	v1 =	vld [tilespmem:$0x182A0];
	_ =	sdelay $0x4  }
0xab: {  	v1 =	vadd.s32 $0x5000, v1;
	_ =	sdelay $0x4  }
0xac: {  	[tilespmem:v1+s2+$0x0] =	vst.idx.msk $0xffff, v0  }
0xad: {  	v1 =	vld [tilespmem:$0x182B0];
	_ =	sdelay $0x4  }
0xae: {  	v1 =	vadd.s32 $0x5000, v1;
	_ =	sdelay $0x4  }
0xaf: {  	[tilespmem:v1+s2+$0x0] =	vst.idx.msk $0xffff, v0  }
0xb0: {  	v1 =	vld [tilespmem:$0x182C0];
	_ =	sdelay $0x4  }
0xb1: {  	v1 =	vadd.s32 $0x5000, v1;
	_ =	sdelay $0x4  }
0xb2: {  	[tilespmem:v1+s2+$0x0] =	vst.idx.msk $0xffff, v0  }
0xb3: {  	v1 =	vld [tilespmem:$0x182D0];
	_ =	sdelay $0x4  }
0xb4: {  	v1 =	vadd.s32 $0x5000, v1;
	_ =	sdelay $0x4  }
0xb5: {  	[tilespmem:v1+s2+$0x0] =	vst.idx.msk $0xffff, v0  }
0xb6: {  	v1 =	vld [tilespmem:$0x182E0];
	_ =	sdelay $0x4  }
0xb7: {  	v1 =	vadd.s32 $0x5000, v1;
	_ =	sdelay $0x4  }
0xb8: {  	[tilespmem:v1+s2+$0x0] =	vst.idx.msk $0xffff, v0  }
0xb9: {  	v1 =	vld [tilespmem:$0x182F0];
	_ =	sdelay $0x4  }
0xba: {  	v1 =	vadd.s32 $0x5000, v1;
	_ =	sdelay $0x4  }
0xbb: {  	[tilespmem:v1+s2+$0x0] =	vst.idx.msk $0xffff, v0  }
0xbc: {  	v1 =	vld [tilespmem:$0x18300];
	_ =	sdelay $0x4  }
0xbd: {  	v1 =	vadd.s32 $0x6000, v1;
	_ =	sdelay $0x4  }
0xbe: {  	[tilespmem:v1+s2+$0x0] =	vst.idx.msk $0xffff, v0  }
0xbf: {  	v1 =	vld [tilespmem:$0x18310];
	_ =	sdelay $0x4  }
0xc0: {  	v1 =	vadd.s32 $0x6000, v1;
	_ =	sdelay $0x4  }
0xc1: {  	[tilespmem:v1+s2+$0x0] =	vst.idx.msk $0xffff, v0  }
0xc2: {  	v1 =	vld [tilespmem:$0x18320];
	_ =	sdelay $0x4  }
0xc3: {  	v1 =	vadd.s32 $0x6000, v1;
	_ =	sdelay $0x4  }
0xc4: {  	[tilespmem:v1+s2+$0x0] =	vst.idx.msk $0xffff, v0  }
0xc5: {  	v1 =	vld [tilespmem:$0x18330];
	_ =	sdelay $0x4  }
0xc6: {  	v1 =	vadd.s32 $0x6000, v1;
	_ =	sdelay $0x4  }
0xc7: {  	[tilespmem:v1+s2+$0x0] =	vst.idx.msk $0xffff, v0  }
0xc8: {  	v1 =	vld [tilespmem:$0x18340];
	_ =	sdelay $0x4  }
0xc9: {  	v1 =	vadd.s32 $0x6000, v1;
	_ =	sdelay $0x4  }
0xca: {  	[tilespmem:v1+s2+$0x0] =	vst.idx.msk $0xffff, v0  }
0xcb: {  	v1 =	vld [tilespmem:$0x18350];
	_ =	sdelay $0x4  }
0xcc: {  	v1 =	vadd.s32 $0x6000, v1;
	_ =	sdelay $0x4  }
0xcd: {  	[tilespmem:v1+s2+$0x0] =	vst.idx.msk $0xffff, v0  }
0xce: {  	v1 =	vld [tilespmem:$0x18360];
	_ =	sdelay $0x4  }
0xcf: {  	v1 =	vadd.s32 $0x6000, v1;
	_ =	sdelay $0x4  }
0xd0: {  	[tilespmem:v1+s2+$0x0] =	vst.idx.msk $0xffff, v0  }
0xd1: {  	v1 =	vld [tilespmem:$0x18370];
	_ =	sdelay $0x4  }
0xd2: {  	v1 =	vadd.s32 $0x6000, v1;
	_ =	sdelay $0x4  }
0xd3: {  	[tilespmem:v1+s2+$0x0] =	vst.idx.msk $0xffff, v0  }
0xd4: {  	v1 =	vld [tilespmem:$0x18380];
	_ =	sdelay $0x4  }
0xd5: {  	v1 =	vadd.s32 $0x7000, v1;
	_ =	sdelay $0x4  }
0xd6: {  	[tilespmem:v1+s2+$0x0] =	vst.idx.msk $0xffff, v0  }
0xd7: {  	v1 =	vld [tilespmem:$0x18390];
	_ =	sdelay $0x4  }
0xd8: {  	v1 =	vadd.s32 $0x7000, v1;
	_ =	sdelay $0x4  }
0xd9: {  	[tilespmem:v1+s2+$0x0] =	vst.idx.msk $0xffff, v0  }
0xda: {  	v1 =	vld [tilespmem:$0x183A0];
	_ =	sdelay $0x4  }
0xdb: {  	v1 =	vadd.s32 $0x7000, v1;
	_ =	sdelay $0x4  }
0xdc: {  	[tilespmem:v1+s2+$0x0] =	vst.idx.msk $0xffff, v0  }
0xdd: {  	v1 =	vld [tilespmem:$0x183B0];
	_ =	sdelay $0x4  }
0xde: {  	v1 =	vadd.s32 $0x7000, v1;
	_ =	sdelay $0x4  }
0xdf: {  	[tilespmem:v1+s2+$0x0] =	vst.idx.msk $0xffff, v0  }
0xe0: {  	v1 =	vld [tilespmem:$0x183C0];
	_ =	sdelay $0x4  }
0xe1: {  	v1 =	vadd.s32 $0x7000, v1;
	_ =	sdelay $0x4  }
0xe2: {  	[tilespmem:v1+s2+$0x0] =	vst.idx.msk $0xffff, v0  }
0xe3: {  	v1 =	vld [tilespmem:$0x183D0];
	_ =	sdelay $0x4  }
0xe4: {  	v1 =	vadd.s32 $0x7000, v1;
	_ =	sdelay $0x4  }
0xe5: {  	[tilespmem:v1+s2+$0x0] =	vst.idx.msk $0xffff, v0  }
0xe6: {  	v1 =	vld [tilespmem:$0x183E0];
	_ =	sdelay $0x4  }
0xe7: {  	v1 =	vadd.s32 $0x7000, v1;
	_ =	sdelay $0x4  }
0xe8: {  	[tilespmem:v1+s2+$0x0] =	vst.idx.msk $0xffff, v0  }
0xe9: {  	v1 =	vld [tilespmem:$0x183F0];
	_ =	sdelay $0x4  }
0xea: {  	v1 =	vadd.s32 $0x7000, v1;
	_ =	sdelay $0x4  }
0xeb: {  	[tilespmem:v1+s2+$0x0] =	vst.idx.msk $0xffff, v0  }
0xec: {  	[hbm4b:s9+s2] =	stream.linear.scatter [tilespmem:s2], [sflag:$0x7], $0x8000, $0x38;
	[tilespmem:$0x18C00] =	vst v63  }
0xed: {  	_ =	swait.ge [sflag:s30], $0x8000  }
0xee: {  	[sflag:s30] =	ssyncset.done $0x0  }
0xef: {  	[sflag:s30] =	ssyncadd.s32 $0xFFFF8000  }
0xf0: {  	_ =	swait.ge [sflag:s31], $0x400  }
0xf1: {  	[sflag:s31] =	ssyncset.done $0x0  }
0xf2: {  	[sflag:s31] =	ssyncadd.s32 $0xFFFFFC00  }
0xf3: {  	v1 =	vld [tilespmem:$0x18400];
	_ =	sdelay $0x7  }
0xf4: {  	[tilespmem:v1+s23+$0x0] =	vst.idx.msk $0xffff, v0  }
0xf5: {  	v1 =	vld [tilespmem:$0x18410];
	_ =	sdelay $0x7  }
0xf6: {  	[tilespmem:v1+s23+$0x0] =	vst.idx.msk $0xffff, v0  }
0xf7: {  	v1 =	vld [tilespmem:$0x18420];
	_ =	sdelay $0x7  }
0xf8: {  	[tilespmem:v1+s23+$0x0] =	vst.idx.msk $0xffff, v0  }
0xf9: {  	v1 =	vld [tilespmem:$0x18430];
	_ =	sdelay $0x7  }
0xfa: {  	[tilespmem:v1+s23+$0x0] =	vst.idx.msk $0xffff, v0  }
0xfb: {  	v1 =	vld [tilespmem:$0x18440];
	_ =	sdelay $0x7  }
0xfc: {  	[tilespmem:v1+s23+$0x0] =	vst.idx.msk $0xffff, v0  }
0xfd: {  	v1 =	vld [tilespmem:$0x18450];
	_ =	sdelay $0x7  }
0xfe: {  	[tilespmem:v1+s23+$0x0] =	vst.idx.msk $0xffff, v0  }
0xff: {  	v1 =	vld [tilespmem:$0x18460];
	_ =	sdelay $0x7  }
0x100: {  	[tilespmem:v1+s23+$0x0] =	vst.idx.msk $0xffff, v0  }
0x101: {  	v1 =	vld [tilespmem:$0x18470];
	_ =	sdelay $0x7  }
0x102: {  	[tilespmem:v1+s23+$0x0] =	vst.idx.msk $0xffff, v0  }
0x103: {  	v1 =	vld [tilespmem:$0x18480];
	_ =	sdelay $0x4  }
0x104: {  	v1 =	vadd.s32 $0x1000, v1;
	_ =	sdelay $0x4  }
0x105: {  	[tilespmem:v1+s23+$0x0] =	vst.idx.msk $0xffff, v0  }
0x106: {  	v1 =	vld [tilespmem:$0x18490];
	_ =	sdelay $0x4  }
0x107: {  	v1 =	vadd.s32 $0x1000, v1;
	_ =	sdelay $0x4  }
0x108: {  	[tilespmem:v1+s23+$0x0] =	vst.idx.msk $0xffff, v0  }
0x109: {  	v1 =	vld [tilespmem:$0x184A0];
	_ =	sdelay $0x4  }
0x10a: {  	v1 =	vadd.s32 $0x1000, v1;
	_ =	sdelay $0x4  }
0x10b: {  	[tilespmem:v1+s23+$0x0] =	vst.idx.msk $0xffff, v0  }
0x10c: {  	v1 =	vld [tilespmem:$0x184B0];
	_ =	sdelay $0x4  }
0x10d: {  	v1 =	vadd.s32 $0x1000, v1;
	_ =	sdelay $0x4  }
0x10e: {  	[tilespmem:v1+s23+$0x0] =	vst.idx.msk $0xffff, v0  }
0x10f: {  	v1 =	vld [tilespmem:$0x184C0];
	_ =	sdelay $0x4  }
0x110: {  	v1 =	vadd.s32 $0x1000, v1;
	_ =	sdelay $0x4  }
0x111: {  	[tilespmem:v1+s23+$0x0] =	vst.idx.msk $0xffff, v0  }
0x112: {  	v1 =	vld [tilespmem:$0x184D0];
	_ =	sdelay $0x4  }
0x113: {  	v1 =	vadd.s32 $0x1000, v1;
	_ =	sdelay $0x4  }
0x114: {  	[tilespmem:v1+s23+$0x0] =	vst.idx.msk $0xffff, v0  }
0x115: {  	v1 =	vld [tilespmem:$0x184E0];
	_ =	sdelay $0x4  }
0x116: {  	v1 =	vadd.s32 $0x1000, v1;
	_ =	sdelay $0x4  }
0x117: {  	[tilespmem:v1+s23+$0x0] =	vst.idx.msk $0xffff, v0  }
0x118: {  	v1 =	vld [tilespmem:$0x184F0];
	_ =	sdelay $0x4  }
0x119: {  	v1 =	vadd.s32 $0x1000, v1;
	_ =	sdelay $0x4  }
0x11a: {  	[tilespmem:v1+s23+$0x0] =	vst.idx.msk $0xffff, v0  }
0x11b: {  	v1 =	vld [tilespmem:$0x18500];
	_ =	sdelay $0x4  }
0x11c: {  	v1 =	vadd.s32 $0x2000, v1;
	_ =	sdelay $0x4  }
0x11d: {  	[tilespmem:v1+s23+$0x0] =	vst.idx.msk $0xffff, v0  }
0x11e: {  	v1 =	vld [tilespmem:$0x18510];
	_ =	sdelay $0x4  }
0x11f: {  	v1 =	vadd.s32 $0x2000, v1;
	_ =	sdelay $0x4  }
0x120: {  	[tilespmem:v1+s23+$0x0] =	vst.idx.msk $0xffff, v0  }
0x121: {  	v1 =	vld [tilespmem:$0x18520];
	_ =	sdelay $0x4  }
0x122: {  	v1 =	vadd.s32 $0x2000, v1;
	_ =	sdelay $0x4  }
0x123: {  	[tilespmem:v1+s23+$0x0] =	vst.idx.msk $0xffff, v0  }
0x124: {  	v1 =	vld [tilespmem:$0x18530];
	_ =	sdelay $0x4  }
0x125: {  	v1 =	vadd.s32 $0x2000, v1;
	_ =	sdelay $0x4  }
0x126: {  	[tilespmem:v1+s23+$0x0] =	vst.idx.msk $0xffff, v0  }
0x127: {  	v1 =	vld [tilespmem:$0x18540];
	_ =	sdelay $0x4  }
0x128: {  	v1 =	vadd.s32 $0x2000, v1;
	_ =	sdelay $0x4  }
0x129: {  	[tilespmem:v1+s23+$0x0] =	vst.idx.msk $0xffff, v0  }
0x12a: {  	v1 =	vld [tilespmem:$0x18550];
	_ =	sdelay $0x4  }
0x12b: {  	v1 =	vadd.s32 $0x2000, v1;
	_ =	sdelay $0x4  }
0x12c: {  	[tilespmem:v1+s23+$0x0] =	vst.idx.msk $0xffff, v0  }
0x12d: {  	v1 =	vld [tilespmem:$0x18560];
	_ =	sdelay $0x4  }
0x12e: {  	v1 =	vadd.s32 $0x2000, v1;
	_ =	sdelay $0x4  }
0x12f: {  	[tilespmem:v1+s23+$0x0] =	vst.idx.msk $0xffff, v0  }
0x130: {  	v1 =	vld [tilespmem:$0x18570];
	_ =	sdelay $0x4  }
0x131: {  	v1 =	vadd.s32 $0x2000, v1;
	_ =	sdelay $0x4  }
0x132: {  	[tilespmem:v1+s23+$0x0] =	vst.idx.msk $0xffff, v0  }
0x133: {  	v1 =	vld [tilespmem:$0x18580];
	_ =	sdelay $0x4  }
0x134: {  	v1 =	vadd.s32 $0x3000, v1;
	_ =	sdelay $0x4  }
0x135: {  	[tilespmem:v1+s23+$0x0] =	vst.idx.msk $0xffff, v0  }
0x136: {  	v1 =	vld [tilespmem:$0x18590];
	_ =	sdelay $0x4  }
0x137: {  	v1 =	vadd.s32 $0x3000, v1;
	_ =	sdelay $0x4  }
0x138: {  	[tilespmem:v1+s23+$0x0] =	vst.idx.msk $0xffff, v0  }
0x139: {  	v1 =	vld [tilespmem:$0x185A0];
	_ =	sdelay $0x4  }
0x13a: {  	v1 =	vadd.s32 $0x3000, v1;
	_ =	sdelay $0x4  }
0x13b: {  	[tilespmem:v1+s23+$0x0] =	vst.idx.msk $0xffff, v0  }
0x13c: {  	v1 =	vld [tilespmem:$0x185B0];
	_ =	sdelay $0x4  }
0x13d: {  	v1 =	vadd.s32 $0x3000, v1;
	_ =	sdelay $0x4  }
0x13e: {  	[tilespmem:v1+s23+$0x0] =	vst.idx.msk $0xffff, v0  }
0x13f: {  	v1 =	vld [tilespmem:$0x185C0];
	_ =	sdelay $0x4  }
0x140: {  	v1 =	vadd.s32 $0x3000, v1;
	_ =	sdelay $0x4  }
0x141: {  	[tilespmem:v1+s23+$0x0] =	vst.idx.msk $0xffff, v0  }
0x142: {  	v1 =	vld [tilespmem:$0x185D0];
	_ =	sdelay $0x4  }
0x143: {  	v1 =	vadd.s32 $0x3000, v1;
	_ =	sdelay $0x4  }
0x144: {  	[tilespmem:v1+s23+$0x0] =	vst.idx.msk $0xffff, v0  }
0x145: {  	v1 =	vld [tilespmem:$0x185E0];
	_ =	sdelay $0x4  }
0x146: {  	v1 =	vadd.s32 $0x3000, v1;
	_ =	sdelay $0x4  }
0x147: {  	[tilespmem:v1+s23+$0x0] =	vst.idx.msk $0xffff, v0  }
0x148: {  	v1 =	vld [tilespmem:$0x185F0];
	_ =	sdelay $0x4  }
0x149: {  	v1 =	vadd.s32 $0x3000, v1;
	_ =	sdelay $0x4  }
0x14a: {  	[tilespmem:v1+s23+$0x0] =	vst.idx.msk $0xffff, v0  }
0x14b: {  	v1 =	vld [tilespmem:$0x18600];
	_ =	sdelay $0x4  }
0x14c: {  	v1 =	vadd.s32 $0x4000, v1;
	_ =	sdelay $0x4  }
0x14d: {  	[tilespmem:v1+s23+$0x0] =	vst.idx.msk $0xffff, v0  }
0x14e: {  	v1 =	vld [tilespmem:$0x18610];
	_ =	sdelay $0x4  }
0x14f: {  	v1 =	vadd.s32 $0x4000, v1;
	_ =	sdelay $0x4  }
0x150: {  	[tilespmem:v1+s23+$0x0] =	vst.idx.msk $0xffff, v0  }
0x151: {  	v1 =	vld [tilespmem:$0x18620];
	_ =	sdelay $0x4  }
0x152: {  	v1 =	vadd.s32 $0x4000, v1;
	_ =	sdelay $0x4  }
0x153: {  	[tilespmem:v1+s23+$0x0] =	vst.idx.msk $0xffff, v0  }
0x154: {  	v1 =	vld [tilespmem:$0x18630];
	_ =	sdelay $0x4  }
0x155: {  	v1 =	vadd.s32 $0x4000, v1;
	_ =	sdelay $0x4  }
0x156: {  	[tilespmem:v1+s23+$0x0] =	vst.idx.msk $0xffff, v0  }
0x157: {  	v1 =	vld [tilespmem:$0x18640];
	_ =	sdelay $0x4  }
0x158: {  	v1 =	vadd.s32 $0x4000, v1;
	_ =	sdelay $0x4  }
0x159: {  	[tilespmem:v1+s23+$0x0] =	vst.idx.msk $0xffff, v0  }
0x15a: {  	v1 =	vld [tilespmem:$0x18650];
	_ =	sdelay $0x4  }
0x15b: {  	v1 =	vadd.s32 $0x4000, v1;
	_ =	sdelay $0x4  }
0x15c: {  	[tilespmem:v1+s23+$0x0] =	vst.idx.msk $0xffff, v0  }
0x15d: {  	v1 =	vld [tilespmem:$0x18660];
	_ =	sdelay $0x4  }
0x15e: {  	v1 =	vadd.s32 $0x4000, v1;
	_ =	sdelay $0x4  }
0x15f: {  	[tilespmem:v1+s23+$0x0] =	vst.idx.msk $0xffff, v0  }
0x160: {  	v1 =	vld [tilespmem:$0x18670];
	_ =	sdelay $0x4  }
0x161: {  	v1 =	vadd.s32 $0x4000, v1;
	_ =	sdelay $0x4  }
0x162: {  	[tilespmem:v1+s23+$0x0] =	vst.idx.msk $0xffff, v0  }
0x163: {  	v1 =	vld [tilespmem:$0x18680];
	_ =	sdelay $0x4  }
0x164: {  	v1 =	vadd.s32 $0x5000, v1;
	_ =	sdelay $0x4  }
0x165: {  	[tilespmem:v1+s23+$0x0] =	vst.idx.msk $0xffff, v0  }
0x166: {  	v1 =	vld [tilespmem:$0x18690];
	_ =	sdelay $0x4  }
0x167: {  	v1 =	vadd.s32 $0x5000, v1;
	_ =	sdelay $0x4  }
0x168: {  	[tilespmem:v1+s23+$0x0] =	vst.idx.msk $0xffff, v0  }
0x169: {  	v1 =	vld [tilespmem:$0x186A0];
	_ =	sdelay $0x4  }
0x16a: {  	v1 =	vadd.s32 $0x5000, v1;
	_ =	sdelay $0x4  }
0x16b: {  	[tilespmem:v1+s23+$0x0] =	vst.idx.msk $0xffff, v0  }
0x16c: {  	v1 =	vld [tilespmem:$0x186B0];
	_ =	sdelay $0x4  }
0x16d: {  	v1 =	vadd.s32 $0x5000, v1;
	_ =	sdelay $0x4  }
0x16e: {  	[tilespmem:v1+s23+$0x0] =	vst.idx.msk $0xffff, v0  }
0x16f: {  	v1 =	vld [tilespmem:$0x186C0];
	_ =	sdelay $0x4  }
0x170: {  	v1 =	vadd.s32 $0x5000, v1;
	_ =	sdelay $0x4  }
0x171: {  	[tilespmem:v1+s23+$0x0] =	vst.idx.msk $0xffff, v0  }
0x172: {  	v1 =	vld [tilespmem:$0x186D0];
	_ =	sdelay $0x4  }
0x173: {  	v1 =	vadd.s32 $0x5000, v1;
	_ =	sdelay $0x4  }
0x174: {  	[tilespmem:v1+s23+$0x0] =	vst.idx.msk $0xffff, v0  }
0x175: {  	v1 =	vld [tilespmem:$0x186E0];
	_ =	sdelay $0x4  }
0x176: {  	v1 =	vadd.s32 $0x5000, v1;
	_ =	sdelay $0x4  }
0x177: {  	[tilespmem:v1+s23+$0x0] =	vst.idx.msk $0xffff, v0  }
0x178: {  	v1 =	vld [tilespmem:$0x186F0];
	_ =	sdelay $0x4  }
0x179: {  	v1 =	vadd.s32 $0x5000, v1;
	_ =	sdelay $0x4  }
0x17a: {  	[tilespmem:v1+s23+$0x0] =	vst.idx.msk $0xffff, v0  }
0x17b: {  	v1 =	vld [tilespmem:$0x18700];
	_ =	sdelay $0x4  }
0x17c: {  	v1 =	vadd.s32 $0x6000, v1;
	_ =	sdelay $0x4  }
0x17d: {  	[tilespmem:v1+s23+$0x0] =	vst.idx.msk $0xffff, v0  }
0x17e: {  	v1 =	vld [tilespmem:$0x18710];
	_ =	sdelay $0x4  }
0x17f: {  	v1 =	vadd.s32 $0x6000, v1;
	_ =	sdelay $0x4  }
0x180: {  	[tilespmem:v1+s23+$0x0] =	vst.idx.msk $0xffff, v0  }
0x181: {  	v1 =	vld [tilespmem:$0x18720];
	_ =	sdelay $0x4  }
0x182: {  	v1 =	vadd.s32 $0x6000, v1;
	_ =	sdelay $0x4  }
0x183: {  	[tilespmem:v1+s23+$0x0] =	vst.idx.msk $0xffff, v0  }
0x184: {  	v1 =	vld [tilespmem:$0x18730];
	_ =	sdelay $0x4  }
0x185: {  	v1 =	vadd.s32 $0x6000, v1;
	_ =	sdelay $0x4  }
0x186: {  	[tilespmem:v1+s23+$0x0] =	vst.idx.msk $0xffff, v0  }
0x187: {  	v1 =	vld [tilespmem:$0x18740];
	_ =	sdelay $0x4  }
0x188: {  	v1 =	vadd.s32 $0x6000, v1;
	_ =	sdelay $0x4  }
0x189: {  	[tilespmem:v1+s23+$0x0] =	vst.idx.msk $0xffff, v0  }
0x18a: {  	v1 =	vld [tilespmem:$0x18750];
	_ =	sdelay $0x4  }
0x18b: {  	v1 =	vadd.s32 $0x6000, v1;
	_ =	sdelay $0x4  }
0x18c: {  	[tilespmem:v1+s23+$0x0] =	vst.idx.msk $0xffff, v0  }
0x18d: {  	v1 =	vld [tilespmem:$0x18760];
	_ =	sdelay $0x4  }
0x18e: {  	v1 =	vadd.s32 $0x6000, v1;
	_ =	sdelay $0x4  }
0x18f: {  	[tilespmem:v1+s23+$0x0] =	vst.idx.msk $0xffff, v0  }
0x190: {  	v1 =	vld [tilespmem:$0x18770];
	_ =	sdelay $0x4  }
0x191: {  	v1 =	vadd.s32 $0x6000, v1;
	_ =	sdelay $0x4  }
0x192: {  	[tilespmem:v1+s23+$0x0] =	vst.idx.msk $0xffff, v0  }
0x193: {  	v1 =	vld [tilespmem:$0x18780];
	_ =	sdelay $0x4  }
0x194: {  	v1 =	vadd.s32 $0x7000, v1;
	_ =	sdelay $0x4  }
0x195: {  	[tilespmem:v1+s23+$0x0] =	vst.idx.msk $0xffff, v0  }
0x196: {  	v1 =	vld [tilespmem:$0x18790];
	_ =	sdelay $0x4  }
0x197: {  	v1 =	vadd.s32 $0x7000, v1;
	_ =	sdelay $0x4  }
0x198: {  	[tilespmem:v1+s23+$0x0] =	vst.idx.msk $0xffff, v0  }
0x199: {  	v1 =	vld [tilespmem:$0x187A0];
	_ =	sdelay $0x4  }
0x19a: {  	v1 =	vadd.s32 $0x7000, v1;
	_ =	sdelay $0x4  }
0x19b: {  	[tilespmem:v1+s23+$0x0] =	vst.idx.msk $0xffff, v0  }
0x19c: {  	v1 =	vld [tilespmem:$0x187B0];
	_ =	sdelay $0x4  }
0x19d: {  	v1 =	vadd.s32 $0x7000, v1;
	_ =	sdelay $0x4  }
0x19e: {  	[tilespmem:v1+s23+$0x0] =	vst.idx.msk $0xffff, v0  }
0x19f: {  	v1 =	vld [tilespmem:$0x187C0];
	_ =	sdelay $0x4  }
0x1a0: {  	v1 =	vadd.s32 $0x7000, v1;
	_ =	sdelay $0x4  }
0x1a1: {  	[tilespmem:v1+s23+$0x0] =	vst.idx.msk $0xffff, v0  }
0x1a2: {  	v1 =	vld [tilespmem:$0x187D0];
	_ =	sdelay $0x4  }
0x1a3: {  	v1 =	vadd.s32 $0x7000, v1;
	_ =	sdelay $0x4  }
0x1a4: {  	[tilespmem:v1+s23+$0x0] =	vst.idx.msk $0xffff, v0  }
0x1a5: {  	v1 =	vld [tilespmem:$0x187E0];
	_ =	sdelay $0x4  }
0x1a6: {  	v1 =	vadd.s32 $0x7000, v1;
	_ =	sdelay $0x4  }
0x1a7: {  	[tilespmem:v1+s23+$0x0] =	vst.idx.msk $0xffff, v0  }
0x1a8: {  	v1 =	vld [tilespmem:$0x187F0];
	_ =	sdelay $0x4  }
0x1a9: {  	v1 =	vadd.s32 $0x7000, v1;
	_ =	sdelay $0x4  }
0x1aa: {  	s16 =	rddreg [dreg:$0xd];
	[tilespmem:v1+s23+$0x0] =	vst.idx.msk $0xffff, v0  }
0x1ab: {  	[hbm4b:s16+s2] =	stream.linear.scatter [tilespmem:s23], [sflag:$0x8], $0x8000, $0x38;
	[tilespmem:$0x18C00] =	vst v63  }
0x1ac: {  	_ =	swait.ge [sflag:s0], $0x8000  }
0x1ad: {  	[sflag:s0] =	ssyncset.done $0x0  }
0x1ae: {  	s17 =	rddreg [dreg:$0xe];
	[sflag:s0] =	ssyncadd.s32 $0xFFFF8000  }
0x1af: {  	[tilespmem:s2], [sflag:$0x1] =	stream.linear.gather [hbm4b:s17+s2], $0x8000, $0x38;
	[tilespmem:$0x18C00] =	vst v63  }
0x1b0: {  	s18 =	rddreg [dreg:$0xf]  }
0x1b1: {  	[tilespmem:s22], [sflag:$0x4] =	stream.linear.gather [hbm4b:s18+s2], $0x400, $0x38;
	[tilespmem:$0x18C00] =	vst v63  }
0x1b2: {  	_ =	swait.ge [sflag:s1], $0x8000  }
0x1b3: {  	[sflag:s1] =	ssyncset.done $0x0  }
0x1b4: {  	[sflag:s1] =	ssyncadd.s32 $0xFFFF8000  }
0x1b5: {  	_ =	swait.ge [sflag:s3], $0x400  }
0x1b6: {  	[sflag:s3] =	ssyncset.done $0x0  }
0x1b7: {  	[sflag:s3] =	ssyncadd.s32 $0xFFFFFC00  }
0x1b8: {  	v1 =	vld [tilespmem:$0x18800];
	_ =	sdelay $0x7  }
0x1b9: {  	[tilespmem:v1+s25+$0x0] =	vst.idx.msk $0xffff, v0  }
0x1ba: {  	v1 =	vld [tilespmem:$0x18810];
	_ =	sdelay $0x7  }
0x1bb: {  	[tilespmem:v1+s25+$0x0] =	vst.idx.msk $0xffff, v0  }
0x1bc: {  	v1 =	vld [tilespmem:$0x18820];
	_ =	sdelay $0x7  }
0x1bd: {  	[tilespmem:v1+s25+$0x0] =	vst.idx.msk $0xffff, v0  }
0x1be: {  	v1 =	vld [tilespmem:$0x18830];
	_ =	sdelay $0x7  }
0x1bf: {  	[tilespmem:v1+s25+$0x0] =	vst.idx.msk $0xffff, v0  }
0x1c0: {  	v1 =	vld [tilespmem:$0x18840];
	_ =	sdelay $0x7  }
0x1c1: {  	[tilespmem:v1+s25+$0x0] =	vst.idx.msk $0xffff, v0  }
0x1c2: {  	v1 =	vld [tilespmem:$0x18850];
	_ =	sdelay $0x7  }
0x1c3: {  	[tilespmem:v1+s25+$0x0] =	vst.idx.msk $0xffff, v0  }
0x1c4: {  	v1 =	vld [tilespmem:$0x18860];
	_ =	sdelay $0x7  }
0x1c5: {  	[tilespmem:v1+s25+$0x0] =	vst.idx.msk $0xffff, v0  }
0x1c6: {  	v1 =	vld [tilespmem:$0x18870];
	_ =	sdelay $0x7  }
0x1c7: {  	[tilespmem:v1+s25+$0x0] =	vst.idx.msk $0xffff, v0  }
0x1c8: {  	v1 =	vld [tilespmem:$0x18880];
	_ =	sdelay $0x4  }
0x1c9: {  	v1 =	vadd.s32 $0x1000, v1;
	_ =	sdelay $0x4  }
0x1ca: {  	[tilespmem:v1+s25+$0x0] =	vst.idx.msk $0xffff, v0  }
0x1cb: {  	v1 =	vld [tilespmem:$0x18890];
	_ =	sdelay $0x4  }
0x1cc: {  	v1 =	vadd.s32 $0x1000, v1;
	_ =	sdelay $0x4  }
0x1cd: {  	[tilespmem:v1+s25+$0x0] =	vst.idx.msk $0xffff, v0  }
0x1ce: {  	v1 =	vld [tilespmem:$0x188A0];
	_ =	sdelay $0x4  }
0x1cf: {  	v1 =	vadd.s32 $0x1000, v1;
	_ =	sdelay $0x4  }
0x1d0: {  	[tilespmem:v1+s25+$0x0] =	vst.idx.msk $0xffff, v0  }
0x1d1: {  	v1 =	vld [tilespmem:$0x188B0];
	_ =	sdelay $0x4  }
0x1d2: {  	v1 =	vadd.s32 $0x1000, v1;
	_ =	sdelay $0x4  }
0x1d3: {  	[tilespmem:v1+s25+$0x0] =	vst.idx.msk $0xffff, v0  }
0x1d4: {  	v1 =	vld [tilespmem:$0x188C0];
	_ =	sdelay $0x4  }
0x1d5: {  	v1 =	vadd.s32 $0x1000, v1;
	_ =	sdelay $0x4  }
0x1d6: {  	[tilespmem:v1+s25+$0x0] =	vst.idx.msk $0xffff, v0  }
0x1d7: {  	v1 =	vld [tilespmem:$0x188D0];
	_ =	sdelay $0x4  }
0x1d8: {  	v1 =	vadd.s32 $0x1000, v1;
	_ =	sdelay $0x4  }
0x1d9: {  	[tilespmem:v1+s25+$0x0] =	vst.idx.msk $0xffff, v0  }
0x1da: {  	v1 =	vld [tilespmem:$0x188E0];
	_ =	sdelay $0x4  }
0x1db: {  	v1 =	vadd.s32 $0x1000, v1;
	_ =	sdelay $0x4  }
0x1dc: {  	[tilespmem:v1+s25+$0x0] =	vst.idx.msk $0xffff, v0  }
0x1dd: {  	v1 =	vld [tilespmem:$0x188F0];
	_ =	sdelay $0x4  }
0x1de: {  	v1 =	vadd.s32 $0x1000, v1;
	_ =	sdelay $0x4  }
0x1df: {  	[tilespmem:v1+s25+$0x0] =	vst.idx.msk $0xffff, v0  }
0x1e0: {  	v1 =	vld [tilespmem:$0x18900];
	_ =	sdelay $0x4  }
0x1e1: {  	v1 =	vadd.s32 $0x2000, v1;
	_ =	sdelay $0x4  }
0x1e2: {  	[tilespmem:v1+s25+$0x0] =	vst.idx.msk $0xffff, v0  }
0x1e3: {  	v1 =	vld [tilespmem:$0x18910];
	_ =	sdelay $0x4  }
0x1e4: {  	v1 =	vadd.s32 $0x2000, v1;
	_ =	sdelay $0x4  }
0x1e5: {  	[tilespmem:v1+s25+$0x0] =	vst.idx.msk $0xffff, v0  }
0x1e6: {  	v1 =	vld [tilespmem:$0x18920];
	_ =	sdelay $0x4  }
0x1e7: {  	v1 =	vadd.s32 $0x2000, v1;
	_ =	sdelay $0x4  }
0x1e8: {  	[tilespmem:v1+s25+$0x0] =	vst.idx.msk $0xffff, v0  }
0x1e9: {  	v1 =	vld [tilespmem:$0x18930];
	_ =	sdelay $0x4  }
0x1ea: {  	v1 =	vadd.s32 $0x2000, v1;
	_ =	sdelay $0x4  }
0x1eb: {  	[tilespmem:v1+s25+$0x0] =	vst.idx.msk $0xffff, v0  }
0x1ec: {  	v1 =	vld [tilespmem:$0x18940];
	_ =	sdelay $0x4  }
0x1ed: {  	v1 =	vadd.s32 $0x2000, v1;
	_ =	sdelay $0x4  }
0x1ee: {  	[tilespmem:v1+s25+$0x0] =	vst.idx.msk $0xffff, v0  }
0x1ef: {  	v1 =	vld [tilespmem:$0x18950];
	_ =	sdelay $0x4  }
0x1f0: {  	v1 =	vadd.s32 $0x2000, v1;
	_ =	sdelay $0x4  }
0x1f1: {  	[tilespmem:v1+s25+$0x0] =	vst.idx.msk $0xffff, v0  }
0x1f2: {  	v1 =	vld [tilespmem:$0x18960];
	_ =	sdelay $0x4  }
0x1f3: {  	v1 =	vadd.s32 $0x2000, v1;
	_ =	sdelay $0x4  }
0x1f4: {  	[tilespmem:v1+s25+$0x0] =	vst.idx.msk $0xffff, v0  }
0x1f5: {  	v1 =	vld [tilespmem:$0x18970];
	_ =	sdelay $0x4  }
0x1f6: {  	v1 =	vadd.s32 $0x2000, v1;
	_ =	sdelay $0x4  }
0x1f7: {  	[tilespmem:v1+s25+$0x0] =	vst.idx.msk $0xffff, v0  }
0x1f8: {  	v1 =	vld [tilespmem:$0x18980];
	_ =	sdelay $0x4  }
0x1f9: {  	v1 =	vadd.s32 $0x3000, v1;
	_ =	sdelay $0x4  }
0x1fa: {  	[tilespmem:v1+s25+$0x0] =	vst.idx.msk $0xffff, v0  }
0x1fb: {  	v1 =	vld [tilespmem:$0x18990];
	_ =	sdelay $0x4  }
0x1fc: {  	v1 =	vadd.s32 $0x3000, v1;
	_ =	sdelay $0x4  }
0x1fd: {  	[tilespmem:v1+s25+$0x0] =	vst.idx.msk $0xffff, v0  }
0x1fe: {  	v1 =	vld [tilespmem:$0x189A0];
	_ =	sdelay $0x4  }
0x1ff: {  	v1 =	vadd.s32 $0x3000, v1;
	_ =	sdelay $0x4  }
0x200: {  	[tilespmem:v1+s25+$0x0] =	vst.idx.msk $0xffff, v0  }
0x201: {  	v1 =	vld [tilespmem:$0x189B0];
	_ =	sdelay $0x4  }
0x202: {  	v1 =	vadd.s32 $0x3000, v1;
	_ =	sdelay $0x4  }
0x203: {  	[tilespmem:v1+s25+$0x0] =	vst.idx.msk $0xffff, v0  }
0x204: {  	v1 =	vld [tilespmem:$0x189C0];
	_ =	sdelay $0x4  }
0x205: {  	v1 =	vadd.s32 $0x3000, v1;
	_ =	sdelay $0x4  }
0x206: {  	[tilespmem:v1+s25+$0x0] =	vst.idx.msk $0xffff, v0  }
0x207: {  	v1 =	vld [tilespmem:$0x189D0];
	_ =	sdelay $0x4  }
0x208: {  	v1 =	vadd.s32 $0x3000, v1;
	_ =	sdelay $0x4  }
0x209: {  	[tilespmem:v1+s25+$0x0] =	vst.idx.msk $0xffff, v0  }
0x20a: {  	v1 =	vld [tilespmem:$0x189E0];
	_ =	sdelay $0x4  }
0x20b: {  	v1 =	vadd.s32 $0x3000, v1;
	_ =	sdelay $0x4  }
0x20c: {  	[tilespmem:v1+s25+$0x0] =	vst.idx.msk $0xffff, v0  }
0x20d: {  	v1 =	vld [tilespmem:$0x189F0];
	_ =	sdelay $0x4  }
0x20e: {  	v1 =	vadd.s32 $0x3000, v1;
	_ =	sdelay $0x4  }
0x20f: {  	[tilespmem:v1+s25+$0x0] =	vst.idx.msk $0xffff, v0  }
0x210: {  	v1 =	vld [tilespmem:$0x18A00];
	_ =	sdelay $0x4  }
0x211: {  	v1 =	vadd.s32 $0x4000, v1;
	_ =	sdelay $0x4  }
0x212: {  	[tilespmem:v1+s25+$0x0] =	vst.idx.msk $0xffff, v0  }
0x213: {  	v1 =	vld [tilespmem:$0x18A10];
	_ =	sdelay $0x4  }
0x214: {  	v1 =	vadd.s32 $0x4000, v1;
	_ =	sdelay $0x4  }
0x215: {  	[tilespmem:v1+s25+$0x0] =	vst.idx.msk $0xffff, v0  }
0x216: {  	v1 =	vld [tilespmem:$0x18A20];
	_ =	sdelay $0x4  }
0x217: {  	v1 =	vadd.s32 $0x4000, v1;
	_ =	sdelay $0x4  }
0x218: {  	[tilespmem:v1+s25+$0x0] =	vst.idx.msk $0xffff, v0  }
0x219: {  	v1 =	vld [tilespmem:$0x18A30];
	_ =	sdelay $0x4  }
0x21a: {  	v1 =	vadd.s32 $0x4000, v1;
	_ =	sdelay $0x4  }
0x21b: {  	[tilespmem:v1+s25+$0x0] =	vst.idx.msk $0xffff, v0  }
0x21c: {  	v1 =	vld [tilespmem:$0x18A40];
	_ =	sdelay $0x4  }
0x21d: {  	v1 =	vadd.s32 $0x4000, v1;
	_ =	sdelay $0x4  }
0x21e: {  	[tilespmem:v1+s25+$0x0] =	vst.idx.msk $0xffff, v0  }
0x21f: {  	v1 =	vld [tilespmem:$0x18A50];
	_ =	sdelay $0x4  }
0x220: {  	v1 =	vadd.s32 $0x4000, v1;
	_ =	sdelay $0x4  }
0x221: {  	[tilespmem:v1+s25+$0x0] =	vst.idx.msk $0xffff, v0  }
0x222: {  	v1 =	vld [tilespmem:$0x18A60];
	_ =	sdelay $0x4  }
0x223: {  	v1 =	vadd.s32 $0x4000, v1;
	_ =	sdelay $0x4  }
0x224: {  	[tilespmem:v1+s25+$0x0] =	vst.idx.msk $0xffff, v0  }
0x225: {  	v1 =	vld [tilespmem:$0x18A70];
	_ =	sdelay $0x4  }
0x226: {  	v1 =	vadd.s32 $0x4000, v1;
	_ =	sdelay $0x4  }
0x227: {  	[tilespmem:v1+s25+$0x0] =	vst.idx.msk $0xffff, v0  }
0x228: {  	v1 =	vld [tilespmem:$0x18A80];
	_ =	sdelay $0x4  }
0x229: {  	v1 =	vadd.s32 $0x5000, v1;
	_ =	sdelay $0x4  }
0x22a: {  	[tilespmem:v1+s25+$0x0] =	vst.idx.msk $0xffff, v0  }
0x22b: {  	v1 =	vld [tilespmem:$0x18A90];
	_ =	sdelay $0x4  }
0x22c: {  	v1 =	vadd.s32 $0x5000, v1;
	_ =	sdelay $0x4  }
0x22d: {  	[tilespmem:v1+s25+$0x0] =	vst.idx.msk $0xffff, v0  }
0x22e: {  	v1 =	vld [tilespmem:$0x18AA0];
	_ =	sdelay $0x4  }
0x22f: {  	v1 =	vadd.s32 $0x5000, v1;
	_ =	sdelay $0x4  }
0x230: {  	[tilespmem:v1+s25+$0x0] =	vst.idx.msk $0xffff, v0  }
0x231: {  	v1 =	vld [tilespmem:$0x18AB0];
	_ =	sdelay $0x4  }
0x232: {  	v1 =	vadd.s32 $0x5000, v1;
	_ =	sdelay $0x4  }
0x233: {  	[tilespmem:v1+s25+$0x0] =	vst.idx.msk $0xffff, v0  }
0x234: {  	v1 =	vld [tilespmem:$0x18AC0];
	_ =	sdelay $0x4  }
0x235: {  	v1 =	vadd.s32 $0x5000, v1;
	_ =	sdelay $0x4  }
0x236: {  	[tilespmem:v1+s25+$0x0] =	vst.idx.msk $0xffff, v0  }
0x237: {  	v1 =	vld [tilespmem:$0x18AD0];
	_ =	sdelay $0x4  }
0x238: {  	v1 =	vadd.s32 $0x5000, v1;
	_ =	sdelay $0x4  }
0x239: {  	[tilespmem:v1+s25+$0x0] =	vst.idx.msk $0xffff, v0  }
0x23a: {  	v1 =	vld [tilespmem:$0x18AE0];
	_ =	sdelay $0x4  }
0x23b: {  	v1 =	vadd.s32 $0x5000, v1;
	_ =	sdelay $0x4  }
0x23c: {  	[tilespmem:v1+s25+$0x0] =	vst.idx.msk $0xffff, v0  }
0x23d: {  	v1 =	vld [tilespmem:$0x18AF0];
	_ =	sdelay $0x4  }
0x23e: {  	v1 =	vadd.s32 $0x5000, v1;
	_ =	sdelay $0x4  }
0x23f: {  	[tilespmem:v1+s25+$0x0] =	vst.idx.msk $0xffff, v0  }
0x240: {  	v1 =	vld [tilespmem:$0x18B00];
	_ =	sdelay $0x4  }
0x241: {  	v1 =	vadd.s32 $0x6000, v1;
	_ =	sdelay $0x4  }
0x242: {  	[tilespmem:v1+s25+$0x0] =	vst.idx.msk $0xffff, v0  }
0x243: {  	v1 =	vld [tilespmem:$0x18B10];
	_ =	sdelay $0x4  }
0x244: {  	v1 =	vadd.s32 $0x6000, v1;
	_ =	sdelay $0x4  }
0x245: {  	[tilespmem:v1+s25+$0x0] =	vst.idx.msk $0xffff, v0  }
0x246: {  	v1 =	vld [tilespmem:$0x18B20];
	_ =	sdelay $0x4  }
0x247: {  	v1 =	vadd.s32 $0x6000, v1;
	_ =	sdelay $0x4  }
0x248: {  	[tilespmem:v1+s25+$0x0] =	vst.idx.msk $0xffff, v0  }
0x249: {  	v1 =	vld [tilespmem:$0x18B30];
	_ =	sdelay $0x4  }
0x24a: {  	v1 =	vadd.s32 $0x6000, v1;
	_ =	sdelay $0x4  }
0x24b: {  	[tilespmem:v1+s25+$0x0] =	vst.idx.msk $0xffff, v0  }
0x24c: {  	v1 =	vld [tilespmem:$0x18B40];
	_ =	sdelay $0x4  }
0x24d: {  	v1 =	vadd.s32 $0x6000, v1;
	_ =	sdelay $0x4  }
0x24e: {  	[tilespmem:v1+s25+$0x0] =	vst.idx.msk $0xffff, v0  }
0x24f: {  	v1 =	vld [tilespmem:$0x18B50];
	_ =	sdelay $0x4  }
0x250: {  	v1 =	vadd.s32 $0x6000, v1;
	_ =	sdelay $0x4  }
0x251: {  	[tilespmem:v1+s25+$0x0] =	vst.idx.msk $0xffff, v0  }
0x252: {  	v1 =	vld [tilespmem:$0x18B60];
	_ =	sdelay $0x4  }
0x253: {  	v1 =	vadd.s32 $0x6000, v1;
	_ =	sdelay $0x4  }
0x254: {  	[tilespmem:v1+s25+$0x0] =	vst.idx.msk $0xffff, v0  }
0x255: {  	v1 =	vld [tilespmem:$0x18B70];
	_ =	sdelay $0x4  }
0x256: {  	v1 =	vadd.s32 $0x6000, v1;
	_ =	sdelay $0x4  }
0x257: {  	[tilespmem:v1+s25+$0x0] =	vst.idx.msk $0xffff, v0  }
0x258: {  	v1 =	vld [tilespmem:$0x18B80];
	_ =	sdelay $0x4  }
0x259: {  	v1 =	vadd.s32 $0x7000, v1;
	_ =	sdelay $0x4  }
0x25a: {  	[tilespmem:v1+s25+$0x0] =	vst.idx.msk $0xffff, v0  }
0x25b: {  	v1 =	vld [tilespmem:$0x18B90];
	_ =	sdelay $0x4  }
0x25c: {  	v1 =	vadd.s32 $0x7000, v1;
	_ =	sdelay $0x4  }
0x25d: {  	[tilespmem:v1+s25+$0x0] =	vst.idx.msk $0xffff, v0  }
0x25e: {  	v1 =	vld [tilespmem:$0x18BA0];
	_ =	sdelay $0x4  }
0x25f: {  	v1 =	vadd.s32 $0x7000, v1;
	_ =	sdelay $0x4  }
0x260: {  	[tilespmem:v1+s25+$0x0] =	vst.idx.msk $0xffff, v0  }
0x261: {  	v1 =	vld [tilespmem:$0x18BB0];
	_ =	sdelay $0x4  }
0x262: {  	v1 =	vadd.s32 $0x7000, v1;
	_ =	sdelay $0x4  }
0x263: {  	[tilespmem:v1+s25+$0x0] =	vst.idx.msk $0xffff, v0  }
0x264: {  	v1 =	vld [tilespmem:$0x18BC0];
	_ =	sdelay $0x4  }
0x265: {  	v1 =	vadd.s32 $0x7000, v1;
	_ =	sdelay $0x4  }
0x266: {  	[tilespmem:v1+s25+$0x0] =	vst.idx.msk $0xffff, v0  }
0x267: {  	v1 =	vld [tilespmem:$0x18BD0];
	_ =	sdelay $0x4  }
0x268: {  	v1 =	vadd.s32 $0x7000, v1;
	_ =	sdelay $0x4  }
0x269: {  	[tilespmem:v1+s25+$0x0] =	vst.idx.msk $0xffff, v0  }
0x26a: {  	v1 =	vld [tilespmem:$0x18BE0];
	_ =	sdelay $0x4  }
0x26b: {  	v1 =	vadd.s32 $0x7000, v1;
	_ =	sdelay $0x4  }
0x26c: {  	[tilespmem:v1+s25+$0x0] =	vst.idx.msk $0xffff, v0  }
0x26d: {  	v1 =	vld [tilespmem:$0x18BF0];
	_ =	sdelay $0x4  }
0x26e: {  	v1 =	vadd.s32 $0x7000, v1;
	_ =	sdelay $0x3  }
0x26f: {  	s11 =	simm.s32 $0x0  }
0x270: {  	s16 =	smov.u32 s10;
	s17 =	smov.u32 s8;
	s18 =	smov.u32 s7;
	[tilespmem:v1+s25+$0x0] =	vst.idx.msk $0xffff, v0  }
0x271: {  	[hbm4b:s13+s2] =	stream.linear.scatter [tilespmem:s25], [sflag:$0x9], $0x8000, $0x38;
	[tilespmem:$0x18C00] =	vst v63  }
.LBB2_2:
0x272: {  	_ =	swait.ge [sflag:s4], $0x8000  }
0x273: {  	[sflag:s4] =	ssyncset.done $0x0  }
0x274: {  	s12 =	sadd.s32 s11, s19;
	[sflag:s4] =	ssyncadd.s32 $0xFFFF8000  }
0x275: {  	[tilespmem:s23], [sflag:$0x2] =	stream.linear.gather [hbm4b:s12+s2], $0x8000, $0x38;
	[tilespmem:$0x18C00] =	vst v63  }
0x276: {  	_ = 	snop  }
0x277: {  	[tilespmem:s24], [sflag:$0x5] =	stream.linear.gather [hbm4b:s18+s2], $0x400, $0x38;
	[tilespmem:$0x18C00] =	vst v63  }
0x278: {  	_ =	swait.ge [sflag:s28], $0x8000  }
0x279: {  	[sflag:s28] =	ssyncset.done $0x0  }
0x27a: {  	[sflag:s28] =	ssyncadd.s32 $0xFFFF8000  }
0x27b: {  	_ =	swait.ge [sflag:s29], $0x400  }
0x27c: {  	[sflag:s29] =	ssyncset.done $0x0  }
0x27d: {  	[sflag:s29] =	ssyncadd.s32 $0xFFFFFC00  }
0x27e: {  	v1 =	vld [tilespmem:$0x18000];
	_ =	sdelay $0x7  }
0x27f: {  	[tilespmem:v1+s2+$0x0] =	vst.idx.msk $0xffff, v0  }
0x280: {  	v1 =	vld [tilespmem:$0x18010];
	_ =	sdelay $0x7  }
0x281: {  	[tilespmem:v1+s2+$0x0] =	vst.idx.msk $0xffff, v0  }
0x282: {  	v1 =	vld [tilespmem:$0x18020];
	_ =	sdelay $0x7  }
0x283: {  	[tilespmem:v1+s2+$0x0] =	vst.idx.msk $0xffff, v0  }
0x284: {  	v1 =	vld [tilespmem:$0x18030];
	_ =	sdelay $0x7  }
0x285: {  	[tilespmem:v1+s2+$0x0] =	vst.idx.msk $0xffff, v0  }
0x286: {  	v1 =	vld [tilespmem:$0x18040];
	_ =	sdelay $0x7  }
0x287: {  	[tilespmem:v1+s2+$0x0] =	vst.idx.msk $0xffff, v0  }
0x288: {  	v1 =	vld [tilespmem:$0x18050];
	_ =	sdelay $0x7  }
0x289: {  	[tilespmem:v1+s2+$0x0] =	vst.idx.msk $0xffff, v0  }
0x28a: {  	v1 =	vld [tilespmem:$0x18060];
	_ =	sdelay $0x7  }
0x28b: {  	[tilespmem:v1+s2+$0x0] =	vst.idx.msk $0xffff, v0  }
0x28c: {  	v1 =	vld [tilespmem:$0x18070];
	_ =	sdelay $0x7  }
0x28d: {  	[tilespmem:v1+s2+$0x0] =	vst.idx.msk $0xffff, v0  }
0x28e: {  	v1 =	vld [tilespmem:$0x18080];
	_ =	sdelay $0x4  }
0x28f: {  	v1 =	vadd.s32 $0x1000, v1;
	_ =	sdelay $0x4  }
0x290: {  	[tilespmem:v1+s2+$0x0] =	vst.idx.msk $0xffff, v0  }
0x291: {  	v1 =	vld [tilespmem:$0x18090];
	_ =	sdelay $0x4  }
0x292: {  	v1 =	vadd.s32 $0x1000, v1;
	_ =	sdelay $0x4  }
0x293: {  	[tilespmem:v1+s2+$0x0] =	vst.idx.msk $0xffff, v0  }
0x294: {  	v1 =	vld [tilespmem:$0x180A0];
	_ =	sdelay $0x4  }
0x295: {  	v1 =	vadd.s32 $0x1000, v1;
	_ =	sdelay $0x4  }
0x296: {  	[tilespmem:v1+s2+$0x0] =	vst.idx.msk $0xffff, v0  }
0x297: {  	v1 =	vld [tilespmem:$0x180B0];
	_ =	sdelay $0x4  }
0x298: {  	v1 =	vadd.s32 $0x1000, v1;
	_ =	sdelay $0x4  }
0x299: {  	[tilespmem:v1+s2+$0x0] =	vst.idx.msk $0xffff, v0  }
0x29a: {  	v1 =	vld [tilespmem:$0x180C0];
	_ =	sdelay $0x4  }
0x29b: {  	v1 =	vadd.s32 $0x1000, v1;
	_ =	sdelay $0x4  }
0x29c: {  	[tilespmem:v1+s2+$0x0] =	vst.idx.msk $0xffff, v0  }
0x29d: {  	v1 =	vld [tilespmem:$0x180D0];
	_ =	sdelay $0x4  }
0x29e: {  	v1 =	vadd.s32 $0x1000, v1;
	_ =	sdelay $0x4  }
0x29f: {  	[tilespmem:v1+s2+$0x0] =	vst.idx.msk $0xffff, v0  }
0x2a0: {  	v1 =	vld [tilespmem:$0x180E0];
	_ =	sdelay $0x4  }
0x2a1: {  	v1 =	vadd.s32 $0x1000, v1;
	_ =	sdelay $0x4  }
0x2a2: {  	[tilespmem:v1+s2+$0x0] =	vst.idx.msk $0xffff, v0  }
0x2a3: {  	v1 =	vld [tilespmem:$0x180F0];
	_ =	sdelay $0x4  }
0x2a4: {  	v1 =	vadd.s32 $0x1000, v1;
	_ =	sdelay $0x4  }
0x2a5: {  	[tilespmem:v1+s2+$0x0] =	vst.idx.msk $0xffff, v0  }
0x2a6: {  	v1 =	vld [tilespmem:$0x18100];
	_ =	sdelay $0x4  }
0x2a7: {  	v1 =	vadd.s32 $0x2000, v1;
	_ =	sdelay $0x4  }
0x2a8: {  	[tilespmem:v1+s2+$0x0] =	vst.idx.msk $0xffff, v0  }
0x2a9: {  	v1 =	vld [tilespmem:$0x18110];
	_ =	sdelay $0x4  }
0x2aa: {  	v1 =	vadd.s32 $0x2000, v1;
	_ =	sdelay $0x4  }
0x2ab: {  	[tilespmem:v1+s2+$0x0] =	vst.idx.msk $0xffff, v0  }
0x2ac: {  	v1 =	vld [tilespmem:$0x18120];
	_ =	sdelay $0x4  }
0x2ad: {  	v1 =	vadd.s32 $0x2000, v1;
	_ =	sdelay $0x4  }
0x2ae: {  	[tilespmem:v1+s2+$0x0] =	vst.idx.msk $0xffff, v0  }
0x2af: {  	v1 =	vld [tilespmem:$0x18130];
	_ =	sdelay $0x4  }
0x2b0: {  	v1 =	vadd.s32 $0x2000, v1;
	_ =	sdelay $0x4  }
0x2b1: {  	[tilespmem:v1+s2+$0x0] =	vst.idx.msk $0xffff, v0  }
0x2b2: {  	v1 =	vld [tilespmem:$0x18140];
	_ =	sdelay $0x4  }
0x2b3: {  	v1 =	vadd.s32 $0x2000, v1;
	_ =	sdelay $0x4  }
0x2b4: {  	[tilespmem:v1+s2+$0x0] =	vst.idx.msk $0xffff, v0  }
0x2b5: {  	v1 =	vld [tilespmem:$0x18150];
	_ =	sdelay $0x4  }
0x2b6: {  	v1 =	vadd.s32 $0x2000, v1;
	_ =	sdelay $0x4  }
0x2b7: {  	[tilespmem:v1+s2+$0x0] =	vst.idx.msk $0xffff, v0  }
0x2b8: {  	v1 =	vld [tilespmem:$0x18160];
	_ =	sdelay $0x4  }
0x2b9: {  	v1 =	vadd.s32 $0x2000, v1;
	_ =	sdelay $0x4  }
0x2ba: {  	[tilespmem:v1+s2+$0x0] =	vst.idx.msk $0xffff, v0  }
0x2bb: {  	v1 =	vld [tilespmem:$0x18170];
	_ =	sdelay $0x4  }
0x2bc: {  	v1 =	vadd.s32 $0x2000, v1;
	_ =	sdelay $0x4  }
0x2bd: {  	[tilespmem:v1+s2+$0x0] =	vst.idx.msk $0xffff, v0  }
0x2be: {  	v1 =	vld [tilespmem:$0x18180];
	_ =	sdelay $0x4  }
0x2bf: {  	v1 =	vadd.s32 $0x3000, v1;
	_ =	sdelay $0x4  }
0x2c0: {  	[tilespmem:v1+s2+$0x0] =	vst.idx.msk $0xffff, v0  }
0x2c1: {  	v1 =	vld [tilespmem:$0x18190];
	_ =	sdelay $0x4  }
0x2c2: {  	v1 =	vadd.s32 $0x3000, v1;
	_ =	sdelay $0x4  }
0x2c3: {  	[tilespmem:v1+s2+$0x0] =	vst.idx.msk $0xffff, v0  }
0x2c4: {  	v1 =	vld [tilespmem:$0x181A0];
	_ =	sdelay $0x4  }
0x2c5: {  	v1 =	vadd.s32 $0x3000, v1;
	_ =	sdelay $0x4  }
0x2c6: {  	[tilespmem:v1+s2+$0x0] =	vst.idx.msk $0xffff, v0  }
0x2c7: {  	v1 =	vld [tilespmem:$0x181B0];
	_ =	sdelay $0x4  }
0x2c8: {  	v1 =	vadd.s32 $0x3000, v1;
	_ =	sdelay $0x4  }
0x2c9: {  	[tilespmem:v1+s2+$0x0] =	vst.idx.msk $0xffff, v0  }
0x2ca: {  	v1 =	vld [tilespmem:$0x181C0];
	_ =	sdelay $0x4  }
0x2cb: {  	v1 =	vadd.s32 $0x3000, v1;
	_ =	sdelay $0x4  }
0x2cc: {  	[tilespmem:v1+s2+$0x0] =	vst.idx.msk $0xffff, v0  }
0x2cd: {  	v1 =	vld [tilespmem:$0x181D0];
	_ =	sdelay $0x4  }
0x2ce: {  	v1 =	vadd.s32 $0x3000, v1;
	_ =	sdelay $0x4  }
0x2cf: {  	[tilespmem:v1+s2+$0x0] =	vst.idx.msk $0xffff, v0  }
0x2d0: {  	v1 =	vld [tilespmem:$0x181E0];
	_ =	sdelay $0x4  }
0x2d1: {  	v1 =	vadd.s32 $0x3000, v1;
	_ =	sdelay $0x4  }
0x2d2: {  	[tilespmem:v1+s2+$0x0] =	vst.idx.msk $0xffff, v0  }
0x2d3: {  	v1 =	vld [tilespmem:$0x181F0];
	_ =	sdelay $0x4  }
0x2d4: {  	v1 =	vadd.s32 $0x3000, v1;
	_ =	sdelay $0x4  }
0x2d5: {  	[tilespmem:v1+s2+$0x0] =	vst.idx.msk $0xffff, v0  }
0x2d6: {  	v1 =	vld [tilespmem:$0x18200];
	_ =	sdelay $0x4  }
0x2d7: {  	v1 =	vadd.s32 $0x4000, v1;
	_ =	sdelay $0x4  }
0x2d8: {  	[tilespmem:v1+s2+$0x0] =	vst.idx.msk $0xffff, v0  }
0x2d9: {  	v1 =	vld [tilespmem:$0x18210];
	_ =	sdelay $0x4  }
0x2da: {  	v1 =	vadd.s32 $0x4000, v1;
	_ =	sdelay $0x4  }
0x2db: {  	[tilespmem:v1+s2+$0x0] =	vst.idx.msk $0xffff, v0  }
0x2dc: {  	v1 =	vld [tilespmem:$0x18220];
	_ =	sdelay $0x4  }
0x2dd: {  	v1 =	vadd.s32 $0x4000, v1;
	_ =	sdelay $0x4  }
0x2de: {  	[tilespmem:v1+s2+$0x0] =	vst.idx.msk $0xffff, v0  }
0x2df: {  	v1 =	vld [tilespmem:$0x18230];
	_ =	sdelay $0x4  }
0x2e0: {  	v1 =	vadd.s32 $0x4000, v1;
	_ =	sdelay $0x4  }
0x2e1: {  	[tilespmem:v1+s2+$0x0] =	vst.idx.msk $0xffff, v0  }
0x2e2: {  	v1 =	vld [tilespmem:$0x18240];
	_ =	sdelay $0x4  }
0x2e3: {  	v1 =	vadd.s32 $0x4000, v1;
	_ =	sdelay $0x4  }
0x2e4: {  	[tilespmem:v1+s2+$0x0] =	vst.idx.msk $0xffff, v0  }
0x2e5: {  	v1 =	vld [tilespmem:$0x18250];
	_ =	sdelay $0x4  }
0x2e6: {  	v1 =	vadd.s32 $0x4000, v1;
	_ =	sdelay $0x4  }
0x2e7: {  	[tilespmem:v1+s2+$0x0] =	vst.idx.msk $0xffff, v0  }
0x2e8: {  	v1 =	vld [tilespmem:$0x18260];
	_ =	sdelay $0x4  }
0x2e9: {  	v1 =	vadd.s32 $0x4000, v1;
	_ =	sdelay $0x4  }
0x2ea: {  	[tilespmem:v1+s2+$0x0] =	vst.idx.msk $0xffff, v0  }
0x2eb: {  	v1 =	vld [tilespmem:$0x18270];
	_ =	sdelay $0x4  }
0x2ec: {  	v1 =	vadd.s32 $0x4000, v1;
	_ =	sdelay $0x4  }
0x2ed: {  	[tilespmem:v1+s2+$0x0] =	vst.idx.msk $0xffff, v0  }
0x2ee: {  	v1 =	vld [tilespmem:$0x18280];
	_ =	sdelay $0x4  }
0x2ef: {  	v1 =	vadd.s32 $0x5000, v1;
	_ =	sdelay $0x4  }
0x2f0: {  	[tilespmem:v1+s2+$0x0] =	vst.idx.msk $0xffff, v0  }
0x2f1: {  	v1 =	vld [tilespmem:$0x18290];
	_ =	sdelay $0x4  }
0x2f2: {  	v1 =	vadd.s32 $0x5000, v1;
	_ =	sdelay $0x4  }
0x2f3: {  	[tilespmem:v1+s2+$0x0] =	vst.idx.msk $0xffff, v0  }
0x2f4: {  	v1 =	vld [tilespmem:$0x182A0];
	_ =	sdelay $0x4  }
0x2f5: {  	v1 =	vadd.s32 $0x5000, v1;
	_ =	sdelay $0x4  }
0x2f6: {  	[tilespmem:v1+s2+$0x0] =	vst.idx.msk $0xffff, v0  }
0x2f7: {  	v1 =	vld [tilespmem:$0x182B0];
	_ =	sdelay $0x4  }
0x2f8: {  	v1 =	vadd.s32 $0x5000, v1;
	_ =	sdelay $0x4  }
0x2f9: {  	[tilespmem:v1+s2+$0x0] =	vst.idx.msk $0xffff, v0  }
0x2fa: {  	v1 =	vld [tilespmem:$0x182C0];
	_ =	sdelay $0x4  }
0x2fb: {  	v1 =	vadd.s32 $0x5000, v1;
	_ =	sdelay $0x4  }
0x2fc: {  	[tilespmem:v1+s2+$0x0] =	vst.idx.msk $0xffff, v0  }
0x2fd: {  	v1 =	vld [tilespmem:$0x182D0];
	_ =	sdelay $0x4  }
0x2fe: {  	v1 =	vadd.s32 $0x5000, v1;
	_ =	sdelay $0x4  }
0x2ff: {  	[tilespmem:v1+s2+$0x0] =	vst.idx.msk $0xffff, v0  }
0x300: {  	v1 =	vld [tilespmem:$0x182E0];
	_ =	sdelay $0x4  }
0x301: {  	v1 =	vadd.s32 $0x5000, v1;
	_ =	sdelay $0x4  }
0x302: {  	[tilespmem:v1+s2+$0x0] =	vst.idx.msk $0xffff, v0  }
0x303: {  	v1 =	vld [tilespmem:$0x182F0];
	_ =	sdelay $0x4  }
0x304: {  	v1 =	vadd.s32 $0x5000, v1;
	_ =	sdelay $0x4  }
0x305: {  	[tilespmem:v1+s2+$0x0] =	vst.idx.msk $0xffff, v0  }
0x306: {  	v1 =	vld [tilespmem:$0x18300];
	_ =	sdelay $0x4  }
0x307: {  	v1 =	vadd.s32 $0x6000, v1;
	_ =	sdelay $0x4  }
0x308: {  	[tilespmem:v1+s2+$0x0] =	vst.idx.msk $0xffff, v0  }
0x309: {  	v1 =	vld [tilespmem:$0x18310];
	_ =	sdelay $0x4  }
0x30a: {  	v1 =	vadd.s32 $0x6000, v1;
	_ =	sdelay $0x4  }
0x30b: {  	[tilespmem:v1+s2+$0x0] =	vst.idx.msk $0xffff, v0  }
0x30c: {  	v1 =	vld [tilespmem:$0x18320];
	_ =	sdelay $0x4  }
0x30d: {  	v1 =	vadd.s32 $0x6000, v1;
	_ =	sdelay $0x4  }
0x30e: {  	[tilespmem:v1+s2+$0x0] =	vst.idx.msk $0xffff, v0  }
0x30f: {  	v1 =	vld [tilespmem:$0x18330];
	_ =	sdelay $0x4  }
0x310: {  	v1 =	vadd.s32 $0x6000, v1;
	_ =	sdelay $0x4  }
0x311: {  	[tilespmem:v1+s2+$0x0] =	vst.idx.msk $0xffff, v0  }
0x312: {  	v1 =	vld [tilespmem:$0x18340];
	_ =	sdelay $0x4  }
0x313: {  	v1 =	vadd.s32 $0x6000, v1;
	_ =	sdelay $0x4  }
0x314: {  	[tilespmem:v1+s2+$0x0] =	vst.idx.msk $0xffff, v0  }
0x315: {  	v1 =	vld [tilespmem:$0x18350];
	_ =	sdelay $0x4  }
0x316: {  	v1 =	vadd.s32 $0x6000, v1;
	_ =	sdelay $0x4  }
0x317: {  	[tilespmem:v1+s2+$0x0] =	vst.idx.msk $0xffff, v0  }
0x318: {  	v1 =	vld [tilespmem:$0x18360];
	_ =	sdelay $0x4  }
0x319: {  	v1 =	vadd.s32 $0x6000, v1;
	_ =	sdelay $0x4  }
0x31a: {  	[tilespmem:v1+s2+$0x0] =	vst.idx.msk $0xffff, v0  }
0x31b: {  	v1 =	vld [tilespmem:$0x18370];
	_ =	sdelay $0x4  }
0x31c: {  	v1 =	vadd.s32 $0x6000, v1;
	_ =	sdelay $0x4  }
0x31d: {  	[tilespmem:v1+s2+$0x0] =	vst.idx.msk $0xffff, v0  }
0x31e: {  	v1 =	vld [tilespmem:$0x18380];
	_ =	sdelay $0x4  }
0x31f: {  	v1 =	vadd.s32 $0x7000, v1;
	_ =	sdelay $0x4  }
0x320: {  	[tilespmem:v1+s2+$0x0] =	vst.idx.msk $0xffff, v0  }
0x321: {  	v1 =	vld [tilespmem:$0x18390];
	_ =	sdelay $0x4  }
0x322: {  	v1 =	vadd.s32 $0x7000, v1;
	_ =	sdelay $0x4  }
0x323: {  	[tilespmem:v1+s2+$0x0] =	vst.idx.msk $0xffff, v0  }
0x324: {  	v1 =	vld [tilespmem:$0x183A0];
	_ =	sdelay $0x4  }
0x325: {  	v1 =	vadd.s32 $0x7000, v1;
	_ =	sdelay $0x4  }
0x326: {  	[tilespmem:v1+s2+$0x0] =	vst.idx.msk $0xffff, v0  }
0x327: {  	v1 =	vld [tilespmem:$0x183B0];
	_ =	sdelay $0x4  }
0x328: {  	v1 =	vadd.s32 $0x7000, v1;
	_ =	sdelay $0x4  }
0x329: {  	[tilespmem:v1+s2+$0x0] =	vst.idx.msk $0xffff, v0  }
0x32a: {  	v1 =	vld [tilespmem:$0x183C0];
	_ =	sdelay $0x4  }
0x32b: {  	v1 =	vadd.s32 $0x7000, v1;
	_ =	sdelay $0x4  }
0x32c: {  	[tilespmem:v1+s2+$0x0] =	vst.idx.msk $0xffff, v0  }
0x32d: {  	v1 =	vld [tilespmem:$0x183D0];
	_ =	sdelay $0x4  }
0x32e: {  	v1 =	vadd.s32 $0x7000, v1;
	_ =	sdelay $0x4  }
0x32f: {  	[tilespmem:v1+s2+$0x0] =	vst.idx.msk $0xffff, v0  }
0x330: {  	v1 =	vld [tilespmem:$0x183E0];
	_ =	sdelay $0x4  }
0x331: {  	v1 =	vadd.s32 $0x7000, v1;
	_ =	sdelay $0x4  }
0x332: {  	[tilespmem:v1+s2+$0x0] =	vst.idx.msk $0xffff, v0  }
0x333: {  	v1 =	vld [tilespmem:$0x183F0];
	_ =	sdelay $0x4  }
0x334: {  	v1 =	vadd.s32 $0x7000, v1;
	_ =	sdelay $0x4  }
0x335: {  	s12 =	sadd.s32 s11, s21;
	[tilespmem:v1+s2+$0x0] =	vst.idx.msk $0xffff, v0  }
0x336: {  	[hbm4b:s12+s2] =	stream.linear.scatter [tilespmem:s2], [sflag:$0x7], $0x8000, $0x38;
	[tilespmem:$0x18C00] =	vst v63  }
0x337: {  	_ =	swait.ge [sflag:s5], $0x8000  }
0x338: {  	s12 =	rddreg [dreg:$0x5];
	[sflag:s5] =	ssyncset.done $0x0  }
0x339: {  	[sflag:s5] =	ssyncadd.s32 $0xFFFF8000;
	s12 =	sadd.s32 s11, s12  }
0x33a: {  	[tilespmem:s25], [sflag:$0x3] =	stream.linear.gather [hbm4b:s12+s2], $0x8000, $0x38;
	[tilespmem:$0x18C00] =	vst v63  }
0x33b: {  	_ = 	snop  }
0x33c: {  	[tilespmem:s26], [sflag:$0x6] =	stream.linear.gather [hbm4b:s17+s2], $0x400, $0x38;
	[tilespmem:$0x18C00] =	vst v63  }
0x33d: {  	_ =	swait.ge [sflag:s30], $0x8000  }
0x33e: {  	[sflag:s30] =	ssyncset.done $0x0  }
0x33f: {  	[sflag:s30] =	ssyncadd.s32 $0xFFFF8000  }
0x340: {  	_ =	swait.ge [sflag:s31], $0x400  }
0x341: {  	[sflag:s31] =	ssyncset.done $0x0  }
0x342: {  	[sflag:s31] =	ssyncadd.s32 $0xFFFFFC00  }
0x343: {  	v1 =	vld [tilespmem:$0x18400];
	_ =	sdelay $0x7  }
0x344: {  	[tilespmem:v1+s23+$0x0] =	vst.idx.msk $0xffff, v0  }
0x345: {  	v1 =	vld [tilespmem:$0x18410];
	_ =	sdelay $0x7  }
0x346: {  	[tilespmem:v1+s23+$0x0] =	vst.idx.msk $0xffff, v0  }
0x347: {  	v1 =	vld [tilespmem:$0x18420];
	_ =	sdelay $0x7  }
0x348: {  	[tilespmem:v1+s23+$0x0] =	vst.idx.msk $0xffff, v0  }
0x349: {  	v1 =	vld [tilespmem:$0x18430];
	_ =	sdelay $0x7  }
0x34a: {  	[tilespmem:v1+s23+$0x0] =	vst.idx.msk $0xffff, v0  }
0x34b: {  	v1 =	vld [tilespmem:$0x18440];
	_ =	sdelay $0x7  }
0x34c: {  	[tilespmem:v1+s23+$0x0] =	vst.idx.msk $0xffff, v0  }
0x34d: {  	v1 =	vld [tilespmem:$0x18450];
	_ =	sdelay $0x7  }
0x34e: {  	[tilespmem:v1+s23+$0x0] =	vst.idx.msk $0xffff, v0  }
0x34f: {  	v1 =	vld [tilespmem:$0x18460];
	_ =	sdelay $0x7  }
0x350: {  	[tilespmem:v1+s23+$0x0] =	vst.idx.msk $0xffff, v0  }
0x351: {  	v1 =	vld [tilespmem:$0x18470];
	_ =	sdelay $0x7  }
0x352: {  	[tilespmem:v1+s23+$0x0] =	vst.idx.msk $0xffff, v0  }
0x353: {  	v1 =	vld [tilespmem:$0x18480];
	_ =	sdelay $0x4  }
0x354: {  	v1 =	vadd.s32 $0x1000, v1;
	_ =	sdelay $0x4  }
0x355: {  	[tilespmem:v1+s23+$0x0] =	vst.idx.msk $0xffff, v0  }
0x356: {  	v1 =	vld [tilespmem:$0x18490];
	_ =	sdelay $0x4  }
0x357: {  	v1 =	vadd.s32 $0x1000, v1;
	_ =	sdelay $0x4  }
0x358: {  	[tilespmem:v1+s23+$0x0] =	vst.idx.msk $0xffff, v0  }
0x359: {  	v1 =	vld [tilespmem:$0x184A0];
	_ =	sdelay $0x4  }
0x35a: {  	v1 =	vadd.s32 $0x1000, v1;
	_ =	sdelay $0x4  }
0x35b: {  	[tilespmem:v1+s23+$0x0] =	vst.idx.msk $0xffff, v0  }
0x35c: {  	v1 =	vld [tilespmem:$0x184B0];
	_ =	sdelay $0x4  }
0x35d: {  	v1 =	vadd.s32 $0x1000, v1;
	_ =	sdelay $0x4  }
0x35e: {  	[tilespmem:v1+s23+$0x0] =	vst.idx.msk $0xffff, v0  }
0x35f: {  	v1 =	vld [tilespmem:$0x184C0];
	_ =	sdelay $0x4  }
0x360: {  	v1 =	vadd.s32 $0x1000, v1;
	_ =	sdelay $0x4  }
0x361: {  	[tilespmem:v1+s23+$0x0] =	vst.idx.msk $0xffff, v0  }
0x362: {  	v1 =	vld [tilespmem:$0x184D0];
	_ =	sdelay $0x4  }
0x363: {  	v1 =	vadd.s32 $0x1000, v1;
	_ =	sdelay $0x4  }
0x364: {  	[tilespmem:v1+s23+$0x0] =	vst.idx.msk $0xffff, v0  }
0x365: {  	v1 =	vld [tilespmem:$0x184E0];
	_ =	sdelay $0x4  }
0x366: {  	v1 =	vadd.s32 $0x1000, v1;
	_ =	sdelay $0x4  }
0x367: {  	[tilespmem:v1+s23+$0x0] =	vst.idx.msk $0xffff, v0  }
0x368: {  	v1 =	vld [tilespmem:$0x184F0];
	_ =	sdelay $0x4  }
0x369: {  	v1 =	vadd.s32 $0x1000, v1;
	_ =	sdelay $0x4  }
0x36a: {  	[tilespmem:v1+s23+$0x0] =	vst.idx.msk $0xffff, v0  }
0x36b: {  	v1 =	vld [tilespmem:$0x18500];
	_ =	sdelay $0x4  }
0x36c: {  	v1 =	vadd.s32 $0x2000, v1;
	_ =	sdelay $0x4  }
0x36d: {  	[tilespmem:v1+s23+$0x0] =	vst.idx.msk $0xffff, v0  }
0x36e: {  	v1 =	vld [tilespmem:$0x18510];
	_ =	sdelay $0x4  }
0x36f: {  	v1 =	vadd.s32 $0x2000, v1;
	_ =	sdelay $0x4  }
0x370: {  	[tilespmem:v1+s23+$0x0] =	vst.idx.msk $0xffff, v0  }
0x371: {  	v1 =	vld [tilespmem:$0x18520];
	_ =	sdelay $0x4  }
0x372: {  	v1 =	vadd.s32 $0x2000, v1;
	_ =	sdelay $0x4  }
0x373: {  	[tilespmem:v1+s23+$0x0] =	vst.idx.msk $0xffff, v0  }
0x374: {  	v1 =	vld [tilespmem:$0x18530];
	_ =	sdelay $0x4  }
0x375: {  	v1 =	vadd.s32 $0x2000, v1;
	_ =	sdelay $0x4  }
0x376: {  	[tilespmem:v1+s23+$0x0] =	vst.idx.msk $0xffff, v0  }
0x377: {  	v1 =	vld [tilespmem:$0x18540];
	_ =	sdelay $0x4  }
0x378: {  	v1 =	vadd.s32 $0x2000, v1;
	_ =	sdelay $0x4  }
0x379: {  	[tilespmem:v1+s23+$0x0] =	vst.idx.msk $0xffff, v0  }
0x37a: {  	v1 =	vld [tilespmem:$0x18550];
	_ =	sdelay $0x4  }
0x37b: {  	v1 =	vadd.s32 $0x2000, v1;
	_ =	sdelay $0x4  }
0x37c: {  	[tilespmem:v1+s23+$0x0] =	vst.idx.msk $0xffff, v0  }
0x37d: {  	v1 =	vld [tilespmem:$0x18560];
	_ =	sdelay $0x4  }
0x37e: {  	v1 =	vadd.s32 $0x2000, v1;
	_ =	sdelay $0x4  }
0x37f: {  	[tilespmem:v1+s23+$0x0] =	vst.idx.msk $0xffff, v0  }
0x380: {  	v1 =	vld [tilespmem:$0x18570];
	_ =	sdelay $0x4  }
0x381: {  	v1 =	vadd.s32 $0x2000, v1;
	_ =	sdelay $0x4  }
0x382: {  	[tilespmem:v1+s23+$0x0] =	vst.idx.msk $0xffff, v0  }
0x383: {  	v1 =	vld [tilespmem:$0x18580];
	_ =	sdelay $0x4  }
0x384: {  	v1 =	vadd.s32 $0x3000, v1;
	_ =	sdelay $0x4  }
0x385: {  	[tilespmem:v1+s23+$0x0] =	vst.idx.msk $0xffff, v0  }
0x386: {  	v1 =	vld [tilespmem:$0x18590];
	_ =	sdelay $0x4  }
0x387: {  	v1 =	vadd.s32 $0x3000, v1;
	_ =	sdelay $0x4  }
0x388: {  	[tilespmem:v1+s23+$0x0] =	vst.idx.msk $0xffff, v0  }
0x389: {  	v1 =	vld [tilespmem:$0x185A0];
	_ =	sdelay $0x4  }
0x38a: {  	v1 =	vadd.s32 $0x3000, v1;
	_ =	sdelay $0x4  }
0x38b: {  	[tilespmem:v1+s23+$0x0] =	vst.idx.msk $0xffff, v0  }
0x38c: {  	v1 =	vld [tilespmem:$0x185B0];
	_ =	sdelay $0x4  }
0x38d: {  	v1 =	vadd.s32 $0x3000, v1;
	_ =	sdelay $0x4  }
0x38e: {  	[tilespmem:v1+s23+$0x0] =	vst.idx.msk $0xffff, v0  }
0x38f: {  	v1 =	vld [tilespmem:$0x185C0];
	_ =	sdelay $0x4  }
0x390: {  	v1 =	vadd.s32 $0x3000, v1;
	_ =	sdelay $0x4  }
0x391: {  	[tilespmem:v1+s23+$0x0] =	vst.idx.msk $0xffff, v0  }
0x392: {  	v1 =	vld [tilespmem:$0x185D0];
	_ =	sdelay $0x4  }
0x393: {  	v1 =	vadd.s32 $0x3000, v1;
	_ =	sdelay $0x4  }
0x394: {  	[tilespmem:v1+s23+$0x0] =	vst.idx.msk $0xffff, v0  }
0x395: {  	v1 =	vld [tilespmem:$0x185E0];
	_ =	sdelay $0x4  }
0x396: {  	v1 =	vadd.s32 $0x3000, v1;
	_ =	sdelay $0x4  }
0x397: {  	[tilespmem:v1+s23+$0x0] =	vst.idx.msk $0xffff, v0  }
0x398: {  	v1 =	vld [tilespmem:$0x185F0];
	_ =	sdelay $0x4  }
0x399: {  	v1 =	vadd.s32 $0x3000, v1;
	_ =	sdelay $0x4  }
0x39a: {  	[tilespmem:v1+s23+$0x0] =	vst.idx.msk $0xffff, v0  }
0x39b: {  	v1 =	vld [tilespmem:$0x18600];
	_ =	sdelay $0x4  }
0x39c: {  	v1 =	vadd.s32 $0x4000, v1;
	_ =	sdelay $0x4  }
0x39d: {  	[tilespmem:v1+s23+$0x0] =	vst.idx.msk $0xffff, v0  }
0x39e: {  	v1 =	vld [tilespmem:$0x18610];
	_ =	sdelay $0x4  }
0x39f: {  	v1 =	vadd.s32 $0x4000, v1;
	_ =	sdelay $0x4  }
0x3a0: {  	[tilespmem:v1+s23+$0x0] =	vst.idx.msk $0xffff, v0  }
0x3a1: {  	v1 =	vld [tilespmem:$0x18620];
	_ =	sdelay $0x4  }
0x3a2: {  	v1 =	vadd.s32 $0x4000, v1;
	_ =	sdelay $0x4  }
0x3a3: {  	[tilespmem:v1+s23+$0x0] =	vst.idx.msk $0xffff, v0  }
0x3a4: {  	v1 =	vld [tilespmem:$0x18630];
	_ =	sdelay $0x4  }
0x3a5: {  	v1 =	vadd.s32 $0x4000, v1;
	_ =	sdelay $0x4  }
0x3a6: {  	[tilespmem:v1+s23+$0x0] =	vst.idx.msk $0xffff, v0  }
0x3a7: {  	v1 =	vld [tilespmem:$0x18640];
	_ =	sdelay $0x4  }
0x3a8: {  	v1 =	vadd.s32 $0x4000, v1;
	_ =	sdelay $0x4  }
0x3a9: {  	[tilespmem:v1+s23+$0x0] =	vst.idx.msk $0xffff, v0  }
0x3aa: {  	v1 =	vld [tilespmem:$0x18650];
	_ =	sdelay $0x4  }
0x3ab: {  	v1 =	vadd.s32 $0x4000, v1;
	_ =	sdelay $0x4  }
0x3ac: {  	[tilespmem:v1+s23+$0x0] =	vst.idx.msk $0xffff, v0  }
0x3ad: {  	v1 =	vld [tilespmem:$0x18660];
	_ =	sdelay $0x4  }
0x3ae: {  	v1 =	vadd.s32 $0x4000, v1;
	_ =	sdelay $0x4  }
0x3af: {  	[tilespmem:v1+s23+$0x0] =	vst.idx.msk $0xffff, v0  }
0x3b0: {  	v1 =	vld [tilespmem:$0x18670];
	_ =	sdelay $0x4  }
0x3b1: {  	v1 =	vadd.s32 $0x4000, v1;
	_ =	sdelay $0x4  }
0x3b2: {  	[tilespmem:v1+s23+$0x0] =	vst.idx.msk $0xffff, v0  }
0x3b3: {  	v1 =	vld [tilespmem:$0x18680];
	_ =	sdelay $0x4  }
0x3b4: {  	v1 =	vadd.s32 $0x5000, v1;
	_ =	sdelay $0x4  }
0x3b5: {  	[tilespmem:v1+s23+$0x0] =	vst.idx.msk $0xffff, v0  }
0x3b6: {  	v1 =	vld [tilespmem:$0x18690];
	_ =	sdelay $0x4  }
0x3b7: {  	v1 =	vadd.s32 $0x5000, v1;
	_ =	sdelay $0x4  }
0x3b8: {  	[tilespmem:v1+s23+$0x0] =	vst.idx.msk $0xffff, v0  }
0x3b9: {  	v1 =	vld [tilespmem:$0x186A0];
	_ =	sdelay $0x4  }
0x3ba: {  	v1 =	vadd.s32 $0x5000, v1;
	_ =	sdelay $0x4  }
0x3bb: {  	[tilespmem:v1+s23+$0x0] =	vst.idx.msk $0xffff, v0  }
0x3bc: {  	v1 =	vld [tilespmem:$0x186B0];
	_ =	sdelay $0x4  }
0x3bd: {  	v1 =	vadd.s32 $0x5000, v1;
	_ =	sdelay $0x4  }
0x3be: {  	[tilespmem:v1+s23+$0x0] =	vst.idx.msk $0xffff, v0  }
0x3bf: {  	v1 =	vld [tilespmem:$0x186C0];
	_ =	sdelay $0x4  }
0x3c0: {  	v1 =	vadd.s32 $0x5000, v1;
	_ =	sdelay $0x4  }
0x3c1: {  	[tilespmem:v1+s23+$0x0] =	vst.idx.msk $0xffff, v0  }
0x3c2: {  	v1 =	vld [tilespmem:$0x186D0];
	_ =	sdelay $0x4  }
0x3c3: {  	v1 =	vadd.s32 $0x5000, v1;
	_ =	sdelay $0x4  }
0x3c4: {  	[tilespmem:v1+s23+$0x0] =	vst.idx.msk $0xffff, v0  }
0x3c5: {  	v1 =	vld [tilespmem:$0x186E0];
	_ =	sdelay $0x4  }
0x3c6: {  	v1 =	vadd.s32 $0x5000, v1;
	_ =	sdelay $0x4  }
0x3c7: {  	[tilespmem:v1+s23+$0x0] =	vst.idx.msk $0xffff, v0  }
0x3c8: {  	v1 =	vld [tilespmem:$0x186F0];
	_ =	sdelay $0x4  }
0x3c9: {  	v1 =	vadd.s32 $0x5000, v1;
	_ =	sdelay $0x4  }
0x3ca: {  	[tilespmem:v1+s23+$0x0] =	vst.idx.msk $0xffff, v0  }
0x3cb: {  	v1 =	vld [tilespmem:$0x18700];
	_ =	sdelay $0x4  }
0x3cc: {  	v1 =	vadd.s32 $0x6000, v1;
	_ =	sdelay $0x4  }
0x3cd: {  	[tilespmem:v1+s23+$0x0] =	vst.idx.msk $0xffff, v0  }
0x3ce: {  	v1 =	vld [tilespmem:$0x18710];
	_ =	sdelay $0x4  }
0x3cf: {  	v1 =	vadd.s32 $0x6000, v1;
	_ =	sdelay $0x4  }
0x3d0: {  	[tilespmem:v1+s23+$0x0] =	vst.idx.msk $0xffff, v0  }
0x3d1: {  	v1 =	vld [tilespmem:$0x18720];
	_ =	sdelay $0x4  }
0x3d2: {  	v1 =	vadd.s32 $0x6000, v1;
	_ =	sdelay $0x4  }
0x3d3: {  	[tilespmem:v1+s23+$0x0] =	vst.idx.msk $0xffff, v0  }
0x3d4: {  	v1 =	vld [tilespmem:$0x18730];
	_ =	sdelay $0x4  }
0x3d5: {  	v1 =	vadd.s32 $0x6000, v1;
	_ =	sdelay $0x4  }
0x3d6: {  	[tilespmem:v1+s23+$0x0] =	vst.idx.msk $0xffff, v0  }
0x3d7: {  	v1 =	vld [tilespmem:$0x18740];
	_ =	sdelay $0x4  }
0x3d8: {  	v1 =	vadd.s32 $0x6000, v1;
	_ =	sdelay $0x4  }
0x3d9: {  	[tilespmem:v1+s23+$0x0] =	vst.idx.msk $0xffff, v0  }
0x3da: {  	v1 =	vld [tilespmem:$0x18750];
	_ =	sdelay $0x4  }
0x3db: {  	v1 =	vadd.s32 $0x6000, v1;
	_ =	sdelay $0x4  }
0x3dc: {  	[tilespmem:v1+s23+$0x0] =	vst.idx.msk $0xffff, v0  }
0x3dd: {  	v1 =	vld [tilespmem:$0x18760];
	_ =	sdelay $0x4  }
0x3de: {  	v1 =	vadd.s32 $0x6000, v1;
	_ =	sdelay $0x4  }
0x3df: {  	[tilespmem:v1+s23+$0x0] =	vst.idx.msk $0xffff, v0  }
0x3e0: {  	v1 =	vld [tilespmem:$0x18770];
	_ =	sdelay $0x4  }
0x3e1: {  	v1 =	vadd.s32 $0x6000, v1;
	_ =	sdelay $0x4  }
0x3e2: {  	[tilespmem:v1+s23+$0x0] =	vst.idx.msk $0xffff, v0  }
0x3e3: {  	v1 =	vld [tilespmem:$0x18780];
	_ =	sdelay $0x4  }
0x3e4: {  	v1 =	vadd.s32 $0x7000, v1;
	_ =	sdelay $0x4  }
0x3e5: {  	[tilespmem:v1+s23+$0x0] =	vst.idx.msk $0xffff, v0  }
0x3e6: {  	v1 =	vld [tilespmem:$0x18790];
	_ =	sdelay $0x4  }
0x3e7: {  	v1 =	vadd.s32 $0x7000, v1;
	_ =	sdelay $0x4  }
0x3e8: {  	[tilespmem:v1+s23+$0x0] =	vst.idx.msk $0xffff, v0  }
0x3e9: {  	v1 =	vld [tilespmem:$0x187A0];
	_ =	sdelay $0x4  }
0x3ea: {  	v1 =	vadd.s32 $0x7000, v1;
	_ =	sdelay $0x4  }
0x3eb: {  	[tilespmem:v1+s23+$0x0] =	vst.idx.msk $0xffff, v0  }
0x3ec: {  	v1 =	vld [tilespmem:$0x187B0];
	_ =	sdelay $0x4  }
0x3ed: {  	v1 =	vadd.s32 $0x7000, v1;
	_ =	sdelay $0x4  }
0x3ee: {  	[tilespmem:v1+s23+$0x0] =	vst.idx.msk $0xffff, v0  }
0x3ef: {  	v1 =	vld [tilespmem:$0x187C0];
	_ =	sdelay $0x4  }
0x3f0: {  	v1 =	vadd.s32 $0x7000, v1;
	_ =	sdelay $0x4  }
0x3f1: {  	[tilespmem:v1+s23+$0x0] =	vst.idx.msk $0xffff, v0  }
0x3f2: {  	v1 =	vld [tilespmem:$0x187D0];
	_ =	sdelay $0x4  }
0x3f3: {  	v1 =	vadd.s32 $0x7000, v1;
	_ =	sdelay $0x4  }
0x3f4: {  	[tilespmem:v1+s23+$0x0] =	vst.idx.msk $0xffff, v0  }
0x3f5: {  	v1 =	vld [tilespmem:$0x187E0];
	_ =	sdelay $0x4  }
0x3f6: {  	v1 =	vadd.s32 $0x7000, v1;
	_ =	sdelay $0x4  }
0x3f7: {  	[tilespmem:v1+s23+$0x0] =	vst.idx.msk $0xffff, v0  }
0x3f8: {  	v1 =	vld [tilespmem:$0x187F0];
	_ =	sdelay $0x4  }
0x3f9: {  	v1 =	vadd.s32 $0x7000, v1;
	_ =	sdelay $0x4  }
0x3fa: {  	s12 =	sadd.s32 s11, s20;
	[tilespmem:v1+s23+$0x0] =	vst.idx.msk $0xffff, v0  }
0x3fb: {  	[hbm4b:s12+s2] =	stream.linear.scatter [tilespmem:s23], [sflag:$0x8], $0x8000, $0x38;
	[tilespmem:$0x18C00] =	vst v63  }
0x3fc: {  	_ =	swait.ge [sflag:s0], $0x8000  }
0x3fd: {  	s12 =	rddreg [dreg:$0x4];
	[sflag:s0] =	ssyncset.done $0x0  }
0x3fe: {  	[sflag:s0] =	ssyncadd.s32 $0xFFFF8000;
	s12 =	sadd.s32 s11, s12  }
0x3ff: {  	[tilespmem:s2], [sflag:$0x1] =	stream.linear.gather [hbm4b:s12+s2], $0x8000, $0x38;
	[tilespmem:$0x18C00] =	vst v63  }
0x400: {  	_ = 	snop  }
0x401: {  	[tilespmem:s22], [sflag:$0x4] =	stream.linear.gather [hbm4b:s16+s2], $0x400, $0x38;
	[tilespmem:$0x18C00] =	vst v63  }
0x402: {  	_ =	swait.ge [sflag:s1], $0x8000  }
0x403: {  	[sflag:s1] =	ssyncset.done $0x0  }
0x404: {  	[sflag:s1] =	ssyncadd.s32 $0xFFFF8000  }
0x405: {  	_ =	swait.ge [sflag:s3], $0x400  }
0x406: {  	[sflag:s3] =	ssyncset.done $0x0  }
0x407: {  	[sflag:s3] =	ssyncadd.s32 $0xFFFFFC00  }
0x408: {  	v1 =	vld [tilespmem:$0x18800];
	_ =	sdelay $0x7  }
0x409: {  	[tilespmem:v1+s25+$0x0] =	vst.idx.msk $0xffff, v0  }
0x40a: {  	v1 =	vld [tilespmem:$0x18810];
	_ =	sdelay $0x7  }
0x40b: {  	[tilespmem:v1+s25+$0x0] =	vst.idx.msk $0xffff, v0  }
0x40c: {  	v1 =	vld [tilespmem:$0x18820];
	_ =	sdelay $0x7  }
0x40d: {  	[tilespmem:v1+s25+$0x0] =	vst.idx.msk $0xffff, v0  }
0x40e: {  	v1 =	vld [tilespmem:$0x18830];
	_ =	sdelay $0x7  }
0x40f: {  	[tilespmem:v1+s25+$0x0] =	vst.idx.msk $0xffff, v0  }
0x410: {  	v1 =	vld [tilespmem:$0x18840];
	_ =	sdelay $0x7  }
0x411: {  	[tilespmem:v1+s25+$0x0] =	vst.idx.msk $0xffff, v0  }
0x412: {  	v1 =	vld [tilespmem:$0x18850];
	_ =	sdelay $0x7  }
0x413: {  	[tilespmem:v1+s25+$0x0] =	vst.idx.msk $0xffff, v0  }
0x414: {  	v1 =	vld [tilespmem:$0x18860];
	_ =	sdelay $0x7  }
0x415: {  	[tilespmem:v1+s25+$0x0] =	vst.idx.msk $0xffff, v0  }
0x416: {  	v1 =	vld [tilespmem:$0x18870];
	_ =	sdelay $0x7  }
0x417: {  	[tilespmem:v1+s25+$0x0] =	vst.idx.msk $0xffff, v0  }
0x418: {  	v1 =	vld [tilespmem:$0x18880];
	_ =	sdelay $0x4  }
0x419: {  	v1 =	vadd.s32 $0x1000, v1;
	_ =	sdelay $0x4  }
0x41a: {  	[tilespmem:v1+s25+$0x0] =	vst.idx.msk $0xffff, v0  }
0x41b: {  	v1 =	vld [tilespmem:$0x18890];
	_ =	sdelay $0x4  }
0x41c: {  	v1 =	vadd.s32 $0x1000, v1;
	_ =	sdelay $0x4  }
0x41d: {  	[tilespmem:v1+s25+$0x0] =	vst.idx.msk $0xffff, v0  }
0x41e: {  	v1 =	vld [tilespmem:$0x188A0];
	_ =	sdelay $0x4  }
0x41f: {  	v1 =	vadd.s32 $0x1000, v1;
	_ =	sdelay $0x4  }
0x420: {  	[tilespmem:v1+s25+$0x0] =	vst.idx.msk $0xffff, v0  }
0x421: {  	v1 =	vld [tilespmem:$0x188B0];
	_ =	sdelay $0x4  }
0x422: {  	v1 =	vadd.s32 $0x1000, v1;
	_ =	sdelay $0x4  }
0x423: {  	[tilespmem:v1+s25+$0x0] =	vst.idx.msk $0xffff, v0  }
0x424: {  	v1 =	vld [tilespmem:$0x188C0];
	_ =	sdelay $0x4  }
0x425: {  	v1 =	vadd.s32 $0x1000, v1;
	_ =	sdelay $0x4  }
0x426: {  	[tilespmem:v1+s25+$0x0] =	vst.idx.msk $0xffff, v0  }
0x427: {  	v1 =	vld [tilespmem:$0x188D0];
	_ =	sdelay $0x4  }
0x428: {  	v1 =	vadd.s32 $0x1000, v1;
	_ =	sdelay $0x4  }
0x429: {  	[tilespmem:v1+s25+$0x0] =	vst.idx.msk $0xffff, v0  }
0x42a: {  	v1 =	vld [tilespmem:$0x188E0];
	_ =	sdelay $0x4  }
0x42b: {  	v1 =	vadd.s32 $0x1000, v1;
	_ =	sdelay $0x4  }
0x42c: {  	[tilespmem:v1+s25+$0x0] =	vst.idx.msk $0xffff, v0  }
0x42d: {  	v1 =	vld [tilespmem:$0x188F0];
	_ =	sdelay $0x4  }
0x42e: {  	v1 =	vadd.s32 $0x1000, v1;
	_ =	sdelay $0x4  }
0x42f: {  	[tilespmem:v1+s25+$0x0] =	vst.idx.msk $0xffff, v0  }
0x430: {  	v1 =	vld [tilespmem:$0x18900];
	_ =	sdelay $0x4  }
0x431: {  	v1 =	vadd.s32 $0x2000, v1;
	_ =	sdelay $0x4  }
0x432: {  	[tilespmem:v1+s25+$0x0] =	vst.idx.msk $0xffff, v0  }
0x433: {  	v1 =	vld [tilespmem:$0x18910];
	_ =	sdelay $0x4  }
0x434: {  	v1 =	vadd.s32 $0x2000, v1;
	_ =	sdelay $0x4  }
0x435: {  	[tilespmem:v1+s25+$0x0] =	vst.idx.msk $0xffff, v0  }
0x436: {  	v1 =	vld [tilespmem:$0x18920];
	_ =	sdelay $0x4  }
0x437: {  	v1 =	vadd.s32 $0x2000, v1;
	_ =	sdelay $0x4  }
0x438: {  	[tilespmem:v1+s25+$0x0] =	vst.idx.msk $0xffff, v0  }
0x439: {  	v1 =	vld [tilespmem:$0x18930];
	_ =	sdelay $0x4  }
0x43a: {  	v1 =	vadd.s32 $0x2000, v1;
	_ =	sdelay $0x4  }
0x43b: {  	[tilespmem:v1+s25+$0x0] =	vst.idx.msk $0xffff, v0  }
0x43c: {  	v1 =	vld [tilespmem:$0x18940];
	_ =	sdelay $0x4  }
0x43d: {  	v1 =	vadd.s32 $0x2000, v1;
	_ =	sdelay $0x4  }
0x43e: {  	[tilespmem:v1+s25+$0x0] =	vst.idx.msk $0xffff, v0  }
0x43f: {  	v1 =	vld [tilespmem:$0x18950];
	_ =	sdelay $0x4  }
0x440: {  	v1 =	vadd.s32 $0x2000, v1;
	_ =	sdelay $0x4  }
0x441: {  	[tilespmem:v1+s25+$0x0] =	vst.idx.msk $0xffff, v0  }
0x442: {  	v1 =	vld [tilespmem:$0x18960];
	_ =	sdelay $0x4  }
0x443: {  	v1 =	vadd.s32 $0x2000, v1;
	_ =	sdelay $0x4  }
0x444: {  	[tilespmem:v1+s25+$0x0] =	vst.idx.msk $0xffff, v0  }
0x445: {  	v1 =	vld [tilespmem:$0x18970];
	_ =	sdelay $0x4  }
0x446: {  	v1 =	vadd.s32 $0x2000, v1;
	_ =	sdelay $0x4  }
0x447: {  	[tilespmem:v1+s25+$0x0] =	vst.idx.msk $0xffff, v0  }
0x448: {  	v1 =	vld [tilespmem:$0x18980];
	_ =	sdelay $0x4  }
0x449: {  	v1 =	vadd.s32 $0x3000, v1;
	_ =	sdelay $0x4  }
0x44a: {  	[tilespmem:v1+s25+$0x0] =	vst.idx.msk $0xffff, v0  }
0x44b: {  	v1 =	vld [tilespmem:$0x18990];
	_ =	sdelay $0x4  }
0x44c: {  	v1 =	vadd.s32 $0x3000, v1;
	_ =	sdelay $0x4  }
0x44d: {  	[tilespmem:v1+s25+$0x0] =	vst.idx.msk $0xffff, v0  }
0x44e: {  	v1 =	vld [tilespmem:$0x189A0];
	_ =	sdelay $0x4  }
0x44f: {  	v1 =	vadd.s32 $0x3000, v1;
	_ =	sdelay $0x4  }
0x450: {  	[tilespmem:v1+s25+$0x0] =	vst.idx.msk $0xffff, v0  }
0x451: {  	v1 =	vld [tilespmem:$0x189B0];
	_ =	sdelay $0x4  }
0x452: {  	v1 =	vadd.s32 $0x3000, v1;
	_ =	sdelay $0x4  }
0x453: {  	[tilespmem:v1+s25+$0x0] =	vst.idx.msk $0xffff, v0  }
0x454: {  	v1 =	vld [tilespmem:$0x189C0];
	_ =	sdelay $0x4  }
0x455: {  	v1 =	vadd.s32 $0x3000, v1;
	_ =	sdelay $0x4  }
0x456: {  	[tilespmem:v1+s25+$0x0] =	vst.idx.msk $0xffff, v0  }
0x457: {  	v1 =	vld [tilespmem:$0x189D0];
	_ =	sdelay $0x4  }
0x458: {  	v1 =	vadd.s32 $0x3000, v1;
	_ =	sdelay $0x4  }
0x459: {  	[tilespmem:v1+s25+$0x0] =	vst.idx.msk $0xffff, v0  }
0x45a: {  	v1 =	vld [tilespmem:$0x189E0];
	_ =	sdelay $0x4  }
0x45b: {  	v1 =	vadd.s32 $0x3000, v1;
	_ =	sdelay $0x4  }
0x45c: {  	[tilespmem:v1+s25+$0x0] =	vst.idx.msk $0xffff, v0  }
0x45d: {  	v1 =	vld [tilespmem:$0x189F0];
	_ =	sdelay $0x4  }
0x45e: {  	v1 =	vadd.s32 $0x3000, v1;
	_ =	sdelay $0x4  }
0x45f: {  	[tilespmem:v1+s25+$0x0] =	vst.idx.msk $0xffff, v0  }
0x460: {  	v1 =	vld [tilespmem:$0x18A00];
	_ =	sdelay $0x4  }
0x461: {  	v1 =	vadd.s32 $0x4000, v1;
	_ =	sdelay $0x4  }
0x462: {  	[tilespmem:v1+s25+$0x0] =	vst.idx.msk $0xffff, v0  }
0x463: {  	v1 =	vld [tilespmem:$0x18A10];
	_ =	sdelay $0x4  }
0x464: {  	v1 =	vadd.s32 $0x4000, v1;
	_ =	sdelay $0x4  }
0x465: {  	[tilespmem:v1+s25+$0x0] =	vst.idx.msk $0xffff, v0  }
0x466: {  	v1 =	vld [tilespmem:$0x18A20];
	_ =	sdelay $0x4  }
0x467: {  	v1 =	vadd.s32 $0x4000, v1;
	_ =	sdelay $0x4  }
0x468: {  	[tilespmem:v1+s25+$0x0] =	vst.idx.msk $0xffff, v0  }
0x469: {  	v1 =	vld [tilespmem:$0x18A30];
	_ =	sdelay $0x4  }
0x46a: {  	v1 =	vadd.s32 $0x4000, v1;
	_ =	sdelay $0x4  }
0x46b: {  	[tilespmem:v1+s25+$0x0] =	vst.idx.msk $0xffff, v0  }
0x46c: {  	v1 =	vld [tilespmem:$0x18A40];
	_ =	sdelay $0x4  }
0x46d: {  	v1 =	vadd.s32 $0x4000, v1;
	_ =	sdelay $0x4  }
0x46e: {  	[tilespmem:v1+s25+$0x0] =	vst.idx.msk $0xffff, v0  }
0x46f: {  	v1 =	vld [tilespmem:$0x18A50];
	_ =	sdelay $0x4  }
0x470: {  	v1 =	vadd.s32 $0x4000, v1;
	_ =	sdelay $0x4  }
0x471: {  	[tilespmem:v1+s25+$0x0] =	vst.idx.msk $0xffff, v0  }
0x472: {  	v1 =	vld [tilespmem:$0x18A60];
	_ =	sdelay $0x4  }
0x473: {  	v1 =	vadd.s32 $0x4000, v1;
	_ =	sdelay $0x4  }
0x474: {  	[tilespmem:v1+s25+$0x0] =	vst.idx.msk $0xffff, v0  }
0x475: {  	v1 =	vld [tilespmem:$0x18A70];
	_ =	sdelay $0x4  }
0x476: {  	v1 =	vadd.s32 $0x4000, v1;
	_ =	sdelay $0x4  }
0x477: {  	[tilespmem:v1+s25+$0x0] =	vst.idx.msk $0xffff, v0  }
0x478: {  	v1 =	vld [tilespmem:$0x18A80];
	_ =	sdelay $0x4  }
0x479: {  	v1 =	vadd.s32 $0x5000, v1;
	_ =	sdelay $0x4  }
0x47a: {  	[tilespmem:v1+s25+$0x0] =	vst.idx.msk $0xffff, v0  }
0x47b: {  	v1 =	vld [tilespmem:$0x18A90];
	_ =	sdelay $0x4  }
0x47c: {  	v1 =	vadd.s32 $0x5000, v1;
	_ =	sdelay $0x4  }
0x47d: {  	[tilespmem:v1+s25+$0x0] =	vst.idx.msk $0xffff, v0  }
0x47e: {  	v1 =	vld [tilespmem:$0x18AA0];
	_ =	sdelay $0x4  }
0x47f: {  	v1 =	vadd.s32 $0x5000, v1;
	_ =	sdelay $0x4  }
0x480: {  	[tilespmem:v1+s25+$0x0] =	vst.idx.msk $0xffff, v0  }
0x481: {  	v1 =	vld [tilespmem:$0x18AB0];
	_ =	sdelay $0x4  }
0x482: {  	v1 =	vadd.s32 $0x5000, v1;
	_ =	sdelay $0x4  }
0x483: {  	[tilespmem:v1+s25+$0x0] =	vst.idx.msk $0xffff, v0  }
0x484: {  	v1 =	vld [tilespmem:$0x18AC0];
	_ =	sdelay $0x4  }
0x485: {  	v1 =	vadd.s32 $0x5000, v1;
	_ =	sdelay $0x4  }
0x486: {  	[tilespmem:v1+s25+$0x0] =	vst.idx.msk $0xffff, v0  }
0x487: {  	v1 =	vld [tilespmem:$0x18AD0];
	_ =	sdelay $0x4  }
0x488: {  	v1 =	vadd.s32 $0x5000, v1;
	_ =	sdelay $0x4  }
0x489: {  	[tilespmem:v1+s25+$0x0] =	vst.idx.msk $0xffff, v0  }
0x48a: {  	v1 =	vld [tilespmem:$0x18AE0];
	_ =	sdelay $0x4  }
0x48b: {  	v1 =	vadd.s32 $0x5000, v1;
	_ =	sdelay $0x4  }
0x48c: {  	[tilespmem:v1+s25+$0x0] =	vst.idx.msk $0xffff, v0  }
0x48d: {  	v1 =	vld [tilespmem:$0x18AF0];
	_ =	sdelay $0x4  }
0x48e: {  	v1 =	vadd.s32 $0x5000, v1;
	_ =	sdelay $0x4  }
0x48f: {  	[tilespmem:v1+s25+$0x0] =	vst.idx.msk $0xffff, v0  }
0x490: {  	v1 =	vld [tilespmem:$0x18B00];
	_ =	sdelay $0x4  }
0x491: {  	v1 =	vadd.s32 $0x6000, v1;
	_ =	sdelay $0x4  }
0x492: {  	[tilespmem:v1+s25+$0x0] =	vst.idx.msk $0xffff, v0  }
0x493: {  	v1 =	vld [tilespmem:$0x18B10];
	_ =	sdelay $0x4  }
0x494: {  	v1 =	vadd.s32 $0x6000, v1;
	_ =	sdelay $0x4  }
0x495: {  	[tilespmem:v1+s25+$0x0] =	vst.idx.msk $0xffff, v0  }
0x496: {  	v1 =	vld [tilespmem:$0x18B20];
	_ =	sdelay $0x4  }
0x497: {  	v1 =	vadd.s32 $0x6000, v1;
	_ =	sdelay $0x4  }
0x498: {  	[tilespmem:v1+s25+$0x0] =	vst.idx.msk $0xffff, v0  }
0x499: {  	v1 =	vld [tilespmem:$0x18B30];
	_ =	sdelay $0x4  }
0x49a: {  	v1 =	vadd.s32 $0x6000, v1;
	_ =	sdelay $0x4  }
0x49b: {  	[tilespmem:v1+s25+$0x0] =	vst.idx.msk $0xffff, v0  }
0x49c: {  	v1 =	vld [tilespmem:$0x18B40];
	_ =	sdelay $0x4  }
0x49d: {  	v1 =	vadd.s32 $0x6000, v1;
	_ =	sdelay $0x4  }
0x49e: {  	[tilespmem:v1+s25+$0x0] =	vst.idx.msk $0xffff, v0  }
0x49f: {  	v1 =	vld [tilespmem:$0x18B50];
	_ =	sdelay $0x4  }
0x4a0: {  	v1 =	vadd.s32 $0x6000, v1;
	_ =	sdelay $0x4  }
0x4a1: {  	[tilespmem:v1+s25+$0x0] =	vst.idx.msk $0xffff, v0  }
0x4a2: {  	v1 =	vld [tilespmem:$0x18B60];
	_ =	sdelay $0x4  }
0x4a3: {  	v1 =	vadd.s32 $0x6000, v1;
	_ =	sdelay $0x4  }
0x4a4: {  	[tilespmem:v1+s25+$0x0] =	vst.idx.msk $0xffff, v0  }
0x4a5: {  	v1 =	vld [tilespmem:$0x18B70];
	_ =	sdelay $0x4  }
0x4a6: {  	v1 =	vadd.s32 $0x6000, v1;
	_ =	sdelay $0x4  }
0x4a7: {  	[tilespmem:v1+s25+$0x0] =	vst.idx.msk $0xffff, v0  }
0x4a8: {  	v1 =	vld [tilespmem:$0x18B80];
	_ =	sdelay $0x4  }
0x4a9: {  	v1 =	vadd.s32 $0x7000, v1;
	_ =	sdelay $0x4  }
0x4aa: {  	[tilespmem:v1+s25+$0x0] =	vst.idx.msk $0xffff, v0  }
0x4ab: {  	v1 =	vld [tilespmem:$0x18B90];
	_ =	sdelay $0x4  }
0x4ac: {  	v1 =	vadd.s32 $0x7000, v1;
	_ =	sdelay $0x4  }
0x4ad: {  	[tilespmem:v1+s25+$0x0] =	vst.idx.msk $0xffff, v0  }
0x4ae: {  	v1 =	vld [tilespmem:$0x18BA0];
	_ =	sdelay $0x4  }
0x4af: {  	v1 =	vadd.s32 $0x7000, v1;
	_ =	sdelay $0x4  }
0x4b0: {  	[tilespmem:v1+s25+$0x0] =	vst.idx.msk $0xffff, v0  }
0x4b1: {  	v1 =	vld [tilespmem:$0x18BB0];
	_ =	sdelay $0x4  }
0x4b2: {  	v1 =	vadd.s32 $0x7000, v1;
	_ =	sdelay $0x4  }
0x4b3: {  	[tilespmem:v1+s25+$0x0] =	vst.idx.msk $0xffff, v0  }
0x4b4: {  	v1 =	vld [tilespmem:$0x18BC0];
	_ =	sdelay $0x4  }
0x4b5: {  	v1 =	vadd.s32 $0x7000, v1;
	_ =	sdelay $0x4  }
0x4b6: {  	[tilespmem:v1+s25+$0x0] =	vst.idx.msk $0xffff, v0  }
0x4b7: {  	v1 =	vld [tilespmem:$0x18BD0];
	_ =	sdelay $0x4  }
0x4b8: {  	v1 =	vadd.s32 $0x7000, v1;
	_ =	sdelay $0x4  }
0x4b9: {  	[tilespmem:v1+s25+$0x0] =	vst.idx.msk $0xffff, v0  }
0x4ba: {  	v1 =	vld [tilespmem:$0x18BE0];
	_ =	sdelay $0x4  }
0x4bb: {  	v1 =	vadd.s32 $0x7000, v1;
	_ =	sdelay $0x4  }
0x4bc: {  	[tilespmem:v1+s25+$0x0] =	vst.idx.msk $0xffff, v0  }
0x4bd: {  	v1 =	vld [tilespmem:$0x18BF0];
	_ =	sdelay $0x4  }
0x4be: {  	v1 =	vadd.s32 $0x7000, v1  }
0x4bf: {  	p0 =	sne.s32 s11, $0x39000  }
.Ltmp0:
0x4c0: {  	_ = 	snop;
	(pc) =	sbr.rel @p0 .LBB2_2-.Ltmp0, $4  }
0x4c1: {  	_ = 	snop  }
0x4c2: {  	s18 =	sadd.s32 $0x180, s18;
	s17 =	sadd.s32 $0x180, s17;
	s12 =	rddreg [dreg:$0x6]  }
0x4c3: {  	s16 =	sadd.s32 $0x180, s16;
	s12 =	sadd.s32 s11, s12;
	s11 =	sadd.s32 $0x3000, s11;
	[tilespmem:v1+s25+$0x0] =	vst.idx.msk $0xffff, v0  }
0x4c4: {  	[hbm4b:s12+s2] =	stream.linear.scatter [tilespmem:s25], [sflag:$0x9], $0x8000, $0x38;
	[tilespmem:$0x18C00] =	vst v63  }
0x4c5: {  	_ =	swait.ge [sflag:s4], $0x8000  }
0x4c6: {  	[sflag:s4] =	ssyncset.done $0x0  }
0x4c7: {  	[sflag:s4] =	ssyncadd.s32 $0xFFFF8000  }
0x4c8: {  	_ =	swait.ge [sflag:s28], $0x8000  }
0x4c9: {  	[sflag:s28] =	ssyncset.done $0x0  }
0x4ca: {  	[sflag:s28] =	ssyncadd.s32 $0xFFFF8000  }
0x4cb: {  	_ =	swait.ge [sflag:s29], $0x400  }
0x4cc: {  	[sflag:s29] =	ssyncset.done $0x0  }
0x4cd: {  	[sflag:s29] =	ssyncadd.s32 $0xFFFFFC00  }
0x4ce: {  	v1 =	vld [tilespmem:$0x18000];
	_ =	sdelay $0x7  }
0x4cf: {  	[tilespmem:v1+s2+$0x0] =	vst.idx.msk $0xffff, v0  }
0x4d0: {  	v1 =	vld [tilespmem:$0x18010];
	_ =	sdelay $0x7  }
0x4d1: {  	[tilespmem:v1+s2+$0x0] =	vst.idx.msk $0xffff, v0  }
0x4d2: {  	v1 =	vld [tilespmem:$0x18020];
	_ =	sdelay $0x7  }
0x4d3: {  	[tilespmem:v1+s2+$0x0] =	vst.idx.msk $0xffff, v0  }
0x4d4: {  	v1 =	vld [tilespmem:$0x18030];
	_ =	sdelay $0x7  }
0x4d5: {  	[tilespmem:v1+s2+$0x0] =	vst.idx.msk $0xffff, v0  }
0x4d6: {  	v1 =	vld [tilespmem:$0x18040];
	_ =	sdelay $0x7  }
0x4d7: {  	[tilespmem:v1+s2+$0x0] =	vst.idx.msk $0xffff, v0  }
0x4d8: {  	v1 =	vld [tilespmem:$0x18050];
	_ =	sdelay $0x7  }
0x4d9: {  	[tilespmem:v1+s2+$0x0] =	vst.idx.msk $0xffff, v0  }
0x4da: {  	v1 =	vld [tilespmem:$0x18060];
	_ =	sdelay $0x7  }
0x4db: {  	[tilespmem:v1+s2+$0x0] =	vst.idx.msk $0xffff, v0  }
0x4dc: {  	v1 =	vld [tilespmem:$0x18070];
	_ =	sdelay $0x7  }
0x4dd: {  	[tilespmem:v1+s2+$0x0] =	vst.idx.msk $0xffff, v0  }
0x4de: {  	v1 =	vld [tilespmem:$0x18080];
	_ =	sdelay $0x4  }
0x4df: {  	v1 =	vadd.s32 $0x1000, v1;
	_ =	sdelay $0x4  }
0x4e0: {  	[tilespmem:v1+s2+$0x0] =	vst.idx.msk $0xffff, v0  }
0x4e1: {  	v1 =	vld [tilespmem:$0x18090];
	_ =	sdelay $0x4  }
0x4e2: {  	v1 =	vadd.s32 $0x1000, v1;
	_ =	sdelay $0x4  }
0x4e3: {  	[tilespmem:v1+s2+$0x0] =	vst.idx.msk $0xffff, v0  }
0x4e4: {  	v1 =	vld [tilespmem:$0x180A0];
	_ =	sdelay $0x4  }
0x4e5: {  	v1 =	vadd.s32 $0x1000, v1;
	_ =	sdelay $0x4  }
0x4e6: {  	[tilespmem:v1+s2+$0x0] =	vst.idx.msk $0xffff, v0  }
0x4e7: {  	v1 =	vld [tilespmem:$0x180B0];
	_ =	sdelay $0x4  }
0x4e8: {  	v1 =	vadd.s32 $0x1000, v1;
	_ =	sdelay $0x4  }
0x4e9: {  	[tilespmem:v1+s2+$0x0] =	vst.idx.msk $0xffff, v0  }
0x4ea: {  	v1 =	vld [tilespmem:$0x180C0];
	_ =	sdelay $0x4  }
0x4eb: {  	v1 =	vadd.s32 $0x1000, v1;
	_ =	sdelay $0x4  }
0x4ec: {  	[tilespmem:v1+s2+$0x0] =	vst.idx.msk $0xffff, v0  }
0x4ed: {  	v1 =	vld [tilespmem:$0x180D0];
	_ =	sdelay $0x4  }
0x4ee: {  	v1 =	vadd.s32 $0x1000, v1;
	_ =	sdelay $0x4  }
0x4ef: {  	[tilespmem:v1+s2+$0x0] =	vst.idx.msk $0xffff, v0  }
0x4f0: {  	v1 =	vld [tilespmem:$0x180E0];
	_ =	sdelay $0x4  }
0x4f1: {  	v1 =	vadd.s32 $0x1000, v1;
	_ =	sdelay $0x4  }
0x4f2: {  	[tilespmem:v1+s2+$0x0] =	vst.idx.msk $0xffff, v0  }
0x4f3: {  	v1 =	vld [tilespmem:$0x180F0];
	_ =	sdelay $0x4  }
0x4f4: {  	v1 =	vadd.s32 $0x1000, v1;
	_ =	sdelay $0x4  }
0x4f5: {  	[tilespmem:v1+s2+$0x0] =	vst.idx.msk $0xffff, v0  }
0x4f6: {  	v1 =	vld [tilespmem:$0x18100];
	_ =	sdelay $0x4  }
0x4f7: {  	v1 =	vadd.s32 $0x2000, v1;
	_ =	sdelay $0x4  }
0x4f8: {  	[tilespmem:v1+s2+$0x0] =	vst.idx.msk $0xffff, v0  }
0x4f9: {  	v1 =	vld [tilespmem:$0x18110];
	_ =	sdelay $0x4  }
0x4fa: {  	v1 =	vadd.s32 $0x2000, v1;
	_ =	sdelay $0x4  }
0x4fb: {  	[tilespmem:v1+s2+$0x0] =	vst.idx.msk $0xffff, v0  }
0x4fc: {  	v1 =	vld [tilespmem:$0x18120];
	_ =	sdelay $0x4  }
0x4fd: {  	v1 =	vadd.s32 $0x2000, v1;
	_ =	sdelay $0x4  }
0x4fe: {  	[tilespmem:v1+s2+$0x0] =	vst.idx.msk $0xffff, v0  }
0x4ff: {  	v1 =	vld [tilespmem:$0x18130];
	_ =	sdelay $0x4  }
0x500: {  	v1 =	vadd.s32 $0x2000, v1;
	_ =	sdelay $0x4  }
0x501: {  	[tilespmem:v1+s2+$0x0] =	vst.idx.msk $0xffff, v0  }
0x502: {  	v1 =	vld [tilespmem:$0x18140];
	_ =	sdelay $0x4  }
0x503: {  	v1 =	vadd.s32 $0x2000, v1;
	_ =	sdelay $0x4  }
0x504: {  	[tilespmem:v1+s2+$0x0] =	vst.idx.msk $0xffff, v0  }
0x505: {  	v1 =	vld [tilespmem:$0x18150];
	_ =	sdelay $0x4  }
0x506: {  	v1 =	vadd.s32 $0x2000, v1;
	_ =	sdelay $0x4  }
0x507: {  	[tilespmem:v1+s2+$0x0] =	vst.idx.msk $0xffff, v0  }
0x508: {  	v1 =	vld [tilespmem:$0x18160];
	_ =	sdelay $0x4  }
0x509: {  	v1 =	vadd.s32 $0x2000, v1;
	_ =	sdelay $0x4  }
0x50a: {  	[tilespmem:v1+s2+$0x0] =	vst.idx.msk $0xffff, v0  }
0x50b: {  	v1 =	vld [tilespmem:$0x18170];
	_ =	sdelay $0x4  }
0x50c: {  	v1 =	vadd.s32 $0x2000, v1;
	_ =	sdelay $0x4  }
0x50d: {  	[tilespmem:v1+s2+$0x0] =	vst.idx.msk $0xffff, v0  }
0x50e: {  	v1 =	vld [tilespmem:$0x18180];
	_ =	sdelay $0x4  }
0x50f: {  	v1 =	vadd.s32 $0x3000, v1;
	_ =	sdelay $0x4  }
0x510: {  	[tilespmem:v1+s2+$0x0] =	vst.idx.msk $0xffff, v0  }
0x511: {  	v1 =	vld [tilespmem:$0x18190];
	_ =	sdelay $0x4  }
0x512: {  	v1 =	vadd.s32 $0x3000, v1;
	_ =	sdelay $0x4  }
0x513: {  	[tilespmem:v1+s2+$0x0] =	vst.idx.msk $0xffff, v0  }
0x514: {  	v1 =	vld [tilespmem:$0x181A0];
	_ =	sdelay $0x4  }
0x515: {  	v1 =	vadd.s32 $0x3000, v1;
	_ =	sdelay $0x4  }
0x516: {  	[tilespmem:v1+s2+$0x0] =	vst.idx.msk $0xffff, v0  }
0x517: {  	v1 =	vld [tilespmem:$0x181B0];
	_ =	sdelay $0x4  }
0x518: {  	v1 =	vadd.s32 $0x3000, v1;
	_ =	sdelay $0x4  }
0x519: {  	[tilespmem:v1+s2+$0x0] =	vst.idx.msk $0xffff, v0  }
0x51a: {  	v1 =	vld [tilespmem:$0x181C0];
	_ =	sdelay $0x4  }
0x51b: {  	v1 =	vadd.s32 $0x3000, v1;
	_ =	sdelay $0x4  }
0x51c: {  	[tilespmem:v1+s2+$0x0] =	vst.idx.msk $0xffff, v0  }
0x51d: {  	v1 =	vld [tilespmem:$0x181D0];
	_ =	sdelay $0x4  }
0x51e: {  	v1 =	vadd.s32 $0x3000, v1;
	_ =	sdelay $0x4  }
0x51f: {  	[tilespmem:v1+s2+$0x0] =	vst.idx.msk $0xffff, v0  }
0x520: {  	v1 =	vld [tilespmem:$0x181E0];
	_ =	sdelay $0x4  }
0x521: {  	v1 =	vadd.s32 $0x3000, v1;
	_ =	sdelay $0x4  }
0x522: {  	[tilespmem:v1+s2+$0x0] =	vst.idx.msk $0xffff, v0  }
0x523: {  	v1 =	vld [tilespmem:$0x181F0];
	_ =	sdelay $0x4  }
0x524: {  	v1 =	vadd.s32 $0x3000, v1;
	_ =	sdelay $0x4  }
0x525: {  	[tilespmem:v1+s2+$0x0] =	vst.idx.msk $0xffff, v0  }
0x526: {  	v1 =	vld [tilespmem:$0x18200];
	_ =	sdelay $0x4  }
0x527: {  	v1 =	vadd.s32 $0x4000, v1;
	_ =	sdelay $0x4  }
0x528: {  	[tilespmem:v1+s2+$0x0] =	vst.idx.msk $0xffff, v0  }
0x529: {  	v1 =	vld [tilespmem:$0x18210];
	_ =	sdelay $0x4  }
0x52a: {  	v1 =	vadd.s32 $0x4000, v1;
	_ =	sdelay $0x4  }
0x52b: {  	[tilespmem:v1+s2+$0x0] =	vst.idx.msk $0xffff, v0  }
0x52c: {  	v1 =	vld [tilespmem:$0x18220];
	_ =	sdelay $0x4  }
0x52d: {  	v1 =	vadd.s32 $0x4000, v1;
	_ =	sdelay $0x4  }
0x52e: {  	[tilespmem:v1+s2+$0x0] =	vst.idx.msk $0xffff, v0  }
0x52f: {  	v1 =	vld [tilespmem:$0x18230];
	_ =	sdelay $0x4  }
0x530: {  	v1 =	vadd.s32 $0x4000, v1;
	_ =	sdelay $0x4  }
0x531: {  	[tilespmem:v1+s2+$0x0] =	vst.idx.msk $0xffff, v0  }
0x532: {  	v1 =	vld [tilespmem:$0x18240];
	_ =	sdelay $0x4  }
0x533: {  	v1 =	vadd.s32 $0x4000, v1;
	_ =	sdelay $0x4  }
0x534: {  	[tilespmem:v1+s2+$0x0] =	vst.idx.msk $0xffff, v0  }
0x535: {  	v1 =	vld [tilespmem:$0x18250];
	_ =	sdelay $0x4  }
0x536: {  	v1 =	vadd.s32 $0x4000, v1;
	_ =	sdelay $0x4  }
0x537: {  	[tilespmem:v1+s2+$0x0] =	vst.idx.msk $0xffff, v0  }
0x538: {  	v1 =	vld [tilespmem:$0x18260];
	_ =	sdelay $0x4  }
0x539: {  	v1 =	vadd.s32 $0x4000, v1;
	_ =	sdelay $0x4  }
0x53a: {  	[tilespmem:v1+s2+$0x0] =	vst.idx.msk $0xffff, v0  }
0x53b: {  	v1 =	vld [tilespmem:$0x18270];
	_ =	sdelay $0x4  }
0x53c: {  	v1 =	vadd.s32 $0x4000, v1;
	_ =	sdelay $0x4  }
0x53d: {  	[tilespmem:v1+s2+$0x0] =	vst.idx.msk $0xffff, v0  }
0x53e: {  	v1 =	vld [tilespmem:$0x18280];
	_ =	sdelay $0x4  }
0x53f: {  	v1 =	vadd.s32 $0x5000, v1;
	_ =	sdelay $0x4  }
0x540: {  	[tilespmem:v1+s2+$0x0] =	vst.idx.msk $0xffff, v0  }
0x541: {  	v1 =	vld [tilespmem:$0x18290];
	_ =	sdelay $0x4  }
0x542: {  	v1 =	vadd.s32 $0x5000, v1;
	_ =	sdelay $0x4  }
0x543: {  	[tilespmem:v1+s2+$0x0] =	vst.idx.msk $0xffff, v0  }
0x544: {  	v1 =	vld [tilespmem:$0x182A0];
	_ =	sdelay $0x4  }
0x545: {  	v1 =	vadd.s32 $0x5000, v1;
	_ =	sdelay $0x4  }
0x546: {  	[tilespmem:v1+s2+$0x0] =	vst.idx.msk $0xffff, v0  }
0x547: {  	v1 =	vld [tilespmem:$0x182B0];
	_ =	sdelay $0x4  }
0x548: {  	v1 =	vadd.s32 $0x5000, v1;
	_ =	sdelay $0x4  }
0x549: {  	[tilespmem:v1+s2+$0x0] =	vst.idx.msk $0xffff, v0  }
0x54a: {  	v1 =	vld [tilespmem:$0x182C0];
	_ =	sdelay $0x4  }
0x54b: {  	v1 =	vadd.s32 $0x5000, v1;
	_ =	sdelay $0x4  }
0x54c: {  	[tilespmem:v1+s2+$0x0] =	vst.idx.msk $0xffff, v0  }
0x54d: {  	v1 =	vld [tilespmem:$0x182D0];
	_ =	sdelay $0x4  }
0x54e: {  	v1 =	vadd.s32 $0x5000, v1;
	_ =	sdelay $0x4  }
0x54f: {  	[tilespmem:v1+s2+$0x0] =	vst.idx.msk $0xffff, v0  }
0x550: {  	v1 =	vld [tilespmem:$0x182E0];
	_ =	sdelay $0x4  }
0x551: {  	v1 =	vadd.s32 $0x5000, v1;
	_ =	sdelay $0x4  }
0x552: {  	[tilespmem:v1+s2+$0x0] =	vst.idx.msk $0xffff, v0  }
0x553: {  	v1 =	vld [tilespmem:$0x182F0];
	_ =	sdelay $0x4  }
0x554: {  	v1 =	vadd.s32 $0x5000, v1;
	_ =	sdelay $0x4  }
0x555: {  	[tilespmem:v1+s2+$0x0] =	vst.idx.msk $0xffff, v0  }
0x556: {  	v1 =	vld [tilespmem:$0x18300];
	_ =	sdelay $0x4  }
0x557: {  	v1 =	vadd.s32 $0x6000, v1;
	_ =	sdelay $0x4  }
0x558: {  	[tilespmem:v1+s2+$0x0] =	vst.idx.msk $0xffff, v0  }
0x559: {  	v1 =	vld [tilespmem:$0x18310];
	_ =	sdelay $0x4  }
0x55a: {  	v1 =	vadd.s32 $0x6000, v1;
	_ =	sdelay $0x4  }
0x55b: {  	[tilespmem:v1+s2+$0x0] =	vst.idx.msk $0xffff, v0  }
0x55c: {  	v1 =	vld [tilespmem:$0x18320];
	_ =	sdelay $0x4  }
0x55d: {  	v1 =	vadd.s32 $0x6000, v1;
	_ =	sdelay $0x4  }
0x55e: {  	[tilespmem:v1+s2+$0x0] =	vst.idx.msk $0xffff, v0  }
0x55f: {  	v1 =	vld [tilespmem:$0x18330];
	_ =	sdelay $0x4  }
0x560: {  	v1 =	vadd.s32 $0x6000, v1;
	_ =	sdelay $0x4  }
0x561: {  	[tilespmem:v1+s2+$0x0] =	vst.idx.msk $0xffff, v0  }
0x562: {  	v1 =	vld [tilespmem:$0x18340];
	_ =	sdelay $0x4  }
0x563: {  	v1 =	vadd.s32 $0x6000, v1;
	_ =	sdelay $0x4  }
0x564: {  	[tilespmem:v1+s2+$0x0] =	vst.idx.msk $0xffff, v0  }
0x565: {  	v1 =	vld [tilespmem:$0x18350];
	_ =	sdelay $0x4  }
0x566: {  	v1 =	vadd.s32 $0x6000, v1;
	_ =	sdelay $0x4  }
0x567: {  	[tilespmem:v1+s2+$0x0] =	vst.idx.msk $0xffff, v0  }
0x568: {  	v1 =	vld [tilespmem:$0x18360];
	_ =	sdelay $0x4  }
0x569: {  	v1 =	vadd.s32 $0x6000, v1;
	_ =	sdelay $0x4  }
0x56a: {  	[tilespmem:v1+s2+$0x0] =	vst.idx.msk $0xffff, v0  }
0x56b: {  	v1 =	vld [tilespmem:$0x18370];
	_ =	sdelay $0x4  }
0x56c: {  	v1 =	vadd.s32 $0x6000, v1;
	_ =	sdelay $0x4  }
0x56d: {  	[tilespmem:v1+s2+$0x0] =	vst.idx.msk $0xffff, v0  }
0x56e: {  	v1 =	vld [tilespmem:$0x18380];
	_ =	sdelay $0x4  }
0x56f: {  	v1 =	vadd.s32 $0x7000, v1;
	_ =	sdelay $0x4  }
0x570: {  	[tilespmem:v1+s2+$0x0] =	vst.idx.msk $0xffff, v0  }
0x571: {  	v1 =	vld [tilespmem:$0x18390];
	_ =	sdelay $0x4  }
0x572: {  	v1 =	vadd.s32 $0x7000, v1;
	_ =	sdelay $0x4  }
0x573: {  	[tilespmem:v1+s2+$0x0] =	vst.idx.msk $0xffff, v0  }
0x574: {  	v1 =	vld [tilespmem:$0x183A0];
	_ =	sdelay $0x4  }
0x575: {  	v1 =	vadd.s32 $0x7000, v1;
	_ =	sdelay $0x4  }
0x576: {  	[tilespmem:v1+s2+$0x0] =	vst.idx.msk $0xffff, v0  }
0x577: {  	v1 =	vld [tilespmem:$0x183B0];
	_ =	sdelay $0x4  }
0x578: {  	v1 =	vadd.s32 $0x7000, v1;
	_ =	sdelay $0x4  }
0x579: {  	[tilespmem:v1+s2+$0x0] =	vst.idx.msk $0xffff, v0  }
0x57a: {  	v1 =	vld [tilespmem:$0x183C0];
	_ =	sdelay $0x4  }
0x57b: {  	v1 =	vadd.s32 $0x7000, v1;
	_ =	sdelay $0x4  }
0x57c: {  	[tilespmem:v1+s2+$0x0] =	vst.idx.msk $0xffff, v0  }
0x57d: {  	v1 =	vld [tilespmem:$0x183D0];
	_ =	sdelay $0x4  }
0x57e: {  	v1 =	vadd.s32 $0x7000, v1;
	_ =	sdelay $0x4  }
0x57f: {  	[tilespmem:v1+s2+$0x0] =	vst.idx.msk $0xffff, v0  }
0x580: {  	v1 =	vld [tilespmem:$0x183E0];
	_ =	sdelay $0x4  }
0x581: {  	v1 =	vadd.s32 $0x7000, v1;
	_ =	sdelay $0x4  }
0x582: {  	[tilespmem:v1+s2+$0x0] =	vst.idx.msk $0xffff, v0  }
0x583: {  	v1 =	vld [tilespmem:$0x183F0];
	_ =	sdelay $0x4  }
0x584: {  	v1 =	vadd.s32 $0x7000, v1;
	_ =	sdelay $0x4  }
0x585: {  	s6 =	sadd.s32 $0x1, s6;
	[tilespmem:v1+s2+$0x0] =	vst.idx.msk $0xffff, v0  }
0x586: {  	[hbm4b:s14+s2] =	stream.linear.scatter [tilespmem:s2], [sflag:$0x7], $0x8000, $0x38;
	[tilespmem:$0x18C00] =	vst v63  }
0x587: {  	p0 =	sne.s32 s6, s15;
	_ =	swait.ge [sflag:s5], $0x8000  }
.Ltmp1:
0x588: {  	[sflag:s5] =	ssyncset.done $0x0;
	(pc) =	sbr.rel @p0 .LBB2_1-.Ltmp1, $4  }
0x589: {  	[sflag:s5] =	ssyncadd.s32 $0xFFFF8000  }
0x58a: {  	_ =	swait.ge [sflag:s0], $0x8000  }
0x58b: {  	[sflag:s0] =	ssyncset.done $0x0  }
0x58c: {  	[sflag:s0] =	ssyncadd.s32 $0xFFFF8000  }
0x58d: {  	_ =	sfence.sel $0x180000  }
0x58e: {  	[bflag:$0x0] =	sbarrier.arrive $0xFFFF  }
0x58f: {  	_ =	strace $0x9000004A  }
0x590: {  	s0 =	stileid.u32;
	[bflag:$0x2] =	sbarrier.arrive $0xFFFF  }
0x591: {  	p0 =	sne.s32 s0, $0x0;
	s0 =	rddreg [dreg:$0x3]  }
0x592: {  	s0 =	sadd.s32 @!p0 $0x100000, s0  }
0x593: {  	[sflag:s0] =	ssyncadd.tile.s32 @!p0 $0x1;
	_ =	shalt  }
.Lfunc_end2:
_tile_overlayer_lowered:
.L_overlay_start_2:
0x594: {  	(tag) =	ssettag $0x2  }
0x595: {  	s0 =	rddreg [dreg:$0x0];
	s2 =	stileid.u32  }
0x596: {  	s1 =	rddreg [dreg:$0x1];
	p0 =	sne.s32 s2, $0x0  }
0x597: {  	s3 =	rddreg [dreg:$0x2];
	[bflag:$0x3] =	sbarrier.arrive $0xFFFF;
	s2 =	simm.s32 @!p0 $0x1C0A  }
0x598: {  	[timem:s3], [sflag:s2] =	dma.local @!p0 [hbm:s0], s1  }
0x599: {  	s0 =	simm.s32 @!p0 $0xA  }
0x59a: {  	_ =	swait.ge @!p0 [sflag:s0], s1  }
0x59b: {  	s1 =	ssub.s32 @!p0 $0x0, s1;
	[sflag:s0] =	ssyncset.done @!p0 $0x0  }
0x59c: {  	[sflag:s0] =	ssyncadd.s32 @!p0 s1  }
0x59d: {  	[bflag:$0x3] =	sbarrier.arrive $0xFFFF  }
0x59e: {  	_ =	shalt  }

// kernel: sparse-core-data-format-call.cloned.1.call-start
scs
called_computation_lowered:
.L_overlay_start_0:
0x0: {  	s2 =	sld [smem:$0x3FD9]  }
0x1: {  	s3 =	sld [smem:$0x3FFE];
	_ =	sdelay $0x1  }
0x2: {  	s1 =	srdreg.scid  }
0x3: {  	s0 =	sand.u32 $0x1, s1  }
0x4: {  	s19 =	sshll.u32 s0, $0xA;
	s2 =	sadd.s32 s3, s2  }
0x5: {  	s2 =	sadd.s32 s2, s19  }
0x6: {  	[smem:$0x3FC6] =	sst s2  }
0x7: {  	_ = 	snop  }
0x8: {  	s2 =	sld [smem:$0x3FC9]  }
0x9: {  	s20 =	sld [smem:$0x3FD0];
	(tm) =	ssettm $0x1  }
0xa: {  	s4 =	sld [smem:$0x3FFB];
	_ =	sdelay $0x3  }
0xb: {  	_ =	strace s4  }
0xc: {  	s4 =	sld [smem:$0x3FFC];
	_ =	sdelay $0x3  }
0xd: {  	_ =	strace s4  }
0xe: {  	s4 =	sld [smem:$0x3FFD];
	_ =	sdelay $0x3  }
0xf: {  	_ =	strace s4  }
0x10: {  	_ =	strace $0x8FFFFFFF  }
0x11: {  	s21 =	sld [smem:$0x3FDB];
	_ =	sdelay $0x1  }
0x12: {  	s5 =	simm.s32 $_scs_section_size  }
0x13: {  	s6 =	simm.s32 $_size__tile_overlayer_lowered;
	s7 =	simm.s32 $_tile_overlayer_lowered  }
0x14: {  	s24 =	simm.s32 $0x1BFF;
	s23 =	sshll.u32 s7, $0x1;
	s4 =	sadd.s32 s5, s21  }
0x15: {  	s8 =	simm.s32 $0x0;
	s22 =	sshll.u32 s6, $0x1;
	s6 =	sadd.s32 s23, s4  }
0x16: {  	[timem:s8], [sflag:s24] =	dma.local [hbm:s6], s22  }
0x17: {  	_ =	swait.ge [sflag:s24], s22  }
0x18: {  	s5 =	ssub.s32 $0x0, s22;
	[sflag:s24] =	ssyncset.done $0x0  }
0x19: {  	[sflag:s24] =	ssyncadd.s32 s5;
	_ =	sdelay $0x1  }
0x1a: {  	s25 =	simm.s32 $0x1B8B  }
0x1b: {  	_ =	swait.ge [sflag:s25], $0x1  }
0x1c: {  	[sflag:s25] =	ssyncset.done $0x0  }
0x1d: {  	s26 =	simm.s32 $0x1B8E;
	[sflag:s25] =	ssyncadd.s32 $0xFFFFFFFF  }
0x1e: {  	s27 =	simm.s32 $execute0_lowered;
	[smem:$0x3FD2] =	sst s26  }
0x1f: {  	s5 =	sshll.u32 s27, $0x1;
	_ =	strace $0x80000046;
	[dreg:$0x1] =	wrdreg $0xFFFFFFFF  }
0x20: {  	s28 =	simm.s32 $_size_execute0_lowered;
	s4 =	sadd.s32 s4, s5;
	[dreg:$0x0] =	wrdreg $0x0  }
0x21: {  	s5 =	sshll.u32 s28, $0x1;
	[dreg:$0x2] =	wrdreg s4  }
0x22: {  	[dreg:$0x3] =	wrdreg s5  }
0x23: {  	[dreg:$0x4] =	wrdreg $0xC0  }
0x24: {  	_ =	task [dreg:s8], $0x5FFFF  }
0x25: {  	[dreg:$0x1] =	wrdreg $0xFFFFFFFF  }
0x26: {  	[dreg:$0x0] =	wrdreg $0x60  }
0x27: {  	[dreg:$0x2] =	wrdreg s2  }
0x28: {  	[dreg:$0x3] =	wrdreg s20  }
0x29: {  	[dreg:$0x4] =	wrdreg $0x9  }
0x2a: {  	_ =	task.clear_ibuf [dreg:s8], $0x5FFFF;
	_ =	strace $0x90000046  }
0x2b: {  	s29 =	simm.s32 $0x9;
	_ =	strace $0x80000048  }
0x2c: {  	_ =	swait.ge [sflag:s29], $0x1  }
0x2d: {  	[sflag:s29] =	ssyncadd.s32 $0xFFFFFFFF  }
0x2e: {  	_ =	strace $0x90000048  }
0x2f: {  	_ =	sfence  }
0x30: {  	s30 =	sld [smem:$0x0];
	_ =	sdelay $0x2  }
0x31: {  	s31 =	sshll.u32 s1, $0xD;
	s1 =	sshrl.u32 s1, $0x2  }
0x32: {  	s3 =	sand.u32 $0x4000, s31;
	s1 =	sadd.s32 s1, s30  }
0x33: {  	s0 =	sor.u32 s3, s0;
	s1 =	sshll.u32 s1, $0x11  }
0x34: {  	s0 =	sor.u32 s1, s0  }
0x35: {  	s0 =	sadd.s32 $0x8F2B, s0  }
0x36: {  	[sflag:s0] =	ssyncadd.remote.s32 $0x1  }
0x37: {  	_ =	sfence.sel $0xFFFF  }
0x38: {  	[dreg:$0x0] =	wrdreg $0xFFFFFFFF;
	(pc) =	sbr.abs _section_cstart, $3  }
0x39: {  	[dreg:$0x1] =	wrdreg $0xFFFFFFFF  }
0x3a: {  	_ =	task.clear_ibuf [dreg:s8], $0x2FFFF;
	_ =	strace $0x9FFFFFFF  }
0x3b: {  	(tm) =	ssettm $0x7FFFFFFF  }
tec
execute0_lowered:
.L_overlay_start_1:
0x0: {  	(tag) =	ssettag $0x1  }
0x1: {  	s2 =	rddreg [dreg:$0x0]  }
0x2: {  	s3 =	rddreg [dreg:$0x1]  }
0x3: {  	s0 =	rddreg [dreg:$0x2];
	_ =	strace $0x80000047  }
0x4: {  	s4 =	srdreg.scid;
	s1 =	stileid.u32;
	s6 =	simm.s32 $0x2  }
.Ltmp0:
0x5: {  	s11 =	simm.s32 $0x0;
	p0 =	por $0x0, $0x0;
	(pc) =	sbr.rel .LBB1_1-.Ltmp0, $4  }
0x6: {  	s7 =	simm.s32 $0x1000;
	s12 =	simm.s32 $0x0;
	s5 =	sshll.u32 s4, $0x4  }
0x7: {  	s9 =	simm.s32 $0x0;
	s4 =	simm.s32 $0x1;
	s5 =	sand.u32 $0x10, s5  }
0x8: {  	s8 =	simm.s32 $0x0;
	[sflag:s4] =	ssyncpa.u1 $0x0;
	s5 =	sor.u32 s1, s5  }
0x9: {  	[sflag:s6] =	ssyncpa.u1 $0x0;
	s6 =	simm.s32 $0x800;
	s10 =	smov.u32 s5  }
.LBB1_7:
0xa: {  	s13 =	sadd.s32 $0x10, s9  }
0xb: {  	s11 =	sadd.s32 $0x20, s10;
	s15 =	smov.u32 s10;
	p2 =	sgt.s32 s13, $0x1F  }
0xc: {  	p1 =	slt.u32 s8, $0x2;
	s15 =	smov.u32 @p2 s11  }
0xd: {  	s8 =	sadd.s32 $0x1, s8;
	s13 =	simm.s32 @p2 $0x0;
	p2 =	sgt.s32 s15, $0x7FF  }
0xe: {  	s15 =	smov.u32 @p2 s5;
	p2 =	sne.s32 s8, $0x82  }
.Ltmp1:
0xf: {  	_ = 	snop;
	(pc) =	sbr.rel @!p2 .LBB1_8-.Ltmp1, $4  }
0x10: {  	s14 =	simm.s32 @!p1 $0x2  }
0x11: {  	s12 =	smov.u32 s10;
	_ =	swait.ge @!p1 [sflag:s14], $0x4000  }
0x12: {  	p0 =	por !p0, !p0;
	s11 =	smov.u32 s9;
	[sflag:s14] =	ssyncset.done @!p1 $0x0  }
0x13: {  	s9 =	smov.u32 s13;
	[sflag:s14] =	ssyncadd.s32 @!p1 $0xFFFFC000;
	s10 =	smov.u32 s15  }
.LBB1_1:
0x14: {  	p1 =	sgt.u32 s8, $0x7F  }
0x15: {  	s13 =	sxor.u32 @!p1 $0xFFFFFFFF, s8;
	s14 =	sshll.u32 @!p1 s10, $0xC  }
0x16: {  	s15 =	sshll.u32 @!p1 s9, $0x7;
	s13 =	sshll.u32 @!p1 s13, $0xE;
	s14 =	sadd.s32 @!p1 s2, s14  }
0x17: {  	s13 =	sand.u32 @!p1 $0x4000, s13;
	s14 =	sadd.s32 @!p1 s15, s14;
	s15 =	simm.s32 @!p1 $0x0  }
0x18: {  	[tilespmem:s13], [sflag:$0x1] =	stream.linear.gather @!p1 [hbm4b:s14+s15], $0x4000, $0x38;
	[tilespmem:$0x10000] =	vst v63  }
0x19: {  	p1 =	seq.s32 s8, $0x0  }
0x1a: {  	p2 =	seq.s32 @!p1 s8, $0x81  }
0x1b: {  	p1 =	por p1, p2  }
.Ltmp2:
0x1c: {  	_ = 	snop;
	(pc) =	sbr.rel @p1 .LBB1_7-.Ltmp2, $1  }
0x1d: {  	_ =	sdelay $0x3  }
0x1e: {  	s13 =	simm.s32 $0x1;
	_ =	swait.ge [sflag:s4], $0x4000;
	s16 =	sshll.u32 s8, $0xE  }
0x1f: {  	s13 =	simm.s32 @!p0 $0x0;
	[sflag:s4] =	ssyncset.done $0x0;
	s31 =	sand.u32 $0x4000, s16  }
0x20: {  	s16 =	simm.s32 $0x0;
	s14 =	sshll.u32 s13, $0xE;
	[sflag:s4] =	ssyncadd.s32 $0xFFFFC000  }
0x21: {  	s13 =	sor.u32 $0x8040, s14;
	s15 =	sor.u32 $0x40, s14;
	s14 =	sor.u32 $0x8000, s31  }
.LBB1_3:
0x22: {  	v0 =	vmov s15;
	_ =	sdelay $0x3  }
0x23: {  	s18 =	simm.s32 $0x0  }
0x24: {  	v6 =	vld.idx.msk [tilespmem:v0+s18+$0x30 ss:$0x1], $0xffff  }
0x25: {  	v7 =	vld.idx.msk [tilespmem:v0+s18+$0xFFFFFFC0 ss:$0x1], $0xffff  }
0x26: {  	v5 =	vld.idx.msk [tilespmem:v0+s18+$0xFFFFFFD0 ss:$0x1], $0xffff  }
0x27: {  	v4 =	vld.idx.msk [tilespmem:v0+s18+$0xFFFFFFE0 ss:$0x1], $0xffff  }
0x28: {  	v3 =	vld.idx.msk [tilespmem:v0+s18+$0xFFFFFFF0 ss:$0x1], $0xffff  }
0x29: {  	v1 =	vld.idx.msk [tilespmem:v0+s18+$0x0 ss:$0x1], $0xffff  }
0x2a: {  	v2 =	vld.idx.msk [tilespmem:v0+s18+$0x10 ss:$0x1], $0xffff;
	[tilespmem:s13+$0x30] =	vst v6  }
0x2b: {  	s17 =	simm.s32 $0x80;
	s19 =	simm.s32 $0x400;
	[tilespmem:s13+$0xFFFFFFC0] =	vst v7;
	v6 =	vld.idx.msk [tilespmem:v0+s18+$0x20 ss:$0x1], $0xffff;
	s18 =	smov.u32 s13  }
.LBB1_4:
0x2c: {  	p1 =	sne.s32 s19, $0xE00;
	v7 =	vld.idx.msk [tilespmem:v0+s17+$0x30 ss:$0x1], $0xffff;
	[tilespmem:s18+$0xFFFFFFD0] =	vst v5  }
0x2d: {  	v8 =	vld.idx.msk [tilespmem:v0+s17+$0xFFFFFFC0 ss:$0x1], $0xffff;
	[tilespmem:s18+$0xFFFFFFE0] =	vst v4  }
0x2e: {  	v5 =	vld.idx.msk [tilespmem:v0+s17+$0xFFFFFFD0 ss:$0x1], $0xffff;
	[tilespmem:s18+$0xFFFFFFF0] =	vst v3  }
.Ltmp3:
0x2f: {  	v4 =	vld.idx.msk [tilespmem:v0+s17+$0xFFFFFFE0 ss:$0x1], $0xffff;
	[tilespmem:s18+$0x0] =	vst v1;
	(pc) =	sbr.rel @p1 .LBB1_4-.Ltmp3, $4  }
0x30: {  	v3 =	vld.idx.msk [tilespmem:v0+s17+$0xFFFFFFF0 ss:$0x1], $0xffff;
	[tilespmem:s18+$0x10] =	vst v2  }
0x31: {  	v1 =	vld.idx.msk [tilespmem:v0+s17+$0x0 ss:$0x1], $0xffff;
	[tilespmem:s18+$0x20] =	vst v6;
	s18 =	sadd.s32 $0x800, s18  }
0x32: {  	v2 =	vld.idx.msk [tilespmem:v0+s17+$0x10 ss:$0x1], $0xffff;
	[tilespmem:s18+$0x30] =	vst v7  }
0x33: {  	[tilespmem:s18+$0xFFFFFFC0] =	vst v8;
	v6 =	vld.idx.msk [tilespmem:v0+s17+$0x20 ss:$0x1], $0xffff;
	s17 =	sshra.s32 s19, $0x2;
	s19 =	sadd.s32 $0x200, s19  }
0x34: {  	_ =	sdelay $0x2  }
0x35: {  	[tilespmem:s18+$0xFFFFFFD0] =	vst v5  }
0x36: {  	v56 =	vld.idx.msk [tilespmem:v0+s17+$0x30 ss:$0x1], $0xffff;
	[tilespmem:s18+$0xFFFFFFE0] =	vst v4  }
0x37: {  	v57 =	vld.idx.msk [tilespmem:v0+s17+$0xFFFFFFC0 ss:$0x1], $0xffff;
	[tilespmem:s18+$0xFFFFFFF0] =	vst v3  }
0x38: {  	v58 =	vld.idx.msk [tilespmem:v0+s17+$0xFFFFFFD0 ss:$0x1], $0xffff;
	[tilespmem:s18+$0x0] =	vst v1  }
0x39: {  	v59 =	vld.idx.msk [tilespmem:v0+s17+$0xFFFFFFE0 ss:$0x1], $0xffff;
	[tilespmem:s18+$0x10] =	vst v2  }
0x3a: {  	v60 =	vld.idx.msk [tilespmem:v0+s17+$0xFFFFFFF0 ss:$0x1], $0xffff;
	s31 =	sadd.s32 $0x800, s18;
	[tilespmem:s18+$0x20] =	vst v6  }
0x3b: {  	v61 =	vld.idx.msk [tilespmem:v0+s17+$0x0 ss:$0x1], $0xffff;
	[tilespmem:s31+$0x30] =	vst v56  }
0x3c: {  	v62 =	vld.idx.msk [tilespmem:v0+s17+$0x10 ss:$0x1], $0xffff;
	s16 =	sadd.s32 $0x1, s16;
	[tilespmem:s31+$0xFFFFFFC0] =	vst v57  }
0x3d: {  	v63 =	vld.idx.msk [tilespmem:v0+s17+$0x20 ss:$0x1], $0xffff;
	p1 =	sne.s32 s16, $0x10;
	[tilespmem:s31+$0xFFFFFFD0] =	vst v58  }
.Ltmp4:
0x3e: {  	[tilespmem:s31+$0xFFFFFFE0] =	vst v59;
	(pc) =	sbr.rel @p1 .LBB1_3-.Ltmp4, $4  }
0x3f: {  	[tilespmem:s31+$0xFFFFFFF0] =	vst v60  }
0x40: {  	[tilespmem:s31+$0x0] =	vst v61  }
0x41: {  	[tilespmem:s31+$0x10] =	vst v62  }
0x42: {  	s13 =	sadd.s32 $0x80, s13;
	s15 =	sadd.s32 $0x400, s15;
	[tilespmem:s31+$0x20] =	vst v63  }
.Ltmp5:
0x43: {  	(pc) =	sbr.rel .LBB1_7-.Ltmp5, $4  }
0x44: {  	s12 =	sshll.u32 s12, $0xC;
	s11 =	sshll.u32 s11, $0x4  }
0x45: {  	s11 =	sand.u32 $0x1F0, s11;
	s12 =	sadd.s32 s3, s12  }
0x46: {  	s11 =	sadd.s32 s11, s12  }
0x47: {  	[hbm4b:s11+s6] =	stream.strided.scatter [tilespmem:s14], [sflag:$0x2], $0x4000, s7, s6, $0x38;
	[tilespmem:$0x10000] =	vst v63  }
.LBB1_8:
0x48: {  	_ =	sfence.sel $0x180000  }
0x49: {  	s2 =	simm.s32 $0x1;
	[bflag:$0x0] =	sbarrier.arrive $0xFFFF  }
0x4a: {  	s31 =	simm.s32 $0x2;
	[sflag:s2] =	ssyncpa.u1 $0x1  }
0x4b: {  	[sflag:s31] =	ssyncpa.u1 $0x1  }
0x4c: {  	p0 =	sne.s32 s1, $0x0;
	_ =	strace $0x90000047  }
0x4d: {  	s0 =	sadd.s32 @!p0 $0x100000, s0;
	[bflag:$0x2] =	sbarrier.arrive $0xFFFF  }
0x4e: {  	[sflag:s0] =	ssyncadd.tile.s32 @!p0 $0x1;
	_ =	shalt  }
.Lfunc_end1:
_tile_overlayer_lowered:
.L_overlay_start_2:
0x4f: {  	(tag) =	ssettag $0x2  }
0x50: {  	s0 =	rddreg [dreg:$0x0];
	s2 =	stileid.u32  }
0x51: {  	s1 =	rddreg [dreg:$0x1];
	p0 =	sne.s32 s2, $0x0  }
0x52: {  	s3 =	rddreg [dreg:$0x2];
	[bflag:$0x3] =	sbarrier.arrive $0xFFFF;
	s2 =	simm.s32 @!p0 $0x1C01  }
0x53: {  	[timem:s3], [sflag:s2] =	dma.local @!p0 [hbm:s0], s1  }
0x54: {  	s0 =	simm.s32 @!p0 $0x1  }
0x55: {  	_ =	swait.ge @!p0 [sflag:s0], s1  }
0x56: {  	s1 =	ssub.s32 @!p0 $0x0, s1;
	[sflag:s0] =	ssyncset.done @!p0 $0x0  }
0x57: {  	[sflag:s0] =	ssyncadd.s32 @!p0 s1  }
0x58: {  	[bflag:$0x3] =	sbarrier.arrive $0xFFFF  }
0x59: {  	_ =	shalt  }

</sc_bundles>
